<compile_context>
chip_gen: v7x
topology: tpu7x:2x2x1
jax: 0.10.2.dev20260603
libtpu: 0.0.44.dev20260713+nightly
codegen_flags: <defaults>
</compile_context>

<pallas_src>
import jax
import jax.numpy as jnp
from jax import lax
from jax.experimental import pallas as pl
from jax.experimental.pallas import tpu as pltpu
from jax.experimental.pallas import tpu_sc as plsc

N = 100000
E = 3200000
HD = 16
OUT = 2

NC, NS = 2, 16
NW = NC * NS
IDX = 128
BLK_E = 800
BLOCKS = E // BLK_E
BPT = 126
N_ACC = 100096
STRIPE = N_ACC // NS

PD = 128 // HD
NP = N // PD
NP_ACC = N_ACC * HD // 128

_mesh = plsc.VectorSubcoreMesh(core_axis_name="c", subcore_axis_name="s")


def _segsum_body(h_hbm, edges_hbm, z2_hbm, out_hbm,
                 idx_v, rows_v, acc, isem, gsem, ssem):
    c = lax.axis_index("c")
    s = lax.axis_index("s")
    w = c * NS + s
    pltpu.sync_copy(z2_hbm, acc.at[pl.ds(s * STRIPE, STRIPE)])
    plsc.subcore_barrier()
    b0 = w * BPT

    def pair(p, carry):
        eba = (b0 + 2 * p) * BLK_E
        ebb = eba + BLK_E
        ia0 = pltpu.async_copy(edges_hbm.at[0, pl.ds(eba, BLK_E)],
                               idx_v.at[0, 0], isem)
        ia1 = pltpu.async_copy(edges_hbm.at[1, pl.ds(eba, BLK_E)],
                               idx_v.at[0, 1], isem)
        ib0 = pltpu.async_copy(edges_hbm.at[0, pl.ds(ebb, BLK_E)],
                               idx_v.at[1, 0], isem)
        ib1 = pltpu.async_copy(edges_hbm.at[1, pl.ds(ebb, BLK_E)],
                               idx_v.at[1, 1], isem)
        ia0.wait()
        ga = pltpu.async_copy(h_hbm.at[idx_v.at[0, 0]], rows_v.at[0], gsem)
        ia1.wait()
        ib0.wait()
        ib1.wait()
        ga.wait()
        sa = pltpu.async_copy(rows_v.at[0], acc.at[idx_v.at[0, 1]], ssem,
                              add=True)
        gb = pltpu.async_copy(h_hbm.at[idx_v.at[1, 0]], rows_v.at[1], gsem)
        gb.wait()
        sb = pltpu.async_copy(rows_v.at[1], acc.at[idx_v.at[1, 1]], ssem,
                              add=True)
        sa.wait()
        sb.wait()
        return carry

    lax.fori_loop(0, jnp.minimum(BPT, BLOCKS - b0) // 2, pair, 0)
    plsc.subcore_barrier()
    pltpu.sync_copy(acc.at[pl.ds(s * STRIPE, STRIPE)],
                    out_hbm.at[pl.ds(c * N_ACC + s * STRIPE, STRIPE)])


def _count_body(edges_hbm, z2_hbm, one_hbm, cnt_hbm, dst_v, ones_v, acc,
                isem, ssem):
    c = lax.axis_index("c")
    s = lax.axis_index("s")
    w = c * NS + s
    pltpu.sync_copy(z2_hbm, acc.at[pl.ds(s * STRIPE, STRIPE)])
    pltpu.sync_copy(one_hbm, ones_v)
    plsc.subcore_barrier()
    b0 = w * BPT

    def pair(p, carry):
        eba = (b0 + 2 * p) * BLK_E
        ebb = eba + BLK_E
        ia = pltpu.async_copy(edges_hbm.at[1, pl.ds(eba, BLK_E)],
                              dst_v.at[0], isem)
        ib = pltpu.async_copy(edges_hbm.at[1, pl.ds(ebb, BLK_E)],
                              dst_v.at[1], isem)
        ia.wait()
        sa = pltpu.async_copy(ones_v, acc.at[dst_v.at[0]], ssem, add=True)
        ib.wait()
        sb = pltpu.async_copy(ones_v, acc.at[dst_v.at[1]], ssem, add=True)
        sa.wait()
        sb.wait()
        return carry

    lax.fori_loop(0, jnp.minimum(BPT, BLOCKS - b0) // 2, pair, 0)
    plsc.subcore_barrier()
    pltpu.sync_copy(acc.at[pl.ds(s * STRIPE, STRIPE)],
                    cnt_hbm.at[pl.ds(c * N_ACC + s * STRIPE, STRIPE)])


_sc_params = pltpu.CompilerParams(use_tc_tiling_on_sc=False)

_segsum = pl.kernel(
    _segsum_body,
    out_type=jax.ShapeDtypeStruct((NC * N_ACC, HD), jnp.float32),
    mesh=_mesh,
    compiler_params=_sc_params,
    scratch_types=[
        pltpu.VMEM((2, 2, BLK_E), jnp.int32),
        pltpu.VMEM((2, BLK_E, HD), jnp.float32),
        pltpu.VMEM_SHARED((N_ACC, HD), jnp.float32),
        pltpu.SemaphoreType.DMA,
        pltpu.SemaphoreType.DMA,
        pltpu.SemaphoreType.DMA,
    ])

_count = pl.kernel(
    _count_body,
    out_type=jax.ShapeDtypeStruct((NC * N_ACC, HD), jnp.float32),
    mesh=_mesh,
    compiler_params=_sc_params,
    scratch_types=[
        pltpu.VMEM((2, BLK_E), jnp.int32),
        pltpu.VMEM((BLK_E, HD), jnp.float32),
        pltpu.VMEM_SHARED((N_ACC, HD), jnp.float32),
        pltpu.SemaphoreType.DMA,
        pltpu.SemaphoreType.DMA,
    ])



def _mean(p0, p1, c0, c1):
    cnt = jnp.maximum(c0[...] + c1[...], 1.0)
    return (p0[...] + p1[...]) / cnt


def _dot(a, b):
    return jnp.dot(a, b, preferred_element_type=jnp.float32)


def _layer1_body(p0, p1, c0, c1, h, wl, bl, wr, out, stats):
    z = _dot(_mean(p0, p1, c0, c1), wl[...]) + _dot(h[...], wr[...]) + bl[...]
    out[...] = z
    rows = lax.broadcasted_iota(jnp.int32, (NP_ACC, 128), 0)
    zm = jnp.where(rows < NP, z, 0.0)
    srow = jnp.sum(zm, axis=0, keepdims=True)
    ssrow = jnp.sum(zm * zm, axis=0, keepdims=True)
    stats[...] = jnp.concatenate(
        [srow, ssrow, jnp.zeros((6, 128), jnp.float32)], axis=0)


def _fold_groups(v):
    acc = v
    for g in range(1, PD):
        acc = acc + jnp.roll(v, g * HD, axis=1)
    return acc


def _bn_relu_body(h, stats, gamma, beta, out):
    st = stats[...]
    mu = _fold_groups(st[0:1]) / float(N)
    ex2 = _fold_groups(st[1:2]) / float(N)
    var = ex2 - mu * mu
    scale = gamma[...] * lax.rsqrt(var + 1e-5)
    out[...] = jnp.maximum((h[...] - mu) * scale + beta[...], 0.0)


def _layer_body(p0, p1, c0, c1, h, wl, bl, wr, out):
    z = _dot(_mean(p0, p1, c0, c1), wl[...]) + _dot(h[...], wr[...]) + bl[...]
    out[...] = jnp.maximum(z, 0.0)


def _layer4_body(p0, p1, c0, c1, h, wl, bl, wr, l1w, l1b, l2w, l2b, out):
    t = _dot(_mean(p0, p1, c0, c1), wl[...]) + _dot(h[...], wr[...]) + bl[...]
    t = jnp.maximum(_dot(t, l1w[...]) + l1b[...], 0.0)
    t = _dot(t, l2w[...]) + l2b[...]
    a = t[:, 0:PD]
    b = t[:, PD:2 * PD]
    m = jnp.maximum(a, b)
    ea = jnp.exp(a - m)
    eb = jnp.exp(b - m)
    s = ea + eb
    out[...] = jnp.concatenate([ea / s, eb / s], axis=1)


def _pspec(c):
    return pl.BlockSpec((None, NP_ACC, 128), lambda i, c=c: (c, 0, 0))


def _wspec(shape):
    return pl.BlockSpec(shape, lambda i: (0,) * len(shape))


def _hspec(d=128):
    return pl.BlockSpec((NP_ACC, d), lambda i: (0, 0))


def _sds(shape):
    return jax.ShapeDtypeStruct(shape, jnp.float32)


_tc_params = pltpu.CompilerParams(vmem_limit_bytes=100 * 1024 * 1024)


def _bd(w):
    return jnp.kron(jnp.eye(PD, dtype=jnp.float32), w)


def kernel(x, edge_index, W1l, b1l, W1r, bn_gamma, bn_beta, W2l, b2l, W2r,
           W3l, b3l, W3r, W4l, b4l, W4r, lin1_W, lin1_b, lin2_W, lin2_b):
    f32 = jnp.float32
    edges = edge_index.astype(jnp.int32)
    z2 = jnp.zeros((STRIPE, HD), f32)
    one = jnp.ones((BLK_E, HD), f32)

    xp = jnp.concatenate(
        [x.reshape(NP, 128), jnp.zeros((NP_ACC - NP, 128), f32)])
    x16 = xp.reshape(N_ACC, HD)

    w1l, w1r = _bd(W1l.T), _bd(W1r.T)
    w2l, w2r = _bd(W2l.T), _bd(W2r.T)
    w3l, w3r = _bd(W3l.T), _bd(W3r.T)
    w4l, w4r = _bd(W4l.T), _bd(W4r.T)
    l1w = _bd(lin1_W.T)
    perm = [2 * g for g in range(PD)] + [2 * g + 1 for g in range(PD)]
    l2w = _bd(lin2_W.T)[:, jnp.array(perm)]
    tile8 = lambda v: jnp.tile(v.reshape(1, -1), (1, PD))
    b1 = tile8(b1l)
    b2 = tile8(b2l)
    b3 = tile8(b3l)
    b4 = tile8(b4l)
    l1b = tile8(lin1_b)
    l2b = jnp.concatenate(
        [jnp.full((1, PD), lin2_b[0], f32), jnp.full((1, PD), lin2_b[1], f32)],
        axis=1)
    gam = tile8(bn_gamma)
    bet = tile8(bn_beta)

    cnt = _count(edges, z2, one).reshape(NC, NP_ACC, 128)
    P1 = _segsum(x16, edges, z2).reshape(NC, NP_ACC, 128)

    layer_specs = [_pspec(0), _pspec(1), _pspec(0), _pspec(1), _hspec(),
                   _wspec((128, 128)), _wspec((1, 128)), _wspec((128, 128))]

    h1pre, stats = pl.pallas_call(
        _layer1_body,
        grid=(1,),
        in_specs=layer_specs,
        out_specs=[_hspec(), pl.BlockSpec((8, 128), lambda i: (0, 0))],
        out_shape=[_sds((NP_ACC, 128)), _sds((8, 128))],
        compiler_params=_tc_params,
    )(P1, P1, cnt, cnt, xp, w1l, b1, w1r)

    h1 = pl.pallas_call(
        _bn_relu_body,
        grid=(1,),
        in_specs=[_hspec(), pl.BlockSpec((8, 128), lambda i: (0, 0)),
                  _wspec((1, 128)), _wspec((1, 128))],
        out_specs=_hspec(),
        out_shape=_sds((NP_ACC, 128)),
        compiler_params=_tc_params,
    )(h1pre, stats, gam, bet)

    def mid_layer(h, wl, bl, wr):
        P = _segsum(h.reshape(N_ACC, HD), edges, z2).reshape(NC, NP_ACC, 128)
        return pl.pallas_call(
            _layer_body,
            grid=(1,),
            in_specs=layer_specs,
            out_specs=_hspec(),
            out_shape=_sds((NP_ACC, 128)),
            compiler_params=_tc_params,
        )(P, P, cnt, cnt, h, wl, bl, wr)

    h2 = mid_layer(h1, w2l, b2, w2r)
    h3 = mid_layer(h2, w3l, b3, w3r)

    P4 = _segsum(h3.reshape(N_ACC, HD), edges, z2).reshape(NC, NP_ACC, 128)
    out_p = pl.pallas_call(
        _layer4_body,
        grid=(1,),
        in_specs=[_pspec(0), _pspec(1), _pspec(0), _pspec(1), _hspec(),
                  _wspec((128, 256)), _wspec((1, 256)), _wspec((128, 256)),
                  _wspec((256, 256)), _wspec((1, 256)),
                  _wspec((256, 16)), _wspec((1, 16))],
        out_specs=_hspec(16),
        out_shape=_sds((NP_ACC, 16)),
        compiler_params=_tc_params,
    )(P4, P4, cnt, cnt, h3, w4l, b4, w4r, l1w, l1b, l2w, l2b)
    return out_p[:NP].reshape(NP, OUT, PD).transpose(0, 2, 1).reshape(N, OUT)

# --- scband reference (transcript-rebuilt; emitter-appended) ---
"""Pipeline reference for scband-graph-partition-net-61770219651287 (READ-ONLY COPY).

The authoritative reference and input builder live on the scoring server;
editing this copy changes nothing except your own understanding.
"""

import jax, jax.numpy as jnp
import numpy as np

N = 100000
E = 3200000
D_IN = 16
H = 16
DEC = 32
OUT = 2


def _xavier(k, shape):
    fan_out, fan_in = shape
    limit = float(np.sqrt(6.0 / (fan_in + fan_out)))
    return jax.random.uniform(k, shape, jnp.float32, -limit, limit)


def setup_inputs(seed: int = 0) -> dict:
    key = jax.random.key(seed)
    ks = jax.random.split(key, 20)
    inp = {}
    inp["x"] = jax.random.normal(ks[0], (N, D_IN), jnp.float32)
    inp["edge_index"] = jax.random.randint(ks[1], (2, E), 0, N).astype(jnp.int64)
    # SAGEConv params: lin_l (with bias) applied to aggregated neighbors, lin_r (no bias) to root
    inp["W1l"] = _xavier(ks[2], (H, D_IN)); inp["b1l"] = jnp.zeros((H,), jnp.float32)
    inp["W1r"] = _xavier(ks[3], (H, D_IN))
    inp["bn_gamma"] = jnp.ones((H,), jnp.float32); inp["bn_beta"] = jnp.zeros((H,), jnp.float32)
    inp["W2l"] = _xavier(ks[4], (H, H)); inp["b2l"] = jnp.zeros((H,), jnp.float32)
    inp["W2r"] = _xavier(ks[5], (H, H))
    inp["W3l"] = _xavier(ks[6], (H, H)); inp["b3l"] = jnp.zeros((H,), jnp.float32)
    inp["W3r"] = _xavier(ks[7], (H, H))
    inp["W4l"] = _xavier(ks[8], (DEC, H)); inp["b4l"] = jnp.zeros((DEC,), jnp.float32)
    inp["W4r"] = _xavier(ks[9], (DEC, H))
    inp["lin1_W"] = _xavier(ks[10], (DEC, DEC)); inp["lin1_b"] = jnp.zeros((DEC,), jnp.float32)
    inp["lin2_W"] = _xavier(ks[11], (OUT, DEC)); inp["lin2_b"] = jnp.zeros((OUT,), jnp.float32)
    return inp


def _sage(x, src, dst, Wl, bl, Wr, num_nodes):
    msgs = x[src]  # gather source-node features per edge
    s = jax.ops.segment_sum(msgs, dst, num_segments=num_nodes)
    cnt = jax.ops.segment_sum(jnp.ones((src.shape[0],), x.dtype), dst, num_segments=num_nodes)
    mean = s / jnp.clip(cnt, 1.0, None)[:, None]
    return mean @ Wl.T + bl + x @ Wr.T


def reference(x, edge_index, W1l, b1l, W1r, bn_gamma, bn_beta, W2l, b2l, W2r, W3l, b3l, W3r, W4l, b4l, W4r, lin1_W, lin1_b, lin2_W, lin2_b):
    src, dst = edge_index[0], edge_index[1]
    n = x.shape[0]
    h = _sage(x, src, dst, W1l, b1l, W1r, n)
    # BatchNorm over nodes (training-mode batch statistics)
    mu = jnp.mean(h, axis=0)
    var = jnp.var(h, axis=0)
    h = bn_gamma * (h - mu) / jnp.sqrt(var + 1e-5) + bn_beta
    h = jax.nn.relu(h)
    h = jax.nn.relu(_sage(h, src, dst, W2l, b2l, W2r, n))
    h = jax.nn.relu(_sage(h, src, dst, W3l, b3l, W3r, n))
    h = _sage(h, src, dst, W4l, b4l, W4r, n)
    h = jax.nn.relu(h @ lin1_W.T + lin1_b)
    h = h @ lin2_W.T + lin2_b
    return jax.nn.softmax(h, axis=-1)

if __name__ == "__main__":
    import jax
    _d = setup_inputs()
    print(jax.jit(kernel)(*tuple(_d.values())))

</pallas_src>

<mosaic_0001>
#map = affine_map<(d0, d1) -> (0, 0)>
module attributes {stable_mosaic.version = 14 : i64} {
  func.func @_segsum_body(%arg0: i32, %arg1: i32, %arg2: memref<100096x16xf32, #tpu.memory_space<hbm>>, %arg3: memref<2x3200000xi32, #tpu.memory_space<hbm>>, %arg4: memref<6256x16xf32, #tpu.memory_space<hbm>>, %arg5: memref<200192x16xf32, #tpu.memory_space<hbm>>, %arg6: memref<2x2x800xi32, #tpu.memory_space<vmem>>, %arg7: memref<2x800x16xf32, #tpu.memory_space<vmem>>, %arg8: memref<100096x16xf32, #tpu.memory_space<vmem_shared>>, %arg9: memref<!tpu.dma_semaphore, #tpu.memory_space<semaphore_mem>>, %arg10: memref<!tpu.dma_semaphore, #tpu.memory_space<semaphore_mem>>, %arg11: memref<!tpu.dma_semaphore, #tpu.memory_space<semaphore_mem>>) attributes {dimension_semantics = [#tpu.dimension_semantics<core_parallel>, #tpu.dimension_semantics<subcore_parallel>], iteration_bounds = array<i64: 2, 16>, scalar_prefetch = 0 : i64, scratch_operands = 6 : i64, tpu.core_type = #tpu.core_type<sc_vector_subcore>, window_params = [{transform_indices = #map}, {transform_indices = #map}, {transform_indices = #map}, {transform_indices = #map}]} {
    %mul3A = arith.constant 16 : i32
    %mul3A_0 = arith.muli %arg0, %mul3A : i32
    %add3A = arith.addi %mul3A_0, %arg1 : i32
    %mul3A_1 = arith.constant 6256 : i32
    %mul3A_2 = arith.muli %arg1, %mul3A_1 : i32
    "tpu.region"() ({
      %run_scoped3A = tpu.sem_alloc : memref<!tpu.dma_semaphore, #tpu.memory_space<semaphore_mem>>
      %dma_start3A = arith.constant 0 : i32
      %dma_start3A_41 = tpu.memref_slice %arg8[%mul3A_2, %dma_start3A] : memref<100096x16xf32, #tpu.memory_space<vmem_shared>> -> memref<6256x16xf32, #tpu.memory_space<vmem_shared>>
      tpu.enqueue_dma source(%arg4 : memref<6256x16xf32, #tpu.memory_space<hbm>>) target(%dma_start3A_41 : memref<6256x16xf32, #tpu.memory_space<vmem_shared>>) target_semaphore(%run_scoped3A : memref<!tpu.dma_semaphore, #tpu.memory_space<semaphore_mem>>)
      %dma_wait3A = arith.constant 0 : i32
      %dma_wait3A_42 = tpu.memref_slice %arg8[%mul3A_2, %dma_wait3A] : memref<100096x16xf32, #tpu.memory_space<vmem_shared>> -> memref<6256x16xf32, #tpu.memory_space<vmem_shared>>
      tpu.wait_dma2 semaphore(%run_scoped3A : memref<!tpu.dma_semaphore, #tpu.memory_space<semaphore_mem>>) src(%arg4 : memref<6256x16xf32, #tpu.memory_space<hbm>>) dst(%dma_wait3A_42 : memref<6256x16xf32, #tpu.memory_space<vmem_shared>>)
      tpu.yield
    }) : () -> ()
    %barrier3A = arith.constant 0 : index
    tpu.barrier barrier_id(%barrier3A)
    %mul3A_3 = arith.constant 126 : i32
    %mul3A_4 = arith.muli %add3A, %mul3A_3 : i32
    %sub3A = arith.constant 4000 : i32
    %sub3A_5 = arith.subi %sub3A, %mul3A_4 : i32
    %min3A = arith.constant 126 : i32
    %min3A_6 = arith.minsi %min3A, %sub3A_5 : i32
    %jit3A = arith.constant 2 : i32
    %div3A = arith.divsi %min3A_6, %jit3A : i32
    %sign3A = arith.constant 0 : i32
    %sign3A_7 = arith.cmpi sgt, %min3A_6, %sign3A : i32
    %sign3A_8 = arith.extui %sign3A_7 : i1 to i32
    %sign3A_9 = arith.constant 0 : i32
    %sign3A_10 = arith.cmpi slt, %min3A_6, %sign3A_9 : i32
    %sign3A_11 = arith.extui %sign3A_10 : i1 to i32
    %sign3A_12 = arith.subi %sign3A_8, %sign3A_11 : i32
    %sign3A_13 = arith.constant 0 : i32
    %sign3A_14 = arith.cmpi sgt, %jit3A, %sign3A_13 : i32
    %sign3A_15 = arith.extui %sign3A_14 : i1 to i32
    %sign3A_16 = arith.constant 0 : i32
    %sign3A_17 = arith.cmpi slt, %jit3A, %sign3A_16 : i32
    %sign3A_18 = arith.extui %sign3A_17 : i1 to i32
    %sign3A_19 = arith.subi %sign3A_15, %sign3A_18 : i32
    %ne3A = arith.cmpi ne, %sign3A_12, %sign3A_19 : i32
    %rem3A = arith.remsi %min3A_6, %jit3A : i32
    %ne3A_20 = arith.constant 0 : i32
    %ne3A_21 = arith.cmpi ne, %rem3A, %ne3A_20 : i32
    %and3A = arith.andi %ne3A, %ne3A_21 : i1
    %sub3A_22 = arith.constant 1 : i32
    %sub3A_23 = arith.subi %div3A, %sub3A_22 : i32
    %select_n3A = arith.select %and3A, %sub3A_23, %div3A : i32
    %while3A = arith.constant 0 : i32
    %while3A_24 = arith.constant 0 : i32
    %while3A_25 = arith.subi %select_n3A, %while3A_24 : i32
    %while3A_26 = arith.addi %while3A_24, %while3A_25 : i32
    %while3A_27 = arith.constant 1 : i32
    %while3A_28 = arith.divsi %while3A_25, %while3A_27 : i32
    %while3A_29 = arith.muli %while3A_28, %while3A_27 : i32
    %while3A_30 = arith.addi %while3A_24, %while3A_29 : i32
    %while3A_31 = arith.constant 1 : i32
    scf.for %while3A_41 = %while3A_24 to %while3A_30 step %while3A_31  : i32 {
      %mul3A_42 = arith.constant 2 : i32
      %mul3A_43 = arith.muli %mul3A_42, %while3A_41 : i32
      %add3A_44 = arith.addi %mul3A_4, %mul3A_43 : i32
      %mul3A_45 = arith.constant 800 : i32
      %mul3A_46 = arith.muli %add3A_44, %mul3A_45 : i32
      %add3A_47 = arith.constant 800 : i32
      %add3A_48 = arith.addi %mul3A_46, %add3A_47 : i32
      %dma_start3A = arith.constant 0 : i32
      %dma_start3A_49 = arith.constant 0 : i32
      %dma_start3A_50 = arith.constant 0 : i32
      %dma_start3A_51 = arith.constant 0 : i32
      %dma_start3A_52 = tpu.memref_slice %arg6[%dma_start3A_49, %dma_start3A_50, %dma_start3A_51] : memref<2x2x800xi32, #tpu.memory_space<vmem>> -> memref<1x1x800xi32, #tpu.memory_space<vmem>>
      %dma_start3A_53 = tpu.memref_squeeze %dma_start3A_52 : memref<1x1x800xi32, #tpu.memory_space<vmem>> -> memref<800xi32, #tpu.memory_space<vmem>>
      %dma_start3A_54 = tpu.memref_slice %arg3[%dma_start3A, %mul3A_46] : memref<2x3200000xi32, #tpu.memory_space<hbm>> -> memref<1x800xi32, #tpu.memory_space<hbm>>
      %dma_start3A_55 = tpu.memref_squeeze %dma_start3A_54 : memref<1x800xi32, #tpu.memory_space<hbm>> -> memref<800xi32, #tpu.memory_space<hbm>>
      %dma_start3A_56 = arith.constant 0 : i32
      %dma_start3A_57 = tpu.memref_slice %arg6[%dma_start3A_49, %dma_start3A_50, %dma_start3A_56] : memref<2x2x800xi32, #tpu.memory_space<vmem>> -> memref<1x1x800xi32, #tpu.memory_space<vmem>>
      %dma_start3A_58 = tpu.memref_squeeze %dma_start3A_57 : memref<1x1x800xi32, #tpu.memory_space<vmem>> -> memref<800xi32, #tpu.memory_space<vmem>>
      %dma_start3A_59 = tpu.memref_slice %arg3[%dma_start3A, %mul3A_46] : memref<2x3200000xi32, #tpu.memory_space<hbm>> -> memref<1x800xi32, #tpu.memory_space<hbm>>
      %dma_start3A_60 = tpu.memref_squeeze %dma_start3A_59 : memref<1x800xi32, #tpu.memory_space<hbm>> -> memref<800xi32, #tpu.memory_space<hbm>>
      tpu.enqueue_dma source(%dma_start3A_60 : memref<800xi32, #tpu.memory_space<hbm>>) target(%dma_start3A_58 : memref<800xi32, #tpu.memory_space<vmem>>) target_semaphore(%arg9 : memref<!tpu.dma_semaphore, #tpu.memory_space<semaphore_mem>>)
      %dma_start3A_61 = arith.constant 1 : i32
      %dma_start3A_62 = arith.constant 0 : i32
      %dma_start3A_63 = arith.constant 1 : i32
      %dma_start3A_64 = arith.constant 0 : i32
      %dma_start3A_65 = tpu.memref_slice %arg6[%dma_start3A_62, %dma_start3A_63, %dma_start3A_64] : memref<2x2x800xi32, #tpu.memory_space<vmem>> -> memref<1x1x800xi32, #tpu.memory_space<vmem>>
      %dma_start3A_66 = tpu.memref_squeeze %dma_start3A_65 : memref<1x1x800xi32, #tpu.memory_space<vmem>> -> memref<800xi32, #tpu.memory_space<vmem>>
      %dma_start3A_67 = tpu.memref_slice %arg3[%dma_start3A_61, %mul3A_46] : memref<2x3200000xi32, #tpu.memory_space<hbm>> -> memref<1x800xi32, #tpu.memory_space<hbm>>
      %dma_start3A_68 = tpu.memref_squeeze %dma_start3A_67 : memref<1x800xi32, #tpu.memory_space<hbm>> -> memref<800xi32, #tpu.memory_space<hbm>>
      %dma_start3A_69 = arith.constant 0 : i32
      %dma_start3A_70 = tpu.memref_slice %arg6[%dma_start3A_62, %dma_start3A_63, %dma_start3A_69] : memref<2x2x800xi32, #tpu.memory_space<vmem>> -> memref<1x1x800xi32, #tpu.memory_space<vmem>>
      %dma_start3A_71 = tpu.memref_squeeze %dma_start3A_70 : memref<1x1x800xi32, #tpu.memory_space<vmem>> -> memref<800xi32, #tpu.memory_space<vmem>>
      %dma_start3A_72 = tpu.memref_slice %arg3[%dma_start3A_61, %mul3A_46] : memref<2x3200000xi32, #tpu.memory_space<hbm>> -> memref<1x800xi32, #tpu.memory_space<hbm>>
      %dma_start3A_73 = tpu.memref_squeeze %dma_start3A_72 : memref<1x800xi32, #tpu.memory_space<hbm>> -> memref<800xi32, #tpu.memory_space<hbm>>
      tpu.enqueue_dma source(%dma_start3A_73 : memref<800xi32, #tpu.memory_space<hbm>>) target(%dma_start3A_71 : memref<800xi32, #tpu.memory_space<vmem>>) target_semaphore(%arg9 : memref<!tpu.dma_semaphore, #tpu.memory_space<semaphore_mem>>)
      %dma_start3A_74 = arith.constant 0 : i32
      %dma_start3A_75 = arith.constant 1 : i32
      %dma_start3A_76 = arith.constant 0 : i32
      %dma_start3A_77 = arith.constant 0 : i32
      %dma_start3A_78 = tpu.memref_slice %arg6[%dma_start3A_75, %dma_start3A_76, %dma_start3A_77] : memref<2x2x800xi32, #tpu.memory_space<vmem>> -> memref<1x1x800xi32, #tpu.memory_space<vmem>>
      %dma_start3A_79 = tpu.memref_squeeze %dma_start3A_78 : memref<1x1x800xi32, #tpu.memory_space<vmem>> -> memref<800xi32, #tpu.memory_space<vmem>>
      %dma_start3A_80 = tpu.memref_slice %arg3[%dma_start3A_74, %add3A_48] : memref<2x3200000xi32, #tpu.memory_space<hbm>> -> memref<1x800xi32, #tpu.memory_space<hbm>>
      %dma_start3A_81 = tpu.memref_squeeze %dma_start3A_80 : memref<1x800xi32, #tpu.memory_space<hbm>> -> memref<800xi32, #tpu.memory_space<hbm>>
      %dma_start3A_82 = arith.constant 0 : i32
      %dma_start3A_83 = tpu.memref_slice %arg6[%dma_start3A_75, %dma_start3A_76, %dma_start3A_82] : memref<2x2x800xi32, #tpu.memory_space<vmem>> -> memref<1x1x800xi32, #tpu.memory_space<vmem>>
      %dma_start3A_84 = tpu.memref_squeeze %dma_start3A_83 : memref<1x1x800xi32, #tpu.memory_space<vmem>> -> memref<800xi32, #tpu.memory_space<vmem>>
      %dma_start3A_85 = tpu.memref_slice %arg3[%dma_start3A_74, %add3A_48] : memref<2x3200000xi32, #tpu.memory_space<hbm>> -> memref<1x800xi32, #tpu.memory_space<hbm>>
      %dma_start3A_86 = tpu.memref_squeeze %dma_start3A_85 : memref<1x800xi32, #tpu.memory_space<hbm>> -> memref<800xi32, #tpu.memory_space<hbm>>
      tpu.enqueue_dma source(%dma_start3A_86 : memref<800xi32, #tpu.memory_space<hbm>>) target(%dma_start3A_84 : memref<800xi32, #tpu.memory_space<vmem>>) target_semaphore(%arg9 : memref<!tpu.dma_semaphore, #tpu.memory_space<semaphore_mem>>)
      %dma_start3A_87 = arith.constant 1 : i32
      %dma_start3A_88 = arith.constant 1 : i32
      %dma_start3A_89 = arith.constant 1 : i32
      %dma_start3A_90 = arith.constant 0 : i32
      %dma_start3A_91 = tpu.memref_slice %arg6[%dma_start3A_88, %dma_start3A_89, %dma_start3A_90] : memref<2x2x800xi32, #tpu.memory_space<vmem>> -> memref<1x1x800xi32, #tpu.memory_space<vmem>>
      %dma_start3A_92 = tpu.memref_squeeze %dma_start3A_91 : memref<1x1x800xi32, #tpu.memory_space<vmem>> -> memref<800xi32, #tpu.memory_space<vmem>>
      %dma_start3A_93 = tpu.memref_slice %arg3[%dma_start3A_87, %add3A_48] : memref<2x3200000xi32, #tpu.memory_space<hbm>> -> memref<1x800xi32, #tpu.memory_space<hbm>>
      %dma_start3A_94 = tpu.memref_squeeze %dma_start3A_93 : memref<1x800xi32, #tpu.memory_space<hbm>> -> memref<800xi32, #tpu.memory_space<hbm>>
      %dma_start3A_95 = arith.constant 0 : i32
      %dma_start3A_96 = tpu.memref_slice %arg6[%dma_start3A_88, %dma_start3A_89, %dma_start3A_95] : memref<2x2x800xi32, #tpu.memory_space<vmem>> -> memref<1x1x800xi32, #tpu.memory_space<vmem>>
      %dma_start3A_97 = tpu.memref_squeeze %dma_start3A_96 : memref<1x1x800xi32, #tpu.memory_space<vmem>> -> memref<800xi32, #tpu.memory_space<vmem>>
      %dma_start3A_98 = tpu.memref_slice %arg3[%dma_start3A_87, %add3A_48] : memref<2x3200000xi32, #tpu.memory_space<hbm>> -> memref<1x800xi32, #tpu.memory_space<hbm>>
      %dma_start3A_99 = tpu.memref_squeeze %dma_start3A_98 : memref<1x800xi32, #tpu.memory_space<hbm>> -> memref<800xi32, #tpu.memory_space<hbm>>
      tpu.enqueue_dma source(%dma_start3A_99 : memref<800xi32, #tpu.memory_space<hbm>>) target(%dma_start3A_97 : memref<800xi32, #tpu.memory_space<vmem>>) target_semaphore(%arg9 : memref<!tpu.dma_semaphore, #tpu.memory_space<semaphore_mem>>)
      %dma_wait3A = arith.constant 0 : i32
      %dma_wait3A_100 = arith.constant 0 : i32
      %dma_wait3A_101 = arith.constant 0 : i32
      %dma_wait3A_102 = arith.constant 0 : i32
      %dma_wait3A_103 = tpu.memref_slice %arg6[%dma_wait3A_100, %dma_wait3A_101, %dma_wait3A_102] : memref<2x2x800xi32, #tpu.memory_space<vmem>> -> memref<1x1x800xi32, #tpu.memory_space<vmem>>
      %dma_wait3A_104 = tpu.memref_squeeze %dma_wait3A_103 : memref<1x1x800xi32, #tpu.memory_space<vmem>> -> memref<800xi32, #tpu.memory_space<vmem>>
      %dma_wait3A_105 = tpu.memref_slice %arg3[%dma_wait3A, %mul3A_46] : memref<2x3200000xi32, #tpu.memory_space<hbm>> -> memref<1x800xi32, #tpu.memory_space<hbm>>
      %dma_wait3A_106 = tpu.memref_squeeze %dma_wait3A_105 : memref<1x800xi32, #tpu.memory_space<hbm>> -> memref<800xi32, #tpu.memory_space<hbm>>
      %dma_wait3A_107 = arith.constant 0 : i32
      %dma_wait3A_108 = tpu.memref_slice %arg6[%dma_wait3A_100, %dma_wait3A_101, %dma_wait3A_107] : memref<2x2x800xi32, #tpu.memory_space<vmem>> -> memref<1x1x800xi32, #tpu.memory_space<vmem>>
      %dma_wait3A_109 = tpu.memref_squeeze %dma_wait3A_108 : memref<1x1x800xi32, #tpu.memory_space<vmem>> -> memref<800xi32, #tpu.memory_space<vmem>>
      %dma_wait3A_110 = tpu.memref_slice %arg3[%dma_wait3A, %mul3A_46] : memref<2x3200000xi32, #tpu.memory_space<hbm>> -> memref<1x800xi32, #tpu.memory_space<hbm>>
      %dma_wait3A_111 = tpu.memref_squeeze %dma_wait3A_110 : memref<1x800xi32, #tpu.memory_space<hbm>> -> memref<800xi32, #tpu.memory_space<hbm>>
      tpu.wait_dma2 semaphore(%arg9 : memref<!tpu.dma_semaphore, #tpu.memory_space<semaphore_mem>>) src(%dma_wait3A_111 : memref<800xi32, #tpu.memory_space<hbm>>) dst(%dma_wait3A_109 : memref<800xi32, #tpu.memory_space<vmem>>)
      %dma_start3A_112 = arith.constant 0 : i32
      %dma_start3A_113 = arith.constant 0 : i32
      %dma_start3A_114 = arith.constant 0 : i32
      %dma_start3A_115 = arith.constant 0 : i32
      %dma_start3A_116 = arith.constant 0 : i32
      %dma_start3A_117 = tpu.memref_slice %arg7[%dma_start3A_114, %dma_start3A_115, %dma_start3A_116] : memref<2x800x16xf32, #tpu.memory_space<vmem>> -> memref<1x800x16xf32, #tpu.memory_space<vmem>>
      %dma_start3A_118 = tpu.memref_squeeze %dma_start3A_117 : memref<1x800x16xf32, #tpu.memory_space<vmem>> -> memref<800x16xf32, #tpu.memory_space<vmem>>
      %dma_start3A_119 = arith.constant 0 : i32
      %dma_start3A_120 = tpu.memref_slice %arg6[%dma_start3A_112, %dma_start3A_113, %dma_start3A_119] : memref<2x2x800xi32, #tpu.memory_space<vmem>> -> memref<1x1x800xi32, #tpu.memory_space<vmem>>
      %dma_start3A_121 = tpu.memref_squeeze %dma_start3A_120 : memref<1x1x800xi32, #tpu.memory_space<vmem>> -> memref<800xi32, #tpu.memory_space<vmem>>
      %dma_start3A_122 = arith.constant 0 : i32
      %dma_start3A_123 = arith.constant 0 : i32
      %dma_start3A_124 = tpu.memref_slice %arg2[%dma_start3A_122, %dma_start3A_123] : memref<100096x16xf32, #tpu.memory_space<hbm>> -> memref<100096x16xf32, #tpu.memory_space<hbm>>
      tpu.enqueue_indirect_dma source(%dma_start3A_124 : memref<100096x16xf32, #tpu.memory_space<hbm>>) target(%dma_start3A_118 : memref<800x16xf32, #tpu.memory_space<vmem>>) offsets(%dma_start3A_121 : memref<800xi32, #tpu.memory_space<vmem>>) semaphore(%arg10 : memref<!tpu.dma_semaphore, #tpu.memory_space<semaphore_mem>>)
      %dma_wait3A_125 = arith.constant 1 : i32
      %dma_wait3A_126 = arith.constant 0 : i32
      %dma_wait3A_127 = arith.constant 1 : i32
      %dma_wait3A_128 = arith.constant 0 : i32
      %dma_wait3A_129 = tpu.memref_slice %arg6[%dma_wait3A_126, %dma_wait3A_127, %dma_wait3A_128] : memref<2x2x800xi32, #tpu.memory_space<vmem>> -> memref<1x1x800xi32, #tpu.memory_space<vmem>>
      %dma_wait3A_130 = tpu.memref_squeeze %dma_wait3A_129 : memref<1x1x800xi32, #tpu.memory_space<vmem>> -> memref<800xi32, #tpu.memory_space<vmem>>
      %dma_wait3A_131 = tpu.memref_slice %arg3[%dma_wait3A_125, %mul3A_46] : memref<2x3200000xi32, #tpu.memory_space<hbm>> -> memref<1x800xi32, #tpu.memory_space<hbm>>
      %dma_wait3A_132 = tpu.memref_squeeze %dma_wait3A_131 : memref<1x800xi32, #tpu.memory_space<hbm>> -> memref<800xi32, #tpu.memory_space<hbm>>
      %dma_wait3A_133 = arith.constant 0 : i32
      %dma_wait3A_134 = tpu.memref_slice %arg6[%dma_wait3A_126, %dma_wait3A_127, %dma_wait3A_133] : memref<2x2x800xi32, #tpu.memory_space<vmem>> -> memref<1x1x800xi32, #tpu.memory_space<vmem>>
      %dma_wait3A_135 = tpu.memref_squeeze %dma_wait3A_134 : memref<1x1x800xi32, #tpu.memory_space<vmem>> -> memref<800xi32, #tpu.memory_space<vmem>>
      %dma_wait3A_136 = tpu.memref_slice %arg3[%dma_wait3A_125, %mul3A_46] : memref<2x3200000xi32, #tpu.memory_space<hbm>> -> memref<1x800xi32, #tpu.memory_space<hbm>>
      %dma_wait3A_137 = tpu.memref_squeeze %dma_wait3A_136 : memref<1x800xi32, #tpu.memory_space<hbm>> -> memref<800xi32, #tpu.memory_space<hbm>>
      tpu.wait_dma2 semaphore(%arg9 : memref<!tpu.dma_semaphore, #tpu.memory_space<semaphore_mem>>) src(%dma_wait3A_137 : memref<800xi32, #tpu.memory_space<hbm>>) dst(%dma_wait3A_135 : memref<800xi32, #tpu.memory_space<vmem>>)
      %dma_wait3A_138 = arith.constant 0 : i32
      %dma_wait3A_139 = arith.constant 1 : i32
      %dma_wait3A_140 = arith.constant 0 : i32
      %dma_wait3A_141 = arith.constant 0 : i32
      %dma_wait3A_142 = tpu.memref_slice %arg6[%dma_wait3A_139, %dma_wait3A_140, %dma_wait3A_141] : memref<2x2x800xi32, #tpu.memory_space<vmem>> -> memref<1x1x800xi32, #tpu.memory_space<vmem>>
      %dma_wait3A_143 = tpu.memref_squeeze %dma_wait3A_142 : memref<1x1x800xi32, #tpu.memory_space<vmem>> -> memref<800xi32, #tpu.memory_space<vmem>>
      %dma_wait3A_144 = tpu.memref_slice %arg3[%dma_wait3A_138, %add3A_48] : memref<2x3200000xi32, #tpu.memory_space<hbm>> -> memref<1x800xi32, #tpu.memory_space<hbm>>
      %dma_wait3A_145 = tpu.memref_squeeze %dma_wait3A_144 : memref<1x800xi32, #tpu.memory_space<hbm>> -> memref<800xi32, #tpu.memory_space<hbm>>
      %dma_wait3A_146 = arith.constant 0 : i32
      %dma_wait3A_147 = tpu.memref_slice %arg6[%dma_wait3A_139, %dma_wait3A_140, %dma_wait3A_146] : memref<2x2x800xi32, #tpu.memory_space<vmem>> -> memref<1x1x800xi32, #tpu.memory_space<vmem>>
      %dma_wait3A_148 = tpu.memref_squeeze %dma_wait3A_147 : memref<1x1x800xi32, #tpu.memory_space<vmem>> -> memref<800xi32, #tpu.memory_space<vmem>>
      %dma_wait3A_149 = tpu.memref_slice %arg3[%dma_wait3A_138, %add3A_48] : memref<2x3200000xi32, #tpu.memory_space<hbm>> -> memref<1x800xi32, #tpu.memory_space<hbm>>
      %dma_wait3A_150 = tpu.memref_squeeze %dma_wait3A_149 : memref<1x800xi32, #tpu.memory_space<hbm>> -> memref<800xi32, #tpu.memory_space<hbm>>
      tpu.wait_dma2 semaphore(%arg9 : memref<!tpu.dma_semaphore, #tpu.memory_space<semaphore_mem>>) src(%dma_wait3A_150 : memref<800xi32, #tpu.memory_space<hbm>>) dst(%dma_wait3A_148 : memref<800xi32, #tpu.memory_space<vmem>>)
      %dma_wait3A_151 = arith.constant 1 : i32
      %dma_wait3A_152 = arith.constant 1 : i32
      %dma_wait3A_153 = arith.constant 1 : i32
      %dma_wait3A_154 = arith.constant 0 : i32
      %dma_wait3A_155 = tpu.memref_slice %arg6[%dma_wait3A_152, %dma_wait3A_153, %dma_wait3A_154] : memref<2x2x800xi32, #tpu.memory_space<vmem>> -> memref<1x1x800xi32, #tpu.memory_space<vmem>>
      %dma_wait3A_156 = tpu.memref_squeeze %dma_wait3A_155 : memref<1x1x800xi32, #tpu.memory_space<vmem>> -> memref<800xi32, #tpu.memory_space<vmem>>
      %dma_wait3A_157 = tpu.memref_slice %arg3[%dma_wait3A_151, %add3A_48] : memref<2x3200000xi32, #tpu.memory_space<hbm>> -> memref<1x800xi32, #tpu.memory_space<hbm>>
      %dma_wait3A_158 = tpu.memref_squeeze %dma_wait3A_157 : memref<1x800xi32, #tpu.memory_space<hbm>> -> memref<800xi32, #tpu.memory_space<hbm>>
      %dma_wait3A_159 = arith.constant 0 : i32
      %dma_wait3A_160 = tpu.memref_slice %arg6[%dma_wait3A_152, %dma_wait3A_153, %dma_wait3A_159] : memref<2x2x800xi32, #tpu.memory_space<vmem>> -> memref<1x1x800xi32, #tpu.memory_space<vmem>>
      %dma_wait3A_161 = tpu.memref_squeeze %dma_wait3A_160 : memref<1x1x800xi32, #tpu.memory_space<vmem>> -> memref<800xi32, #tpu.memory_space<vmem>>
      %dma_wait3A_162 = tpu.memref_slice %arg3[%dma_wait3A_151, %add3A_48] : memref<2x3200000xi32, #tpu.memory_space<hbm>> -> memref<1x800xi32, #tpu.memory_space<hbm>>
      %dma_wait3A_163 = tpu.memref_squeeze %dma_wait3A_162 : memref<1x800xi32, #tpu.memory_space<hbm>> -> memref<800xi32, #tpu.memory_space<hbm>>
      tpu.wait_dma2 semaphore(%arg9 : memref<!tpu.dma_semaphore, #tpu.memory_space<semaphore_mem>>) src(%dma_wait3A_163 : memref<800xi32, #tpu.memory_space<hbm>>) dst(%dma_wait3A_161 : memref<800xi32, #tpu.memory_space<vmem>>)
      %dma_wait3A_164 = arith.constant 0 : i32
      %dma_wait3A_165 = arith.constant 0 : i32
      %dma_wait3A_166 = arith.constant 0 : i32
      %dma_wait3A_167 = arith.constant 0 : i32
      %dma_wait3A_168 = arith.constant 0 : i32
      %dma_wait3A_169 = tpu.memref_slice %arg7[%dma_wait3A_166, %dma_wait3A_167, %dma_wait3A_168] : memref<2x800x16xf32, #tpu.memory_space<vmem>> -> memref<1x800x16xf32, #tpu.memory_space<vmem>>
      %dma_wait3A_170 = tpu.memref_squeeze %dma_wait3A_169 : memref<1x800x16xf32, #tpu.memory_space<vmem>> -> memref<800x16xf32, #tpu.memory_space<vmem>>
      %dma_wait3A_171 = arith.constant 0 : i32
      %dma_wait3A_172 = tpu.memref_slice %arg6[%dma_wait3A_164, %dma_wait3A_165, %dma_wait3A_171] : memref<2x2x800xi32, #tpu.memory_space<vmem>> -> memref<1x1x800xi32, #tpu.memory_space<vmem>>
      %dma_wait3A_173 = tpu.memref_squeeze %dma_wait3A_172 : memref<1x1x800xi32, #tpu.memory_space<vmem>> -> memref<800xi32, #tpu.memory_space<vmem>>
      %dma_wait3A_174 = arith.constant 0 : i32
      %dma_wait3A_175 = arith.constant 0 : i32
      %dma_wait3A_176 = tpu.memref_slice %arg2[%dma_wait3A_174, %dma_wait3A_175] : memref<100096x16xf32, #tpu.memory_space<hbm>> -> memref<100096x16xf32, #tpu.memory_space<hbm>>
      tpu.wait_indirect_dma semaphore(%arg10 : memref<!tpu.dma_semaphore, #tpu.memory_space<semaphore_mem>>) src(%dma_wait3A_176 : memref<100096x16xf32, #tpu.memory_space<hbm>>) dst(%dma_wait3A_170 : memref<800x16xf32, #tpu.memory_space<vmem>>)
      %dma_start3A_177 = arith.constant 0 : i32
      %dma_start3A_178 = arith.constant 0 : i32
      %dma_start3A_179 = arith.constant 1 : i32
      %dma_start3A_180 = arith.constant 0 : i32
      %dma_start3A_181 = arith.constant 0 : i32
      %dma_start3A_182 = tpu.memref_slice %arg7[%dma_start3A_177, %dma_start3A_180, %dma_start3A_181] : memref<2x800x16xf32, #tpu.memory_space<vmem>> -> memref<1x800x16xf32, #tpu.memory_space<vmem>>
      %dma_start3A_183 = tpu.memref_squeeze %dma_start3A_182 : memref<1x800x16xf32, #tpu.memory_space<vmem>> -> memref<800x16xf32, #tpu.memory_space<vmem>>
      %dma_start3A_184 = arith.constant 0 : i32
      %dma_start3A_185 = tpu.memref_slice %arg6[%dma_start3A_178, %dma_start3A_179, %dma_start3A_184] : memref<2x2x800xi32, #tpu.memory_space<vmem>> -> memref<1x1x800xi32, #tpu.memory_space<vmem>>
      %dma_start3A_186 = tpu.memref_squeeze %dma_start3A_185 : memref<1x1x800xi32, #tpu.memory_space<vmem>> -> memref<800xi32, #tpu.memory_space<vmem>>
      %dma_start3A_187 = arith.constant 0 : i32
      %dma_start3A_188 = arith.constant 0 : i32
      %dma_start3A_189 = tpu.memref_slice %arg8[%dma_start3A_187, %dma_start3A_188] : memref<100096x16xf32, #tpu.memory_space<vmem_shared>> -> memref<100096x16xf32, #tpu.memory_space<vmem_shared>>
      tpu.enqueue_indirect_dma source(%dma_start3A_183 : memref<800x16xf32, #tpu.memory_space<vmem>>) target(%dma_start3A_189 : memref<100096x16xf32, #tpu.memory_space<vmem_shared>>) offsets(%dma_start3A_186 : memref<800xi32, #tpu.memory_space<vmem>>) semaphore(%arg11 : memref<!tpu.dma_semaphore, #tpu.memory_space<semaphore_mem>>) {add = true}
      %dma_start3A_190 = arith.constant 1 : i32
      %dma_start3A_191 = arith.constant 0 : i32
      %dma_start3A_192 = arith.constant 1 : i32
      %dma_start3A_193 = arith.constant 0 : i32
      %dma_start3A_194 = arith.constant 0 : i32
      %dma_start3A_195 = tpu.memref_slice %arg7[%dma_start3A_192, %dma_start3A_193, %dma_start3A_194] : memref<2x800x16xf32, #tpu.memory_space<vmem>> -> memref<1x800x16xf32, #tpu.memory_space<vmem>>
      %dma_start3A_196 = tpu.memref_squeeze %dma_start3A_195 : memref<1x800x16xf32, #tpu.memory_space<vmem>> -> memref<800x16xf32, #tpu.memory_space<vmem>>
      %dma_start3A_197 = arith.constant 0 : i32
      %dma_start3A_198 = tpu.memref_slice %arg6[%dma_start3A_190, %dma_start3A_191, %dma_start3A_197] : memref<2x2x800xi32, #tpu.memory_space<vmem>> -> memref<1x1x800xi32, #tpu.memory_space<vmem>>
      %dma_start3A_199 = tpu.memref_squeeze %dma_start3A_198 : memref<1x1x800xi32, #tpu.memory_space<vmem>> -> memref<800xi32, #tpu.memory_space<vmem>>
      %dma_start3A_200 = arith.constant 0 : i32
      %dma_start3A_201 = arith.constant 0 : i32
      %dma_start3A_202 = tpu.memref_slice %arg2[%dma_start3A_200, %dma_start3A_201] : memref<100096x16xf32, #tpu.memory_space<hbm>> -> memref<100096x16xf32, #tpu.memory_space<hbm>>
      tpu.enqueue_indirect_dma source(%dma_start3A_202 : memref<100096x16xf32, #tpu.memory_space<hbm>>) target(%dma_start3A_196 : memref<800x16xf32, #tpu.memory_space<vmem>>) offsets(%dma_start3A_199 : memref<800xi32, #tpu.memory_space<vmem>>) semaphore(%arg10 : memref<!tpu.dma_semaphore, #tpu.memory_space<semaphore_mem>>)
      %dma_wait3A_203 = arith.constant 1 : i32
      %dma_wait3A_204 = arith.constant 0 : i32
      %dma_wait3A_205 = arith.constant 1 : i32
      %dma_wait3A_206 = arith.constant 0 : i32
      %dma_wait3A_207 = arith.constant 0 : i32
      %dma_wait3A_208 = tpu.memref_slice %arg7[%dma_wait3A_205, %dma_wait3A_206, %dma_wait3A_207] : memref<2x800x16xf32, #tpu.memory_space<vmem>> -> memref<1x800x16xf32, #tpu.memory_space<vmem>>
      %dma_wait3A_209 = tpu.memref_squeeze %dma_wait3A_208 : memref<1x800x16xf32, #tpu.memory_space<vmem>> -> memref<800x16xf32, #tpu.memory_space<vmem>>
      %dma_wait3A_210 = arith.constant 0 : i32
      %dma_wait3A_211 = tpu.memref_slice %arg6[%dma_wait3A_203, %dma_wait3A_204, %dma_wait3A_210] : memref<2x2x800xi32, #tpu.memory_space<vmem>> -> memref<1x1x800xi32, #tpu.memory_space<vmem>>
      %dma_wait3A_212 = tpu.memref_squeeze %dma_wait3A_211 : memref<1x1x800xi32, #tpu.memory_space<vmem>> -> memref<800xi32, #tpu.memory_space<vmem>>
      %dma_wait3A_213 = arith.constant 0 : i32
      %dma_wait3A_214 = arith.constant 0 : i32
      %dma_wait3A_215 = tpu.memref_slice %arg2[%dma_wait3A_213, %dma_wait3A_214] : memref<100096x16xf32, #tpu.memory_space<hbm>> -> memref<100096x16xf32, #tpu.memory_space<hbm>>
      tpu.wait_indirect_dma semaphore(%arg10 : memref<!tpu.dma_semaphore, #tpu.memory_space<semaphore_mem>>) src(%dma_wait3A_215 : memref<100096x16xf32, #tpu.memory_space<hbm>>) dst(%dma_wait3A_209 : memref<800x16xf32, #tpu.memory_space<vmem>>)
      %dma_start3A_216 = arith.constant 1 : i32
      %dma_start3A_217 = arith.constant 1 : i32
      %dma_start3A_218 = arith.constant 1 : i32
      %dma_start3A_219 = arith.constant 0 : i32
      %dma_start3A_220 = arith.constant 0 : i32
      %dma_start3A_221 = tpu.memref_slice %arg7[%dma_start3A_216, %dma_start3A_219, %dma_start3A_220] : memref<2x800x16xf32, #tpu.memory_space<vmem>> -> memref<1x800x16xf32, #tpu.memory_space<vmem>>
      %dma_start3A_222 = tpu.memref_squeeze %dma_start3A_221 : memref<1x800x16xf32, #tpu.memory_space<vmem>> -> memref<800x16xf32, #tpu.memory_space<vmem>>
      %dma_start3A_223 = arith.constant 0 : i32
      %dma_start3A_224 = tpu.memref_slice %arg6[%dma_start3A_217, %dma_start3A_218, %dma_start3A_223] : memref<2x2x800xi32, #tpu.memory_space<vmem>> -> memref<1x1x800xi32, #tpu.memory_space<vmem>>
      %dma_start3A_225 = tpu.memref_squeeze %dma_start3A_224 : memref<1x1x800xi32, #tpu.memory_space<vmem>> -> memref<800xi32, #tpu.memory_space<vmem>>
      %dma_start3A_226 = arith.constant 0 : i32
      %dma_start3A_227 = arith.constant 0 : i32
      %dma_start3A_228 = tpu.memref_slice %arg8[%dma_start3A_226, %dma_start3A_227] : memref<100096x16xf32, #tpu.memory_space<vmem_shared>> -> memref<100096x16xf32, #tpu.memory_space<vmem_shared>>
      tpu.enqueue_indirect_dma source(%dma_start3A_222 : memref<800x16xf32, #tpu.memory_space<vmem>>) target(%dma_start3A_228 : memref<100096x16xf32, #tpu.memory_space<vmem_shared>>) offsets(%dma_start3A_225 : memref<800xi32, #tpu.memory_space<vmem>>) semaphore(%arg11 : memref<!tpu.dma_semaphore, #tpu.memory_space<semaphore_mem>>) {add = true}
      %dma_wait3A_229 = arith.constant 0 : i32
      %dma_wait3A_230 = arith.constant 0 : i32
      %dma_wait3A_231 = arith.constant 1 : i32
      %dma_wait3A_232 = arith.constant 0 : i32
      %dma_wait3A_233 = arith.constant 0 : i32
      %dma_wait3A_234 = tpu.memref_slice %arg7[%dma_wait3A_229, %dma_wait3A_232, %dma_wait3A_233] : memref<2x800x16xf32, #tpu.memory_space<vmem>> -> memref<1x800x16xf32, #tpu.memory_space<vmem>>
      %dma_wait3A_235 = tpu.memref_squeeze %dma_wait3A_234 : memref<1x800x16xf32, #tpu.memory_space<vmem>> -> memref<800x16xf32, #tpu.memory_space<vmem>>
      %dma_wait3A_236 = arith.constant 0 : i32
      %dma_wait3A_237 = tpu.memref_slice %arg6[%dma_wait3A_230, %dma_wait3A_231, %dma_wait3A_236] : memref<2x2x800xi32, #tpu.memory_space<vmem>> -> memref<1x1x800xi32, #tpu.memory_space<vmem>>
      %dma_wait3A_238 = tpu.memref_squeeze %dma_wait3A_237 : memref<1x1x800xi32, #tpu.memory_space<vmem>> -> memref<800xi32, #tpu.memory_space<vmem>>
      %dma_wait3A_239 = arith.constant 0 : i32
      %dma_wait3A_240 = arith.constant 0 : i32
      %dma_wait3A_241 = tpu.memref_slice %arg8[%dma_wait3A_239, %dma_wait3A_240] : memref<100096x16xf32, #tpu.memory_space<vmem_shared>> -> memref<100096x16xf32, #tpu.memory_space<vmem_shared>>
      tpu.wait_indirect_dma semaphore(%arg11 : memref<!tpu.dma_semaphore, #tpu.memory_space<semaphore_mem>>) src(%dma_wait3A_235 : memref<800x16xf32, #tpu.memory_space<vmem>>) dst(%dma_wait3A_241 : memref<100096x16xf32, #tpu.memory_space<vmem_shared>>)
      %dma_wait3A_242 = arith.constant 1 : i32
      %dma_wait3A_243 = arith.constant 1 : i32
      %dma_wait3A_244 = arith.constant 1 : i32
      %dma_wait3A_245 = arith.constant 0 : i32
      %dma_wait3A_246 = arith.constant 0 : i32
      %dma_wait3A_247 = tpu.memref_slice %arg7[%dma_wait3A_242, %dma_wait3A_245, %dma_wait3A_246] : memref<2x800x16xf32, #tpu.memory_space<vmem>> -> memref<1x800x16xf32, #tpu.memory_space<vmem>>
      %dma_wait3A_248 = tpu.memref_squeeze %dma_wait3A_247 : memref<1x800x16xf32, #tpu.memory_space<vmem>> -> memref<800x16xf32, #tpu.memory_space<vmem>>
      %dma_wait3A_249 = arith.constant 0 : i32
      %dma_wait3A_250 = tpu.memref_slice %arg6[%dma_wait3A_243, %dma_wait3A_244, %dma_wait3A_249] : memref<2x2x800xi32, #tpu.memory_space<vmem>> -> memref<1x1x800xi32, #tpu.memory_space<vmem>>
      %dma_wait3A_251 = tpu.memref_squeeze %dma_wait3A_250 : memref<1x1x800xi32, #tpu.memory_space<vmem>> -> memref<800xi32, #tpu.memory_space<vmem>>
      %dma_wait3A_252 = arith.constant 0 : i32
      %dma_wait3A_253 = arith.constant 0 : i32
      %dma_wait3A_254 = tpu.memref_slice %arg8[%dma_wait3A_252, %dma_wait3A_253] : memref<100096x16xf32, #tpu.memory_space<vmem_shared>> -> memref<100096x16xf32, #tpu.memory_space<vmem_shared>>
      tpu.wait_indirect_dma semaphore(%arg11 : memref<!tpu.dma_semaphore, #tpu.memory_space<semaphore_mem>>) src(%dma_wait3A_248 : memref<800x16xf32, #tpu.memory_space<vmem>>) dst(%dma_wait3A_254 : memref<100096x16xf32, #tpu.memory_space<vmem_shared>>)
    }
    %while3A_32 = arith.constant 1 : i32
    scf.for %while3A_41 = %while3A_30 to %while3A_26 step %while3A_32  : i32 {
      %mul3A_42 = arith.constant 2 : i32
      %mul3A_43 = arith.muli %mul3A_42, %while3A_41 : i32
      %add3A_44 = arith.addi %mul3A_4, %mul3A_43 : i32
      %mul3A_45 = arith.constant 800 : i32
      %mul3A_46 = arith.muli %add3A_44, %mul3A_45 : i32
      %add3A_47 = arith.constant 800 : i32
      %add3A_48 = arith.addi %mul3A_46, %add3A_47 : i32
      %dma_start3A = arith.constant 0 : i32
      %dma_start3A_49 = arith.constant 0 : i32
      %dma_start3A_50 = arith.constant 0 : i32
      %dma_start3A_51 = arith.constant 0 : i32
      %dma_start3A_52 = tpu.memref_slice %arg6[%dma_start3A_49, %dma_start3A_50, %dma_start3A_51] : memref<2x2x800xi32, #tpu.memory_space<vmem>> -> memref<1x1x800xi32, #tpu.memory_space<vmem>>
      %dma_start3A_53 = tpu.memref_squeeze %dma_start3A_52 : memref<1x1x800xi32, #tpu.memory_space<vmem>> -> memref<800xi32, #tpu.memory_space<vmem>>
      %dma_start3A_54 = tpu.memref_slice %arg3[%dma_start3A, %mul3A_46] : memref<2x3200000xi32, #tpu.memory_space<hbm>> -> memref<1x800xi32, #tpu.memory_space<hbm>>
      %dma_start3A_55 = tpu.memref_squeeze %dma_start3A_54 : memref<1x800xi32, #tpu.memory_space<hbm>> -> memref<800xi32, #tpu.memory_space<hbm>>
      %dma_start3A_56 = arith.constant 0 : i32
      %dma_start3A_57 = tpu.memref_slice %arg6[%dma_start3A_49, %dma_start3A_50, %dma_start3A_56] : memref<2x2x800xi32, #tpu.memory_space<vmem>> -> memref<1x1x800xi32, #tpu.memory_space<vmem>>
      %dma_start3A_58 = tpu.memref_squeeze %dma_start3A_57 : memref<1x1x800xi32, #tpu.memory_space<vmem>> -> memref<800xi32, #tpu.memory_space<vmem>>
      %dma_start3A_59 = tpu.memref_slice %arg3[%dma_start3A, %mul3A_46] : memref<2x3200000xi32, #tpu.memory_space<hbm>> -> memref<1x800xi32, #tpu.memory_space<hbm>>
      %dma_start3A_60 = tpu.memref_squeeze %dma_start3A_59 : memref<1x800xi32, #tpu.memory_space<hbm>> -> memref<800xi32, #tpu.memory_space<hbm>>
      tpu.enqueue_dma source(%dma_start3A_60 : memref<800xi32, #tpu.memory_space<hbm>>) target(%dma_start3A_58 : memref<800xi32, #tpu.memory_space<vmem>>) target_semaphore(%arg9 : memref<!tpu.dma_semaphore, #tpu.memory_space<semaphore_mem>>)
      %dma_start3A_61 = arith.constant 1 : i32
      %dma_start3A_62 = arith.constant 0 : i32
      %dma_start3A_63 = arith.constant 1 : i32
      %dma_start3A_64 = arith.constant 0 : i32
      %dma_start3A_65 = tpu.memref_slice %arg6[%dma_start3A_62, %dma_start3A_63, %dma_start3A_64] : memref<2x2x800xi32, #tpu.memory_space<vmem>> -> memref<1x1x800xi32, #tpu.memory_space<vmem>>
      %dma_start3A_66 = tpu.memref_squeeze %dma_start3A_65 : memref<1x1x800xi32, #tpu.memory_space<vmem>> -> memref<800xi32, #tpu.memory_space<vmem>>
      %dma_start3A_67 = tpu.memref_slice %arg3[%dma_start3A_61, %mul3A_46] : memref<2x3200000xi32, #tpu.memory_space<hbm>> -> memref<1x800xi32, #tpu.memory_space<hbm>>
      %dma_start3A_68 = tpu.memref_squeeze %dma_start3A_67 : memref<1x800xi32, #tpu.memory_space<hbm>> -> memref<800xi32, #tpu.memory_space<hbm>>
      %dma_start3A_69 = arith.constant 0 : i32
      %dma_start3A_70 = tpu.memref_slice %arg6[%dma_start3A_62, %dma_start3A_63, %dma_start3A_69] : memref<2x2x800xi32, #tpu.memory_space<vmem>> -> memref<1x1x800xi32, #tpu.memory_space<vmem>>
      %dma_start3A_71 = tpu.memref_squeeze %dma_start3A_70 : memref<1x1x800xi32, #tpu.memory_space<vmem>> -> memref<800xi32, #tpu.memory_space<vmem>>
      %dma_start3A_72 = tpu.memref_slice %arg3[%dma_start3A_61, %mul3A_46] : memref<2x3200000xi32, #tpu.memory_space<hbm>> -> memref<1x800xi32, #tpu.memory_space<hbm>>
      %dma_start3A_73 = tpu.memref_squeeze %dma_start3A_72 : memref<1x800xi32, #tpu.memory_space<hbm>> -> memref<800xi32, #tpu.memory_space<hbm>>
      tpu.enqueue_dma source(%dma_start3A_73 : memref<800xi32, #tpu.memory_space<hbm>>) target(%dma_start3A_71 : memref<800xi32, #tpu.memory_space<vmem>>) target_semaphore(%arg9 : memref<!tpu.dma_semaphore, #tpu.memory_space<semaphore_mem>>)
      %dma_start3A_74 = arith.constant 0 : i32
      %dma_start3A_75 = arith.constant 1 : i32
      %dma_start3A_76 = arith.constant 0 : i32
      %dma_start3A_77 = arith.constant 0 : i32
      %dma_start3A_78 = tpu.memref_slice %arg6[%dma_start3A_75, %dma_start3A_76, %dma_start3A_77] : memref<2x2x800xi32, #tpu.memory_space<vmem>> -> memref<1x1x800xi32, #tpu.memory_space<vmem>>
      %dma_start3A_79 = tpu.memref_squeeze %dma_start3A_78 : memref<1x1x800xi32, #tpu.memory_space<vmem>> -> memref<800xi32, #tpu.memory_space<vmem>>
      %dma_start3A_80 = tpu.memref_slice %arg3[%dma_start3A_74, %add3A_48] : memref<2x3200000xi32, #tpu.memory_space<hbm>> -> memref<1x800xi32, #tpu.memory_space<hbm>>
      %dma_start3A_81 = tpu.memref_squeeze %dma_start3A_80 : memref<1x800xi32, #tpu.memory_space<hbm>> -> memref<800xi32, #tpu.memory_space<hbm>>
      %dma_start3A_82 = arith.constant 0 : i32
      %dma_start3A_83 = tpu.memref_slice %arg6[%dma_start3A_75, %dma_start3A_76, %dma_start3A_82] : memref<2x2x800xi32, #tpu.memory_space<vmem>> -> memref<1x1x800xi32, #tpu.memory_space<vmem>>
      %dma_start3A_84 = tpu.memref_squeeze %dma_start3A_83 : memref<1x1x800xi32, #tpu.memory_space<vmem>> -> memref<800xi32, #tpu.memory_space<vmem>>
      %dma_start3A_85 = tpu.memref_slice %arg3[%dma_start3A_74, %add3A_48] : memref<2x3200000xi32, #tpu.memory_space<hbm>> -> memref<1x800xi32, #tpu.memory_space<hbm>>
      %dma_start3A_86 = tpu.memref_squeeze %dma_start3A_85 : memref<1x800xi32, #tpu.memory_space<hbm>> -> memref<800xi32, #tpu.memory_space<hbm>>
      tpu.enqueue_dma source(%dma_start3A_86 : memref<800xi32, #tpu.memory_space<hbm>>) target(%dma_start3A_84 : memref<800xi32, #tpu.memory_space<vmem>>) target_semaphore(%arg9 : memref<!tpu.dma_semaphore, #tpu.memory_space<semaphore_mem>>)
      %dma_start3A_87 = arith.constant 1 : i32
      %dma_start3A_88 = arith.constant 1 : i32
      %dma_start3A_89 = arith.constant 1 : i32
      %dma_start3A_90 = arith.constant 0 : i32
      %dma_start3A_91 = tpu.memref_slice %arg6[%dma_start3A_88, %dma_start3A_89, %dma_start3A_90] : memref<2x2x800xi32, #tpu.memory_space<vmem>> -> memref<1x1x800xi32, #tpu.memory_space<vmem>>
      %dma_start3A_92 = tpu.memref_squeeze %dma_start3A_91 : memref<1x1x800xi32, #tpu.memory_space<vmem>> -> memref<800xi32, #tpu.memory_space<vmem>>
      %dma_start3A_93 = tpu.memref_slice %arg3[%dma_start3A_87, %add3A_48] : memref<2x3200000xi32, #tpu.memory_space<hbm>> -> memref<1x800xi32, #tpu.memory_space<hbm>>
      %dma_start3A_94 = tpu.memref_squeeze %dma_start3A_93 : memref<1x800xi32, #tpu.memory_space<hbm>> -> memref<800xi32, #tpu.memory_space<hbm>>
      %dma_start3A_95 = arith.constant 0 : i32
      %dma_start3A_96 = tpu.memref_slice %arg6[%dma_start3A_88, %dma_start3A_89, %dma_start3A_95] : memref<2x2x800xi32, #tpu.memory_space<vmem>> -> memref<1x1x800xi32, #tpu.memory_space<vmem>>
      %dma_start3A_97 = tpu.memref_squeeze %dma_start3A_96 : memref<1x1x800xi32, #tpu.memory_space<vmem>> -> memref<800xi32, #tpu.memory_space<vmem>>
      %dma_start3A_98 = tpu.memref_slice %arg3[%dma_start3A_87, %add3A_48] : memref<2x3200000xi32, #tpu.memory_space<hbm>> -> memref<1x800xi32, #tpu.memory_space<hbm>>
      %dma_start3A_99 = tpu.memref_squeeze %dma_start3A_98 : memref<1x800xi32, #tpu.memory_space<hbm>> -> memref<800xi32, #tpu.memory_space<hbm>>
      tpu.enqueue_dma source(%dma_start3A_99 : memref<800xi32, #tpu.memory_space<hbm>>) target(%dma_start3A_97 : memref<800xi32, #tpu.memory_space<vmem>>) target_semaphore(%arg9 : memref<!tpu.dma_semaphore, #tpu.memory_space<semaphore_mem>>)
      %dma_wait3A = arith.constant 0 : i32
      %dma_wait3A_100 = arith.constant 0 : i32
      %dma_wait3A_101 = arith.constant 0 : i32
      %dma_wait3A_102 = arith.constant 0 : i32
      %dma_wait3A_103 = tpu.memref_slice %arg6[%dma_wait3A_100, %dma_wait3A_101, %dma_wait3A_102] : memref<2x2x800xi32, #tpu.memory_space<vmem>> -> memref<1x1x800xi32, #tpu.memory_space<vmem>>
      %dma_wait3A_104 = tpu.memref_squeeze %dma_wait3A_103 : memref<1x1x800xi32, #tpu.memory_space<vmem>> -> memref<800xi32, #tpu.memory_space<vmem>>
      %dma_wait3A_105 = tpu.memref_slice %arg3[%dma_wait3A, %mul3A_46] : memref<2x3200000xi32, #tpu.memory_space<hbm>> -> memref<1x800xi32, #tpu.memory_space<hbm>>
      %dma_wait3A_106 = tpu.memref_squeeze %dma_wait3A_105 : memref<1x800xi32, #tpu.memory_space<hbm>> -> memref<800xi32, #tpu.memory_space<hbm>>
      %dma_wait3A_107 = arith.constant 0 : i32
      %dma_wait3A_108 = tpu.memref_slice %arg6[%dma_wait3A_100, %dma_wait3A_101, %dma_wait3A_107] : memref<2x2x800xi32, #tpu.memory_space<vmem>> -> memref<1x1x800xi32, #tpu.memory_space<vmem>>
      %dma_wait3A_109 = tpu.memref_squeeze %dma_wait3A_108 : memref<1x1x800xi32, #tpu.memory_space<vmem>> -> memref<800xi32, #tpu.memory_space<vmem>>
      %dma_wait3A_110 = tpu.memref_slice %arg3[%dma_wait3A, %mul3A_46] : memref<2x3200000xi32, #tpu.memory_space<hbm>> -> memref<1x800xi32, #tpu.memory_space<hbm>>
      %dma_wait3A_111 = tpu.memref_squeeze %dma_wait3A_110 : memref<1x800xi32, #tpu.memory_space<hbm>> -> memref<800xi32, #tpu.memory_space<hbm>>
      tpu.wait_dma2 semaphore(%arg9 : memref<!tpu.dma_semaphore, #tpu.memory_space<semaphore_mem>>) src(%dma_wait3A_111 : memref<800xi32, #tpu.memory_space<hbm>>) dst(%dma_wait3A_109 : memref<800xi32, #tpu.memory_space<vmem>>)
      %dma_start3A_112 = arith.constant 0 : i32
      %dma_start3A_113 = arith.constant 0 : i32
      %dma_start3A_114 = arith.constant 0 : i32
      %dma_start3A_115 = arith.constant 0 : i32
      %dma_start3A_116 = arith.constant 0 : i32
      %dma_start3A_117 = tpu.memref_slice %arg7[%dma_start3A_114, %dma_start3A_115, %dma_start3A_116] : memref<2x800x16xf32, #tpu.memory_space<vmem>> -> memref<1x800x16xf32, #tpu.memory_space<vmem>>
      %dma_start3A_118 = tpu.memref_squeeze %dma_start3A_117 : memref<1x800x16xf32, #tpu.memory_space<vmem>> -> memref<800x16xf32, #tpu.memory_space<vmem>>
      %dma_start3A_119 = arith.constant 0 : i32
      %dma_start3A_120 = tpu.memref_slice %arg6[%dma_start3A_112, %dma_start3A_113, %dma_start3A_119] : memref<2x2x800xi32, #tpu.memory_space<vmem>> -> memref<1x1x800xi32, #tpu.memory_space<vmem>>
      %dma_start3A_121 = tpu.memref_squeeze %dma_start3A_120 : memref<1x1x800xi32, #tpu.memory_space<vmem>> -> memref<800xi32, #tpu.memory_space<vmem>>
      %dma_start3A_122 = arith.constant 0 : i32
      %dma_start3A_123 = arith.constant 0 : i32
      %dma_start3A_124 = tpu.memref_slice %arg2[%dma_start3A_122, %dma_start3A_123] : memref<100096x16xf32, #tpu.memory_space<hbm>> -> memref<100096x16xf32, #tpu.memory_space<hbm>>
      tpu.enqueue_indirect_dma source(%dma_start3A_124 : memref<100096x16xf32, #tpu.memory_space<hbm>>) target(%dma_start3A_118 : memref<800x16xf32, #tpu.memory_space<vmem>>) offsets(%dma_start3A_121 : memref<800xi32, #tpu.memory_space<vmem>>) semaphore(%arg10 : memref<!tpu.dma_semaphore, #tpu.memory_space<semaphore_mem>>)
      %dma_wait3A_125 = arith.constant 1 : i32
      %dma_wait3A_126 = arith.constant 0 : i32
      %dma_wait3A_127 = arith.constant 1 : i32
      %dma_wait3A_128 = arith.constant 0 : i32
      %dma_wait3A_129 = tpu.memref_slice %arg6[%dma_wait3A_126, %dma_wait3A_127, %dma_wait3A_128] : memref<2x2x800xi32, #tpu.memory_space<vmem>> -> memref<1x1x800xi32, #tpu.memory_space<vmem>>
      %dma_wait3A_130 = tpu.memref_squeeze %dma_wait3A_129 : memref<1x1x800xi32, #tpu.memory_space<vmem>> -> memref<800xi32, #tpu.memory_space<vmem>>
      %dma_wait3A_131 = tpu.memref_slice %arg3[%dma_wait3A_125, %mul3A_46] : memref<2x3200000xi32, #tpu.memory_space<hbm>> -> memref<1x800xi32, #tpu.memory_space<hbm>>
      %dma_wait3A_132 = tpu.memref_squeeze %dma_wait3A_131 : memref<1x800xi32, #tpu.memory_space<hbm>> -> memref<800xi32, #tpu.memory_space<hbm>>
      %dma_wait3A_133 = arith.constant 0 : i32
      %dma_wait3A_134 = tpu.memref_slice %arg6[%dma_wait3A_126, %dma_wait3A_127, %dma_wait3A_133] : memref<2x2x800xi32, #tpu.memory_space<vmem>> -> memref<1x1x800xi32, #tpu.memory_space<vmem>>
      %dma_wait3A_135 = tpu.memref_squeeze %dma_wait3A_134 : memref<1x1x800xi32, #tpu.memory_space<vmem>> -> memref<800xi32, #tpu.memory_space<vmem>>
      %dma_wait3A_136 = tpu.memref_slice %arg3[%dma_wait3A_125, %mul3A_46] : memref<2x3200000xi32, #tpu.memory_space<hbm>> -> memref<1x800xi32, #tpu.memory_space<hbm>>
      %dma_wait3A_137 = tpu.memref_squeeze %dma_wait3A_136 : memref<1x800xi32, #tpu.memory_space<hbm>> -> memref<800xi32, #tpu.memory_space<hbm>>
      tpu.wait_dma2 semaphore(%arg9 : memref<!tpu.dma_semaphore, #tpu.memory_space<semaphore_mem>>) src(%dma_wait3A_137 : memref<800xi32, #tpu.memory_space<hbm>>) dst(%dma_wait3A_135 : memref<800xi32, #tpu.memory_space<vmem>>)
      %dma_wait3A_138 = arith.constant 0 : i32
      %dma_wait3A_139 = arith.constant 1 : i32
      %dma_wait3A_140 = arith.constant 0 : i32
      %dma_wait3A_141 = arith.constant 0 : i32
      %dma_wait3A_142 = tpu.memref_slice %arg6[%dma_wait3A_139, %dma_wait3A_140, %dma_wait3A_141] : memref<2x2x800xi32, #tpu.memory_space<vmem>> -> memref<1x1x800xi32, #tpu.memory_space<vmem>>
      %dma_wait3A_143 = tpu.memref_squeeze %dma_wait3A_142 : memref<1x1x800xi32, #tpu.memory_space<vmem>> -> memref<800xi32, #tpu.memory_space<vmem>>
      %dma_wait3A_144 = tpu.memref_slice %arg3[%dma_wait3A_138, %add3A_48] : memref<2x3200000xi32, #tpu.memory_space<hbm>> -> memref<1x800xi32, #tpu.memory_space<hbm>>
      %dma_wait3A_145 = tpu.memref_squeeze %dma_wait3A_144 : memref<1x800xi32, #tpu.memory_space<hbm>> -> memref<800xi32, #tpu.memory_space<hbm>>
      %dma_wait3A_146 = arith.constant 0 : i32
      %dma_wait3A_147 = tpu.memref_slice %arg6[%dma_wait3A_139, %dma_wait3A_140, %dma_wait3A_146] : memref<2x2x800xi32, #tpu.memory_space<vmem>> -> memref<1x1x800xi32, #tpu.memory_space<vmem>>
      %dma_wait3A_148 = tpu.memref_squeeze %dma_wait3A_147 : memref<1x1x800xi32, #tpu.memory_space<vmem>> -> memref<800xi32, #tpu.memory_space<vmem>>
      %dma_wait3A_149 = tpu.memref_slice %arg3[%dma_wait3A_138, %add3A_48] : memref<2x3200000xi32, #tpu.memory_space<hbm>> -> memref<1x800xi32, #tpu.memory_space<hbm>>
      %dma_wait3A_150 = tpu.memref_squeeze %dma_wait3A_149 : memref<1x800xi32, #tpu.memory_space<hbm>> -> memref<800xi32, #tpu.memory_space<hbm>>
      tpu.wait_dma2 semaphore(%arg9 : memref<!tpu.dma_semaphore, #tpu.memory_space<semaphore_mem>>) src(%dma_wait3A_150 : memref<800xi32, #tpu.memory_space<hbm>>) dst(%dma_wait3A_148 : memref<800xi32, #tpu.memory_space<vmem>>)
      %dma_wait3A_151 = arith.constant 1 : i32
      %dma_wait3A_152 = arith.constant 1 : i32
      %dma_wait3A_153 = arith.constant 1 : i32
      %dma_wait3A_154 = arith.constant 0 : i32
      %dma_wait3A_155 = tpu.memref_slice %arg6[%dma_wait3A_152, %dma_wait3A_153, %dma_wait3A_154] : memref<2x2x800xi32, #tpu.memory_space<vmem>> -> memref<1x1x800xi32, #tpu.memory_space<vmem>>
      %dma_wait3A_156 = tpu.memref_squeeze %dma_wait3A_155 : memref<1x1x800xi32, #tpu.memory_space<vmem>> -> memref<800xi32, #tpu.memory_space<vmem>>
      %dma_wait3A_157 = tpu.memref_slice %arg3[%dma_wait3A_151, %add3A_48] : memref<2x3200000xi32, #tpu.memory_space<hbm>> -> memref<1x800xi32, #tpu.memory_space<hbm>>
      %dma_wait3A_158 = tpu.memref_squeeze %dma_wait3A_157 : memref<1x800xi32, #tpu.memory_space<hbm>> -> memref<800xi32, #tpu.memory_space<hbm>>
      %dma_wait3A_159 = arith.constant 0 : i32
      %dma_wait3A_160 = tpu.memref_slice %arg6[%dma_wait3A_152, %dma_wait3A_153, %dma_wait3A_159] : memref<2x2x800xi32, #tpu.memory_space<vmem>> -> memref<1x1x800xi32, #tpu.memory_space<vmem>>
      %dma_wait3A_161 = tpu.memref_squeeze %dma_wait3A_160 : memref<1x1x800xi32, #tpu.memory_space<vmem>> -> memref<800xi32, #tpu.memory_space<vmem>>
      %dma_wait3A_162 = tpu.memref_slice %arg3[%dma_wait3A_151, %add3A_48] : memref<2x3200000xi32, #tpu.memory_space<hbm>> -> memref<1x800xi32, #tpu.memory_space<hbm>>
      %dma_wait3A_163 = tpu.memref_squeeze %dma_wait3A_162 : memref<1x800xi32, #tpu.memory_space<hbm>> -> memref<800xi32, #tpu.memory_space<hbm>>
      tpu.wait_dma2 semaphore(%arg9 : memref<!tpu.dma_semaphore, #tpu.memory_space<semaphore_mem>>) src(%dma_wait3A_163 : memref<800xi32, #tpu.memory_space<hbm>>) dst(%dma_wait3A_161 : memref<800xi32, #tpu.memory_space<vmem>>)
      %dma_wait3A_164 = arith.constant 0 : i32
      %dma_wait3A_165 = arith.constant 0 : i32
      %dma_wait3A_166 = arith.constant 0 : i32
      %dma_wait3A_167 = arith.constant 0 : i32
      %dma_wait3A_168 = arith.constant 0 : i32
      %dma_wait3A_169 = tpu.memref_slice %arg7[%dma_wait3A_166, %dma_wait3A_167, %dma_wait3A_168] : memref<2x800x16xf32, #tpu.memory_space<vmem>> -> memref<1x800x16xf32, #tpu.memory_space<vmem>>
      %dma_wait3A_170 = tpu.memref_squeeze %dma_wait3A_169 : memref<1x800x16xf32, #tpu.memory_space<vmem>> -> memref<800x16xf32, #tpu.memory_space<vmem>>
      %dma_wait3A_171 = arith.constant 0 : i32
      %dma_wait3A_172 = tpu.memref_slice %arg6[%dma_wait3A_164, %dma_wait3A_165, %dma_wait3A_171] : memref<2x2x800xi32, #tpu.memory_space<vmem>> -> memref<1x1x800xi32, #tpu.memory_space<vmem>>
      %dma_wait3A_173 = tpu.memref_squeeze %dma_wait3A_172 : memref<1x1x800xi32, #tpu.memory_space<vmem>> -> memref<800xi32, #tpu.memory_space<vmem>>
      %dma_wait3A_174 = arith.constant 0 : i32
      %dma_wait3A_175 = arith.constant 0 : i32
      %dma_wait3A_176 = tpu.memref_slice %arg2[%dma_wait3A_174, %dma_wait3A_175] : memref<100096x16xf32, #tpu.memory_space<hbm>> -> memref<100096x16xf32, #tpu.memory_space<hbm>>
      tpu.wait_indirect_dma semaphore(%arg10 : memref<!tpu.dma_semaphore, #tpu.memory_space<semaphore_mem>>) src(%dma_wait3A_176 : memref<100096x16xf32, #tpu.memory_space<hbm>>) dst(%dma_wait3A_170 : memref<800x16xf32, #tpu.memory_space<vmem>>)
      %dma_start3A_177 = arith.constant 0 : i32
      %dma_start3A_178 = arith.constant 0 : i32
      %dma_start3A_179 = arith.constant 1 : i32
      %dma_start3A_180 = arith.constant 0 : i32
      %dma_start3A_181 = arith.constant 0 : i32
      %dma_start3A_182 = tpu.memref_slice %arg7[%dma_start3A_177, %dma_start3A_180, %dma_start3A_181] : memref<2x800x16xf32, #tpu.memory_space<vmem>> -> memref<1x800x16xf32, #tpu.memory_space<vmem>>
      %dma_start3A_183 = tpu.memref_squeeze %dma_start3A_182 : memref<1x800x16xf32, #tpu.memory_space<vmem>> -> memref<800x16xf32, #tpu.memory_space<vmem>>
      %dma_start3A_184 = arith.constant 0 : i32
      %dma_start3A_185 = tpu.memref_slice %arg6[%dma_start3A_178, %dma_start3A_179, %dma_start3A_184] : memref<2x2x800xi32, #tpu.memory_space<vmem>> -> memref<1x1x800xi32, #tpu.memory_space<vmem>>
      %dma_start3A_186 = tpu.memref_squeeze %dma_start3A_185 : memref<1x1x800xi32, #tpu.memory_space<vmem>> -> memref<800xi32, #tpu.memory_space<vmem>>
      %dma_start3A_187 = arith.constant 0 : i32
      %dma_start3A_188 = arith.constant 0 : i32
      %dma_start3A_189 = tpu.memref_slice %arg8[%dma_start3A_187, %dma_start3A_188] : memref<100096x16xf32, #tpu.memory_space<vmem_shared>> -> memref<100096x16xf32, #tpu.memory_space<vmem_shared>>
      tpu.enqueue_indirect_dma source(%dma_start3A_183 : memref<800x16xf32, #tpu.memory_space<vmem>>) target(%dma_start3A_189 : memref<100096x16xf32, #tpu.memory_space<vmem_shared>>) offsets(%dma_start3A_186 : memref<800xi32, #tpu.memory_space<vmem>>) semaphore(%arg11 : memref<!tpu.dma_semaphore, #tpu.memory_space<semaphore_mem>>) {add = true}
      %dma_start3A_190 = arith.constant 1 : i32
      %dma_start3A_191 = arith.constant 0 : i32
      %dma_start3A_192 = arith.constant 1 : i32
      %dma_start3A_193 = arith.constant 0 : i32
      %dma_start3A_194 = arith.constant 0 : i32
      %dma_start3A_195 = tpu.memref_slice %arg7[%dma_start3A_192, %dma_start3A_193, %dma_start3A_194] : memref<2x800x16xf32, #tpu.memory_space<vmem>> -> memref<1x800x16xf32, #tpu.memory_space<vmem>>
      %dma_start3A_196 = tpu.memref_squeeze %dma_start3A_195 : memref<1x800x16xf32, #tpu.memory_space<vmem>> -> memref<800x16xf32, #tpu.memory_space<vmem>>
      %dma_start3A_197 = arith.constant 0 : i32
      %dma_start3A_198 = tpu.memref_slice %arg6[%dma_start3A_190, %dma_start3A_191, %dma_start3A_197] : memref<2x2x800xi32, #tpu.memory_space<vmem>> -> memref<1x1x800xi32, #tpu.memory_space<vmem>>
      %dma_start3A_199 = tpu.memref_squeeze %dma_start3A_198 : memref<1x1x800xi32, #tpu.memory_space<vmem>> -> memref<800xi32, #tpu.memory_space<vmem>>
      %dma_start3A_200 = arith.constant 0 : i32
      %dma_start3A_201 = arith.constant 0 : i32
      %dma_start3A_202 = tpu.memref_slice %arg2[%dma_start3A_200, %dma_start3A_201] : memref<100096x16xf32, #tpu.memory_space<hbm>> -> memref<100096x16xf32, #tpu.memory_space<hbm>>
      tpu.enqueue_indirect_dma source(%dma_start3A_202 : memref<100096x16xf32, #tpu.memory_space<hbm>>) target(%dma_start3A_196 : memref<800x16xf32, #tpu.memory_space<vmem>>) offsets(%dma_start3A_199 : memref<800xi32, #tpu.memory_space<vmem>>) semaphore(%arg10 : memref<!tpu.dma_semaphore, #tpu.memory_space<semaphore_mem>>)
      %dma_wait3A_203 = arith.constant 1 : i32
      %dma_wait3A_204 = arith.constant 0 : i32
      %dma_wait3A_205 = arith.constant 1 : i32
      %dma_wait3A_206 = arith.constant 0 : i32
      %dma_wait3A_207 = arith.constant 0 : i32
      %dma_wait3A_208 = tpu.memref_slice %arg7[%dma_wait3A_205, %dma_wait3A_206, %dma_wait3A_207] : memref<2x800x16xf32, #tpu.memory_space<vmem>> -> memref<1x800x16xf32, #tpu.memory_space<vmem>>
      %dma_wait3A_209 = tpu.memref_squeeze %dma_wait3A_208 : memref<1x800x16xf32, #tpu.memory_space<vmem>> -> memref<800x16xf32, #tpu.memory_space<vmem>>
      %dma_wait3A_210 = arith.constant 0 : i32
      %dma_wait3A_211 = tpu.memref_slice %arg6[%dma_wait3A_203, %dma_wait3A_204, %dma_wait3A_210] : memref<2x2x800xi32, #tpu.memory_space<vmem>> -> memref<1x1x800xi32, #tpu.memory_space<vmem>>
      %dma_wait3A_212 = tpu.memref_squeeze %dma_wait3A_211 : memref<1x1x800xi32, #tpu.memory_space<vmem>> -> memref<800xi32, #tpu.memory_space<vmem>>
      %dma_wait3A_213 = arith.constant 0 : i32
      %dma_wait3A_214 = arith.constant 0 : i32
      %dma_wait3A_215 = tpu.memref_slice %arg2[%dma_wait3A_213, %dma_wait3A_214] : memref<100096x16xf32, #tpu.memory_space<hbm>> -> memref<100096x16xf32, #tpu.memory_space<hbm>>
      tpu.wait_indirect_dma semaphore(%arg10 : memref<!tpu.dma_semaphore, #tpu.memory_space<semaphore_mem>>) src(%dma_wait3A_215 : memref<100096x16xf32, #tpu.memory_space<hbm>>) dst(%dma_wait3A_209 : memref<800x16xf32, #tpu.memory_space<vmem>>)
      %dma_start3A_216 = arith.constant 1 : i32
      %dma_start3A_217 = arith.constant 1 : i32
      %dma_start3A_218 = arith.constant 1 : i32
      %dma_start3A_219 = arith.constant 0 : i32
      %dma_start3A_220 = arith.constant 0 : i32
      %dma_start3A_221 = tpu.memref_slice %arg7[%dma_start3A_216, %dma_start3A_219, %dma_start3A_220] : memref<2x800x16xf32, #tpu.memory_space<vmem>> -> memref<1x800x16xf32, #tpu.memory_space<vmem>>
      %dma_start3A_222 = tpu.memref_squeeze %dma_start3A_221 : memref<1x800x16xf32, #tpu.memory_space<vmem>> -> memref<800x16xf32, #tpu.memory_space<vmem>>
      %dma_start3A_223 = arith.constant 0 : i32
      %dma_start3A_224 = tpu.memref_slice %arg6[%dma_start3A_217, %dma_start3A_218, %dma_start3A_223] : memref<2x2x800xi32, #tpu.memory_space<vmem>> -> memref<1x1x800xi32, #tpu.memory_space<vmem>>
      %dma_start3A_225 = tpu.memref_squeeze %dma_start3A_224 : memref<1x1x800xi32, #tpu.memory_space<vmem>> -> memref<800xi32, #tpu.memory_space<vmem>>
      %dma_start3A_226 = arith.constant 0 : i32
      %dma_start3A_227 = arith.constant 0 : i32
      %dma_start3A_228 = tpu.memref_slice %arg8[%dma_start3A_226, %dma_start3A_227] : memref<100096x16xf32, #tpu.memory_space<vmem_shared>> -> memref<100096x16xf32, #tpu.memory_space<vmem_shared>>
      tpu.enqueue_indirect_dma source(%dma_start3A_222 : memref<800x16xf32, #tpu.memory_space<vmem>>) target(%dma_start3A_228 : memref<100096x16xf32, #tpu.memory_space<vmem_shared>>) offsets(%dma_start3A_225 : memref<800xi32, #tpu.memory_space<vmem>>) semaphore(%arg11 : memref<!tpu.dma_semaphore, #tpu.memory_space<semaphore_mem>>) {add = true}
      %dma_wait3A_229 = arith.constant 0 : i32
      %dma_wait3A_230 = arith.constant 0 : i32
      %dma_wait3A_231 = arith.constant 1 : i32
      %dma_wait3A_232 = arith.constant 0 : i32
      %dma_wait3A_233 = arith.constant 0 : i32
      %dma_wait3A_234 = tpu.memref_slice %arg7[%dma_wait3A_229, %dma_wait3A_232, %dma_wait3A_233] : memref<2x800x16xf32, #tpu.memory_space<vmem>> -> memref<1x800x16xf32, #tpu.memory_space<vmem>>
      %dma_wait3A_235 = tpu.memref_squeeze %dma_wait3A_234 : memref<1x800x16xf32, #tpu.memory_space<vmem>> -> memref<800x16xf32, #tpu.memory_space<vmem>>
      %dma_wait3A_236 = arith.constant 0 : i32
      %dma_wait3A_237 = tpu.memref_slice %arg6[%dma_wait3A_230, %dma_wait3A_231, %dma_wait3A_236] : memref<2x2x800xi32, #tpu.memory_space<vmem>> -> memref<1x1x800xi32, #tpu.memory_space<vmem>>
      %dma_wait3A_238 = tpu.memref_squeeze %dma_wait3A_237 : memref<1x1x800xi32, #tpu.memory_space<vmem>> -> memref<800xi32, #tpu.memory_space<vmem>>
      %dma_wait3A_239 = arith.constant 0 : i32
      %dma_wait3A_240 = arith.constant 0 : i32
      %dma_wait3A_241 = tpu.memref_slice %arg8[%dma_wait3A_239, %dma_wait3A_240] : memref<100096x16xf32, #tpu.memory_space<vmem_shared>> -> memref<100096x16xf32, #tpu.memory_space<vmem_shared>>
      tpu.wait_indirect_dma semaphore(%arg11 : memref<!tpu.dma_semaphore, #tpu.memory_space<semaphore_mem>>) src(%dma_wait3A_235 : memref<800x16xf32, #tpu.memory_space<vmem>>) dst(%dma_wait3A_241 : memref<100096x16xf32, #tpu.memory_space<vmem_shared>>)
      %dma_wait3A_242 = arith.constant 1 : i32
      %dma_wait3A_243 = arith.constant 1 : i32
      %dma_wait3A_244 = arith.constant 1 : i32
      %dma_wait3A_245 = arith.constant 0 : i32
      %dma_wait3A_246 = arith.constant 0 : i32
      %dma_wait3A_247 = tpu.memref_slice %arg7[%dma_wait3A_242, %dma_wait3A_245, %dma_wait3A_246] : memref<2x800x16xf32, #tpu.memory_space<vmem>> -> memref<1x800x16xf32, #tpu.memory_space<vmem>>
      %dma_wait3A_248 = tpu.memref_squeeze %dma_wait3A_247 : memref<1x800x16xf32, #tpu.memory_space<vmem>> -> memref<800x16xf32, #tpu.memory_space<vmem>>
      %dma_wait3A_249 = arith.constant 0 : i32
      %dma_wait3A_250 = tpu.memref_slice %arg6[%dma_wait3A_243, %dma_wait3A_244, %dma_wait3A_249] : memref<2x2x800xi32, #tpu.memory_space<vmem>> -> memref<1x1x800xi32, #tpu.memory_space<vmem>>
      %dma_wait3A_251 = tpu.memref_squeeze %dma_wait3A_250 : memref<1x1x800xi32, #tpu.memory_space<vmem>> -> memref<800xi32, #tpu.memory_space<vmem>>
      %dma_wait3A_252 = arith.constant 0 : i32
      %dma_wait3A_253 = arith.constant 0 : i32
      %dma_wait3A_254 = tpu.memref_slice %arg8[%dma_wait3A_252, %dma_wait3A_253] : memref<100096x16xf32, #tpu.memory_space<vmem_shared>> -> memref<100096x16xf32, #tpu.memory_space<vmem_shared>>
      tpu.wait_indirect_dma semaphore(%arg11 : memref<!tpu.dma_semaphore, #tpu.memory_space<semaphore_mem>>) src(%dma_wait3A_248 : memref<800x16xf32, #tpu.memory_space<vmem>>) dst(%dma_wait3A_254 : memref<100096x16xf32, #tpu.memory_space<vmem_shared>>)
    }
    %barrier3A_33 = arith.constant 0 : index
    tpu.barrier barrier_id(%barrier3A_33)
    %mul3A_34 = arith.constant 6256 : i32
    %mul3A_35 = arith.muli %arg1, %mul3A_34 : i32
    %mul3A_36 = arith.constant 100096 : i32
    %mul3A_37 = arith.muli %arg0, %mul3A_36 : i32
    %mul3A_38 = arith.constant 6256 : i32
    %mul3A_39 = arith.muli %arg1, %mul3A_38 : i32
    %add3A_40 = arith.addi %mul3A_37, %mul3A_39 : i32
    "tpu.region"() ({
      %run_scoped3A = tpu.sem_alloc : memref<!tpu.dma_semaphore, #tpu.memory_space<semaphore_mem>>
      %dma_start3A = arith.constant 0 : i32
      %dma_start3A_41 = tpu.memref_slice %arg5[%add3A_40, %dma_start3A] : memref<200192x16xf32, #tpu.memory_space<hbm>> -> memref<6256x16xf32, #tpu.memory_space<hbm>>
      %dma_start3A_42 = arith.constant 0 : i32
      %dma_start3A_43 = tpu.memref_slice %arg8[%mul3A_35, %dma_start3A_42] : memref<100096x16xf32, #tpu.memory_space<vmem_shared>> -> memref<6256x16xf32, #tpu.memory_space<vmem_shared>>
      tpu.enqueue_dma source(%dma_start3A_43 : memref<6256x16xf32, #tpu.memory_space<vmem_shared>>) target(%dma_start3A_41 : memref<6256x16xf32, #tpu.memory_space<hbm>>) target_semaphore(%run_scoped3A : memref<!tpu.dma_semaphore, #tpu.memory_space<semaphore_mem>>)
      %dma_wait3A = arith.constant 0 : i32
      %dma_wait3A_44 = tpu.memref_slice %arg5[%add3A_40, %dma_wait3A] : memref<200192x16xf32, #tpu.memory_space<hbm>> -> memref<6256x16xf32, #tpu.memory_space<hbm>>
      %dma_wait3A_45 = arith.constant 0 : i32
      %dma_wait3A_46 = tpu.memref_slice %arg8[%mul3A_35, %dma_wait3A_45] : memref<100096x16xf32, #tpu.memory_space<vmem_shared>> -> memref<6256x16xf32, #tpu.memory_space<vmem_shared>>
      tpu.wait_dma2 semaphore(%run_scoped3A : memref<!tpu.dma_semaphore, #tpu.memory_space<semaphore_mem>>) src(%dma_wait3A_46 : memref<6256x16xf32, #tpu.memory_space<vmem_shared>>) dst(%dma_wait3A_44 : memref<6256x16xf32, #tpu.memory_space<hbm>>)
      tpu.yield
    }) : () -> ()
    return
  }
}

#map = affine_map<(d0, d1) -> (0, 0)>
module attributes {stable_mosaic.version = 14 : i64} {
  func.func @_segsum_body(%arg0: i32, %arg1: i32, %arg2: memref<100096x16xf32, #tpu.memory_space<hbm>>, %arg3: memref<2x3200000xi32, #tpu.memory_space<hbm>>, %arg4: memref<6256x16xf32, #tpu.memory_space<hbm>>, %arg5: memref<200192x16xf32, #tpu.memory_space<hbm>>, %arg6: memref<2x2x800xi32, #tpu.memory_space<vmem>>, %arg7: memref<2x800x16xf32, #tpu.memory_space<vmem>>, %arg8: memref<100096x16xf32, #tpu.memory_space<vmem_shared>>, %arg9: memref<!tpu.dma_semaphore, #tpu.memory_space<semaphore_mem>>, %arg10: memref<!tpu.dma_semaphore, #tpu.memory_space<semaphore_mem>>, %arg11: memref<!tpu.dma_semaphore, #tpu.memory_space<semaphore_mem>>) attributes {dimension_semantics = [#tpu.dimension_semantics<core_parallel>, #tpu.dimension_semantics<subcore_parallel>], iteration_bounds = array<i64: 2, 16>, scalar_prefetch = 0 : i64, scratch_operands = 6 : i64, tpu.core_type = #tpu.core_type<sc_vector_subcore>, window_params = [{transform_indices = #map}, {transform_indices = #map}, {transform_indices = #map}, {transform_indices = #map}]} {
    %mul3A = arith.constant 16 : i32
    %mul3A_0 = arith.muli %arg0, %mul3A : i32
    %add3A = arith.addi %mul3A_0, %arg1 : i32
    %mul3A_1 = arith.constant 6256 : i32
    %mul3A_2 = arith.muli %arg1, %mul3A_1 : i32
    "tpu.region"() ({
      %run_scoped3A = tpu.sem_alloc : memref<!tpu.dma_semaphore, #tpu.memory_space<semaphore_mem>>
      %dma_start3A = arith.constant 0 : i32
      %dma_start3A_41 = tpu.memref_slice %arg8[%mul3A_2, %dma_start3A] : memref<100096x16xf32, #tpu.memory_space<vmem_shared>> -> memref<6256x16xf32, #tpu.memory_space<vmem_shared>>
      tpu.enqueue_dma source(%arg4 : memref<6256x16xf32, #tpu.memory_space<hbm>>) target(%dma_start3A_41 : memref<6256x16xf32, #tpu.memory_space<vmem_shared>>) target_semaphore(%run_scoped3A : memref<!tpu.dma_semaphore, #tpu.memory_space<semaphore_mem>>)
      %dma_wait3A = arith.constant 0 : i32
      %dma_wait3A_42 = tpu.memref_slice %arg8[%mul3A_2, %dma_wait3A] : memref<100096x16xf32, #tpu.memory_space<vmem_shared>> -> memref<6256x16xf32, #tpu.memory_space<vmem_shared>>
      tpu.wait_dma2 semaphore(%run_scoped3A : memref<!tpu.dma_semaphore, #tpu.memory_space<semaphore_mem>>) src(%arg4 : memref<6256x16xf32, #tpu.memory_space<hbm>>) dst(%dma_wait3A_42 : memref<6256x16xf32, #tpu.memory_space<vmem_shared>>)
      tpu.yield
    }) : () -> ()
    %barrier3A = arith.constant 0 : index
    tpu.barrier barrier_id(%barrier3A)
    %mul3A_3 = arith.constant 126 : i32
    %mul3A_4 = arith.muli %add3A, %mul3A_3 : i32
    %sub3A = arith.constant 4000 : i32
    %sub3A_5 = arith.subi %sub3A, %mul3A_4 : i32
    %min3A = arith.constant 126 : i32
    %min3A_6 = arith.minsi %min3A, %sub3A_5 : i32
    %jit3A = arith.constant 2 : i32
    %div3A = arith.divsi %min3A_6, %jit3A : i32
    %sign3A = arith.constant 0 : i32
    %sign3A_7 = arith.cmpi sgt, %min3A_6, %sign3A : i32
    %sign3A_8 = arith.extui %sign3A_7 : i1 to i32
    %sign3A_9 = arith.constant 0 : i32
    %sign3A_10 = arith.cmpi slt, %min3A_6, %sign3A_9 : i32
    %sign3A_11 = arith.extui %sign3A_10 : i1 to i32
    %sign3A_12 = arith.subi %sign3A_8, %sign3A_11 : i32
    %sign3A_13 = arith.constant 0 : i32
    %sign3A_14 = arith.cmpi sgt, %jit3A, %sign3A_13 : i32
    %sign3A_15 = arith.extui %sign3A_14 : i1 to i32
    %sign3A_16 = arith.constant 0 : i32
    %sign3A_17 = arith.cmpi slt, %jit3A, %sign3A_16 : i32
    %sign3A_18 = arith.extui %sign3A_17 : i1 to i32
    %sign3A_19 = arith.subi %sign3A_15, %sign3A_18 : i32
    %ne3A = arith.cmpi ne, %sign3A_12, %sign3A_19 : i32
    %rem3A = arith.remsi %min3A_6, %jit3A : i32
    %ne3A_20 = arith.constant 0 : i32
    %ne3A_21 = arith.cmpi ne, %rem3A, %ne3A_20 : i32
    %and3A = arith.andi %ne3A, %ne3A_21 : i1
    %sub3A_22 = arith.constant 1 : i32
    %sub3A_23 = arith.subi %div3A, %sub3A_22 : i32
    %select_n3A = arith.select %and3A, %sub3A_23, %div3A : i32
    %while3A = arith.constant 0 : i32
    %while3A_24 = arith.constant 0 : i32
    %while3A_25 = arith.subi %select_n3A, %while3A_24 : i32
    %while3A_26 = arith.addi %while3A_24, %while3A_25 : i32
    %while3A_27 = arith.constant 1 : i32
    %while3A_28 = arith.divsi %while3A_25, %while3A_27 : i32
    %while3A_29 = arith.muli %while3A_28, %while3A_27 : i32
    %while3A_30 = arith.addi %while3A_24, %while3A_29 : i32
    %while3A_31 = arith.constant 1 : i32
    scf.for %while3A_41 = %while3A_24 to %while3A_30 step %while3A_31  : i32 {
      %mul3A_42 = arith.constant 2 : i32
      %mul3A_43 = arith.muli %mul3A_42, %while3A_41 : i32
      %add3A_44 = arith.addi %mul3A_4, %mul3A_43 : i32
      %mul3A_45 = arith.constant 800 : i32
      %mul3A_46 = arith.muli %add3A_44, %mul3A_45 : i32
      %add3A_47 = arith.constant 800 : i32
      %add3A_48 = arith.addi %mul3A_46, %add3A_47 : i32
      %dma_start3A = arith.constant 0 : i32
      %dma_start3A_49 = arith.constant 0 : i32
      %dma_start3A_50 = arith.constant 0 : i32
      %dma_start3A_51 = arith.constant 0 : i32
      %dma_start3A_52 = tpu.memref_slice %arg6[%dma_start3A_49, %dma_start3A_50, %dma_start3A_51] : memref<2x2x800xi32, #tpu.memory_space<vmem>> -> memref<1x1x800xi32, #tpu.memory_space<vmem>>
      %dma_start3A_53 = tpu.memref_squeeze %dma_start3A_52 : memref<1x1x800xi32, #tpu.memory_space<vmem>> -> memref<800xi32, #tpu.memory_space<vmem>>
      %dma_start3A_54 = tpu.memref_slice %arg3[%dma_start3A, %mul3A_46] : memref<2x3200000xi32, #tpu.memory_space<hbm>> -> memref<1x800xi32, #tpu.memory_space<hbm>>
      %dma_start3A_55 = tpu.memref_squeeze %dma_start3A_54 : memref<1x800xi32, #tpu.memory_space<hbm>> -> memref<800xi32, #tpu.memory_space<hbm>>
      %dma_start3A_56 = arith.constant 0 : i32
      %dma_start3A_57 = tpu.memref_slice %arg6[%dma_start3A_49, %dma_start3A_50, %dma_start3A_56] : memref<2x2x800xi32, #tpu.memory_space<vmem>> -> memref<1x1x800xi32, #tpu.memory_space<vmem>>
      %dma_start3A_58 = tpu.memref_squeeze %dma_start3A_57 : memref<1x1x800xi32, #tpu.memory_space<vmem>> -> memref<800xi32, #tpu.memory_space<vmem>>
      %dma_start3A_59 = tpu.memref_slice %arg3[%dma_start3A, %mul3A_46] : memref<2x3200000xi32, #tpu.memory_space<hbm>> -> memref<1x800xi32, #tpu.memory_space<hbm>>
      %dma_start3A_60 = tpu.memref_squeeze %dma_start3A_59 : memref<1x800xi32, #tpu.memory_space<hbm>> -> memref<800xi32, #tpu.memory_space<hbm>>
      tpu.enqueue_dma source(%dma_start3A_60 : memref<800xi32, #tpu.memory_space<hbm>>) target(%dma_start3A_58 : memref<800xi32, #tpu.memory_space<vmem>>) target_semaphore(%arg9 : memref<!tpu.dma_semaphore, #tpu.memory_space<semaphore_mem>>)
      %dma_start3A_61 = arith.constant 1 : i32
      %dma_start3A_62 = arith.constant 0 : i32
      %dma_start3A_63 = arith.constant 1 : i32
      %dma_start3A_64 = arith.constant 0 : i32
      %dma_start3A_65 = tpu.memref_slice %arg6[%dma_start3A_62, %dma_start3A_63, %dma_start3A_64] : memref<2x2x800xi32, #tpu.memory_space<vmem>> -> memref<1x1x800xi32, #tpu.memory_space<vmem>>
      %dma_start3A_66 = tpu.memref_squeeze %dma_start3A_65 : memref<1x1x800xi32, #tpu.memory_space<vmem>> -> memref<800xi32, #tpu.memory_space<vmem>>
      %dma_start3A_67 = tpu.memref_slice %arg3[%dma_start3A_61, %mul3A_46] : memref<2x3200000xi32, #tpu.memory_space<hbm>> -> memref<1x800xi32, #tpu.memory_space<hbm>>
      %dma_start3A_68 = tpu.memref_squeeze %dma_start3A_67 : memref<1x800xi32, #tpu.memory_space<hbm>> -> memref<800xi32, #tpu.memory_space<hbm>>
      %dma_start3A_69 = arith.constant 0 : i32
      %dma_start3A_70 = tpu.memref_slice %arg6[%dma_start3A_62, %dma_start3A_63, %dma_start3A_69] : memref<2x2x800xi32, #tpu.memory_space<vmem>> -> memref<1x1x800xi32, #tpu.memory_space<vmem>>
      %dma_start3A_71 = tpu.memref_squeeze %dma_start3A_70 : memref<1x1x800xi32, #tpu.memory_space<vmem>> -> memref<800xi32, #tpu.memory_space<vmem>>
      %dma_start3A_72 = tpu.memref_slice %arg3[%dma_start3A_61, %mul3A_46] : memref<2x3200000xi32, #tpu.memory_space<hbm>> -> memref<1x800xi32, #tpu.memory_space<hbm>>
      %dma_start3A_73 = tpu.memref_squeeze %dma_start3A_72 : memref<1x800xi32, #tpu.memory_space<hbm>> -> memref<800xi32, #tpu.memory_space<hbm>>
      tpu.enqueue_dma source(%dma_start3A_73 : memref<800xi32, #tpu.memory_space<hbm>>) target(%dma_start3A_71 : memref<800xi32, #tpu.memory_space<vmem>>) target_semaphore(%arg9 : memref<!tpu.dma_semaphore, #tpu.memory_space<semaphore_mem>>)
      %dma_start3A_74 = arith.constant 0 : i32
      %dma_start3A_75 = arith.constant 1 : i32
      %dma_start3A_76 = arith.constant 0 : i32
      %dma_start3A_77 = arith.constant 0 : i32
      %dma_start3A_78 = tpu.memref_slice %arg6[%dma_start3A_75, %dma_start3A_76, %dma_start3A_77] : memref<2x2x800xi32, #tpu.memory_space<vmem>> -> memref<1x1x800xi32, #tpu.memory_space<vmem>>
      %dma_start3A_79 = tpu.memref_squeeze %dma_start3A_78 : memref<1x1x800xi32, #tpu.memory_space<vmem>> -> memref<800xi32, #tpu.memory_space<vmem>>
      %dma_start3A_80 = tpu.memref_slice %arg3[%dma_start3A_74, %add3A_48] : memref<2x3200000xi32, #tpu.memory_space<hbm>> -> memref<1x800xi32, #tpu.memory_space<hbm>>
      %dma_start3A_81 = tpu.memref_squeeze %dma_start3A_80 : memref<1x800xi32, #tpu.memory_space<hbm>> -> memref<800xi32, #tpu.memory_space<hbm>>
      %dma_start3A_82 = arith.constant 0 : i32
      %dma_start3A_83 = tpu.memref_slice %arg6[%dma_start3A_75, %dma_start3A_76, %dma_start3A_82] : memref<2x2x800xi32, #tpu.memory_space<vmem>> -> memref<1x1x800xi32, #tpu.memory_space<vmem>>
      %dma_start3A_84 = tpu.memref_squeeze %dma_start3A_83 : memref<1x1x800xi32, #tpu.memory_space<vmem>> -> memref<800xi32, #tpu.memory_space<vmem>>
      %dma_start3A_85 = tpu.memref_slice %arg3[%dma_start3A_74, %add3A_48] : memref<2x3200000xi32, #tpu.memory_space<hbm>> -> memref<1x800xi32, #tpu.memory_space<hbm>>
      %dma_start3A_86 = tpu.memref_squeeze %dma_start3A_85 : memref<1x800xi32, #tpu.memory_space<hbm>> -> memref<800xi32, #tpu.memory_space<hbm>>
      tpu.enqueue_dma source(%dma_start3A_86 : memref<800xi32, #tpu.memory_space<hbm>>) target(%dma_start3A_84 : memref<800xi32, #tpu.memory_space<vmem>>) target_semaphore(%arg9 : memref<!tpu.dma_semaphore, #tpu.memory_space<semaphore_mem>>)
      %dma_start3A_87 = arith.constant 1 : i32
      %dma_start3A_88 = arith.constant 1 : i32
      %dma_start3A_89 = arith.constant 1 : i32
      %dma_start3A_90 = arith.constant 0 : i32
      %dma_start3A_91 = tpu.memref_slice %arg6[%dma_start3A_88, %dma_start3A_89, %dma_start3A_90] : memref<2x2x800xi32, #tpu.memory_space<vmem>> -> memref<1x1x800xi32, #tpu.memory_space<vmem>>
      %dma_start3A_92 = tpu.memref_squeeze %dma_start3A_91 : memref<1x1x800xi32, #tpu.memory_space<vmem>> -> memref<800xi32, #tpu.memory_space<vmem>>
      %dma_start3A_93 = tpu.memref_slice %arg3[%dma_start3A_87, %add3A_48] : memref<2x3200000xi32, #tpu.memory_space<hbm>> -> memref<1x800xi32, #tpu.memory_space<hbm>>
      %dma_start3A_94 = tpu.memref_squeeze %dma_start3A_93 : memref<1x800xi32, #tpu.memory_space<hbm>> -> memref<800xi32, #tpu.memory_space<hbm>>
      %dma_start3A_95 = arith.constant 0 : i32
      %dma_start3A_96 = tpu.memref_slice %arg6[%dma_start3A_88, %dma_start3A_89, %dma_start3A_95] : memref<2x2x800xi32, #tpu.memory_space<vmem>> -> memref<1x1x800xi32, #tpu.memory_space<vmem>>
      %dma_start3A_97 = tpu.memref_squeeze %dma_start3A_96 : memref<1x1x800xi32, #tpu.memory_space<vmem>> -> memref<800xi32, #tpu.memory_space<vmem>>
      %dma_start3A_98 = tpu.memref_slice %arg3[%dma_start3A_87, %add3A_48] : memref<2x3200000xi32, #tpu.memory_space<hbm>> -> memref<1x800xi32, #tpu.memory_space<hbm>>
      %dma_start3A_99 = tpu.memref_squeeze %dma_start3A_98 : memref<1x800xi32, #tpu.memory_space<hbm>> -> memref<800xi32, #tpu.memory_space<hbm>>
      tpu.enqueue_dma source(%dma_start3A_99 : memref<800xi32, #tpu.memory_space<hbm>>) target(%dma_start3A_97 : memref<800xi32, #tpu.memory_space<vmem>>) target_semaphore(%arg9 : memref<!tpu.dma_semaphore, #tpu.memory_space<semaphore_mem>>)
      %dma_wait3A = arith.constant 0 : i32
      %dma_wait3A_100 = arith.constant 0 : i32
      %dma_wait3A_101 = arith.constant 0 : i32
      %dma_wait3A_102 = arith.constant 0 : i32
      %dma_wait3A_103 = tpu.memref_slice %arg6[%dma_wait3A_100, %dma_wait3A_101, %dma_wait3A_102] : memref<2x2x800xi32, #tpu.memory_space<vmem>> -> memref<1x1x800xi32, #tpu.memory_space<vmem>>
      %dma_wait3A_104 = tpu.memref_squeeze %dma_wait3A_103 : memref<1x1x800xi32, #tpu.memory_space<vmem>> -> memref<800xi32, #tpu.memory_space<vmem>>
      %dma_wait3A_105 = tpu.memref_slice %arg3[%dma_wait3A, %mul3A_46] : memref<2x3200000xi32, #tpu.memory_space<hbm>> -> memref<1x800xi32, #tpu.memory_space<hbm>>
      %dma_wait3A_106 = tpu.memref_squeeze %dma_wait3A_105 : memref<1x800xi32, #tpu.memory_space<hbm>> -> memref<800xi32, #tpu.memory_space<hbm>>
      %dma_wait3A_107 = arith.constant 0 : i32
      %dma_wait3A_108 = tpu.memref_slice %arg6[%dma_wait3A_100, %dma_wait3A_101, %dma_wait3A_107] : memref<2x2x800xi32, #tpu.memory_space<vmem>> -> memref<1x1x800xi32, #tpu.memory_space<vmem>>
      %dma_wait3A_109 = tpu.memref_squeeze %dma_wait3A_108 : memref<1x1x800xi32, #tpu.memory_space<vmem>> -> memref<800xi32, #tpu.memory_space<vmem>>
      %dma_wait3A_110 = tpu.memref_slice %arg3[%dma_wait3A, %mul3A_46] : memref<2x3200000xi32, #tpu.memory_space<hbm>> -> memref<1x800xi32, #tpu.memory_space<hbm>>
      %dma_wait3A_111 = tpu.memref_squeeze %dma_wait3A_110 : memref<1x800xi32, #tpu.memory_space<hbm>> -> memref<800xi32, #tpu.memory_space<hbm>>
      tpu.wait_dma2 semaphore(%arg9 : memref<!tpu.dma_semaphore, #tpu.memory_space<semaphore_mem>>) src(%dma_wait3A_111 : memref<800xi32, #tpu.memory_space<hbm>>) dst(%dma_wait3A_109 : memref<800xi32, #tpu.memory_space<vmem>>)
      %dma_start3A_112 = arith.constant 0 : i32
      %dma_start3A_113 = arith.constant 0 : i32
      %dma_start3A_114 = arith.constant 0 : i32
      %dma_start3A_115 = arith.constant 0 : i32
      %dma_start3A_116 = arith.constant 0 : i32
      %dma_start3A_117 = tpu.memref_slice %arg7[%dma_start3A_114, %dma_start3A_115, %dma_start3A_116] : memref<2x800x16xf32, #tpu.memory_space<vmem>> -> memref<1x800x16xf32, #tpu.memory_space<vmem>>
      %dma_start3A_118 = tpu.memref_squeeze %dma_start3A_117 : memref<1x800x16xf32, #tpu.memory_space<vmem>> -> memref<800x16xf32, #tpu.memory_space<vmem>>
      %dma_start3A_119 = arith.constant 0 : i32
      %dma_start3A_120 = tpu.memref_slice %arg6[%dma_start3A_112, %dma_start3A_113, %dma_start3A_119] : memref<2x2x800xi32, #tpu.memory_space<vmem>> -> memref<1x1x800xi32, #tpu.memory_space<vmem>>
      %dma_start3A_121 = tpu.memref_squeeze %dma_start3A_120 : memref<1x1x800xi32, #tpu.memory_space<vmem>> -> memref<800xi32, #tpu.memory_space<vmem>>
      %dma_start3A_122 = arith.constant 0 : i32
      %dma_start3A_123 = arith.constant 0 : i32
      %dma_start3A_124 = tpu.memref_slice %arg2[%dma_start3A_122, %dma_start3A_123] : memref<100096x16xf32, #tpu.memory_space<hbm>> -> memref<100096x16xf32, #tpu.memory_space<hbm>>
      tpu.enqueue_indirect_dma source(%dma_start3A_124 : memref<100096x16xf32, #tpu.memory_space<hbm>>) target(%dma_start3A_118 : memref<800x16xf32, #tpu.memory_space<vmem>>) offsets(%dma_start3A_121 : memref<800xi32, #tpu.memory_space<vmem>>) semaphore(%arg10 : memref<!tpu.dma_semaphore, #tpu.memory_space<semaphore_mem>>)
      %dma_wait3A_125 = arith.constant 1 : i32
      %dma_wait3A_126 = arith.constant 0 : i32
      %dma_wait3A_127 = arith.constant 1 : i32
      %dma_wait3A_128 = arith.constant 0 : i32
      %dma_wait3A_129 = tpu.memref_slice %arg6[%dma_wait3A_126, %dma_wait3A_127, %dma_wait3A_128] : memref<2x2x800xi32, #tpu.memory_space<vmem>> -> memref<1x1x800xi32, #tpu.memory_space<vmem>>
      %dma_wait3A_130 = tpu.memref_squeeze %dma_wait3A_129 : memref<1x1x800xi32, #tpu.memory_space<vmem>> -> memref<800xi32, #tpu.memory_space<vmem>>
      %dma_wait3A_131 = tpu.memref_slice %arg3[%dma_wait3A_125, %mul3A_46] : memref<2x3200000xi32, #tpu.memory_space<hbm>> -> memref<1x800xi32, #tpu.memory_space<hbm>>
      %dma_wait3A_132 = tpu.memref_squeeze %dma_wait3A_131 : memref<1x800xi32, #tpu.memory_space<hbm>> -> memref<800xi32, #tpu.memory_space<hbm>>
      %dma_wait3A_133 = arith.constant 0 : i32
      %dma_wait3A_134 = tpu.memref_slice %arg6[%dma_wait3A_126, %dma_wait3A_127, %dma_wait3A_133] : memref<2x2x800xi32, #tpu.memory_space<vmem>> -> memref<1x1x800xi32, #tpu.memory_space<vmem>>
      %dma_wait3A_135 = tpu.memref_squeeze %dma_wait3A_134 : memref<1x1x800xi32, #tpu.memory_space<vmem>> -> memref<800xi32, #tpu.memory_space<vmem>>
      %dma_wait3A_136 = tpu.memref_slice %arg3[%dma_wait3A_125, %mul3A_46] : memref<2x3200000xi32, #tpu.memory_space<hbm>> -> memref<1x800xi32, #tpu.memory_space<hbm>>
      %dma_wait3A_137 = tpu.memref_squeeze %dma_wait3A_136 : memref<1x800xi32, #tpu.memory_space<hbm>> -> memref<800xi32, #tpu.memory_space<hbm>>
      tpu.wait_dma2 semaphore(%arg9 : memref<!tpu.dma_semaphore, #tpu.memory_space<semaphore_mem>>) src(%dma_wait3A_137 : memref<800xi32, #tpu.memory_space<hbm>>) dst(%dma_wait3A_135 : memref<800xi32, #tpu.memory_space<vmem>>)
      %dma_wait3A_138 = arith.constant 0 : i32
      %dma_wait3A_139 = arith.constant 1 : i32
      %dma_wait3A_140 = arith.constant 0 : i32
      %dma_wait3A_141 = arith.constant 0 : i32
      %dma_wait3A_142 = tpu.memref_slice %arg6[%dma_wait3A_139, %dma_wait3A_140, %dma_wait3A_141] : memref<2x2x800xi32, #tpu.memory_space<vmem>> -> memref<1x1x800xi32, #tpu.memory_space<vmem>>
      %dma_wait3A_143 = tpu.memref_squeeze %dma_wait3A_142 : memref<1x1x800xi32, #tpu.memory_space<vmem>> -> memref<800xi32, #tpu.memory_space<vmem>>
      %dma_wait3A_144 = tpu.memref_slice %arg3[%dma_wait3A_138, %add3A_48] : memref<2x3200000xi32, #tpu.memory_space<hbm>> -> memref<1x800xi32, #tpu.memory_space<hbm>>
      %dma_wait3A_145 = tpu.memref_squeeze %dma_wait3A_144 : memref<1x800xi32, #tpu.memory_space<hbm>> -> memref<800xi32, #tpu.memory_space<hbm>>
      %dma_wait3A_146 = arith.constant 0 : i32
      %dma_wait3A_147 = tpu.memref_slice %arg6[%dma_wait3A_139, %dma_wait3A_140, %dma_wait3A_146] : memref<2x2x800xi32, #tpu.memory_space<vmem>> -> memref<1x1x800xi32, #tpu.memory_space<vmem>>
      %dma_wait3A_148 = tpu.memref_squeeze %dma_wait3A_147 : memref<1x1x800xi32, #tpu.memory_space<vmem>> -> memref<800xi32, #tpu.memory_space<vmem>>
      %dma_wait3A_149 = tpu.memref_slice %arg3[%dma_wait3A_138, %add3A_48] : memref<2x3200000xi32, #tpu.memory_space<hbm>> -> memref<1x800xi32, #tpu.memory_space<hbm>>
      %dma_wait3A_150 = tpu.memref_squeeze %dma_wait3A_149 : memref<1x800xi32, #tpu.memory_space<hbm>> -> memref<800xi32, #tpu.memory_space<hbm>>
      tpu.wait_dma2 semaphore(%arg9 : memref<!tpu.dma_semaphore, #tpu.memory_space<semaphore_mem>>) src(%dma_wait3A_150 : memref<800xi32, #tpu.memory_space<hbm>>) dst(%dma_wait3A_148 : memref<800xi32, #tpu.memory_space<vmem>>)
      %dma_wait3A_151 = arith.constant 1 : i32
      %dma_wait3A_152 = arith.constant 1 : i32
      %dma_wait3A_153 = arith.constant 1 : i32
      %dma_wait3A_154 = arith.constant 0 : i32
      %dma_wait3A_155 = tpu.memref_slice %arg6[%dma_wait3A_152, %dma_wait3A_153, %dma_wait3A_154] : memref<2x2x800xi32, #tpu.memory_space<vmem>> -> memref<1x1x800xi32, #tpu.memory_space<vmem>>
      %dma_wait3A_156 = tpu.memref_squeeze %dma_wait3A_155 : memref<1x1x800xi32, #tpu.memory_space<vmem>> -> memref<800xi32, #tpu.memory_space<vmem>>
      %dma_wait3A_157 = tpu.memref_slice %arg3[%dma_wait3A_151, %add3A_48] : memref<2x3200000xi32, #tpu.memory_space<hbm>> -> memref<1x800xi32, #tpu.memory_space<hbm>>
      %dma_wait3A_158 = tpu.memref_squeeze %dma_wait3A_157 : memref<1x800xi32, #tpu.memory_space<hbm>> -> memref<800xi32, #tpu.memory_space<hbm>>
      %dma_wait3A_159 = arith.constant 0 : i32
      %dma_wait3A_160 = tpu.memref_slice %arg6[%dma_wait3A_152, %dma_wait3A_153, %dma_wait3A_159] : memref<2x2x800xi32, #tpu.memory_space<vmem>> -> memref<1x1x800xi32, #tpu.memory_space<vmem>>
      %dma_wait3A_161 = tpu.memref_squeeze %dma_wait3A_160 : memref<1x1x800xi32, #tpu.memory_space<vmem>> -> memref<800xi32, #tpu.memory_space<vmem>>
      %dma_wait3A_162 = tpu.memref_slice %arg3[%dma_wait3A_151, %add3A_48] : memref<2x3200000xi32, #tpu.memory_space<hbm>> -> memref<1x800xi32, #tpu.memory_space<hbm>>
      %dma_wait3A_163 = tpu.memref_squeeze %dma_wait3A_162 : memref<1x800xi32, #tpu.memory_space<hbm>> -> memref<800xi32, #tpu.memory_space<hbm>>
      tpu.wait_dma2 semaphore(%arg9 : memref<!tpu.dma_semaphore, #tpu.memory_space<semaphore_mem>>) src(%dma_wait3A_163 : memref<800xi32, #tpu.memory_space<hbm>>) dst(%dma_wait3A_161 : memref<800xi32, #tpu.memory_space<vmem>>)
      %dma_wait3A_164 = arith.constant 0 : i32
      %dma_wait3A_165 = arith.constant 0 : i32
      %dma_wait3A_166 = arith.constant 0 : i32
      %dma_wait3A_167 = arith.constant 0 : i32
      %dma_wait3A_168 = arith.constant 0 : i32
      %dma_wait3A_169 = tpu.memref_slice %arg7[%dma_wait3A_166, %dma_wait3A_167, %dma_wait3A_168] : memref<2x800x16xf32, #tpu.memory_space<vmem>> -> memref<1x800x16xf32, #tpu.memory_space<vmem>>
      %dma_wait3A_170 = tpu.memref_squeeze %dma_wait3A_169 : memref<1x800x16xf32, #tpu.memory_space<vmem>> -> memref<800x16xf32, #tpu.memory_space<vmem>>
      %dma_wait3A_171 = arith.constant 0 : i32
      %dma_wait3A_172 = tpu.memref_slice %arg6[%dma_wait3A_164, %dma_wait3A_165, %dma_wait3A_171] : memref<2x2x800xi32, #tpu.memory_space<vmem>> -> memref<1x1x800xi32, #tpu.memory_space<vmem>>
      %dma_wait3A_173 = tpu.memref_squeeze %dma_wait3A_172 : memref<1x1x800xi32, #tpu.memory_space<vmem>> -> memref<800xi32, #tpu.memory_space<vmem>>
      %dma_wait3A_174 = arith.constant 0 : i32
      %dma_wait3A_175 = arith.constant 0 : i32
      %dma_wait3A_176 = tpu.memref_slice %arg2[%dma_wait3A_174, %dma_wait3A_175] : memref<100096x16xf32, #tpu.memory_space<hbm>> -> memref<100096x16xf32, #tpu.memory_space<hbm>>
      tpu.wait_indirect_dma semaphore(%arg10 : memref<!tpu.dma_semaphore, #tpu.memory_space<semaphore_mem>>) src(%dma_wait3A_176 : memref<100096x16xf32, #tpu.memory_space<hbm>>) dst(%dma_wait3A_170 : memref<800x16xf32, #tpu.memory_space<vmem>>)
      %dma_start3A_177 = arith.constant 0 : i32
      %dma_start3A_178 = arith.constant 0 : i32
      %dma_start3A_179 = arith.constant 1 : i32
      %dma_start3A_180 = arith.constant 0 : i32
      %dma_start3A_181 = arith.constant 0 : i32
      %dma_start3A_182 = tpu.memref_slice %arg7[%dma_start3A_177, %dma_start3A_180, %dma_start3A_181] : memref<2x800x16xf32, #tpu.memory_space<vmem>> -> memref<1x800x16xf32, #tpu.memory_space<vmem>>
      %dma_start3A_183 = tpu.memref_squeeze %dma_start3A_182 : memref<1x800x16xf32, #tpu.memory_space<vmem>> -> memref<800x16xf32, #tpu.memory_space<vmem>>
      %dma_start3A_184 = arith.constant 0 : i32
      %dma_start3A_185 = tpu.memref_slice %arg6[%dma_start3A_178, %dma_start3A_179, %dma_start3A_184] : memref<2x2x800xi32, #tpu.memory_space<vmem>> -> memref<1x1x800xi32, #tpu.memory_space<vmem>>
      %dma_start3A_186 = tpu.memref_squeeze %dma_start3A_185 : memref<1x1x800xi32, #tpu.memory_space<vmem>> -> memref<800xi32, #tpu.memory_space<vmem>>
      %dma_start3A_187 = arith.constant 0 : i32
      %dma_start3A_188 = arith.constant 0 : i32
      %dma_start3A_189 = tpu.memref_slice %arg8[%dma_start3A_187, %dma_start3A_188] : memref<100096x16xf32, #tpu.memory_space<vmem_shared>> -> memref<100096x16xf32, #tpu.memory_space<vmem_shared>>
      tpu.enqueue_indirect_dma source(%dma_start3A_183 : memref<800x16xf32, #tpu.memory_space<vmem>>) target(%dma_start3A_189 : memref<100096x16xf32, #tpu.memory_space<vmem_shared>>) offsets(%dma_start3A_186 : memref<800xi32, #tpu.memory_space<vmem>>) semaphore(%arg11 : memref<!tpu.dma_semaphore, #tpu.memory_space<semaphore_mem>>) {add = true}
      %dma_start3A_190 = arith.constant 1 : i32
      %dma_start3A_191 = arith.constant 0 : i32
      %dma_start3A_192 = arith.constant 1 : i32
      %dma_start3A_193 = arith.constant 0 : i32
      %dma_start3A_194 = arith.constant 0 : i32
      %dma_start3A_195 = tpu.memref_slice %arg7[%dma_start3A_192, %dma_start3A_193, %dma_start3A_194] : memref<2x800x16xf32, #tpu.memory_space<vmem>> -> memref<1x800x16xf32, #tpu.memory_space<vmem>>
      %dma_start3A_196 = tpu.memref_squeeze %dma_start3A_195 : memref<1x800x16xf32, #tpu.memory_space<vmem>> -> memref<800x16xf32, #tpu.memory_space<vmem>>
      %dma_start3A_197 = arith.constant 0 : i32
      %dma_start3A_198 = tpu.memref_slice %arg6[%dma_start3A_190, %dma_start3A_191, %dma_start3A_197] : memref<2x2x800xi32, #tpu.memory_space<vmem>> -> memref<1x1x800xi32, #tpu.memory_space<vmem>>
      %dma_start3A_199 = tpu.memref_squeeze %dma_start3A_198 : memref<1x1x800xi32, #tpu.memory_space<vmem>> -> memref<800xi32, #tpu.memory_space<vmem>>
      %dma_start3A_200 = arith.constant 0 : i32
      %dma_start3A_201 = arith.constant 0 : i32
      %dma_start3A_202 = tpu.memref_slice %arg2[%dma_start3A_200, %dma_start3A_201] : memref<100096x16xf32, #tpu.memory_space<hbm>> -> memref<100096x16xf32, #tpu.memory_space<hbm>>
      tpu.enqueue_indirect_dma source(%dma_start3A_202 : memref<100096x16xf32, #tpu.memory_space<hbm>>) target(%dma_start3A_196 : memref<800x16xf32, #tpu.memory_space<vmem>>) offsets(%dma_start3A_199 : memref<800xi32, #tpu.memory_space<vmem>>) semaphore(%arg10 : memref<!tpu.dma_semaphore, #tpu.memory_space<semaphore_mem>>)
      %dma_wait3A_203 = arith.constant 1 : i32
      %dma_wait3A_204 = arith.constant 0 : i32
      %dma_wait3A_205 = arith.constant 1 : i32
      %dma_wait3A_206 = arith.constant 0 : i32
      %dma_wait3A_207 = arith.constant 0 : i32
      %dma_wait3A_208 = tpu.memref_slice %arg7[%dma_wait3A_205, %dma_wait3A_206, %dma_wait3A_207] : memref<2x800x16xf32, #tpu.memory_space<vmem>> -> memref<1x800x16xf32, #tpu.memory_space<vmem>>
      %dma_wait3A_209 = tpu.memref_squeeze %dma_wait3A_208 : memref<1x800x16xf32, #tpu.memory_space<vmem>> -> memref<800x16xf32, #tpu.memory_space<vmem>>
      %dma_wait3A_210 = arith.constant 0 : i32
      %dma_wait3A_211 = tpu.memref_slice %arg6[%dma_wait3A_203, %dma_wait3A_204, %dma_wait3A_210] : memref<2x2x800xi32, #tpu.memory_space<vmem>> -> memref<1x1x800xi32, #tpu.memory_space<vmem>>
      %dma_wait3A_212 = tpu.memref_squeeze %dma_wait3A_211 : memref<1x1x800xi32, #tpu.memory_space<vmem>> -> memref<800xi32, #tpu.memory_space<vmem>>
      %dma_wait3A_213 = arith.constant 0 : i32
      %dma_wait3A_214 = arith.constant 0 : i32
      %dma_wait3A_215 = tpu.memref_slice %arg2[%dma_wait3A_213, %dma_wait3A_214] : memref<100096x16xf32, #tpu.memory_space<hbm>> -> memref<100096x16xf32, #tpu.memory_space<hbm>>
      tpu.wait_indirect_dma semaphore(%arg10 : memref<!tpu.dma_semaphore, #tpu.memory_space<semaphore_mem>>) src(%dma_wait3A_215 : memref<100096x16xf32, #tpu.memory_space<hbm>>) dst(%dma_wait3A_209 : memref<800x16xf32, #tpu.memory_space<vmem>>)
      %dma_start3A_216 = arith.constant 1 : i32
      %dma_start3A_217 = arith.constant 1 : i32
      %dma_start3A_218 = arith.constant 1 : i32
      %dma_start3A_219 = arith.constant 0 : i32
      %dma_start3A_220 = arith.constant 0 : i32
      %dma_start3A_221 = tpu.memref_slice %arg7[%dma_start3A_216, %dma_start3A_219, %dma_start3A_220] : memref<2x800x16xf32, #tpu.memory_space<vmem>> -> memref<1x800x16xf32, #tpu.memory_space<vmem>>
      %dma_start3A_222 = tpu.memref_squeeze %dma_start3A_221 : memref<1x800x16xf32, #tpu.memory_space<vmem>> -> memref<800x16xf32, #tpu.memory_space<vmem>>
      %dma_start3A_223 = arith.constant 0 : i32
      %dma_start3A_224 = tpu.memref_slice %arg6[%dma_start3A_217, %dma_start3A_218, %dma_start3A_223] : memref<2x2x800xi32, #tpu.memory_space<vmem>> -> memref<1x1x800xi32, #tpu.memory_space<vmem>>
      %dma_start3A_225 = tpu.memref_squeeze %dma_start3A_224 : memref<1x1x800xi32, #tpu.memory_space<vmem>> -> memref<800xi32, #tpu.memory_space<vmem>>
      %dma_start3A_226 = arith.constant 0 : i32
      %dma_start3A_227 = arith.constant 0 : i32
      %dma_start3A_228 = tpu.memref_slice %arg8[%dma_start3A_226, %dma_start3A_227] : memref<100096x16xf32, #tpu.memory_space<vmem_shared>> -> memref<100096x16xf32, #tpu.memory_space<vmem_shared>>
      tpu.enqueue_indirect_dma source(%dma_start3A_222 : memref<800x16xf32, #tpu.memory_space<vmem>>) target(%dma_start3A_228 : memref<100096x16xf32, #tpu.memory_space<vmem_shared>>) offsets(%dma_start3A_225 : memref<800xi32, #tpu.memory_space<vmem>>) semaphore(%arg11 : memref<!tpu.dma_semaphore, #tpu.memory_space<semaphore_mem>>) {add = true}
      %dma_wait3A_229 = arith.constant 0 : i32
      %dma_wait3A_230 = arith.constant 0 : i32
      %dma_wait3A_231 = arith.constant 1 : i32
      %dma_wait3A_232 = arith.constant 0 : i32
      %dma_wait3A_233 = arith.constant 0 : i32
      %dma_wait3A_234 = tpu.memref_slice %arg7[%dma_wait3A_229, %dma_wait3A_232, %dma_wait3A_233] : memref<2x800x16xf32, #tpu.memory_space<vmem>> -> memref<1x800x16xf32, #tpu.memory_space<vmem>>
      %dma_wait3A_235 = tpu.memref_squeeze %dma_wait3A_234 : memref<1x800x16xf32, #tpu.memory_space<vmem>> -> memref<800x16xf32, #tpu.memory_space<vmem>>
      %dma_wait3A_236 = arith.constant 0 : i32
      %dma_wait3A_237 = tpu.memref_slice %arg6[%dma_wait3A_230, %dma_wait3A_231, %dma_wait3A_236] : memref<2x2x800xi32, #tpu.memory_space<vmem>> -> memref<1x1x800xi32, #tpu.memory_space<vmem>>
      %dma_wait3A_238 = tpu.memref_squeeze %dma_wait3A_237 : memref<1x1x800xi32, #tpu.memory_space<vmem>> -> memref<800xi32, #tpu.memory_space<vmem>>
      %dma_wait3A_239 = arith.constant 0 : i32
      %dma_wait3A_240 = arith.constant 0 : i32
      %dma_wait3A_241 = tpu.memref_slice %arg8[%dma_wait3A_239, %dma_wait3A_240] : memref<100096x16xf32, #tpu.memory_space<vmem_shared>> -> memref<100096x16xf32, #tpu.memory_space<vmem_shared>>
      tpu.wait_indirect_dma semaphore(%arg11 : memref<!tpu.dma_semaphore, #tpu.memory_space<semaphore_mem>>) src(%dma_wait3A_235 : memref<800x16xf32, #tpu.memory_space<vmem>>) dst(%dma_wait3A_241 : memref<100096x16xf32, #tpu.memory_space<vmem_shared>>)
      %dma_wait3A_242 = arith.constant 1 : i32
      %dma_wait3A_243 = arith.constant 1 : i32
      %dma_wait3A_244 = arith.constant 1 : i32
      %dma_wait3A_245 = arith.constant 0 : i32
      %dma_wait3A_246 = arith.constant 0 : i32
      %dma_wait3A_247 = tpu.memref_slice %arg7[%dma_wait3A_242, %dma_wait3A_245, %dma_wait3A_246] : memref<2x800x16xf32, #tpu.memory_space<vmem>> -> memref<1x800x16xf32, #tpu.memory_space<vmem>>
      %dma_wait3A_248 = tpu.memref_squeeze %dma_wait3A_247 : memref<1x800x16xf32, #tpu.memory_space<vmem>> -> memref<800x16xf32, #tpu.memory_space<vmem>>
      %dma_wait3A_249 = arith.constant 0 : i32
      %dma_wait3A_250 = tpu.memref_slice %arg6[%dma_wait3A_243, %dma_wait3A_244, %dma_wait3A_249] : memref<2x2x800xi32, #tpu.memory_space<vmem>> -> memref<1x1x800xi32, #tpu.memory_space<vmem>>
      %dma_wait3A_251 = tpu.memref_squeeze %dma_wait3A_250 : memref<1x1x800xi32, #tpu.memory_space<vmem>> -> memref<800xi32, #tpu.memory_space<vmem>>
      %dma_wait3A_252 = arith.constant 0 : i32
      %dma_wait3A_253 = arith.constant 0 : i32
      %dma_wait3A_254 = tpu.memref_slice %arg8[%dma_wait3A_252, %dma_wait3A_253] : memref<100096x16xf32, #tpu.memory_space<vmem_shared>> -> memref<100096x16xf32, #tpu.memory_space<vmem_shared>>
      tpu.wait_indirect_dma semaphore(%arg11 : memref<!tpu.dma_semaphore, #tpu.memory_space<semaphore_mem>>) src(%dma_wait3A_248 : memref<800x16xf32, #tpu.memory_space<vmem>>) dst(%dma_wait3A_254 : memref<100096x16xf32, #tpu.memory_space<vmem_shared>>)
    }
    %while3A_32 = arith.constant 1 : i32
    scf.for %while3A_41 = %while3A_30 to %while3A_26 step %while3A_32  : i32 {
      %mul3A_42 = arith.constant 2 : i32
      %mul3A_43 = arith.muli %mul3A_42, %while3A_41 : i32
      %add3A_44 = arith.addi %mul3A_4, %mul3A_43 : i32
      %mul3A_45 = arith.constant 800 : i32
      %mul3A_46 = arith.muli %add3A_44, %mul3A_45 : i32
      %add3A_47 = arith.constant 800 : i32
      %add3A_48 = arith.addi %mul3A_46, %add3A_47 : i32
      %dma_start3A = arith.constant 0 : i32
      %dma_start3A_49 = arith.constant 0 : i32
      %dma_start3A_50 = arith.constant 0 : i32
      %dma_start3A_51 = arith.constant 0 : i32
      %dma_start3A_52 = tpu.memref_slice %arg6[%dma_start3A_49, %dma_start3A_50, %dma_start3A_51] : memref<2x2x800xi32, #tpu.memory_space<vmem>> -> memref<1x1x800xi32, #tpu.memory_space<vmem>>
      %dma_start3A_53 = tpu.memref_squeeze %dma_start3A_52 : memref<1x1x800xi32, #tpu.memory_space<vmem>> -> memref<800xi32, #tpu.memory_space<vmem>>
      %dma_start3A_54 = tpu.memref_slice %arg3[%dma_start3A, %mul3A_46] : memref<2x3200000xi32, #tpu.memory_space<hbm>> -> memref<1x800xi32, #tpu.memory_space<hbm>>
      %dma_start3A_55 = tpu.memref_squeeze %dma_start3A_54 : memref<1x800xi32, #tpu.memory_space<hbm>> -> memref<800xi32, #tpu.memory_space<hbm>>
      %dma_start3A_56 = arith.constant 0 : i32
      %dma_start3A_57 = tpu.memref_slice %arg6[%dma_start3A_49, %dma_start3A_50, %dma_start3A_56] : memref<2x2x800xi32, #tpu.memory_space<vmem>> -> memref<1x1x800xi32, #tpu.memory_space<vmem>>
      %dma_start3A_58 = tpu.memref_squeeze %dma_start3A_57 : memref<1x1x800xi32, #tpu.memory_space<vmem>> -> memref<800xi32, #tpu.memory_space<vmem>>
      %dma_start3A_59 = tpu.memref_slice %arg3[%dma_start3A, %mul3A_46] : memref<2x3200000xi32, #tpu.memory_space<hbm>> -> memref<1x800xi32, #tpu.memory_space<hbm>>
      %dma_start3A_60 = tpu.memref_squeeze %dma_start3A_59 : memref<1x800xi32, #tpu.memory_space<hbm>> -> memref<800xi32, #tpu.memory_space<hbm>>
      tpu.enqueue_dma source(%dma_start3A_60 : memref<800xi32, #tpu.memory_space<hbm>>) target(%dma_start3A_58 : memref<800xi32, #tpu.memory_space<vmem>>) target_semaphore(%arg9 : memref<!tpu.dma_semaphore, #tpu.memory_space<semaphore_mem>>)
      %dma_start3A_61 = arith.constant 1 : i32
      %dma_start3A_62 = arith.constant 0 : i32
      %dma_start3A_63 = arith.constant 1 : i32
      %dma_start3A_64 = arith.constant 0 : i32
      %dma_start3A_65 = tpu.memref_slice %arg6[%dma_start3A_62, %dma_start3A_63, %dma_start3A_64] : memref<2x2x800xi32, #tpu.memory_space<vmem>> -> memref<1x1x800xi32, #tpu.memory_space<vmem>>
      %dma_start3A_66 = tpu.memref_squeeze %dma_start3A_65 : memref<1x1x800xi32, #tpu.memory_space<vmem>> -> memref<800xi32, #tpu.memory_space<vmem>>
      %dma_start3A_67 = tpu.memref_slice %arg3[%dma_start3A_61, %mul3A_46] : memref<2x3200000xi32, #tpu.memory_space<hbm>> -> memref<1x800xi32, #tpu.memory_space<hbm>>
      %dma_start3A_68 = tpu.memref_squeeze %dma_start3A_67 : memref<1x800xi32, #tpu.memory_space<hbm>> -> memref<800xi32, #tpu.memory_space<hbm>>
      %dma_start3A_69 = arith.constant 0 : i32
      %dma_start3A_70 = tpu.memref_slice %arg6[%dma_start3A_62, %dma_start3A_63, %dma_start3A_69] : memref<2x2x800xi32, #tpu.memory_space<vmem>> -> memref<1x1x800xi32, #tpu.memory_space<vmem>>
      %dma_start3A_71 = tpu.memref_squeeze %dma_start3A_70 : memref<1x1x800xi32, #tpu.memory_space<vmem>> -> memref<800xi32, #tpu.memory_space<vmem>>
      %dma_start3A_72 = tpu.memref_slice %arg3[%dma_start3A_61, %mul3A_46] : memref<2x3200000xi32, #tpu.memory_space<hbm>> -> memref<1x800xi32, #tpu.memory_space<hbm>>
      %dma_start3A_73 = tpu.memref_squeeze %dma_start3A_72 : memref<1x800xi32, #tpu.memory_space<hbm>> -> memref<800xi32, #tpu.memory_space<hbm>>
      tpu.enqueue_dma source(%dma_start3A_73 : memref<800xi32, #tpu.memory_space<hbm>>) target(%dma_start3A_71 : memref<800xi32, #tpu.memory_space<vmem>>) target_semaphore(%arg9 : memref<!tpu.dma_semaphore, #tpu.memory_space<semaphore_mem>>)
      %dma_start3A_74 = arith.constant 0 : i32
      %dma_start3A_75 = arith.constant 1 : i32
      %dma_start3A_76 = arith.constant 0 : i32
      %dma_start3A_77 = arith.constant 0 : i32
      %dma_start3A_78 = tpu.memref_slice %arg6[%dma_start3A_75, %dma_start3A_76, %dma_start3A_77] : memref<2x2x800xi32, #tpu.memory_space<vmem>> -> memref<1x1x800xi32, #tpu.memory_space<vmem>>
      %dma_start3A_79 = tpu.memref_squeeze %dma_start3A_78 : memref<1x1x800xi32, #tpu.memory_space<vmem>> -> memref<800xi32, #tpu.memory_space<vmem>>
      %dma_start3A_80 = tpu.memref_slice %arg3[%dma_start3A_74, %add3A_48] : memref<2x3200000xi32, #tpu.memory_space<hbm>> -> memref<1x800xi32, #tpu.memory_space<hbm>>
      %dma_start3A_81 = tpu.memref_squeeze %dma_start3A_80 : memref<1x800xi32, #tpu.memory_space<hbm>> -> memref<800xi32, #tpu.memory_space<hbm>>
      %dma_start3A_82 = arith.constant 0 : i32
      %dma_start3A_83 = tpu.memref_slice %arg6[%dma_start3A_75, %dma_start3A_76, %dma_start3A_82] : memref<2x2x800xi32, #tpu.memory_space<vmem>> -> memref<1x1x800xi32, #tpu.memory_space<vmem>>
      %dma_start3A_84 = tpu.memref_squeeze %dma_start3A_83 : memref<1x1x800xi32, #tpu.memory_space<vmem>> -> memref<800xi32, #tpu.memory_space<vmem>>
      %dma_start3A_85 = tpu.memref_slice %arg3[%dma_start3A_74, %add3A_48] : memref<2x3200000xi32, #tpu.memory_space<hbm>> -> memref<1x800xi32, #tpu.memory_space<hbm>>
      %dma_start3A_86 = tpu.memref_squeeze %dma_start3A_85 : memref<1x800xi32, #tpu.memory_space<hbm>> -> memref<800xi32, #tpu.memory_space<hbm>>
      tpu.enqueue_dma source(%dma_start3A_86 : memref<800xi32, #tpu.memory_space<hbm>>) target(%dma_start3A_84 : memref<800xi32, #tpu.memory_space<vmem>>) target_semaphore(%arg9 : memref<!tpu.dma_semaphore, #tpu.memory_space<semaphore_mem>>)
      %dma_start3A_87 = arith.constant 1 : i32
      %dma_start3A_88 = arith.constant 1 : i32
      %dma_start3A_89 = arith.constant 1 : i32
      %dma_start3A_90 = arith.constant 0 : i32
      %dma_start3A_91 = tpu.memref_slice %arg6[%dma_start3A_88, %dma_start3A_89, %dma_start3A_90] : memref<2x2x800xi32, #tpu.memory_space<vmem>> -> memref<1x1x800xi32, #tpu.memory_space<vmem>>
      %dma_start3A_92 = tpu.memref_squeeze %dma_start3A_91 : memref<1x1x800xi32, #tpu.memory_space<vmem>> -> memref<800xi32, #tpu.memory_space<vmem>>
      %dma_start3A_93 = tpu.memref_slice %arg3[%dma_start3A_87, %add3A_48] : memref<2x3200000xi32, #tpu.memory_space<hbm>> -> memref<1x800xi32, #tpu.memory_space<hbm>>
      %dma_start3A_94 = tpu.memref_squeeze %dma_start3A_93 : memref<1x800xi32, #tpu.memory_space<hbm>> -> memref<800xi32, #tpu.memory_space<hbm>>
      %dma_start3A_95 = arith.constant 0 : i32
      %dma_start3A_96 = tpu.memref_slice %arg6[%dma_start3A_88, %dma_start3A_89, %dma_start3A_95] : memref<2x2x800xi32, #tpu.memory_space<vmem>> -> memref<1x1x800xi32, #tpu.memory_space<vmem>>
      %dma_start3A_97 = tpu.memref_squeeze %dma_start3A_96 : memref<1x1x800xi32, #tpu.memory_space<vmem>> -> memref<800xi32, #tpu.memory_space<vmem>>
      %dma_start3A_98 = tpu.memref_slice %arg3[%dma_start3A_87, %add3A_48] : memref<2x3200000xi32, #tpu.memory_space<hbm>> -> memref<1x800xi32, #tpu.memory_space<hbm>>
      %dma_start3A_99 = tpu.memref_squeeze %dma_start3A_98 : memref<1x800xi32, #tpu.memory_space<hbm>> -> memref<800xi32, #tpu.memory_space<hbm>>
      tpu.enqueue_dma source(%dma_start3A_99 : memref<800xi32, #tpu.memory_space<hbm>>) target(%dma_start3A_97 : memref<800xi32, #tpu.memory_space<vmem>>) target_semaphore(%arg9 : memref<!tpu.dma_semaphore, #tpu.memory_space<semaphore_mem>>)
      %dma_wait3A = arith.constant 0 : i32
      %dma_wait3A_100 = arith.constant 0 : i32
      %dma_wait3A_101 = arith.constant 0 : i32
      %dma_wait3A_102 = arith.constant 0 : i32
      %dma_wait3A_103 = tpu.memref_slice %arg6[%dma_wait3A_100, %dma_wait3A_101, %dma_wait3A_102] : memref<2x2x800xi32, #tpu.memory_space<vmem>> -> memref<1x1x800xi32, #tpu.memory_space<vmem>>
      %dma_wait3A_104 = tpu.memref_squeeze %dma_wait3A_103 : memref<1x1x800xi32, #tpu.memory_space<vmem>> -> memref<800xi32, #tpu.memory_space<vmem>>
      %dma_wait3A_105 = tpu.memref_slice %arg3[%dma_wait3A, %mul3A_46] : memref<2x3200000xi32, #tpu.memory_space<hbm>> -> memref<1x800xi32, #tpu.memory_space<hbm>>
      %dma_wait3A_106 = tpu.memref_squeeze %dma_wait3A_105 : memref<1x800xi32, #tpu.memory_space<hbm>> -> memref<800xi32, #tpu.memory_space<hbm>>
      %dma_wait3A_107 = arith.constant 0 : i32
      %dma_wait3A_108 = tpu.memref_slice %arg6[%dma_wait3A_100, %dma_wait3A_101, %dma_wait3A_107] : memref<2x2x800xi32, #tpu.memory_space<vmem>> -> memref<1x1x800xi32, #tpu.memory_space<vmem>>
      %dma_wait3A_109 = tpu.memref_squeeze %dma_wait3A_108 : memref<1x1x800xi32, #tpu.memory_space<vmem>> -> memref<800xi32, #tpu.memory_space<vmem>>
      %dma_wait3A_110 = tpu.memref_slice %arg3[%dma_wait3A, %mul3A_46] : memref<2x3200000xi32, #tpu.memory_space<hbm>> -> memref<1x800xi32, #tpu.memory_space<hbm>>
      %dma_wait3A_111 = tpu.memref_squeeze %dma_wait3A_110 : memref<1x800xi32, #tpu.memory_space<hbm>> -> memref<800xi32, #tpu.memory_space<hbm>>
      tpu.wait_dma2 semaphore(%arg9 : memref<!tpu.dma_semaphore, #tpu.memory_space<semaphore_mem>>) src(%dma_wait3A_111 : memref<800xi32, #tpu.memory_space<hbm>>) dst(%dma_wait3A_109 : memref<800xi32, #tpu.memory_space<vmem>>)
      %dma_start3A_112 = arith.constant 0 : i32
      %dma_start3A_113 = arith.constant 0 : i32
      %dma_start3A_114 = arith.constant 0 : i32
      %dma_start3A_115 = arith.constant 0 : i32
      %dma_start3A_116 = arith.constant 0 : i32
      %dma_start3A_117 = tpu.memref_slice %arg7[%dma_start3A_114, %dma_start3A_115, %dma_start3A_116] : memref<2x800x16xf32, #tpu.memory_space<vmem>> -> memref<1x800x16xf32, #tpu.memory_space<vmem>>
      %dma_start3A_118 = tpu.memref_squeeze %dma_start3A_117 : memref<1x800x16xf32, #tpu.memory_space<vmem>> -> memref<800x16xf32, #tpu.memory_space<vmem>>
      %dma_start3A_119 = arith.constant 0 : i32
      %dma_start3A_120 = tpu.memref_slice %arg6[%dma_start3A_112, %dma_start3A_113, %dma_start3A_119] : memref<2x2x800xi32, #tpu.memory_space<vmem>> -> memref<1x1x800xi32, #tpu.memory_space<vmem>>
      %dma_start3A_121 = tpu.memref_squeeze %dma_start3A_120 : memref<1x1x800xi32, #tpu.memory_space<vmem>> -> memref<800xi32, #tpu.memory_space<vmem>>
      %dma_start3A_122 = arith.constant 0 : i32
      %dma_start3A_123 = arith.constant 0 : i32
      %dma_start3A_124 = tpu.memref_slice %arg2[%dma_start3A_122, %dma_start3A_123] : memref<100096x16xf32, #tpu.memory_space<hbm>> -> memref<100096x16xf32, #tpu.memory_space<hbm>>
      tpu.enqueue_indirect_dma source(%dma_start3A_124 : memref<100096x16xf32, #tpu.memory_space<hbm>>) target(%dma_start3A_118 : memref<800x16xf32, #tpu.memory_space<vmem>>) offsets(%dma_start3A_121 : memref<800xi32, #tpu.memory_space<vmem>>) semaphore(%arg10 : memref<!tpu.dma_semaphore, #tpu.memory_space<semaphore_mem>>)
      %dma_wait3A_125 = arith.constant 1 : i32
      %dma_wait3A_126 = arith.constant 0 : i32
      %dma_wait3A_127 = arith.constant 1 : i32
      %dma_wait3A_128 = arith.constant 0 : i32
      %dma_wait3A_129 = tpu.memref_slice %arg6[%dma_wait3A_126, %dma_wait3A_127, %dma_wait3A_128] : memref<2x2x800xi32, #tpu.memory_space<vmem>> -> memref<1x1x800xi32, #tpu.memory_space<vmem>>
      %dma_wait3A_130 = tpu.memref_squeeze %dma_wait3A_129 : memref<1x1x800xi32, #tpu.memory_space<vmem>> -> memref<800xi32, #tpu.memory_space<vmem>>
      %dma_wait3A_131 = tpu.memref_slice %arg3[%dma_wait3A_125, %mul3A_46] : memref<2x3200000xi32, #tpu.memory_space<hbm>> -> memref<1x800xi32, #tpu.memory_space<hbm>>
      %dma_wait3A_132 = tpu.memref_squeeze %dma_wait3A_131 : memref<1x800xi32, #tpu.memory_space<hbm>> -> memref<800xi32, #tpu.memory_space<hbm>>
      %dma_wait3A_133 = arith.constant 0 : i32
      %dma_wait3A_134 = tpu.memref_slice %arg6[%dma_wait3A_126, %dma_wait3A_127, %dma_wait3A_133] : memref<2x2x800xi32, #tpu.memory_space<vmem>> -> memref<1x1x800xi32, #tpu.memory_space<vmem>>
      %dma_wait3A_135 = tpu.memref_squeeze %dma_wait3A_134 : memref<1x1x800xi32, #tpu.memory_space<vmem>> -> memref<800xi32, #tpu.memory_space<vmem>>
      %dma_wait3A_136 = tpu.memref_slice %arg3[%dma_wait3A_125, %mul3A_46] : memref<2x3200000xi32, #tpu.memory_space<hbm>> -> memref<1x800xi32, #tpu.memory_space<hbm>>
      %dma_wait3A_137 = tpu.memref_squeeze %dma_wait3A_136 : memref<1x800xi32, #tpu.memory_space<hbm>> -> memref<800xi32, #tpu.memory_space<hbm>>
      tpu.wait_dma2 semaphore(%arg9 : memref<!tpu.dma_semaphore, #tpu.memory_space<semaphore_mem>>) src(%dma_wait3A_137 : memref<800xi32, #tpu.memory_space<hbm>>) dst(%dma_wait3A_135 : memref<800xi32, #tpu.memory_space<vmem>>)
      %dma_wait3A_138 = arith.constant 0 : i32
      %dma_wait3A_139 = arith.constant 1 : i32
      %dma_wait3A_140 = arith.constant 0 : i32
      %dma_wait3A_141 = arith.constant 0 : i32
      %dma_wait3A_142 = tpu.memref_slice %arg6[%dma_wait3A_139, %dma_wait3A_140, %dma_wait3A_141] : memref<2x2x800xi32, #tpu.memory_space<vmem>> -> memref<1x1x800xi32, #tpu.memory_space<vmem>>
      %dma_wait3A_143 = tpu.memref_squeeze %dma_wait3A_142 : memref<1x1x800xi32, #tpu.memory_space<vmem>> -> memref<800xi32, #tpu.memory_space<vmem>>
      %dma_wait3A_144 = tpu.memref_slice %arg3[%dma_wait3A_138, %add3A_48] : memref<2x3200000xi32, #tpu.memory_space<hbm>> -> memref<1x800xi32, #tpu.memory_space<hbm>>
      %dma_wait3A_145 = tpu.memref_squeeze %dma_wait3A_144 : memref<1x800xi32, #tpu.memory_space<hbm>> -> memref<800xi32, #tpu.memory_space<hbm>>
      %dma_wait3A_146 = arith.constant 0 : i32
      %dma_wait3A_147 = tpu.memref_slice %arg6[%dma_wait3A_139, %dma_wait3A_140, %dma_wait3A_146] : memref<2x2x800xi32, #tpu.memory_space<vmem>> -> memref<1x1x800xi32, #tpu.memory_space<vmem>>
      %dma_wait3A_148 = tpu.memref_squeeze %dma_wait3A_147 : memref<1x1x800xi32, #tpu.memory_space<vmem>> -> memref<800xi32, #tpu.memory_space<vmem>>
      %dma_wait3A_149 = tpu.memref_slice %arg3[%dma_wait3A_138, %add3A_48] : memref<2x3200000xi32, #tpu.memory_space<hbm>> -> memref<1x800xi32, #tpu.memory_space<hbm>>
      %dma_wait3A_150 = tpu.memref_squeeze %dma_wait3A_149 : memref<1x800xi32, #tpu.memory_space<hbm>> -> memref<800xi32, #tpu.memory_space<hbm>>
      tpu.wait_dma2 semaphore(%arg9 : memref<!tpu.dma_semaphore, #tpu.memory_space<semaphore_mem>>) src(%dma_wait3A_150 : memref<800xi32, #tpu.memory_space<hbm>>) dst(%dma_wait3A_148 : memref<800xi32, #tpu.memory_space<vmem>>)
      %dma_wait3A_151 = arith.constant 1 : i32
      %dma_wait3A_152 = arith.constant 1 : i32
      %dma_wait3A_153 = arith.constant 1 : i32
      %dma_wait3A_154 = arith.constant 0 : i32
      %dma_wait3A_155 = tpu.memref_slice %arg6[%dma_wait3A_152, %dma_wait3A_153, %dma_wait3A_154] : memref<2x2x800xi32, #tpu.memory_space<vmem>> -> memref<1x1x800xi32, #tpu.memory_space<vmem>>
      %dma_wait3A_156 = tpu.memref_squeeze %dma_wait3A_155 : memref<1x1x800xi32, #tpu.memory_space<vmem>> -> memref<800xi32, #tpu.memory_space<vmem>>
      %dma_wait3A_157 = tpu.memref_slice %arg3[%dma_wait3A_151, %add3A_48] : memref<2x3200000xi32, #tpu.memory_space<hbm>> -> memref<1x800xi32, #tpu.memory_space<hbm>>
      %dma_wait3A_158 = tpu.memref_squeeze %dma_wait3A_157 : memref<1x800xi32, #tpu.memory_space<hbm>> -> memref<800xi32, #tpu.memory_space<hbm>>
      %dma_wait3A_159 = arith.constant 0 : i32
      %dma_wait3A_160 = tpu.memref_slice %arg6[%dma_wait3A_152, %dma_wait3A_153, %dma_wait3A_159] : memref<2x2x800xi32, #tpu.memory_space<vmem>> -> memref<1x1x800xi32, #tpu.memory_space<vmem>>
      %dma_wait3A_161 = tpu.memref_squeeze %dma_wait3A_160 : memref<1x1x800xi32, #tpu.memory_space<vmem>> -> memref<800xi32, #tpu.memory_space<vmem>>
      %dma_wait3A_162 = tpu.memref_slice %arg3[%dma_wait3A_151, %add3A_48] : memref<2x3200000xi32, #tpu.memory_space<hbm>> -> memref<1x800xi32, #tpu.memory_space<hbm>>
      %dma_wait3A_163 = tpu.memref_squeeze %dma_wait3A_162 : memref<1x800xi32, #tpu.memory_space<hbm>> -> memref<800xi32, #tpu.memory_space<hbm>>
      tpu.wait_dma2 semaphore(%arg9 : memref<!tpu.dma_semaphore, #tpu.memory_space<semaphore_mem>>) src(%dma_wait3A_163 : memref<800xi32, #tpu.memory_space<hbm>>) dst(%dma_wait3A_161 : memref<800xi32, #tpu.memory_space<vmem>>)
      %dma_wait3A_164 = arith.constant 0 : i32
      %dma_wait3A_165 = arith.constant 0 : i32
      %dma_wait3A_166 = arith.constant 0 : i32
      %dma_wait3A_167 = arith.constant 0 : i32
      %dma_wait3A_168 = arith.constant 0 : i32
      %dma_wait3A_169 = tpu.memref_slice %arg7[%dma_wait3A_166, %dma_wait3A_167, %dma_wait3A_168] : memref<2x800x16xf32, #tpu.memory_space<vmem>> -> memref<1x800x16xf32, #tpu.memory_space<vmem>>
      %dma_wait3A_170 = tpu.memref_squeeze %dma_wait3A_169 : memref<1x800x16xf32, #tpu.memory_space<vmem>> -> memref<800x16xf32, #tpu.memory_space<vmem>>
      %dma_wait3A_171 = arith.constant 0 : i32
      %dma_wait3A_172 = tpu.memref_slice %arg6[%dma_wait3A_164, %dma_wait3A_165, %dma_wait3A_171] : memref<2x2x800xi32, #tpu.memory_space<vmem>> -> memref<1x1x800xi32, #tpu.memory_space<vmem>>
      %dma_wait3A_173 = tpu.memref_squeeze %dma_wait3A_172 : memref<1x1x800xi32, #tpu.memory_space<vmem>> -> memref<800xi32, #tpu.memory_space<vmem>>
      %dma_wait3A_174 = arith.constant 0 : i32
      %dma_wait3A_175 = arith.constant 0 : i32
      %dma_wait3A_176 = tpu.memref_slice %arg2[%dma_wait3A_174, %dma_wait3A_175] : memref<100096x16xf32, #tpu.memory_space<hbm>> -> memref<100096x16xf32, #tpu.memory_space<hbm>>
      tpu.wait_indirect_dma semaphore(%arg10 : memref<!tpu.dma_semaphore, #tpu.memory_space<semaphore_mem>>) src(%dma_wait3A_176 : memref<100096x16xf32, #tpu.memory_space<hbm>>) dst(%dma_wait3A_170 : memref<800x16xf32, #tpu.memory_space<vmem>>)
      %dma_start3A_177 = arith.constant 0 : i32
      %dma_start3A_178 = arith.constant 0 : i32
      %dma_start3A_179 = arith.constant 1 : i32
      %dma_start3A_180 = arith.constant 0 : i32
      %dma_start3A_181 = arith.constant 0 : i32
      %dma_start3A_182 = tpu.memref_slice %arg7[%dma_start3A_177, %dma_start3A_180, %dma_start3A_181] : memref<2x800x16xf32, #tpu.memory_space<vmem>> -> memref<1x800x16xf32, #tpu.memory_space<vmem>>
      %dma_start3A_183 = tpu.memref_squeeze %dma_start3A_182 : memref<1x800x16xf32, #tpu.memory_space<vmem>> -> memref<800x16xf32, #tpu.memory_space<vmem>>
      %dma_start3A_184 = arith.constant 0 : i32
      %dma_start3A_185 = tpu.memref_slice %arg6[%dma_start3A_178, %dma_start3A_179, %dma_start3A_184] : memref<2x2x800xi32, #tpu.memory_space<vmem>> -> memref<1x1x800xi32, #tpu.memory_space<vmem>>
      %dma_start3A_186 = tpu.memref_squeeze %dma_start3A_185 : memref<1x1x800xi32, #tpu.memory_space<vmem>> -> memref<800xi32, #tpu.memory_space<vmem>>
      %dma_start3A_187 = arith.constant 0 : i32
      %dma_start3A_188 = arith.constant 0 : i32
      %dma_start3A_189 = tpu.memref_slice %arg8[%dma_start3A_187, %dma_start3A_188] : memref<100096x16xf32, #tpu.memory_space<vmem_shared>> -> memref<100096x16xf32, #tpu.memory_space<vmem_shared>>
      tpu.enqueue_indirect_dma source(%dma_start3A_183 : memref<800x16xf32, #tpu.memory_space<vmem>>) target(%dma_start3A_189 : memref<100096x16xf32, #tpu.memory_space<vmem_shared>>) offsets(%dma_start3A_186 : memref<800xi32, #tpu.memory_space<vmem>>) semaphore(%arg11 : memref<!tpu.dma_semaphore, #tpu.memory_space<semaphore_mem>>) {add = true}
      %dma_start3A_190 = arith.constant 1 : i32
      %dma_start3A_191 = arith.constant 0 : i32
      %dma_start3A_192 = arith.constant 1 : i32
      %dma_start3A_193 = arith.constant 0 : i32
      %dma_start3A_194 = arith.constant 0 : i32
      %dma_start3A_195 = tpu.memref_slice %arg7[%dma_start3A_192, %dma_start3A_193, %dma_start3A_194] : memref<2x800x16xf32, #tpu.memory_space<vmem>> -> memref<1x800x16xf32, #tpu.memory_space<vmem>>
      %dma_start3A_196 = tpu.memref_squeeze %dma_start3A_195 : memref<1x800x16xf32, #tpu.memory_space<vmem>> -> memref<800x16xf32, #tpu.memory_space<vmem>>
      %dma_start3A_197 = arith.constant 0 : i32
      %dma_start3A_198 = tpu.memref_slice %arg6[%dma_start3A_190, %dma_start3A_191, %dma_start3A_197] : memref<2x2x800xi32, #tpu.memory_space<vmem>> -> memref<1x1x800xi32, #tpu.memory_space<vmem>>
      %dma_start3A_199 = tpu.memref_squeeze %dma_start3A_198 : memref<1x1x800xi32, #tpu.memory_space<vmem>> -> memref<800xi32, #tpu.memory_space<vmem>>
      %dma_start3A_200 = arith.constant 0 : i32
      %dma_start3A_201 = arith.constant 0 : i32
      %dma_start3A_202 = tpu.memref_slice %arg2[%dma_start3A_200, %dma_start3A_201] : memref<100096x16xf32, #tpu.memory_space<hbm>> -> memref<100096x16xf32, #tpu.memory_space<hbm>>
      tpu.enqueue_indirect_dma source(%dma_start3A_202 : memref<100096x16xf32, #tpu.memory_space<hbm>>) target(%dma_start3A_196 : memref<800x16xf32, #tpu.memory_space<vmem>>) offsets(%dma_start3A_199 : memref<800xi32, #tpu.memory_space<vmem>>) semaphore(%arg10 : memref<!tpu.dma_semaphore, #tpu.memory_space<semaphore_mem>>)
      %dma_wait3A_203 = arith.constant 1 : i32
      %dma_wait3A_204 = arith.constant 0 : i32
      %dma_wait3A_205 = arith.constant 1 : i32
      %dma_wait3A_206 = arith.constant 0 : i32
      %dma_wait3A_207 = arith.constant 0 : i32
      %dma_wait3A_208 = tpu.memref_slice %arg7[%dma_wait3A_205, %dma_wait3A_206, %dma_wait3A_207] : memref<2x800x16xf32, #tpu.memory_space<vmem>> -> memref<1x800x16xf32, #tpu.memory_space<vmem>>
      %dma_wait3A_209 = tpu.memref_squeeze %dma_wait3A_208 : memref<1x800x16xf32, #tpu.memory_space<vmem>> -> memref<800x16xf32, #tpu.memory_space<vmem>>
      %dma_wait3A_210 = arith.constant 0 : i32
      %dma_wait3A_211 = tpu.memref_slice %arg6[%dma_wait3A_203, %dma_wait3A_204, %dma_wait3A_210] : memref<2x2x800xi32, #tpu.memory_space<vmem>> -> memref<1x1x800xi32, #tpu.memory_space<vmem>>
      %dma_wait3A_212 = tpu.memref_squeeze %dma_wait3A_211 : memref<1x1x800xi32, #tpu.memory_space<vmem>> -> memref<800xi32, #tpu.memory_space<vmem>>
      %dma_wait3A_213 = arith.constant 0 : i32
      %dma_wait3A_214 = arith.constant 0 : i32
      %dma_wait3A_215 = tpu.memref_slice %arg2[%dma_wait3A_213, %dma_wait3A_214] : memref<100096x16xf32, #tpu.memory_space<hbm>> -> memref<100096x16xf32, #tpu.memory_space<hbm>>
      tpu.wait_indirect_dma semaphore(%arg10 : memref<!tpu.dma_semaphore, #tpu.memory_space<semaphore_mem>>) src(%dma_wait3A_215 : memref<100096x16xf32, #tpu.memory_space<hbm>>) dst(%dma_wait3A_209 : memref<800x16xf32, #tpu.memory_space<vmem>>)
      %dma_start3A_216 = arith.constant 1 : i32
      %dma_start3A_217 = arith.constant 1 : i32
      %dma_start3A_218 = arith.constant 1 : i32
      %dma_start3A_219 = arith.constant 0 : i32
      %dma_start3A_220 = arith.constant 0 : i32
      %dma_start3A_221 = tpu.memref_slice %arg7[%dma_start3A_216, %dma_start3A_219, %dma_start3A_220] : memref<2x800x16xf32, #tpu.memory_space<vmem>> -> memref<1x800x16xf32, #tpu.memory_space<vmem>>
      %dma_start3A_222 = tpu.memref_squeeze %dma_start3A_221 : memref<1x800x16xf32, #tpu.memory_space<vmem>> -> memref<800x16xf32, #tpu.memory_space<vmem>>
      %dma_start3A_223 = arith.constant 0 : i32
      %dma_start3A_224 = tpu.memref_slice %arg6[%dma_start3A_217, %dma_start3A_218, %dma_start3A_223] : memref<2x2x800xi32, #tpu.memory_space<vmem>> -> memref<1x1x800xi32, #tpu.memory_space<vmem>>
      %dma_start3A_225 = tpu.memref_squeeze %dma_start3A_224 : memref<1x1x800xi32, #tpu.memory_space<vmem>> -> memref<800xi32, #tpu.memory_space<vmem>>
      %dma_start3A_226 = arith.constant 0 : i32
      %dma_start3A_227 = arith.constant 0 : i32
      %dma_start3A_228 = tpu.memref_slice %arg8[%dma_start3A_226, %dma_start3A_227] : memref<100096x16xf32, #tpu.memory_space<vmem_shared>> -> memref<100096x16xf32, #tpu.memory_space<vmem_shared>>
      tpu.enqueue_indirect_dma source(%dma_start3A_222 : memref<800x16xf32, #tpu.memory_space<vmem>>) target(%dma_start3A_228 : memref<100096x16xf32, #tpu.memory_space<vmem_shared>>) offsets(%dma_start3A_225 : memref<800xi32, #tpu.memory_space<vmem>>) semaphore(%arg11 : memref<!tpu.dma_semaphore, #tpu.memory_space<semaphore_mem>>) {add = true}
      %dma_wait3A_229 = arith.constant 0 : i32
      %dma_wait3A_230 = arith.constant 0 : i32
      %dma_wait3A_231 = arith.constant 1 : i32
      %dma_wait3A_232 = arith.constant 0 : i32
      %dma_wait3A_233 = arith.constant 0 : i32
      %dma_wait3A_234 = tpu.memref_slice %arg7[%dma_wait3A_229, %dma_wait3A_232, %dma_wait3A_233] : memref<2x800x16xf32, #tpu.memory_space<vmem>> -> memref<1x800x16xf32, #tpu.memory_space<vmem>>
      %dma_wait3A_235 = tpu.memref_squeeze %dma_wait3A_234 : memref<1x800x16xf32, #tpu.memory_space<vmem>> -> memref<800x16xf32, #tpu.memory_space<vmem>>
      %dma_wait3A_236 = arith.constant 0 : i32
      %dma_wait3A_237 = tpu.memref_slice %arg6[%dma_wait3A_230, %dma_wait3A_231, %dma_wait3A_236] : memref<2x2x800xi32, #tpu.memory_space<vmem>> -> memref<1x1x800xi32, #tpu.memory_space<vmem>>
      %dma_wait3A_238 = tpu.memref_squeeze %dma_wait3A_237 : memref<1x1x800xi32, #tpu.memory_space<vmem>> -> memref<800xi32, #tpu.memory_space<vmem>>
      %dma_wait3A_239 = arith.constant 0 : i32
      %dma_wait3A_240 = arith.constant 0 : i32
      %dma_wait3A_241 = tpu.memref_slice %arg8[%dma_wait3A_239, %dma_wait3A_240] : memref<100096x16xf32, #tpu.memory_space<vmem_shared>> -> memref<100096x16xf32, #tpu.memory_space<vmem_shared>>
      tpu.wait_indirect_dma semaphore(%arg11 : memref<!tpu.dma_semaphore, #tpu.memory_space<semaphore_mem>>) src(%dma_wait3A_235 : memref<800x16xf32, #tpu.memory_space<vmem>>) dst(%dma_wait3A_241 : memref<100096x16xf32, #tpu.memory_space<vmem_shared>>)
      %dma_wait3A_242 = arith.constant 1 : i32
      %dma_wait3A_243 = arith.constant 1 : i32
      %dma_wait3A_244 = arith.constant 1 : i32
      %dma_wait3A_245 = arith.constant 0 : i32
      %dma_wait3A_246 = arith.constant 0 : i32
      %dma_wait3A_247 = tpu.memref_slice %arg7[%dma_wait3A_242, %dma_wait3A_245, %dma_wait3A_246] : memref<2x800x16xf32, #tpu.memory_space<vmem>> -> memref<1x800x16xf32, #tpu.memory_space<vmem>>
      %dma_wait3A_248 = tpu.memref_squeeze %dma_wait3A_247 : memref<1x800x16xf32, #tpu.memory_space<vmem>> -> memref<800x16xf32, #tpu.memory_space<vmem>>
      %dma_wait3A_249 = arith.constant 0 : i32
      %dma_wait3A_250 = tpu.memref_slice %arg6[%dma_wait3A_243, %dma_wait3A_244, %dma_wait3A_249] : memref<2x2x800xi32, #tpu.memory_space<vmem>> -> memref<1x1x800xi32, #tpu.memory_space<vmem>>
      %dma_wait3A_251 = tpu.memref_squeeze %dma_wait3A_250 : memref<1x1x800xi32, #tpu.memory_space<vmem>> -> memref<800xi32, #tpu.memory_space<vmem>>
      %dma_wait3A_252 = arith.constant 0 : i32
      %dma_wait3A_253 = arith.constant 0 : i32
      %dma_wait3A_254 = tpu.memref_slice %arg8[%dma_wait3A_252, %dma_wait3A_253] : memref<100096x16xf32, #tpu.memory_space<vmem_shared>> -> memref<100096x16xf32, #tpu.memory_space<vmem_shared>>
      tpu.wait_indirect_dma semaphore(%arg11 : memref<!tpu.dma_semaphore, #tpu.memory_space<semaphore_mem>>) src(%dma_wait3A_248 : memref<800x16xf32, #tpu.memory_space<vmem>>) dst(%dma_wait3A_254 : memref<100096x16xf32, #tpu.memory_space<vmem_shared>>)
    }
    %barrier3A_33 = arith.constant 0 : index
    tpu.barrier barrier_id(%barrier3A_33)
    %mul3A_34 = arith.constant 6256 : i32
    %mul3A_35 = arith.muli %arg1, %mul3A_34 : i32
    %mul3A_36 = arith.constant 100096 : i32
    %mul3A_37 = arith.muli %arg0, %mul3A_36 : i32
    %mul3A_38 = arith.constant 6256 : i32
    %mul3A_39 = arith.muli %arg1, %mul3A_38 : i32
    %add3A_40 = arith.addi %mul3A_37, %mul3A_39 : i32
    "tpu.region"() ({
      %run_scoped3A = tpu.sem_alloc : memref<!tpu.dma_semaphore, #tpu.memory_space<semaphore_mem>>
      %dma_start3A = arith.constant 0 : i32
      %dma_start3A_41 = tpu.memref_slice %arg5[%add3A_40, %dma_start3A] : memref<200192x16xf32, #tpu.memory_space<hbm>> -> memref<6256x16xf32, #tpu.memory_space<hbm>>
      %dma_start3A_42 = arith.constant 0 : i32
      %dma_start3A_43 = tpu.memref_slice %arg8[%mul3A_35, %dma_start3A_42] : memref<100096x16xf32, #tpu.memory_space<vmem_shared>> -> memref<6256x16xf32, #tpu.memory_space<vmem_shared>>
      tpu.enqueue_dma source(%dma_start3A_43 : memref<6256x16xf32, #tpu.memory_space<vmem_shared>>) target(%dma_start3A_41 : memref<6256x16xf32, #tpu.memory_space<hbm>>) target_semaphore(%run_scoped3A : memref<!tpu.dma_semaphore, #tpu.memory_space<semaphore_mem>>)
      %dma_wait3A = arith.constant 0 : i32
      %dma_wait3A_44 = tpu.memref_slice %arg5[%add3A_40, %dma_wait3A] : memref<200192x16xf32, #tpu.memory_space<hbm>> -> memref<6256x16xf32, #tpu.memory_space<hbm>>
      %dma_wait3A_45 = arith.constant 0 : i32
      %dma_wait3A_46 = tpu.memref_slice %arg8[%mul3A_35, %dma_wait3A_45] : memref<100096x16xf32, #tpu.memory_space<vmem_shared>> -> memref<6256x16xf32, #tpu.memory_space<vmem_shared>>
      tpu.wait_dma2 semaphore(%run_scoped3A : memref<!tpu.dma_semaphore, #tpu.memory_space<semaphore_mem>>) src(%dma_wait3A_46 : memref<6256x16xf32, #tpu.memory_space<vmem_shared>>) dst(%dma_wait3A_44 : memref<6256x16xf32, #tpu.memory_space<hbm>>)
      tpu.yield
    }) : () -> ()
    return
  }
}

#map = affine_map<(d0, d1) -> (0, 0)>
module attributes {stable_mosaic.version = 14 : i64} {
  func.func @_segsum_body(%arg0: i32, %arg1: i32, %arg2: memref<100096x16xf32, #tpu.memory_space<hbm>>, %arg3: memref<2x3200000xi32, #tpu.memory_space<hbm>>, %arg4: memref<6256x16xf32, #tpu.memory_space<hbm>>, %arg5: memref<200192x16xf32, #tpu.memory_space<hbm>>, %arg6: memref<2x2x800xi32, #tpu.memory_space<vmem>>, %arg7: memref<2x800x16xf32, #tpu.memory_space<vmem>>, %arg8: memref<100096x16xf32, #tpu.memory_space<vmem_shared>>, %arg9: memref<!tpu.dma_semaphore, #tpu.memory_space<semaphore_mem>>, %arg10: memref<!tpu.dma_semaphore, #tpu.memory_space<semaphore_mem>>, %arg11: memref<!tpu.dma_semaphore, #tpu.memory_space<semaphore_mem>>) attributes {dimension_semantics = [#tpu.dimension_semantics<core_parallel>, #tpu.dimension_semantics<subcore_parallel>], iteration_bounds = array<i64: 2, 16>, scalar_prefetch = 0 : i64, scratch_operands = 6 : i64, tpu.core_type = #tpu.core_type<sc_vector_subcore>, window_params = [{transform_indices = #map}, {transform_indices = #map}, {transform_indices = #map}, {transform_indices = #map}]} {
    %mul3A = arith.constant 16 : i32
    %mul3A_0 = arith.muli %arg0, %mul3A : i32
    %add3A = arith.addi %mul3A_0, %arg1 : i32
    %mul3A_1 = arith.constant 6256 : i32
    %mul3A_2 = arith.muli %arg1, %mul3A_1 : i32
    "tpu.region"() ({
      %run_scoped3A = tpu.sem_alloc : memref<!tpu.dma_semaphore, #tpu.memory_space<semaphore_mem>>
      %dma_start3A = arith.constant 0 : i32
      %dma_start3A_41 = tpu.memref_slice %arg8[%mul3A_2, %dma_start3A] : memref<100096x16xf32, #tpu.memory_space<vmem_shared>> -> memref<6256x16xf32, #tpu.memory_space<vmem_shared>>
      tpu.enqueue_dma source(%arg4 : memref<6256x16xf32, #tpu.memory_space<hbm>>) target(%dma_start3A_41 : memref<6256x16xf32, #tpu.memory_space<vmem_shared>>) target_semaphore(%run_scoped3A : memref<!tpu.dma_semaphore, #tpu.memory_space<semaphore_mem>>)
      %dma_wait3A = arith.constant 0 : i32
      %dma_wait3A_42 = tpu.memref_slice %arg8[%mul3A_2, %dma_wait3A] : memref<100096x16xf32, #tpu.memory_space<vmem_shared>> -> memref<6256x16xf32, #tpu.memory_space<vmem_shared>>
      tpu.wait_dma2 semaphore(%run_scoped3A : memref<!tpu.dma_semaphore, #tpu.memory_space<semaphore_mem>>) src(%arg4 : memref<6256x16xf32, #tpu.memory_space<hbm>>) dst(%dma_wait3A_42 : memref<6256x16xf32, #tpu.memory_space<vmem_shared>>)
      tpu.yield
    }) : () -> ()
    %barrier3A = arith.constant 0 : index
    tpu.barrier barrier_id(%barrier3A)
    %mul3A_3 = arith.constant 126 : i32
    %mul3A_4 = arith.muli %add3A, %mul3A_3 : i32
    %sub3A = arith.constant 4000 : i32
    %sub3A_5 = arith.subi %sub3A, %mul3A_4 : i32
    %min3A = arith.constant 126 : i32
    %min3A_6 = arith.minsi %min3A, %sub3A_5 : i32
    %jit3A = arith.constant 2 : i32
    %div3A = arith.divsi %min3A_6, %jit3A : i32
    %sign3A = arith.constant 0 : i32
    %sign3A_7 = arith.cmpi sgt, %min3A_6, %sign3A : i32
    %sign3A_8 = arith.extui %sign3A_7 : i1 to i32
    %sign3A_9 = arith.constant 0 : i32
    %sign3A_10 = arith.cmpi slt, %min3A_6, %sign3A_9 : i32
    %sign3A_11 = arith.extui %sign3A_10 : i1 to i32
    %sign3A_12 = arith.subi %sign3A_8, %sign3A_11 : i32
    %sign3A_13 = arith.constant 0 : i32
    %sign3A_14 = arith.cmpi sgt, %jit3A, %sign3A_13 : i32
    %sign3A_15 = arith.extui %sign3A_14 : i1 to i32
    %sign3A_16 = arith.constant 0 : i32
    %sign3A_17 = arith.cmpi slt, %jit3A, %sign3A_16 : i32
    %sign3A_18 = arith.extui %sign3A_17 : i1 to i32
    %sign3A_19 = arith.subi %sign3A_15, %sign3A_18 : i32
    %ne3A = arith.cmpi ne, %sign3A_12, %sign3A_19 : i32
    %rem3A = arith.remsi %min3A_6, %jit3A : i32
    %ne3A_20 = arith.constant 0 : i32
    %ne3A_21 = arith.cmpi ne, %rem3A, %ne3A_20 : i32
    %and3A = arith.andi %ne3A, %ne3A_21 : i1
    %sub3A_22 = arith.constant 1 : i32
    %sub3A_23 = arith.subi %div3A, %sub3A_22 : i32
    %select_n3A = arith.select %and3A, %sub3A_23, %div3A : i32
    %while3A = arith.constant 0 : i32
    %while3A_24 = arith.constant 0 : i32
    %while3A_25 = arith.subi %select_n3A, %while3A_24 : i32
    %while3A_26 = arith.addi %while3A_24, %while3A_25 : i32
    %while3A_27 = arith.constant 1 : i32
    %while3A_28 = arith.divsi %while3A_25, %while3A_27 : i32
    %while3A_29 = arith.muli %while3A_28, %while3A_27 : i32
    %while3A_30 = arith.addi %while3A_24, %while3A_29 : i32
    %while3A_31 = arith.constant 1 : i32
    scf.for %while3A_41 = %while3A_24 to %while3A_30 step %while3A_31  : i32 {
      %mul3A_42 = arith.constant 2 : i32
      %mul3A_43 = arith.muli %mul3A_42, %while3A_41 : i32
      %add3A_44 = arith.addi %mul3A_4, %mul3A_43 : i32
      %mul3A_45 = arith.constant 800 : i32
      %mul3A_46 = arith.muli %add3A_44, %mul3A_45 : i32
      %add3A_47 = arith.constant 800 : i32
      %add3A_48 = arith.addi %mul3A_46, %add3A_47 : i32
      %dma_start3A = arith.constant 0 : i32
      %dma_start3A_49 = arith.constant 0 : i32
      %dma_start3A_50 = arith.constant 0 : i32
      %dma_start3A_51 = arith.constant 0 : i32
      %dma_start3A_52 = tpu.memref_slice %arg6[%dma_start3A_49, %dma_start3A_50, %dma_start3A_51] : memref<2x2x800xi32, #tpu.memory_space<vmem>> -> memref<1x1x800xi32, #tpu.memory_space<vmem>>
      %dma_start3A_53 = tpu.memref_squeeze %dma_start3A_52 : memref<1x1x800xi32, #tpu.memory_space<vmem>> -> memref<800xi32, #tpu.memory_space<vmem>>
      %dma_start3A_54 = tpu.memref_slice %arg3[%dma_start3A, %mul3A_46] : memref<2x3200000xi32, #tpu.memory_space<hbm>> -> memref<1x800xi32, #tpu.memory_space<hbm>>
      %dma_start3A_55 = tpu.memref_squeeze %dma_start3A_54 : memref<1x800xi32, #tpu.memory_space<hbm>> -> memref<800xi32, #tpu.memory_space<hbm>>
      %dma_start3A_56 = arith.constant 0 : i32
      %dma_start3A_57 = tpu.memref_slice %arg6[%dma_start3A_49, %dma_start3A_50, %dma_start3A_56] : memref<2x2x800xi32, #tpu.memory_space<vmem>> -> memref<1x1x800xi32, #tpu.memory_space<vmem>>
      %dma_start3A_58 = tpu.memref_squeeze %dma_start3A_57 : memref<1x1x800xi32, #tpu.memory_space<vmem>> -> memref<800xi32, #tpu.memory_space<vmem>>
      %dma_start3A_59 = tpu.memref_slice %arg3[%dma_start3A, %mul3A_46] : memref<2x3200000xi32, #tpu.memory_space<hbm>> -> memref<1x800xi32, #tpu.memory_space<hbm>>
      %dma_start3A_60 = tpu.memref_squeeze %dma_start3A_59 : memref<1x800xi32, #tpu.memory_space<hbm>> -> memref<800xi32, #tpu.memory_space<hbm>>
      tpu.enqueue_dma source(%dma_start3A_60 : memref<800xi32, #tpu.memory_space<hbm>>) target(%dma_start3A_58 : memref<800xi32, #tpu.memory_space<vmem>>) target_semaphore(%arg9 : memref<!tpu.dma_semaphore, #tpu.memory_space<semaphore_mem>>)
      %dma_start3A_61 = arith.constant 1 : i32
      %dma_start3A_62 = arith.constant 0 : i32
      %dma_start3A_63 = arith.constant 1 : i32
      %dma_start3A_64 = arith.constant 0 : i32
      %dma_start3A_65 = tpu.memref_slice %arg6[%dma_start3A_62, %dma_start3A_63, %dma_start3A_64] : memref<2x2x800xi32, #tpu.memory_space<vmem>> -> memref<1x1x800xi32, #tpu.memory_space<vmem>>
      %dma_start3A_66 = tpu.memref_squeeze %dma_start3A_65 : memref<1x1x800xi32, #tpu.memory_space<vmem>> -> memref<800xi32, #tpu.memory_space<vmem>>
      %dma_start3A_67 = tpu.memref_slice %arg3[%dma_start3A_61, %mul3A_46] : memref<2x3200000xi32, #tpu.memory_space<hbm>> -> memref<1x800xi32, #tpu.memory_space<hbm>>
      %dma_start3A_68 = tpu.memref_squeeze %dma_start3A_67 : memref<1x800xi32, #tpu.memory_space<hbm>> -> memref<800xi32, #tpu.memory_space<hbm>>
      %dma_start3A_69 = arith.constant 0 : i32
      %dma_start3A_70 = tpu.memref_slice %arg6[%dma_start3A_62, %dma_start3A_63, %dma_start3A_69] : memref<2x2x800xi32, #tpu.memory_space<vmem>> -> memref<1x1x800xi32, #tpu.memory_space<vmem>>
      %dma_start3A_71 = tpu.memref_squeeze %dma_start3A_70 : memref<1x1x800xi32, #tpu.memory_space<vmem>> -> memref<800xi32, #tpu.memory_space<vmem>>
      %dma_start3A_72 = tpu.memref_slice %arg3[%dma_start3A_61, %mul3A_46] : memref<2x3200000xi32, #tpu.memory_space<hbm>> -> memref<1x800xi32, #tpu.memory_space<hbm>>
      %dma_start3A_73 = tpu.memref_squeeze %dma_start3A_72 : memref<1x800xi32, #tpu.memory_space<hbm>> -> memref<800xi32, #tpu.memory_space<hbm>>
      tpu.enqueue_dma source(%dma_start3A_73 : memref<800xi32, #tpu.memory_space<hbm>>) target(%dma_start3A_71 : memref<800xi32, #tpu.memory_space<vmem>>) target_semaphore(%arg9 : memref<!tpu.dma_semaphore, #tpu.memory_space<semaphore_mem>>)
      %dma_start3A_74 = arith.constant 0 : i32
      %dma_start3A_75 = arith.constant 1 : i32
      %dma_start3A_76 = arith.constant 0 : i32
      %dma_start3A_77 = arith.constant 0 : i32
      %dma_start3A_78 = tpu.memref_slice %arg6[%dma_start3A_75, %dma_start3A_76, %dma_start3A_77] : memref<2x2x800xi32, #tpu.memory_space<vmem>> -> memref<1x1x800xi32, #tpu.memory_space<vmem>>
      %dma_start3A_79 = tpu.memref_squeeze %dma_start3A_78 : memref<1x1x800xi32, #tpu.memory_space<vmem>> -> memref<800xi32, #tpu.memory_space<vmem>>
      %dma_start3A_80 = tpu.memref_slice %arg3[%dma_start3A_74, %add3A_48] : memref<2x3200000xi32, #tpu.memory_space<hbm>> -> memref<1x800xi32, #tpu.memory_space<hbm>>
      %dma_start3A_81 = tpu.memref_squeeze %dma_start3A_80 : memref<1x800xi32, #tpu.memory_space<hbm>> -> memref<800xi32, #tpu.memory_space<hbm>>
      %dma_start3A_82 = arith.constant 0 : i32
      %dma_start3A_83 = tpu.memref_slice %arg6[%dma_start3A_75, %dma_start3A_76, %dma_start3A_82] : memref<2x2x800xi32, #tpu.memory_space<vmem>> -> memref<1x1x800xi32, #tpu.memory_space<vmem>>
      %dma_start3A_84 = tpu.memref_squeeze %dma_start3A_83 : memref<1x1x800xi32, #tpu.memory_space<vmem>> -> memref<800xi32, #tpu.memory_space<vmem>>
      %dma_start3A_85 = tpu.memref_slice %arg3[%dma_start3A_74, %add3A_48] : memref<2x3200000xi32, #tpu.memory_space<hbm>> -> memref<1x800xi32, #tpu.memory_space<hbm>>
      %dma_start3A_86 = tpu.memref_squeeze %dma_start3A_85 : memref<1x800xi32, #tpu.memory_space<hbm>> -> memref<800xi32, #tpu.memory_space<hbm>>
      tpu.enqueue_dma source(%dma_start3A_86 : memref<800xi32, #tpu.memory_space<hbm>>) target(%dma_start3A_84 : memref<800xi32, #tpu.memory_space<vmem>>) target_semaphore(%arg9 : memref<!tpu.dma_semaphore, #tpu.memory_space<semaphore_mem>>)
      %dma_start3A_87 = arith.constant 1 : i32
      %dma_start3A_88 = arith.constant 1 : i32
      %dma_start3A_89 = arith.constant 1 : i32
      %dma_start3A_90 = arith.constant 0 : i32
      %dma_start3A_91 = tpu.memref_slice %arg6[%dma_start3A_88, %dma_start3A_89, %dma_start3A_90] : memref<2x2x800xi32, #tpu.memory_space<vmem>> -> memref<1x1x800xi32, #tpu.memory_space<vmem>>
      %dma_start3A_92 = tpu.memref_squeeze %dma_start3A_91 : memref<1x1x800xi32, #tpu.memory_space<vmem>> -> memref<800xi32, #tpu.memory_space<vmem>>
      %dma_start3A_93 = tpu.memref_slice %arg3[%dma_start3A_87, %add3A_48] : memref<2x3200000xi32, #tpu.memory_space<hbm>> -> memref<1x800xi32, #tpu.memory_space<hbm>>
      %dma_start3A_94 = tpu.memref_squeeze %dma_start3A_93 : memref<1x800xi32, #tpu.memory_space<hbm>> -> memref<800xi32, #tpu.memory_space<hbm>>
      %dma_start3A_95 = arith.constant 0 : i32
      %dma_start3A_96 = tpu.memref_slice %arg6[%dma_start3A_88, %dma_start3A_89, %dma_start3A_95] : memref<2x2x800xi32, #tpu.memory_space<vmem>> -> memref<1x1x800xi32, #tpu.memory_space<vmem>>
      %dma_start3A_97 = tpu.memref_squeeze %dma_start3A_96 : memref<1x1x800xi32, #tpu.memory_space<vmem>> -> memref<800xi32, #tpu.memory_space<vmem>>
      %dma_start3A_98 = tpu.memref_slice %arg3[%dma_start3A_87, %add3A_48] : memref<2x3200000xi32, #tpu.memory_space<hbm>> -> memref<1x800xi32, #tpu.memory_space<hbm>>
      %dma_start3A_99 = tpu.memref_squeeze %dma_start3A_98 : memref<1x800xi32, #tpu.memory_space<hbm>> -> memref<800xi32, #tpu.memory_space<hbm>>
      tpu.enqueue_dma source(%dma_start3A_99 : memref<800xi32, #tpu.memory_space<hbm>>) target(%dma_start3A_97 : memref<800xi32, #tpu.memory_space<vmem>>) target_semaphore(%arg9 : memref<!tpu.dma_semaphore, #tpu.memory_space<semaphore_mem>>)
      %dma_wait3A = arith.constant 0 : i32
      %dma_wait3A_100 = arith.constant 0 : i32
      %dma_wait3A_101 = arith.constant 0 : i32
      %dma_wait3A_102 = arith.constant 0 : i32
      %dma_wait3A_103 = tpu.memref_slice %arg6[%dma_wait3A_100, %dma_wait3A_101, %dma_wait3A_102] : memref<2x2x800xi32, #tpu.memory_space<vmem>> -> memref<1x1x800xi32, #tpu.memory_space<vmem>>
      %dma_wait3A_104 = tpu.memref_squeeze %dma_wait3A_103 : memref<1x1x800xi32, #tpu.memory_space<vmem>> -> memref<800xi32, #tpu.memory_space<vmem>>
      %dma_wait3A_105 = tpu.memref_slice %arg3[%dma_wait3A, %mul3A_46] : memref<2x3200000xi32, #tpu.memory_space<hbm>> -> memref<1x800xi32, #tpu.memory_space<hbm>>
      %dma_wait3A_106 = tpu.memref_squeeze %dma_wait3A_105 : memref<1x800xi32, #tpu.memory_space<hbm>> -> memref<800xi32, #tpu.memory_space<hbm>>
      %dma_wait3A_107 = arith.constant 0 : i32
      %dma_wait3A_108 = tpu.memref_slice %arg6[%dma_wait3A_100, %dma_wait3A_101, %dma_wait3A_107] : memref<2x2x800xi32, #tpu.memory_space<vmem>> -> memref<1x1x800xi32, #tpu.memory_space<vmem>>
      %dma_wait3A_109 = tpu.memref_squeeze %dma_wait3A_108 : memref<1x1x800xi32, #tpu.memory_space<vmem>> -> memref<800xi32, #tpu.memory_space<vmem>>
      %dma_wait3A_110 = tpu.memref_slice %arg3[%dma_wait3A, %mul3A_46] : memref<2x3200000xi32, #tpu.memory_space<hbm>> -> memref<1x800xi32, #tpu.memory_space<hbm>>
      %dma_wait3A_111 = tpu.memref_squeeze %dma_wait3A_110 : memref<1x800xi32, #tpu.memory_space<hbm>> -> memref<800xi32, #tpu.memory_space<hbm>>
      tpu.wait_dma2 semaphore(%arg9 : memref<!tpu.dma_semaphore, #tpu.memory_space<semaphore_mem>>) src(%dma_wait3A_111 : memref<800xi32, #tpu.memory_space<hbm>>) dst(%dma_wait3A_109 : memref<800xi32, #tpu.memory_space<vmem>>)
      %dma_start3A_112 = arith.constant 0 : i32
      %dma_start3A_113 = arith.constant 0 : i32
      %dma_start3A_114 = arith.constant 0 : i32
      %dma_start3A_115 = arith.constant 0 : i32
      %dma_start3A_116 = arith.constant 0 : i32
      %dma_start3A_117 = tpu.memref_slice %arg7[%dma_start3A_114, %dma_start3A_115, %dma_start3A_116] : memref<2x800x16xf32, #tpu.memory_space<vmem>> -> memref<1x800x16xf32, #tpu.memory_space<vmem>>
      %dma_start3A_118 = tpu.memref_squeeze %dma_start3A_117 : memref<1x800x16xf32, #tpu.memory_space<vmem>> -> memref<800x16xf32, #tpu.memory_space<vmem>>
      %dma_start3A_119 = arith.constant 0 : i32
      %dma_start3A_120 = tpu.memref_slice %arg6[%dma_start3A_112, %dma_start3A_113, %dma_start3A_119] : memref<2x2x800xi32, #tpu.memory_space<vmem>> -> memref<1x1x800xi32, #tpu.memory_space<vmem>>
      %dma_start3A_121 = tpu.memref_squeeze %dma_start3A_120 : memref<1x1x800xi32, #tpu.memory_space<vmem>> -> memref<800xi32, #tpu.memory_space<vmem>>
      %dma_start3A_122 = arith.constant 0 : i32
      %dma_start3A_123 = arith.constant 0 : i32
      %dma_start3A_124 = tpu.memref_slice %arg2[%dma_start3A_122, %dma_start3A_123] : memref<100096x16xf32, #tpu.memory_space<hbm>> -> memref<100096x16xf32, #tpu.memory_space<hbm>>
      tpu.enqueue_indirect_dma source(%dma_start3A_124 : memref<100096x16xf32, #tpu.memory_space<hbm>>) target(%dma_start3A_118 : memref<800x16xf32, #tpu.memory_space<vmem>>) offsets(%dma_start3A_121 : memref<800xi32, #tpu.memory_space<vmem>>) semaphore(%arg10 : memref<!tpu.dma_semaphore, #tpu.memory_space<semaphore_mem>>)
      %dma_wait3A_125 = arith.constant 1 : i32
      %dma_wait3A_126 = arith.constant 0 : i32
      %dma_wait3A_127 = arith.constant 1 : i32
      %dma_wait3A_128 = arith.constant 0 : i32
      %dma_wait3A_129 = tpu.memref_slice %arg6[%dma_wait3A_126, %dma_wait3A_127, %dma_wait3A_128] : memref<2x2x800xi32, #tpu.memory_space<vmem>> -> memref<1x1x800xi32, #tpu.memory_space<vmem>>
      %dma_wait3A_130 = tpu.memref_squeeze %dma_wait3A_129 : memref<1x1x800xi32, #tpu.memory_space<vmem>> -> memref<800xi32, #tpu.memory_space<vmem>>
      %dma_wait3A_131 = tpu.memref_slice %arg3[%dma_wait3A_125, %mul3A_46] : memref<2x3200000xi32, #tpu.memory_space<hbm>> -> memref<1x800xi32, #tpu.memory_space<hbm>>
      %dma_wait3A_132 = tpu.memref_squeeze %dma_wait3A_131 : memref<1x800xi32, #tpu.memory_space<hbm>> -> memref<800xi32, #tpu.memory_space<hbm>>
      %dma_wait3A_133 = arith.constant 0 : i32
      %dma_wait3A_134 = tpu.memref_slice %arg6[%dma_wait3A_126, %dma_wait3A_127, %dma_wait3A_133] : memref<2x2x800xi32, #tpu.memory_space<vmem>> -> memref<1x1x800xi32, #tpu.memory_space<vmem>>
      %dma_wait3A_135 = tpu.memref_squeeze %dma_wait3A_134 : memref<1x1x800xi32, #tpu.memory_space<vmem>> -> memref<800xi32, #tpu.memory_space<vmem>>
      %dma_wait3A_136 = tpu.memref_slice %arg3[%dma_wait3A_125, %mul3A_46] : memref<2x3200000xi32, #tpu.memory_space<hbm>> -> memref<1x800xi32, #tpu.memory_space<hbm>>
      %dma_wait3A_137 = tpu.memref_squeeze %dma_wait3A_136 : memref<1x800xi32, #tpu.memory_space<hbm>> -> memref<800xi32, #tpu.memory_space<hbm>>
      tpu.wait_dma2 semaphore(%arg9 : memref<!tpu.dma_semaphore, #tpu.memory_space<semaphore_mem>>) src(%dma_wait3A_137 : memref<800xi32, #tpu.memory_space<hbm>>) dst(%dma_wait3A_135 : memref<800xi32, #tpu.memory_space<vmem>>)
      %dma_wait3A_138 = arith.constant 0 : i32
      %dma_wait3A_139 = arith.constant 1 : i32
      %dma_wait3A_140 = arith.constant 0 : i32
      %dma_wait3A_141 = arith.constant 0 : i32
      %dma_wait3A_142 = tpu.memref_slice %arg6[%dma_wait3A_139, %dma_wait3A_140, %dma_wait3A_141] : memref<2x2x800xi32, #tpu.memory_space<vmem>> -> memref<1x1x800xi32, #tpu.memory_space<vmem>>
      %dma_wait3A_143 = tpu.memref_squeeze %dma_wait3A_142 : memref<1x1x800xi32, #tpu.memory_space<vmem>> -> memref<800xi32, #tpu.memory_space<vmem>>
      %dma_wait3A_144 = tpu.memref_slice %arg3[%dma_wait3A_138, %add3A_48] : memref<2x3200000xi32, #tpu.memory_space<hbm>> -> memref<1x800xi32, #tpu.memory_space<hbm>>
      %dma_wait3A_145 = tpu.memref_squeeze %dma_wait3A_144 : memref<1x800xi32, #tpu.memory_space<hbm>> -> memref<800xi32, #tpu.memory_space<hbm>>
      %dma_wait3A_146 = arith.constant 0 : i32
      %dma_wait3A_147 = tpu.memref_slice %arg6[%dma_wait3A_139, %dma_wait3A_140, %dma_wait3A_146] : memref<2x2x800xi32, #tpu.memory_space<vmem>> -> memref<1x1x800xi32, #tpu.memory_space<vmem>>
      %dma_wait3A_148 = tpu.memref_squeeze %dma_wait3A_147 : memref<1x1x800xi32, #tpu.memory_space<vmem>> -> memref<800xi32, #tpu.memory_space<vmem>>
      %dma_wait3A_149 = tpu.memref_slice %arg3[%dma_wait3A_138, %add3A_48] : memref<2x3200000xi32, #tpu.memory_space<hbm>> -> memref<1x800xi32, #tpu.memory_space<hbm>>
      %dma_wait3A_150 = tpu.memref_squeeze %dma_wait3A_149 : memref<1x800xi32, #tpu.memory_space<hbm>> -> memref<800xi32, #tpu.memory_space<hbm>>
      tpu.wait_dma2 semaphore(%arg9 : memref<!tpu.dma_semaphore, #tpu.memory_space<semaphore_mem>>) src(%dma_wait3A_150 : memref<800xi32, #tpu.memory_space<hbm>>) dst(%dma_wait3A_148 : memref<800xi32, #tpu.memory_space<vmem>>)
      %dma_wait3A_151 = arith.constant 1 : i32
      %dma_wait3A_152 = arith.constant 1 : i32
      %dma_wait3A_153 = arith.constant 1 : i32
      %dma_wait3A_154 = arith.constant 0 : i32
      %dma_wait3A_155 = tpu.memref_slice %arg6[%dma_wait3A_152, %dma_wait3A_153, %dma_wait3A_154] : memref<2x2x800xi32, #tpu.memory_space<vmem>> -> memref<1x1x800xi32, #tpu.memory_space<vmem>>
      %dma_wait3A_156 = tpu.memref_squeeze %dma_wait3A_155 : memref<1x1x800xi32, #tpu.memory_space<vmem>> -> memref<800xi32, #tpu.memory_space<vmem>>
      %dma_wait3A_157 = tpu.memref_slice %arg3[%dma_wait3A_151, %add3A_48] : memref<2x3200000xi32, #tpu.memory_space<hbm>> -> memref<1x800xi32, #tpu.memory_space<hbm>>
      %dma_wait3A_158 = tpu.memref_squeeze %dma_wait3A_157 : memref<1x800xi32, #tpu.memory_space<hbm>> -> memref<800xi32, #tpu.memory_space<hbm>>
      %dma_wait3A_159 = arith.constant 0 : i32
      %dma_wait3A_160 = tpu.memref_slice %arg6[%dma_wait3A_152, %dma_wait3A_153, %dma_wait3A_159] : memref<2x2x800xi32, #tpu.memory_space<vmem>> -> memref<1x1x800xi32, #tpu.memory_space<vmem>>
      %dma_wait3A_161 = tpu.memref_squeeze %dma_wait3A_160 : memref<1x1x800xi32, #tpu.memory_space<vmem>> -> memref<800xi32, #tpu.memory_space<vmem>>
      %dma_wait3A_162 = tpu.memref_slice %arg3[%dma_wait3A_151, %add3A_48] : memref<2x3200000xi32, #tpu.memory_space<hbm>> -> memref<1x800xi32, #tpu.memory_space<hbm>>
      %dma_wait3A_163 = tpu.memref_squeeze %dma_wait3A_162 : memref<1x800xi32, #tpu.memory_space<hbm>> -> memref<800xi32, #tpu.memory_space<hbm>>
      tpu.wait_dma2 semaphore(%arg9 : memref<!tpu.dma_semaphore, #tpu.memory_space<semaphore_mem>>) src(%dma_wait3A_163 : memref<800xi32, #tpu.memory_space<hbm>>) dst(%dma_wait3A_161 : memref<800xi32, #tpu.memory_space<vmem>>)
      %dma_wait3A_164 = arith.constant 0 : i32
      %dma_wait3A_165 = arith.constant 0 : i32
      %dma_wait3A_166 = arith.constant 0 : i32
      %dma_wait3A_167 = arith.constant 0 : i32
      %dma_wait3A_168 = arith.constant 0 : i32
      %dma_wait3A_169 = tpu.memref_slice %arg7[%dma_wait3A_166, %dma_wait3A_167, %dma_wait3A_168] : memref<2x800x16xf32, #tpu.memory_space<vmem>> -> memref<1x800x16xf32, #tpu.memory_space<vmem>>
      %dma_wait3A_170 = tpu.memref_squeeze %dma_wait3A_169 : memref<1x800x16xf32, #tpu.memory_space<vmem>> -> memref<800x16xf32, #tpu.memory_space<vmem>>
      %dma_wait3A_171 = arith.constant 0 : i32
      %dma_wait3A_172 = tpu.memref_slice %arg6[%dma_wait3A_164, %dma_wait3A_165, %dma_wait3A_171] : memref<2x2x800xi32, #tpu.memory_space<vmem>> -> memref<1x1x800xi32, #tpu.memory_space<vmem>>
      %dma_wait3A_173 = tpu.memref_squeeze %dma_wait3A_172 : memref<1x1x800xi32, #tpu.memory_space<vmem>> -> memref<800xi32, #tpu.memory_space<vmem>>
      %dma_wait3A_174 = arith.constant 0 : i32
      %dma_wait3A_175 = arith.constant 0 : i32
      %dma_wait3A_176 = tpu.memref_slice %arg2[%dma_wait3A_174, %dma_wait3A_175] : memref<100096x16xf32, #tpu.memory_space<hbm>> -> memref<100096x16xf32, #tpu.memory_space<hbm>>
      tpu.wait_indirect_dma semaphore(%arg10 : memref<!tpu.dma_semaphore, #tpu.memory_space<semaphore_mem>>) src(%dma_wait3A_176 : memref<100096x16xf32, #tpu.memory_space<hbm>>) dst(%dma_wait3A_170 : memref<800x16xf32, #tpu.memory_space<vmem>>)
      %dma_start3A_177 = arith.constant 0 : i32
      %dma_start3A_178 = arith.constant 0 : i32
      %dma_start3A_179 = arith.constant 1 : i32
      %dma_start3A_180 = arith.constant 0 : i32
      %dma_start3A_181 = arith.constant 0 : i32
      %dma_start3A_182 = tpu.memref_slice %arg7[%dma_start3A_177, %dma_start3A_180, %dma_start3A_181] : memref<2x800x16xf32, #tpu.memory_space<vmem>> -> memref<1x800x16xf32, #tpu.memory_space<vmem>>
      %dma_start3A_183 = tpu.memref_squeeze %dma_start3A_182 : memref<1x800x16xf32, #tpu.memory_space<vmem>> -> memref<800x16xf32, #tpu.memory_space<vmem>>
      %dma_start3A_184 = arith.constant 0 : i32
      %dma_start3A_185 = tpu.memref_slice %arg6[%dma_start3A_178, %dma_start3A_179, %dma_start3A_184] : memref<2x2x800xi32, #tpu.memory_space<vmem>> -> memref<1x1x800xi32, #tpu.memory_space<vmem>>
      %dma_start3A_186 = tpu.memref_squeeze %dma_start3A_185 : memref<1x1x800xi32, #tpu.memory_space<vmem>> -> memref<800xi32, #tpu.memory_space<vmem>>
      %dma_start3A_187 = arith.constant 0 : i32
      %dma_start3A_188 = arith.constant 0 : i32
      %dma_start3A_189 = tpu.memref_slice %arg8[%dma_start3A_187, %dma_start3A_188] : memref<100096x16xf32, #tpu.memory_space<vmem_shared>> -> memref<100096x16xf32, #tpu.memory_space<vmem_shared>>
      tpu.enqueue_indirect_dma source(%dma_start3A_183 : memref<800x16xf32, #tpu.memory_space<vmem>>) target(%dma_start3A_189 : memref<100096x16xf32, #tpu.memory_space<vmem_shared>>) offsets(%dma_start3A_186 : memref<800xi32, #tpu.memory_space<vmem>>) semaphore(%arg11 : memref<!tpu.dma_semaphore, #tpu.memory_space<semaphore_mem>>) {add = true}
      %dma_start3A_190 = arith.constant 1 : i32
      %dma_start3A_191 = arith.constant 0 : i32
      %dma_start3A_192 = arith.constant 1 : i32
      %dma_start3A_193 = arith.constant 0 : i32
      %dma_start3A_194 = arith.constant 0 : i32
      %dma_start3A_195 = tpu.memref_slice %arg7[%dma_start3A_192, %dma_start3A_193, %dma_start3A_194] : memref<2x800x16xf32, #tpu.memory_space<vmem>> -> memref<1x800x16xf32, #tpu.memory_space<vmem>>
      %dma_start3A_196 = tpu.memref_squeeze %dma_start3A_195 : memref<1x800x16xf32, #tpu.memory_space<vmem>> -> memref<800x16xf32, #tpu.memory_space<vmem>>
      %dma_start3A_197 = arith.constant 0 : i32
      %dma_start3A_198 = tpu.memref_slice %arg6[%dma_start3A_190, %dma_start3A_191, %dma_start3A_197] : memref<2x2x800xi32, #tpu.memory_space<vmem>> -> memref<1x1x800xi32, #tpu.memory_space<vmem>>
      %dma_start3A_199 = tpu.memref_squeeze %dma_start3A_198 : memref<1x1x800xi32, #tpu.memory_space<vmem>> -> memref<800xi32, #tpu.memory_space<vmem>>
      %dma_start3A_200 = arith.constant 0 : i32
      %dma_start3A_201 = arith.constant 0 : i32
      %dma_start3A_202 = tpu.memref_slice %arg2[%dma_start3A_200, %dma_start3A_201] : memref<100096x16xf32, #tpu.memory_space<hbm>> -> memref<100096x16xf32, #tpu.memory_space<hbm>>
      tpu.enqueue_indirect_dma source(%dma_start3A_202 : memref<100096x16xf32, #tpu.memory_space<hbm>>) target(%dma_start3A_196 : memref<800x16xf32, #tpu.memory_space<vmem>>) offsets(%dma_start3A_199 : memref<800xi32, #tpu.memory_space<vmem>>) semaphore(%arg10 : memref<!tpu.dma_semaphore, #tpu.memory_space<semaphore_mem>>)
      %dma_wait3A_203 = arith.constant 1 : i32
      %dma_wait3A_204 = arith.constant 0 : i32
      %dma_wait3A_205 = arith.constant 1 : i32
      %dma_wait3A_206 = arith.constant 0 : i32
      %dma_wait3A_207 = arith.constant 0 : i32
      %dma_wait3A_208 = tpu.memref_slice %arg7[%dma_wait3A_205, %dma_wait3A_206, %dma_wait3A_207] : memref<2x800x16xf32, #tpu.memory_space<vmem>> -> memref<1x800x16xf32, #tpu.memory_space<vmem>>
      %dma_wait3A_209 = tpu.memref_squeeze %dma_wait3A_208 : memref<1x800x16xf32, #tpu.memory_space<vmem>> -> memref<800x16xf32, #tpu.memory_space<vmem>>
      %dma_wait3A_210 = arith.constant 0 : i32
      %dma_wait3A_211 = tpu.memref_slice %arg6[%dma_wait3A_203, %dma_wait3A_204, %dma_wait3A_210] : memref<2x2x800xi32, #tpu.memory_space<vmem>> -> memref<1x1x800xi32, #tpu.memory_space<vmem>>
      %dma_wait3A_212 = tpu.memref_squeeze %dma_wait3A_211 : memref<1x1x800xi32, #tpu.memory_space<vmem>> -> memref<800xi32, #tpu.memory_space<vmem>>
      %dma_wait3A_213 = arith.constant 0 : i32
      %dma_wait3A_214 = arith.constant 0 : i32
      %dma_wait3A_215 = tpu.memref_slice %arg2[%dma_wait3A_213, %dma_wait3A_214] : memref<100096x16xf32, #tpu.memory_space<hbm>> -> memref<100096x16xf32, #tpu.memory_space<hbm>>
      tpu.wait_indirect_dma semaphore(%arg10 : memref<!tpu.dma_semaphore, #tpu.memory_space<semaphore_mem>>) src(%dma_wait3A_215 : memref<100096x16xf32, #tpu.memory_space<hbm>>) dst(%dma_wait3A_209 : memref<800x16xf32, #tpu.memory_space<vmem>>)
      %dma_start3A_216 = arith.constant 1 : i32
      %dma_start3A_217 = arith.constant 1 : i32
      %dma_start3A_218 = arith.constant 1 : i32
      %dma_start3A_219 = arith.constant 0 : i32
      %dma_start3A_220 = arith.constant 0 : i32
      %dma_start3A_221 = tpu.memref_slice %arg7[%dma_start3A_216, %dma_start3A_219, %dma_start3A_220] : memref<2x800x16xf32, #tpu.memory_space<vmem>> -> memref<1x800x16xf32, #tpu.memory_space<vmem>>
      %dma_start3A_222 = tpu.memref_squeeze %dma_start3A_221 : memref<1x800x16xf32, #tpu.memory_space<vmem>> -> memref<800x16xf32, #tpu.memory_space<vmem>>
      %dma_start3A_223 = arith.constant 0 : i32
      %dma_start3A_224 = tpu.memref_slice %arg6[%dma_start3A_217, %dma_start3A_218, %dma_start3A_223] : memref<2x2x800xi32, #tpu.memory_space<vmem>> -> memref<1x1x800xi32, #tpu.memory_space<vmem>>
      %dma_start3A_225 = tpu.memref_squeeze %dma_start3A_224 : memref<1x1x800xi32, #tpu.memory_space<vmem>> -> memref<800xi32, #tpu.memory_space<vmem>>
      %dma_start3A_226 = arith.constant 0 : i32
      %dma_start3A_227 = arith.constant 0 : i32
      %dma_start3A_228 = tpu.memref_slice %arg8[%dma_start3A_226, %dma_start3A_227] : memref<100096x16xf32, #tpu.memory_space<vmem_shared>> -> memref<100096x16xf32, #tpu.memory_space<vmem_shared>>
      tpu.enqueue_indirect_dma source(%dma_start3A_222 : memref<800x16xf32, #tpu.memory_space<vmem>>) target(%dma_start3A_228 : memref<100096x16xf32, #tpu.memory_space<vmem_shared>>) offsets(%dma_start3A_225 : memref<800xi32, #tpu.memory_space<vmem>>) semaphore(%arg11 : memref<!tpu.dma_semaphore, #tpu.memory_space<semaphore_mem>>) {add = true}
      %dma_wait3A_229 = arith.constant 0 : i32
      %dma_wait3A_230 = arith.constant 0 : i32
      %dma_wait3A_231 = arith.constant 1 : i32
      %dma_wait3A_232 = arith.constant 0 : i32
      %dma_wait3A_233 = arith.constant 0 : i32
      %dma_wait3A_234 = tpu.memref_slice %arg7[%dma_wait3A_229, %dma_wait3A_232, %dma_wait3A_233] : memref<2x800x16xf32, #tpu.memory_space<vmem>> -> memref<1x800x16xf32, #tpu.memory_space<vmem>>
      %dma_wait3A_235 = tpu.memref_squeeze %dma_wait3A_234 : memref<1x800x16xf32, #tpu.memory_space<vmem>> -> memref<800x16xf32, #tpu.memory_space<vmem>>
      %dma_wait3A_236 = arith.constant 0 : i32
      %dma_wait3A_237 = tpu.memref_slice %arg6[%dma_wait3A_230, %dma_wait3A_231, %dma_wait3A_236] : memref<2x2x800xi32, #tpu.memory_space<vmem>> -> memref<1x1x800xi32, #tpu.memory_space<vmem>>
      %dma_wait3A_238 = tpu.memref_squeeze %dma_wait3A_237 : memref<1x1x800xi32, #tpu.memory_space<vmem>> -> memref<800xi32, #tpu.memory_space<vmem>>
      %dma_wait3A_239 = arith.constant 0 : i32
      %dma_wait3A_240 = arith.constant 0 : i32
      %dma_wait3A_241 = tpu.memref_slice %arg8[%dma_wait3A_239, %dma_wait3A_240] : memref<100096x16xf32, #tpu.memory_space<vmem_shared>> -> memref<100096x16xf32, #tpu.memory_space<vmem_shared>>
      tpu.wait_indirect_dma semaphore(%arg11 : memref<!tpu.dma_semaphore, #tpu.memory_space<semaphore_mem>>) src(%dma_wait3A_235 : memref<800x16xf32, #tpu.memory_space<vmem>>) dst(%dma_wait3A_241 : memref<100096x16xf32, #tpu.memory_space<vmem_shared>>)
      %dma_wait3A_242 = arith.constant 1 : i32
      %dma_wait3A_243 = arith.constant 1 : i32
      %dma_wait3A_244 = arith.constant 1 : i32
      %dma_wait3A_245 = arith.constant 0 : i32
      %dma_wait3A_246 = arith.constant 0 : i32
      %dma_wait3A_247 = tpu.memref_slice %arg7[%dma_wait3A_242, %dma_wait3A_245, %dma_wait3A_246] : memref<2x800x16xf32, #tpu.memory_space<vmem>> -> memref<1x800x16xf32, #tpu.memory_space<vmem>>
      %dma_wait3A_248 = tpu.memref_squeeze %dma_wait3A_247 : memref<1x800x16xf32, #tpu.memory_space<vmem>> -> memref<800x16xf32, #tpu.memory_space<vmem>>
      %dma_wait3A_249 = arith.constant 0 : i32
      %dma_wait3A_250 = tpu.memref_slice %arg6[%dma_wait3A_243, %dma_wait3A_244, %dma_wait3A_249] : memref<2x2x800xi32, #tpu.memory_space<vmem>> -> memref<1x1x800xi32, #tpu.memory_space<vmem>>
      %dma_wait3A_251 = tpu.memref_squeeze %dma_wait3A_250 : memref<1x1x800xi32, #tpu.memory_space<vmem>> -> memref<800xi32, #tpu.memory_space<vmem>>
      %dma_wait3A_252 = arith.constant 0 : i32
      %dma_wait3A_253 = arith.constant 0 : i32
      %dma_wait3A_254 = tpu.memref_slice %arg8[%dma_wait3A_252, %dma_wait3A_253] : memref<100096x16xf32, #tpu.memory_space<vmem_shared>> -> memref<100096x16xf32, #tpu.memory_space<vmem_shared>>
      tpu.wait_indirect_dma semaphore(%arg11 : memref<!tpu.dma_semaphore, #tpu.memory_space<semaphore_mem>>) src(%dma_wait3A_248 : memref<800x16xf32, #tpu.memory_space<vmem>>) dst(%dma_wait3A_254 : memref<100096x16xf32, #tpu.memory_space<vmem_shared>>)
    }
    %while3A_32 = arith.constant 1 : i32
    scf.for %while3A_41 = %while3A_30 to %while3A_26 step %while3A_32  : i32 {
      %mul3A_42 = arith.constant 2 : i32
      %mul3A_43 = arith.muli %mul3A_42, %while3A_41 : i32
      %add3A_44 = arith.addi %mul3A_4, %mul3A_43 : i32
      %mul3A_45 = arith.constant 800 : i32
      %mul3A_46 = arith.muli %add3A_44, %mul3A_45 : i32
      %add3A_47 = arith.constant 800 : i32
      %add3A_48 = arith.addi %mul3A_46, %add3A_47 : i32
      %dma_start3A = arith.constant 0 : i32
      %dma_start3A_49 = arith.constant 0 : i32
      %dma_start3A_50 = arith.constant 0 : i32
      %dma_start3A_51 = arith.constant 0 : i32
      %dma_start3A_52 = tpu.memref_slice %arg6[%dma_start3A_49, %dma_start3A_50, %dma_start3A_51] : memref<2x2x800xi32, #tpu.memory_space<vmem>> -> memref<1x1x800xi32, #tpu.memory_space<vmem>>
      %dma_start3A_53 = tpu.memref_squeeze %dma_start3A_52 : memref<1x1x800xi32, #tpu.memory_space<vmem>> -> memref<800xi32, #tpu.memory_space<vmem>>
      %dma_start3A_54 = tpu.memref_slice %arg3[%dma_start3A, %mul3A_46] : memref<2x3200000xi32, #tpu.memory_space<hbm>> -> memref<1x800xi32, #tpu.memory_space<hbm>>
      %dma_start3A_55 = tpu.memref_squeeze %dma_start3A_54 : memref<1x800xi32, #tpu.memory_space<hbm>> -> memref<800xi32, #tpu.memory_space<hbm>>
      %dma_start3A_56 = arith.constant 0 : i32
      %dma_start3A_57 = tpu.memref_slice %arg6[%dma_start3A_49, %dma_start3A_50, %dma_start3A_56] : memref<2x2x800xi32, #tpu.memory_space<vmem>> -> memref<1x1x800xi32, #tpu.memory_space<vmem>>
      %dma_start3A_58 = tpu.memref_squeeze %dma_start3A_57 : memref<1x1x800xi32, #tpu.memory_space<vmem>> -> memref<800xi32, #tpu.memory_space<vmem>>
      %dma_start3A_59 = tpu.memref_slice %arg3[%dma_start3A, %mul3A_46] : memref<2x3200000xi32, #tpu.memory_space<hbm>> -> memref<1x800xi32, #tpu.memory_space<hbm>>
      %dma_start3A_60 = tpu.memref_squeeze %dma_start3A_59 : memref<1x800xi32, #tpu.memory_space<hbm>> -> memref<800xi32, #tpu.memory_space<hbm>>
      tpu.enqueue_dma source(%dma_start3A_60 : memref<800xi32, #tpu.memory_space<hbm>>) target(%dma_start3A_58 : memref<800xi32, #tpu.memory_space<vmem>>) target_semaphore(%arg9 : memref<!tpu.dma_semaphore, #tpu.memory_space<semaphore_mem>>)
      %dma_start3A_61 = arith.constant 1 : i32
      %dma_start3A_62 = arith.constant 0 : i32
      %dma_start3A_63 = arith.constant 1 : i32
      %dma_start3A_64 = arith.constant 0 : i32
      %dma_start3A_65 = tpu.memref_slice %arg6[%dma_start3A_62, %dma_start3A_63, %dma_start3A_64] : memref<2x2x800xi32, #tpu.memory_space<vmem>> -> memref<1x1x800xi32, #tpu.memory_space<vmem>>
      %dma_start3A_66 = tpu.memref_squeeze %dma_start3A_65 : memref<1x1x800xi32, #tpu.memory_space<vmem>> -> memref<800xi32, #tpu.memory_space<vmem>>
      %dma_start3A_67 = tpu.memref_slice %arg3[%dma_start3A_61, %mul3A_46] : memref<2x3200000xi32, #tpu.memory_space<hbm>> -> memref<1x800xi32, #tpu.memory_space<hbm>>
      %dma_start3A_68 = tpu.memref_squeeze %dma_start3A_67 : memref<1x800xi32, #tpu.memory_space<hbm>> -> memref<800xi32, #tpu.memory_space<hbm>>
      %dma_start3A_69 = arith.constant 0 : i32
      %dma_start3A_70 = tpu.memref_slice %arg6[%dma_start3A_62, %dma_start3A_63, %dma_start3A_69] : memref<2x2x800xi32, #tpu.memory_space<vmem>> -> memref<1x1x800xi32, #tpu.memory_space<vmem>>
      %dma_start3A_71 = tpu.memref_squeeze %dma_start3A_70 : memref<1x1x800xi32, #tpu.memory_space<vmem>> -> memref<800xi32, #tpu.memory_space<vmem>>
      %dma_start3A_72 = tpu.memref_slice %arg3[%dma_start3A_61, %mul3A_46] : memref<2x3200000xi32, #tpu.memory_space<hbm>> -> memref<1x800xi32, #tpu.memory_space<hbm>>
      %dma_start3A_73 = tpu.memref_squeeze %dma_start3A_72 : memref<1x800xi32, #tpu.memory_space<hbm>> -> memref<800xi32, #tpu.memory_space<hbm>>
      tpu.enqueue_dma source(%dma_start3A_73 : memref<800xi32, #tpu.memory_space<hbm>>) target(%dma_start3A_71 : memref<800xi32, #tpu.memory_space<vmem>>) target_semaphore(%arg9 : memref<!tpu.dma_semaphore, #tpu.memory_space<semaphore_mem>>)
      %dma_start3A_74 = arith.constant 0 : i32
      %dma_start3A_75 = arith.constant 1 : i32
      %dma_start3A_76 = arith.constant 0 : i32
      %dma_start3A_77 = arith.constant 0 : i32
      %dma_start3A_78 = tpu.memref_slice %arg6[%dma_start3A_75, %dma_start3A_76, %dma_start3A_77] : memref<2x2x800xi32, #tpu.memory_space<vmem>> -> memref<1x1x800xi32, #tpu.memory_space<vmem>>
      %dma_start3A_79 = tpu.memref_squeeze %dma_start3A_78 : memref<1x1x800xi32, #tpu.memory_space<vmem>> -> memref<800xi32, #tpu.memory_space<vmem>>
      %dma_start3A_80 = tpu.memref_slice %arg3[%dma_start3A_74, %add3A_48] : memref<2x3200000xi32, #tpu.memory_space<hbm>> -> memref<1x800xi32, #tpu.memory_space<hbm>>
      %dma_start3A_81 = tpu.memref_squeeze %dma_start3A_80 : memref<1x800xi32, #tpu.memory_space<hbm>> -> memref<800xi32, #tpu.memory_space<hbm>>
      %dma_start3A_82 = arith.constant 0 : i32
      %dma_start3A_83 = tpu.memref_slice %arg6[%dma_start3A_75, %dma_start3A_76, %dma_start3A_82] : memref<2x2x800xi32, #tpu.memory_space<vmem>> -> memref<1x1x800xi32, #tpu.memory_space<vmem>>
      %dma_start3A_84 = tpu.memref_squeeze %dma_start3A_83 : memref<1x1x800xi32, #tpu.memory_space<vmem>> -> memref<800xi32, #tpu.memory_space<vmem>>
      %dma_start3A_85 = tpu.memref_slice %arg3[%dma_start3A_74, %add3A_48] : memref<2x3200000xi32, #tpu.memory_space<hbm>> -> memref<1x800xi32, #tpu.memory_space<hbm>>
      %dma_start3A_86 = tpu.memref_squeeze %dma_start3A_85 : memref<1x800xi32, #tpu.memory_space<hbm>> -> memref<800xi32, #tpu.memory_space<hbm>>
      tpu.enqueue_dma source(%dma_start3A_86 : memref<800xi32, #tpu.memory_space<hbm>>) target(%dma_start3A_84 : memref<800xi32, #tpu.memory_space<vmem>>) target_semaphore(%arg9 : memref<!tpu.dma_semaphore, #tpu.memory_space<semaphore_mem>>)
      %dma_start3A_87 = arith.constant 1 : i32
      %dma_start3A_88 = arith.constant 1 : i32
      %dma_start3A_89 = arith.constant 1 : i32
      %dma_start3A_90 = arith.constant 0 : i32
      %dma_start3A_91 = tpu.memref_slice %arg6[%dma_start3A_88, %dma_start3A_89, %dma_start3A_90] : memref<2x2x800xi32, #tpu.memory_space<vmem>> -> memref<1x1x800xi32, #tpu.memory_space<vmem>>
      %dma_start3A_92 = tpu.memref_squeeze %dma_start3A_91 : memref<1x1x800xi32, #tpu.memory_space<vmem>> -> memref<800xi32, #tpu.memory_space<vmem>>
      %dma_start3A_93 = tpu.memref_slice %arg3[%dma_start3A_87, %add3A_48] : memref<2x3200000xi32, #tpu.memory_space<hbm>> -> memref<1x800xi32, #tpu.memory_space<hbm>>
      %dma_start3A_94 = tpu.memref_squeeze %dma_start3A_93 : memref<1x800xi32, #tpu.memory_space<hbm>> -> memref<800xi32, #tpu.memory_space<hbm>>
      %dma_start3A_95 = arith.constant 0 : i32
      %dma_start3A_96 = tpu.memref_slice %arg6[%dma_start3A_88, %dma_start3A_89, %dma_start3A_95] : memref<2x2x800xi32, #tpu.memory_space<vmem>> -> memref<1x1x800xi32, #tpu.memory_space<vmem>>
      %dma_start3A_97 = tpu.memref_squeeze %dma_start3A_96 : memref<1x1x800xi32, #tpu.memory_space<vmem>> -> memref<800xi32, #tpu.memory_space<vmem>>
      %dma_start3A_98 = tpu.memref_slice %arg3[%dma_start3A_87, %add3A_48] : memref<2x3200000xi32, #tpu.memory_space<hbm>> -> memref<1x800xi32, #tpu.memory_space<hbm>>
      %dma_start3A_99 = tpu.memref_squeeze %dma_start3A_98 : memref<1x800xi32, #tpu.memory_space<hbm>> -> memref<800xi32, #tpu.memory_space<hbm>>
      tpu.enqueue_dma source(%dma_start3A_99 : memref<800xi32, #tpu.memory_space<hbm>>) target(%dma_start3A_97 : memref<800xi32, #tpu.memory_space<vmem>>) target_semaphore(%arg9 : memref<!tpu.dma_semaphore, #tpu.memory_space<semaphore_mem>>)
      %dma_wait3A = arith.constant 0 : i32
      %dma_wait3A_100 = arith.constant 0 : i32
      %dma_wait3A_101 = arith.constant 0 : i32
      %dma_wait3A_102 = arith.constant 0 : i32
      %dma_wait3A_103 = tpu.memref_slice %arg6[%dma_wait3A_100, %dma_wait3A_101, %dma_wait3A_102] : memref<2x2x800xi32, #tpu.memory_space<vmem>> -> memref<1x1x800xi32, #tpu.memory_space<vmem>>
      %dma_wait3A_104 = tpu.memref_squeeze %dma_wait3A_103 : memref<1x1x800xi32, #tpu.memory_space<vmem>> -> memref<800xi32, #tpu.memory_space<vmem>>
      %dma_wait3A_105 = tpu.memref_slice %arg3[%dma_wait3A, %mul3A_46] : memref<2x3200000xi32, #tpu.memory_space<hbm>> -> memref<1x800xi32, #tpu.memory_space<hbm>>
      %dma_wait3A_106 = tpu.memref_squeeze %dma_wait3A_105 : memref<1x800xi32, #tpu.memory_space<hbm>> -> memref<800xi32, #tpu.memory_space<hbm>>
      %dma_wait3A_107 = arith.constant 0 : i32
      %dma_wait3A_108 = tpu.memref_slice %arg6[%dma_wait3A_100, %dma_wait3A_101, %dma_wait3A_107] : memref<2x2x800xi32, #tpu.memory_space<vmem>> -> memref<1x1x800xi32, #tpu.memory_space<vmem>>
      %dma_wait3A_109 = tpu.memref_squeeze %dma_wait3A_108 : memref<1x1x800xi32, #tpu.memory_space<vmem>> -> memref<800xi32, #tpu.memory_space<vmem>>
      %dma_wait3A_110 = tpu.memref_slice %arg3[%dma_wait3A, %mul3A_46] : memref<2x3200000xi32, #tpu.memory_space<hbm>> -> memref<1x800xi32, #tpu.memory_space<hbm>>
      %dma_wait3A_111 = tpu.memref_squeeze %dma_wait3A_110 : memref<1x800xi32, #tpu.memory_space<hbm>> -> memref<800xi32, #tpu.memory_space<hbm>>
      tpu.wait_dma2 semaphore(%arg9 : memref<!tpu.dma_semaphore, #tpu.memory_space<semaphore_mem>>) src(%dma_wait3A_111 : memref<800xi32, #tpu.memory_space<hbm>>) dst(%dma_wait3A_109 : memref<800xi32, #tpu.memory_space<vmem>>)
      %dma_start3A_112 = arith.constant 0 : i32
      %dma_start3A_113 = arith.constant 0 : i32
      %dma_start3A_114 = arith.constant 0 : i32
      %dma_start3A_115 = arith.constant 0 : i32
      %dma_start3A_116 = arith.constant 0 : i32
      %dma_start3A_117 = tpu.memref_slice %arg7[%dma_start3A_114, %dma_start3A_115, %dma_start3A_116] : memref<2x800x16xf32, #tpu.memory_space<vmem>> -> memref<1x800x16xf32, #tpu.memory_space<vmem>>
      %dma_start3A_118 = tpu.memref_squeeze %dma_start3A_117 : memref<1x800x16xf32, #tpu.memory_space<vmem>> -> memref<800x16xf32, #tpu.memory_space<vmem>>
      %dma_start3A_119 = arith.constant 0 : i32
      %dma_start3A_120 = tpu.memref_slice %arg6[%dma_start3A_112, %dma_start3A_113, %dma_start3A_119] : memref<2x2x800xi32, #tpu.memory_space<vmem>> -> memref<1x1x800xi32, #tpu.memory_space<vmem>>
      %dma_start3A_121 = tpu.memref_squeeze %dma_start3A_120 : memref<1x1x800xi32, #tpu.memory_space<vmem>> -> memref<800xi32, #tpu.memory_space<vmem>>
      %dma_start3A_122 = arith.constant 0 : i32
      %dma_start3A_123 = arith.constant 0 : i32
      %dma_start3A_124 = tpu.memref_slice %arg2[%dma_start3A_122, %dma_start3A_123] : memref<100096x16xf32, #tpu.memory_space<hbm>> -> memref<100096x16xf32, #tpu.memory_space<hbm>>
      tpu.enqueue_indirect_dma source(%dma_start3A_124 : memref<100096x16xf32, #tpu.memory_space<hbm>>) target(%dma_start3A_118 : memref<800x16xf32, #tpu.memory_space<vmem>>) offsets(%dma_start3A_121 : memref<800xi32, #tpu.memory_space<vmem>>) semaphore(%arg10 : memref<!tpu.dma_semaphore, #tpu.memory_space<semaphore_mem>>)
      %dma_wait3A_125 = arith.constant 1 : i32
      %dma_wait3A_126 = arith.constant 0 : i32
      %dma_wait3A_127 = arith.constant 1 : i32
      %dma_wait3A_128 = arith.constant 0 : i32
      %dma_wait3A_129 = tpu.memref_slice %arg6[%dma_wait3A_126, %dma_wait3A_127, %dma_wait3A_128] : memref<2x2x800xi32, #tpu.memory_space<vmem>> -> memref<1x1x800xi32, #tpu.memory_space<vmem>>
      %dma_wait3A_130 = tpu.memref_squeeze %dma_wait3A_129 : memref<1x1x800xi32, #tpu.memory_space<vmem>> -> memref<800xi32, #tpu.memory_space<vmem>>
      %dma_wait3A_131 = tpu.memref_slice %arg3[%dma_wait3A_125, %mul3A_46] : memref<2x3200000xi32, #tpu.memory_space<hbm>> -> memref<1x800xi32, #tpu.memory_space<hbm>>
      %dma_wait3A_132 = tpu.memref_squeeze %dma_wait3A_131 : memref<1x800xi32, #tpu.memory_space<hbm>> -> memref<800xi32, #tpu.memory_space<hbm>>
      %dma_wait3A_133 = arith.constant 0 : i32
      %dma_wait3A_134 = tpu.memref_slice %arg6[%dma_wait3A_126, %dma_wait3A_127, %dma_wait3A_133] : memref<2x2x800xi32, #tpu.memory_space<vmem>> -> memref<1x1x800xi32, #tpu.memory_space<vmem>>
      %dma_wait3A_135 = tpu.memref_squeeze %dma_wait3A_134 : memref<1x1x800xi32, #tpu.memory_space<vmem>> -> memref<800xi32, #tpu.memory_space<vmem>>
      %dma_wait3A_136 = tpu.memref_slice %arg3[%dma_wait3A_125, %mul3A_46] : memref<2x3200000xi32, #tpu.memory_space<hbm>> -> memref<1x800xi32, #tpu.memory_space<hbm>>
      %dma_wait3A_137 = tpu.memref_squeeze %dma_wait3A_136 : memref<1x800xi32, #tpu.memory_space<hbm>> -> memref<800xi32, #tpu.memory_space<hbm>>
      tpu.wait_dma2 semaphore(%arg9 : memref<!tpu.dma_semaphore, #tpu.memory_space<semaphore_mem>>) src(%dma_wait3A_137 : memref<800xi32, #tpu.memory_space<hbm>>) dst(%dma_wait3A_135 : memref<800xi32, #tpu.memory_space<vmem>>)
      %dma_wait3A_138 = arith.constant 0 : i32
      %dma_wait3A_139 = arith.constant 1 : i32
      %dma_wait3A_140 = arith.constant 0 : i32
      %dma_wait3A_141 = arith.constant 0 : i32
      %dma_wait3A_142 = tpu.memref_slice %arg6[%dma_wait3A_139, %dma_wait3A_140, %dma_wait3A_141] : memref<2x2x800xi32, #tpu.memory_space<vmem>> -> memref<1x1x800xi32, #tpu.memory_space<vmem>>
      %dma_wait3A_143 = tpu.memref_squeeze %dma_wait3A_142 : memref<1x1x800xi32, #tpu.memory_space<vmem>> -> memref<800xi32, #tpu.memory_space<vmem>>
      %dma_wait3A_144 = tpu.memref_slice %arg3[%dma_wait3A_138, %add3A_48] : memref<2x3200000xi32, #tpu.memory_space<hbm>> -> memref<1x800xi32, #tpu.memory_space<hbm>>
      %dma_wait3A_145 = tpu.memref_squeeze %dma_wait3A_144 : memref<1x800xi32, #tpu.memory_space<hbm>> -> memref<800xi32, #tpu.memory_space<hbm>>
      %dma_wait3A_146 = arith.constant 0 : i32
      %dma_wait3A_147 = tpu.memref_slice %arg6[%dma_wait3A_139, %dma_wait3A_140, %dma_wait3A_146] : memref<2x2x800xi32, #tpu.memory_space<vmem>> -> memref<1x1x800xi32, #tpu.memory_space<vmem>>
      %dma_wait3A_148 = tpu.memref_squeeze %dma_wait3A_147 : memref<1x1x800xi32, #tpu.memory_space<vmem>> -> memref<800xi32, #tpu.memory_space<vmem>>
      %dma_wait3A_149 = tpu.memref_slice %arg3[%dma_wait3A_138, %add3A_48] : memref<2x3200000xi32, #tpu.memory_space<hbm>> -> memref<1x800xi32, #tpu.memory_space<hbm>>
      %dma_wait3A_150 = tpu.memref_squeeze %dma_wait3A_149 : memref<1x800xi32, #tpu.memory_space<hbm>> -> memref<800xi32, #tpu.memory_space<hbm>>
      tpu.wait_dma2 semaphore(%arg9 : memref<!tpu.dma_semaphore, #tpu.memory_space<semaphore_mem>>) src(%dma_wait3A_150 : memref<800xi32, #tpu.memory_space<hbm>>) dst(%dma_wait3A_148 : memref<800xi32, #tpu.memory_space<vmem>>)
      %dma_wait3A_151 = arith.constant 1 : i32
      %dma_wait3A_152 = arith.constant 1 : i32
      %dma_wait3A_153 = arith.constant 1 : i32
      %dma_wait3A_154 = arith.constant 0 : i32
      %dma_wait3A_155 = tpu.memref_slice %arg6[%dma_wait3A_152, %dma_wait3A_153, %dma_wait3A_154] : memref<2x2x800xi32, #tpu.memory_space<vmem>> -> memref<1x1x800xi32, #tpu.memory_space<vmem>>
      %dma_wait3A_156 = tpu.memref_squeeze %dma_wait3A_155 : memref<1x1x800xi32, #tpu.memory_space<vmem>> -> memref<800xi32, #tpu.memory_space<vmem>>
      %dma_wait3A_157 = tpu.memref_slice %arg3[%dma_wait3A_151, %add3A_48] : memref<2x3200000xi32, #tpu.memory_space<hbm>> -> memref<1x800xi32, #tpu.memory_space<hbm>>
      %dma_wait3A_158 = tpu.memref_squeeze %dma_wait3A_157 : memref<1x800xi32, #tpu.memory_space<hbm>> -> memref<800xi32, #tpu.memory_space<hbm>>
      %dma_wait3A_159 = arith.constant 0 : i32
      %dma_wait3A_160 = tpu.memref_slice %arg6[%dma_wait3A_152, %dma_wait3A_153, %dma_wait3A_159] : memref<2x2x800xi32, #tpu.memory_space<vmem>> -> memref<1x1x800xi32, #tpu.memory_space<vmem>>
      %dma_wait3A_161 = tpu.memref_squeeze %dma_wait3A_160 : memref<1x1x800xi32, #tpu.memory_space<vmem>> -> memref<800xi32, #tpu.memory_space<vmem>>
      %dma_wait3A_162 = tpu.memref_slice %arg3[%dma_wait3A_151, %add3A_48] : memref<2x3200000xi32, #tpu.memory_space<hbm>> -> memref<1x800xi32, #tpu.memory_space<hbm>>
      %dma_wait3A_163 = tpu.memref_squeeze %dma_wait3A_162 : memref<1x800xi32, #tpu.memory_space<hbm>> -> memref<800xi32, #tpu.memory_space<hbm>>
      tpu.wait_dma2 semaphore(%arg9 : memref<!tpu.dma_semaphore, #tpu.memory_space<semaphore_mem>>) src(%dma_wait3A_163 : memref<800xi32, #tpu.memory_space<hbm>>) dst(%dma_wait3A_161 : memref<800xi32, #tpu.memory_space<vmem>>)
      %dma_wait3A_164 = arith.constant 0 : i32
      %dma_wait3A_165 = arith.constant 0 : i32
      %dma_wait3A_166 = arith.constant 0 : i32
      %dma_wait3A_167 = arith.constant 0 : i32
      %dma_wait3A_168 = arith.constant 0 : i32
      %dma_wait3A_169 = tpu.memref_slice %arg7[%dma_wait3A_166, %dma_wait3A_167, %dma_wait3A_168] : memref<2x800x16xf32, #tpu.memory_space<vmem>> -> memref<1x800x16xf32, #tpu.memory_space<vmem>>
      %dma_wait3A_170 = tpu.memref_squeeze %dma_wait3A_169 : memref<1x800x16xf32, #tpu.memory_space<vmem>> -> memref<800x16xf32, #tpu.memory_space<vmem>>
      %dma_wait3A_171 = arith.constant 0 : i32
      %dma_wait3A_172 = tpu.memref_slice %arg6[%dma_wait3A_164, %dma_wait3A_165, %dma_wait3A_171] : memref<2x2x800xi32, #tpu.memory_space<vmem>> -> memref<1x1x800xi32, #tpu.memory_space<vmem>>
      %dma_wait3A_173 = tpu.memref_squeeze %dma_wait3A_172 : memref<1x1x800xi32, #tpu.memory_space<vmem>> -> memref<800xi32, #tpu.memory_space<vmem>>
      %dma_wait3A_174 = arith.constant 0 : i32
      %dma_wait3A_175 = arith.constant 0 : i32
      %dma_wait3A_176 = tpu.memref_slice %arg2[%dma_wait3A_174, %dma_wait3A_175] : memref<100096x16xf32, #tpu.memory_space<hbm>> -> memref<100096x16xf32, #tpu.memory_space<hbm>>
      tpu.wait_indirect_dma semaphore(%arg10 : memref<!tpu.dma_semaphore, #tpu.memory_space<semaphore_mem>>) src(%dma_wait3A_176 : memref<100096x16xf32, #tpu.memory_space<hbm>>) dst(%dma_wait3A_170 : memref<800x16xf32, #tpu.memory_space<vmem>>)
      %dma_start3A_177 = arith.constant 0 : i32
      %dma_start3A_178 = arith.constant 0 : i32
      %dma_start3A_179 = arith.constant 1 : i32
      %dma_start3A_180 = arith.constant 0 : i32
      %dma_start3A_181 = arith.constant 0 : i32
      %dma_start3A_182 = tpu.memref_slice %arg7[%dma_start3A_177, %dma_start3A_180, %dma_start3A_181] : memref<2x800x16xf32, #tpu.memory_space<vmem>> -> memref<1x800x16xf32, #tpu.memory_space<vmem>>
      %dma_start3A_183 = tpu.memref_squeeze %dma_start3A_182 : memref<1x800x16xf32, #tpu.memory_space<vmem>> -> memref<800x16xf32, #tpu.memory_space<vmem>>
      %dma_start3A_184 = arith.constant 0 : i32
      %dma_start3A_185 = tpu.memref_slice %arg6[%dma_start3A_178, %dma_start3A_179, %dma_start3A_184] : memref<2x2x800xi32, #tpu.memory_space<vmem>> -> memref<1x1x800xi32, #tpu.memory_space<vmem>>
      %dma_start3A_186 = tpu.memref_squeeze %dma_start3A_185 : memref<1x1x800xi32, #tpu.memory_space<vmem>> -> memref<800xi32, #tpu.memory_space<vmem>>
      %dma_start3A_187 = arith.constant 0 : i32
      %dma_start3A_188 = arith.constant 0 : i32
      %dma_start3A_189 = tpu.memref_slice %arg8[%dma_start3A_187, %dma_start3A_188] : memref<100096x16xf32, #tpu.memory_space<vmem_shared>> -> memref<100096x16xf32, #tpu.memory_space<vmem_shared>>
      tpu.enqueue_indirect_dma source(%dma_start3A_183 : memref<800x16xf32, #tpu.memory_space<vmem>>) target(%dma_start3A_189 : memref<100096x16xf32, #tpu.memory_space<vmem_shared>>) offsets(%dma_start3A_186 : memref<800xi32, #tpu.memory_space<vmem>>) semaphore(%arg11 : memref<!tpu.dma_semaphore, #tpu.memory_space<semaphore_mem>>) {add = true}
      %dma_start3A_190 = arith.constant 1 : i32
      %dma_start3A_191 = arith.constant 0 : i32
      %dma_start3A_192 = arith.constant 1 : i32
      %dma_start3A_193 = arith.constant 0 : i32
      %dma_start3A_194 = arith.constant 0 : i32
      %dma_start3A_195 = tpu.memref_slice %arg7[%dma_start3A_192, %dma_start3A_193, %dma_start3A_194] : memref<2x800x16xf32, #tpu.memory_space<vmem>> -> memref<1x800x16xf32, #tpu.memory_space<vmem>>
      %dma_start3A_196 = tpu.memref_squeeze %dma_start3A_195 : memref<1x800x16xf32, #tpu.memory_space<vmem>> -> memref<800x16xf32, #tpu.memory_space<vmem>>
      %dma_start3A_197 = arith.constant 0 : i32
      %dma_start3A_198 = tpu.memref_slice %arg6[%dma_start3A_190, %dma_start3A_191, %dma_start3A_197] : memref<2x2x800xi32, #tpu.memory_space<vmem>> -> memref<1x1x800xi32, #tpu.memory_space<vmem>>
      %dma_start3A_199 = tpu.memref_squeeze %dma_start3A_198 : memref<1x1x800xi32, #tpu.memory_space<vmem>> -> memref<800xi32, #tpu.memory_space<vmem>>
      %dma_start3A_200 = arith.constant 0 : i32
      %dma_start3A_201 = arith.constant 0 : i32
      %dma_start3A_202 = tpu.memref_slice %arg2[%dma_start3A_200, %dma_start3A_201] : memref<100096x16xf32, #tpu.memory_space<hbm>> -> memref<100096x16xf32, #tpu.memory_space<hbm>>
      tpu.enqueue_indirect_dma source(%dma_start3A_202 : memref<100096x16xf32, #tpu.memory_space<hbm>>) target(%dma_start3A_196 : memref<800x16xf32, #tpu.memory_space<vmem>>) offsets(%dma_start3A_199 : memref<800xi32, #tpu.memory_space<vmem>>) semaphore(%arg10 : memref<!tpu.dma_semaphore, #tpu.memory_space<semaphore_mem>>)
      %dma_wait3A_203 = arith.constant 1 : i32
      %dma_wait3A_204 = arith.constant 0 : i32
      %dma_wait3A_205 = arith.constant 1 : i32
      %dma_wait3A_206 = arith.constant 0 : i32
      %dma_wait3A_207 = arith.constant 0 : i32
      %dma_wait3A_208 = tpu.memref_slice %arg7[%dma_wait3A_205, %dma_wait3A_206, %dma_wait3A_207] : memref<2x800x16xf32, #tpu.memory_space<vmem>> -> memref<1x800x16xf32, #tpu.memory_space<vmem>>
      %dma_wait3A_209 = tpu.memref_squeeze %dma_wait3A_208 : memref<1x800x16xf32, #tpu.memory_space<vmem>> -> memref<800x16xf32, #tpu.memory_space<vmem>>
      %dma_wait3A_210 = arith.constant 0 : i32
      %dma_wait3A_211 = tpu.memref_slice %arg6[%dma_wait3A_203, %dma_wait3A_204, %dma_wait3A_210] : memref<2x2x800xi32, #tpu.memory_space<vmem>> -> memref<1x1x800xi32, #tpu.memory_space<vmem>>
      %dma_wait3A_212 = tpu.memref_squeeze %dma_wait3A_211 : memref<1x1x800xi32, #tpu.memory_space<vmem>> -> memref<800xi32, #tpu.memory_space<vmem>>
      %dma_wait3A_213 = arith.constant 0 : i32
      %dma_wait3A_214 = arith.constant 0 : i32
      %dma_wait3A_215 = tpu.memref_slice %arg2[%dma_wait3A_213, %dma_wait3A_214] : memref<100096x16xf32, #tpu.memory_space<hbm>> -> memref<100096x16xf32, #tpu.memory_space<hbm>>
      tpu.wait_indirect_dma semaphore(%arg10 : memref<!tpu.dma_semaphore, #tpu.memory_space<semaphore_mem>>) src(%dma_wait3A_215 : memref<100096x16xf32, #tpu.memory_space<hbm>>) dst(%dma_wait3A_209 : memref<800x16xf32, #tpu.memory_space<vmem>>)
      %dma_start3A_216 = arith.constant 1 : i32
      %dma_start3A_217 = arith.constant 1 : i32
      %dma_start3A_218 = arith.constant 1 : i32
      %dma_start3A_219 = arith.constant 0 : i32
      %dma_start3A_220 = arith.constant 0 : i32
      %dma_start3A_221 = tpu.memref_slice %arg7[%dma_start3A_216, %dma_start3A_219, %dma_start3A_220] : memref<2x800x16xf32, #tpu.memory_space<vmem>> -> memref<1x800x16xf32, #tpu.memory_space<vmem>>
      %dma_start3A_222 = tpu.memref_squeeze %dma_start3A_221 : memref<1x800x16xf32, #tpu.memory_space<vmem>> -> memref<800x16xf32, #tpu.memory_space<vmem>>
      %dma_start3A_223 = arith.constant 0 : i32
      %dma_start3A_224 = tpu.memref_slice %arg6[%dma_start3A_217, %dma_start3A_218, %dma_start3A_223] : memref<2x2x800xi32, #tpu.memory_space<vmem>> -> memref<1x1x800xi32, #tpu.memory_space<vmem>>
      %dma_start3A_225 = tpu.memref_squeeze %dma_start3A_224 : memref<1x1x800xi32, #tpu.memory_space<vmem>> -> memref<800xi32, #tpu.memory_space<vmem>>
      %dma_start3A_226 = arith.constant 0 : i32
      %dma_start3A_227 = arith.constant 0 : i32
      %dma_start3A_228 = tpu.memref_slice %arg8[%dma_start3A_226, %dma_start3A_227] : memref<100096x16xf32, #tpu.memory_space<vmem_shared>> -> memref<100096x16xf32, #tpu.memory_space<vmem_shared>>
      tpu.enqueue_indirect_dma source(%dma_start3A_222 : memref<800x16xf32, #tpu.memory_space<vmem>>) target(%dma_start3A_228 : memref<100096x16xf32, #tpu.memory_space<vmem_shared>>) offsets(%dma_start3A_225 : memref<800xi32, #tpu.memory_space<vmem>>) semaphore(%arg11 : memref<!tpu.dma_semaphore, #tpu.memory_space<semaphore_mem>>) {add = true}
      %dma_wait3A_229 = arith.constant 0 : i32
      %dma_wait3A_230 = arith.constant 0 : i32
      %dma_wait3A_231 = arith.constant 1 : i32
      %dma_wait3A_232 = arith.constant 0 : i32
      %dma_wait3A_233 = arith.constant 0 : i32
      %dma_wait3A_234 = tpu.memref_slice %arg7[%dma_wait3A_229, %dma_wait3A_232, %dma_wait3A_233] : memref<2x800x16xf32, #tpu.memory_space<vmem>> -> memref<1x800x16xf32, #tpu.memory_space<vmem>>
      %dma_wait3A_235 = tpu.memref_squeeze %dma_wait3A_234 : memref<1x800x16xf32, #tpu.memory_space<vmem>> -> memref<800x16xf32, #tpu.memory_space<vmem>>
      %dma_wait3A_236 = arith.constant 0 : i32
      %dma_wait3A_237 = tpu.memref_slice %arg6[%dma_wait3A_230, %dma_wait3A_231, %dma_wait3A_236] : memref<2x2x800xi32, #tpu.memory_space<vmem>> -> memref<1x1x800xi32, #tpu.memory_space<vmem>>
      %dma_wait3A_238 = tpu.memref_squeeze %dma_wait3A_237 : memref<1x1x800xi32, #tpu.memory_space<vmem>> -> memref<800xi32, #tpu.memory_space<vmem>>
      %dma_wait3A_239 = arith.constant 0 : i32
      %dma_wait3A_240 = arith.constant 0 : i32
      %dma_wait3A_241 = tpu.memref_slice %arg8[%dma_wait3A_239, %dma_wait3A_240] : memref<100096x16xf32, #tpu.memory_space<vmem_shared>> -> memref<100096x16xf32, #tpu.memory_space<vmem_shared>>
      tpu.wait_indirect_dma semaphore(%arg11 : memref<!tpu.dma_semaphore, #tpu.memory_space<semaphore_mem>>) src(%dma_wait3A_235 : memref<800x16xf32, #tpu.memory_space<vmem>>) dst(%dma_wait3A_241 : memref<100096x16xf32, #tpu.memory_space<vmem_shared>>)
      %dma_wait3A_242 = arith.constant 1 : i32
      %dma_wait3A_243 = arith.constant 1 : i32
      %dma_wait3A_244 = arith.constant 1 : i32
      %dma_wait3A_245 = arith.constant 0 : i32
      %dma_wait3A_246 = arith.constant 0 : i32
      %dma_wait3A_247 = tpu.memref_slice %arg7[%dma_wait3A_242, %dma_wait3A_245, %dma_wait3A_246] : memref<2x800x16xf32, #tpu.memory_space<vmem>> -> memref<1x800x16xf32, #tpu.memory_space<vmem>>
      %dma_wait3A_248 = tpu.memref_squeeze %dma_wait3A_247 : memref<1x800x16xf32, #tpu.memory_space<vmem>> -> memref<800x16xf32, #tpu.memory_space<vmem>>
      %dma_wait3A_249 = arith.constant 0 : i32
      %dma_wait3A_250 = tpu.memref_slice %arg6[%dma_wait3A_243, %dma_wait3A_244, %dma_wait3A_249] : memref<2x2x800xi32, #tpu.memory_space<vmem>> -> memref<1x1x800xi32, #tpu.memory_space<vmem>>
      %dma_wait3A_251 = tpu.memref_squeeze %dma_wait3A_250 : memref<1x1x800xi32, #tpu.memory_space<vmem>> -> memref<800xi32, #tpu.memory_space<vmem>>
      %dma_wait3A_252 = arith.constant 0 : i32
      %dma_wait3A_253 = arith.constant 0 : i32
      %dma_wait3A_254 = tpu.memref_slice %arg8[%dma_wait3A_252, %dma_wait3A_253] : memref<100096x16xf32, #tpu.memory_space<vmem_shared>> -> memref<100096x16xf32, #tpu.memory_space<vmem_shared>>
      tpu.wait_indirect_dma semaphore(%arg11 : memref<!tpu.dma_semaphore, #tpu.memory_space<semaphore_mem>>) src(%dma_wait3A_248 : memref<800x16xf32, #tpu.memory_space<vmem>>) dst(%dma_wait3A_254 : memref<100096x16xf32, #tpu.memory_space<vmem_shared>>)
    }
    %barrier3A_33 = arith.constant 0 : index
    tpu.barrier barrier_id(%barrier3A_33)
    %mul3A_34 = arith.constant 6256 : i32
    %mul3A_35 = arith.muli %arg1, %mul3A_34 : i32
    %mul3A_36 = arith.constant 100096 : i32
    %mul3A_37 = arith.muli %arg0, %mul3A_36 : i32
    %mul3A_38 = arith.constant 6256 : i32
    %mul3A_39 = arith.muli %arg1, %mul3A_38 : i32
    %add3A_40 = arith.addi %mul3A_37, %mul3A_39 : i32
    "tpu.region"() ({
      %run_scoped3A = tpu.sem_alloc : memref<!tpu.dma_semaphore, #tpu.memory_space<semaphore_mem>>
      %dma_start3A = arith.constant 0 : i32
      %dma_start3A_41 = tpu.memref_slice %arg5[%add3A_40, %dma_start3A] : memref<200192x16xf32, #tpu.memory_space<hbm>> -> memref<6256x16xf32, #tpu.memory_space<hbm>>
      %dma_start3A_42 = arith.constant 0 : i32
      %dma_start3A_43 = tpu.memref_slice %arg8[%mul3A_35, %dma_start3A_42] : memref<100096x16xf32, #tpu.memory_space<vmem_shared>> -> memref<6256x16xf32, #tpu.memory_space<vmem_shared>>
      tpu.enqueue_dma source(%dma_start3A_43 : memref<6256x16xf32, #tpu.memory_space<vmem_shared>>) target(%dma_start3A_41 : memref<6256x16xf32, #tpu.memory_space<hbm>>) target_semaphore(%run_scoped3A : memref<!tpu.dma_semaphore, #tpu.memory_space<semaphore_mem>>)
      %dma_wait3A = arith.constant 0 : i32
      %dma_wait3A_44 = tpu.memref_slice %arg5[%add3A_40, %dma_wait3A] : memref<200192x16xf32, #tpu.memory_space<hbm>> -> memref<6256x16xf32, #tpu.memory_space<hbm>>
      %dma_wait3A_45 = arith.constant 0 : i32
      %dma_wait3A_46 = tpu.memref_slice %arg8[%mul3A_35, %dma_wait3A_45] : memref<100096x16xf32, #tpu.memory_space<vmem_shared>> -> memref<6256x16xf32, #tpu.memory_space<vmem_shared>>
      tpu.wait_dma2 semaphore(%run_scoped3A : memref<!tpu.dma_semaphore, #tpu.memory_space<semaphore_mem>>) src(%dma_wait3A_46 : memref<6256x16xf32, #tpu.memory_space<vmem_shared>>) dst(%dma_wait3A_44 : memref<6256x16xf32, #tpu.memory_space<hbm>>)
      tpu.yield
    }) : () -> ()
    return
  }
}

#map = affine_map<(d0, d1) -> (0, 0)>
module attributes {stable_mosaic.version = 14 : i64} {
  func.func @_count_body(%arg0: i32, %arg1: i32, %arg2: memref<2x3200000xi32, #tpu.memory_space<hbm>>, %arg3: memref<6256x16xf32, #tpu.memory_space<hbm>>, %arg4: memref<800x16xf32, #tpu.memory_space<hbm>>, %arg5: memref<200192x16xf32, #tpu.memory_space<hbm>>, %arg6: memref<2x800xi32, #tpu.memory_space<vmem>>, %arg7: memref<800x16xf32, #tpu.memory_space<vmem>>, %arg8: memref<100096x16xf32, #tpu.memory_space<vmem_shared>>, %arg9: memref<!tpu.dma_semaphore, #tpu.memory_space<semaphore_mem>>, %arg10: memref<!tpu.dma_semaphore, #tpu.memory_space<semaphore_mem>>) attributes {dimension_semantics = [#tpu.dimension_semantics<core_parallel>, #tpu.dimension_semantics<subcore_parallel>], iteration_bounds = array<i64: 2, 16>, scalar_prefetch = 0 : i64, scratch_operands = 5 : i64, tpu.core_type = #tpu.core_type<sc_vector_subcore>, window_params = [{transform_indices = #map}, {transform_indices = #map}, {transform_indices = #map}, {transform_indices = #map}]} {
    %mul3A = arith.constant 16 : i32
    %mul3A_0 = arith.muli %arg0, %mul3A : i32
    %add3A = arith.addi %mul3A_0, %arg1 : i32
    %mul3A_1 = arith.constant 6256 : i32
    %mul3A_2 = arith.muli %arg1, %mul3A_1 : i32
    "tpu.region"() ({
      %run_scoped3A = tpu.sem_alloc : memref<!tpu.dma_semaphore, #tpu.memory_space<semaphore_mem>>
      %dma_start3A = arith.constant 0 : i32
      %dma_start3A_41 = tpu.memref_slice %arg8[%mul3A_2, %dma_start3A] : memref<100096x16xf32, #tpu.memory_space<vmem_shared>> -> memref<6256x16xf32, #tpu.memory_space<vmem_shared>>
      tpu.enqueue_dma source(%arg3 : memref<6256x16xf32, #tpu.memory_space<hbm>>) target(%dma_start3A_41 : memref<6256x16xf32, #tpu.memory_space<vmem_shared>>) target_semaphore(%run_scoped3A : memref<!tpu.dma_semaphore, #tpu.memory_space<semaphore_mem>>)
      %dma_wait3A = arith.constant 0 : i32
      %dma_wait3A_42 = tpu.memref_slice %arg8[%mul3A_2, %dma_wait3A] : memref<100096x16xf32, #tpu.memory_space<vmem_shared>> -> memref<6256x16xf32, #tpu.memory_space<vmem_shared>>
      tpu.wait_dma2 semaphore(%run_scoped3A : memref<!tpu.dma_semaphore, #tpu.memory_space<semaphore_mem>>) src(%arg3 : memref<6256x16xf32, #tpu.memory_space<hbm>>) dst(%dma_wait3A_42 : memref<6256x16xf32, #tpu.memory_space<vmem_shared>>)
      tpu.yield
    }) : () -> ()
    "tpu.region"() ({
      %run_scoped3A = tpu.sem_alloc : memref<!tpu.dma_semaphore, #tpu.memory_space<semaphore_mem>>
      tpu.enqueue_dma source(%arg4 : memref<800x16xf32, #tpu.memory_space<hbm>>) target(%arg7 : memref<800x16xf32, #tpu.memory_space<vmem>>) target_semaphore(%run_scoped3A : memref<!tpu.dma_semaphore, #tpu.memory_space<semaphore_mem>>)
      tpu.wait_dma2 semaphore(%run_scoped3A : memref<!tpu.dma_semaphore, #tpu.memory_space<semaphore_mem>>) src(%arg4 : memref<800x16xf32, #tpu.memory_space<hbm>>) dst(%arg7 : memref<800x16xf32, #tpu.memory_space<vmem>>)
      tpu.yield
    }) : () -> ()
    %barrier3A = arith.constant 0 : index
    tpu.barrier barrier_id(%barrier3A)
    %mul3A_3 = arith.constant 126 : i32
    %mul3A_4 = arith.muli %add3A, %mul3A_3 : i32
    %sub3A = arith.constant 4000 : i32
    %sub3A_5 = arith.subi %sub3A, %mul3A_4 : i32
    %min3A = arith.constant 126 : i32
    %min3A_6 = arith.minsi %min3A, %sub3A_5 : i32
    %jit3A = arith.constant 2 : i32
    %div3A = arith.divsi %min3A_6, %jit3A : i32
    %sign3A = arith.constant 0 : i32
    %sign3A_7 = arith.cmpi sgt, %min3A_6, %sign3A : i32
    %sign3A_8 = arith.extui %sign3A_7 : i1 to i32
    %sign3A_9 = arith.constant 0 : i32
    %sign3A_10 = arith.cmpi slt, %min3A_6, %sign3A_9 : i32
    %sign3A_11 = arith.extui %sign3A_10 : i1 to i32
    %sign3A_12 = arith.subi %sign3A_8, %sign3A_11 : i32
    %sign3A_13 = arith.constant 0 : i32
    %sign3A_14 = arith.cmpi sgt, %jit3A, %sign3A_13 : i32
    %sign3A_15 = arith.extui %sign3A_14 : i1 to i32
    %sign3A_16 = arith.constant 0 : i32
    %sign3A_17 = arith.cmpi slt, %jit3A, %sign3A_16 : i32
    %sign3A_18 = arith.extui %sign3A_17 : i1 to i32
    %sign3A_19 = arith.subi %sign3A_15, %sign3A_18 : i32
    %ne3A = arith.cmpi ne, %sign3A_12, %sign3A_19 : i32
    %rem3A = arith.remsi %min3A_6, %jit3A : i32
    %ne3A_20 = arith.constant 0 : i32
    %ne3A_21 = arith.cmpi ne, %rem3A, %ne3A_20 : i32
    %and3A = arith.andi %ne3A, %ne3A_21 : i1
    %sub3A_22 = arith.constant 1 : i32
    %sub3A_23 = arith.subi %div3A, %sub3A_22 : i32
    %select_n3A = arith.select %and3A, %sub3A_23, %div3A : i32
    %while3A = arith.constant 0 : i32
    %while3A_24 = arith.constant 0 : i32
    %while3A_25 = arith.subi %select_n3A, %while3A_24 : i32
    %while3A_26 = arith.addi %while3A_24, %while3A_25 : i32
    %while3A_27 = arith.constant 1 : i32
    %while3A_28 = arith.divsi %while3A_25, %while3A_27 : i32
    %while3A_29 = arith.muli %while3A_28, %while3A_27 : i32
    %while3A_30 = arith.addi %while3A_24, %while3A_29 : i32
    %while3A_31 = arith.constant 1 : i32
    scf.for %while3A_41 = %while3A_24 to %while3A_30 step %while3A_31  : i32 {
      %mul3A_42 = arith.constant 2 : i32
      %mul3A_43 = arith.muli %mul3A_42, %while3A_41 : i32
      %add3A_44 = arith.addi %mul3A_4, %mul3A_43 : i32
      %mul3A_45 = arith.constant 800 : i32
      %mul3A_46 = arith.muli %add3A_44, %mul3A_45 : i32
      %add3A_47 = arith.constant 800 : i32
      %add3A_48 = arith.addi %mul3A_46, %add3A_47 : i32
      %dma_start3A = arith.constant 1 : i32
      %dma_start3A_49 = arith.constant 0 : i32
      %dma_start3A_50 = arith.constant 0 : i32
      %dma_start3A_51 = tpu.memref_slice %arg6[%dma_start3A_49, %dma_start3A_50] : memref<2x800xi32, #tpu.memory_space<vmem>> -> memref<1x800xi32, #tpu.memory_space<vmem>>
      %dma_start3A_52 = tpu.memref_squeeze %dma_start3A_51 : memref<1x800xi32, #tpu.memory_space<vmem>> -> memref<800xi32, #tpu.memory_space<vmem>>
      %dma_start3A_53 = tpu.memref_slice %arg2[%dma_start3A, %mul3A_46] : memref<2x3200000xi32, #tpu.memory_space<hbm>> -> memref<1x800xi32, #tpu.memory_space<hbm>>
      %dma_start3A_54 = tpu.memref_squeeze %dma_start3A_53 : memref<1x800xi32, #tpu.memory_space<hbm>> -> memref<800xi32, #tpu.memory_space<hbm>>
      %dma_start3A_55 = arith.constant 0 : i32
      %dma_start3A_56 = tpu.memref_slice %arg6[%dma_start3A_49, %dma_start3A_55] : memref<2x800xi32, #tpu.memory_space<vmem>> -> memref<1x800xi32, #tpu.memory_space<vmem>>
      %dma_start3A_57 = tpu.memref_squeeze %dma_start3A_56 : memref<1x800xi32, #tpu.memory_space<vmem>> -> memref<800xi32, #tpu.memory_space<vmem>>
      %dma_start3A_58 = tpu.memref_slice %arg2[%dma_start3A, %mul3A_46] : memref<2x3200000xi32, #tpu.memory_space<hbm>> -> memref<1x800xi32, #tpu.memory_space<hbm>>
      %dma_start3A_59 = tpu.memref_squeeze %dma_start3A_58 : memref<1x800xi32, #tpu.memory_space<hbm>> -> memref<800xi32, #tpu.memory_space<hbm>>
      tpu.enqueue_dma source(%dma_start3A_59 : memref<800xi32, #tpu.memory_space<hbm>>) target(%dma_start3A_57 : memref<800xi32, #tpu.memory_space<vmem>>) target_semaphore(%arg9 : memref<!tpu.dma_semaphore, #tpu.memory_space<semaphore_mem>>)
      %dma_start3A_60 = arith.constant 1 : i32
      %dma_start3A_61 = arith.constant 1 : i32
      %dma_start3A_62 = arith.constant 0 : i32
      %dma_start3A_63 = tpu.memref_slice %arg6[%dma_start3A_61, %dma_start3A_62] : memref<2x800xi32, #tpu.memory_space<vmem>> -> memref<1x800xi32, #tpu.memory_space<vmem>>
      %dma_start3A_64 = tpu.memref_squeeze %dma_start3A_63 : memref<1x800xi32, #tpu.memory_space<vmem>> -> memref<800xi32, #tpu.memory_space<vmem>>
      %dma_start3A_65 = tpu.memref_slice %arg2[%dma_start3A_60, %add3A_48] : memref<2x3200000xi32, #tpu.memory_space<hbm>> -> memref<1x800xi32, #tpu.memory_space<hbm>>
      %dma_start3A_66 = tpu.memref_squeeze %dma_start3A_65 : memref<1x800xi32, #tpu.memory_space<hbm>> -> memref<800xi32, #tpu.memory_space<hbm>>
      %dma_start3A_67 = arith.constant 0 : i32
      %dma_start3A_68 = tpu.memref_slice %arg6[%dma_start3A_61, %dma_start3A_67] : memref<2x800xi32, #tpu.memory_space<vmem>> -> memref<1x800xi32, #tpu.memory_space<vmem>>
      %dma_start3A_69 = tpu.memref_squeeze %dma_start3A_68 : memref<1x800xi32, #tpu.memory_space<vmem>> -> memref<800xi32, #tpu.memory_space<vmem>>
      %dma_start3A_70 = tpu.memref_slice %arg2[%dma_start3A_60, %add3A_48] : memref<2x3200000xi32, #tpu.memory_space<hbm>> -> memref<1x800xi32, #tpu.memory_space<hbm>>
      %dma_start3A_71 = tpu.memref_squeeze %dma_start3A_70 : memref<1x800xi32, #tpu.memory_space<hbm>> -> memref<800xi32, #tpu.memory_space<hbm>>
      tpu.enqueue_dma source(%dma_start3A_71 : memref<800xi32, #tpu.memory_space<hbm>>) target(%dma_start3A_69 : memref<800xi32, #tpu.memory_space<vmem>>) target_semaphore(%arg9 : memref<!tpu.dma_semaphore, #tpu.memory_space<semaphore_mem>>)
      %dma_wait3A = arith.constant 1 : i32
      %dma_wait3A_72 = arith.constant 0 : i32
      %dma_wait3A_73 = arith.constant 0 : i32
      %dma_wait3A_74 = tpu.memref_slice %arg6[%dma_wait3A_72, %dma_wait3A_73] : memref<2x800xi32, #tpu.memory_space<vmem>> -> memref<1x800xi32, #tpu.memory_space<vmem>>
      %dma_wait3A_75 = tpu.memref_squeeze %dma_wait3A_74 : memref<1x800xi32, #tpu.memory_space<vmem>> -> memref<800xi32, #tpu.memory_space<vmem>>
      %dma_wait3A_76 = tpu.memref_slice %arg2[%dma_wait3A, %mul3A_46] : memref<2x3200000xi32, #tpu.memory_space<hbm>> -> memref<1x800xi32, #tpu.memory_space<hbm>>
      %dma_wait3A_77 = tpu.memref_squeeze %dma_wait3A_76 : memref<1x800xi32, #tpu.memory_space<hbm>> -> memref<800xi32, #tpu.memory_space<hbm>>
      %dma_wait3A_78 = arith.constant 0 : i32
      %dma_wait3A_79 = tpu.memref_slice %arg6[%dma_wait3A_72, %dma_wait3A_78] : memref<2x800xi32, #tpu.memory_space<vmem>> -> memref<1x800xi32, #tpu.memory_space<vmem>>
      %dma_wait3A_80 = tpu.memref_squeeze %dma_wait3A_79 : memref<1x800xi32, #tpu.memory_space<vmem>> -> memref<800xi32, #tpu.memory_space<vmem>>
      %dma_wait3A_81 = tpu.memref_slice %arg2[%dma_wait3A, %mul3A_46] : memref<2x3200000xi32, #tpu.memory_space<hbm>> -> memref<1x800xi32, #tpu.memory_space<hbm>>
      %dma_wait3A_82 = tpu.memref_squeeze %dma_wait3A_81 : memref<1x800xi32, #tpu.memory_space<hbm>> -> memref<800xi32, #tpu.memory_space<hbm>>
      tpu.wait_dma2 semaphore(%arg9 : memref<!tpu.dma_semaphore, #tpu.memory_space<semaphore_mem>>) src(%dma_wait3A_82 : memref<800xi32, #tpu.memory_space<hbm>>) dst(%dma_wait3A_80 : memref<800xi32, #tpu.memory_space<vmem>>)
      %dma_start3A_83 = arith.constant 0 : i32
      %dma_start3A_84 = arith.constant 0 : i32
      %dma_start3A_85 = tpu.memref_slice %arg6[%dma_start3A_83, %dma_start3A_84] : memref<2x800xi32, #tpu.memory_space<vmem>> -> memref<1x800xi32, #tpu.memory_space<vmem>>
      %dma_start3A_86 = tpu.memref_squeeze %dma_start3A_85 : memref<1x800xi32, #tpu.memory_space<vmem>> -> memref<800xi32, #tpu.memory_space<vmem>>
      %dma_start3A_87 = arith.constant 0 : i32
      %dma_start3A_88 = arith.constant 0 : i32
      %dma_start3A_89 = tpu.memref_slice %arg8[%dma_start3A_87, %dma_start3A_88] : memref<100096x16xf32, #tpu.memory_space<vmem_shared>> -> memref<100096x16xf32, #tpu.memory_space<vmem_shared>>
      tpu.enqueue_indirect_dma source(%arg7 : memref<800x16xf32, #tpu.memory_space<vmem>>) target(%dma_start3A_89 : memref<100096x16xf32, #tpu.memory_space<vmem_shared>>) offsets(%dma_start3A_86 : memref<800xi32, #tpu.memory_space<vmem>>) semaphore(%arg10 : memref<!tpu.dma_semaphore, #tpu.memory_space<semaphore_mem>>) {add = true}
      %dma_wait3A_90 = arith.constant 1 : i32
      %dma_wait3A_91 = arith.constant 1 : i32
      %dma_wait3A_92 = arith.constant 0 : i32
      %dma_wait3A_93 = tpu.memref_slice %arg6[%dma_wait3A_91, %dma_wait3A_92] : memref<2x800xi32, #tpu.memory_space<vmem>> -> memref<1x800xi32, #tpu.memory_space<vmem>>
      %dma_wait3A_94 = tpu.memref_squeeze %dma_wait3A_93 : memref<1x800xi32, #tpu.memory_space<vmem>> -> memref<800xi32, #tpu.memory_space<vmem>>
      %dma_wait3A_95 = tpu.memref_slice %arg2[%dma_wait3A_90, %add3A_48] : memref<2x3200000xi32, #tpu.memory_space<hbm>> -> memref<1x800xi32, #tpu.memory_space<hbm>>
      %dma_wait3A_96 = tpu.memref_squeeze %dma_wait3A_95 : memref<1x800xi32, #tpu.memory_space<hbm>> -> memref<800xi32, #tpu.memory_space<hbm>>
      %dma_wait3A_97 = arith.constant 0 : i32
      %dma_wait3A_98 = tpu.memref_slice %arg6[%dma_wait3A_91, %dma_wait3A_97] : memref<2x800xi32, #tpu.memory_space<vmem>> -> memref<1x800xi32, #tpu.memory_space<vmem>>
      %dma_wait3A_99 = tpu.memref_squeeze %dma_wait3A_98 : memref<1x800xi32, #tpu.memory_space<vmem>> -> memref<800xi32, #tpu.memory_space<vmem>>
      %dma_wait3A_100 = tpu.memref_slice %arg2[%dma_wait3A_90, %add3A_48] : memref<2x3200000xi32, #tpu.memory_space<hbm>> -> memref<1x800xi32, #tpu.memory_space<hbm>>
      %dma_wait3A_101 = tpu.memref_squeeze %dma_wait3A_100 : memref<1x800xi32, #tpu.memory_space<hbm>> -> memref<800xi32, #tpu.memory_space<hbm>>
      tpu.wait_dma2 semaphore(%arg9 : memref<!tpu.dma_semaphore, #tpu.memory_space<semaphore_mem>>) src(%dma_wait3A_101 : memref<800xi32, #tpu.memory_space<hbm>>) dst(%dma_wait3A_99 : memref<800xi32, #tpu.memory_space<vmem>>)
      %dma_start3A_102 = arith.constant 1 : i32
      %dma_start3A_103 = arith.constant 0 : i32
      %dma_start3A_104 = tpu.memref_slice %arg6[%dma_start3A_102, %dma_start3A_103] : memref<2x800xi32, #tpu.memory_space<vmem>> -> memref<1x800xi32, #tpu.memory_space<vmem>>
      %dma_start3A_105 = tpu.memref_squeeze %dma_start3A_104 : memref<1x800xi32, #tpu.memory_space<vmem>> -> memref<800xi32, #tpu.memory_space<vmem>>
      %dma_start3A_106 = arith.constant 0 : i32
      %dma_start3A_107 = arith.constant 0 : i32
      %dma_start3A_108 = tpu.memref_slice %arg8[%dma_start3A_106, %dma_start3A_107] : memref<100096x16xf32, #tpu.memory_space<vmem_shared>> -> memref<100096x16xf32, #tpu.memory_space<vmem_shared>>
      tpu.enqueue_indirect_dma source(%arg7 : memref<800x16xf32, #tpu.memory_space<vmem>>) target(%dma_start3A_108 : memref<100096x16xf32, #tpu.memory_space<vmem_shared>>) offsets(%dma_start3A_105 : memref<800xi32, #tpu.memory_space<vmem>>) semaphore(%arg10 : memref<!tpu.dma_semaphore, #tpu.memory_space<semaphore_mem>>) {add = true}
      %dma_wait3A_109 = arith.constant 0 : i32
      %dma_wait3A_110 = arith.constant 0 : i32
      %dma_wait3A_111 = tpu.memref_slice %arg6[%dma_wait3A_109, %dma_wait3A_110] : memref<2x800xi32, #tpu.memory_space<vmem>> -> memref<1x800xi32, #tpu.memory_space<vmem>>
      %dma_wait3A_112 = tpu.memref_squeeze %dma_wait3A_111 : memref<1x800xi32, #tpu.memory_space<vmem>> -> memref<800xi32, #tpu.memory_space<vmem>>
      %dma_wait3A_113 = arith.constant 0 : i32
      %dma_wait3A_114 = arith.constant 0 : i32
      %dma_wait3A_115 = tpu.memref_slice %arg8[%dma_wait3A_113, %dma_wait3A_114] : memref<100096x16xf32, #tpu.memory_space<vmem_shared>> -> memref<100096x16xf32, #tpu.memory_space<vmem_shared>>
      tpu.wait_indirect_dma semaphore(%arg10 : memref<!tpu.dma_semaphore, #tpu.memory_space<semaphore_mem>>) src(%arg7 : memref<800x16xf32, #tpu.memory_space<vmem>>) dst(%dma_wait3A_115 : memref<100096x16xf32, #tpu.memory_space<vmem_shared>>)
      %dma_wait3A_116 = arith.constant 1 : i32
      %dma_wait3A_117 = arith.constant 0 : i32
      %dma_wait3A_118 = tpu.memref_slice %arg6[%dma_wait3A_116, %dma_wait3A_117] : memref<2x800xi32, #tpu.memory_space<vmem>> -> memref<1x800xi32, #tpu.memory_space<vmem>>
      %dma_wait3A_119 = tpu.memref_squeeze %dma_wait3A_118 : memref<1x800xi32, #tpu.memory_space<vmem>> -> memref<800xi32, #tpu.memory_space<vmem>>
      %dma_wait3A_120 = arith.constant 0 : i32
      %dma_wait3A_121 = arith.constant 0 : i32
      %dma_wait3A_122 = tpu.memref_slice %arg8[%dma_wait3A_120, %dma_wait3A_121] : memref<100096x16xf32, #tpu.memory_space<vmem_shared>> -> memref<100096x16xf32, #tpu.memory_space<vmem_shared>>
      tpu.wait_indirect_dma semaphore(%arg10 : memref<!tpu.dma_semaphore, #tpu.memory_space<semaphore_mem>>) src(%arg7 : memref<800x16xf32, #tpu.memory_space<vmem>>) dst(%dma_wait3A_122 : memref<100096x16xf32, #tpu.memory_space<vmem_shared>>)
    }
    %while3A_32 = arith.constant 1 : i32
    scf.for %while3A_41 = %while3A_30 to %while3A_26 step %while3A_32  : i32 {
      %mul3A_42 = arith.constant 2 : i32
      %mul3A_43 = arith.muli %mul3A_42, %while3A_41 : i32
      %add3A_44 = arith.addi %mul3A_4, %mul3A_43 : i32
      %mul3A_45 = arith.constant 800 : i32
      %mul3A_46 = arith.muli %add3A_44, %mul3A_45 : i32
      %add3A_47 = arith.constant 800 : i32
      %add3A_48 = arith.addi %mul3A_46, %add3A_47 : i32
      %dma_start3A = arith.constant 1 : i32
      %dma_start3A_49 = arith.constant 0 : i32
      %dma_start3A_50 = arith.constant 0 : i32
      %dma_start3A_51 = tpu.memref_slice %arg6[%dma_start3A_49, %dma_start3A_50] : memref<2x800xi32, #tpu.memory_space<vmem>> -> memref<1x800xi32, #tpu.memory_space<vmem>>
      %dma_start3A_52 = tpu.memref_squeeze %dma_start3A_51 : memref<1x800xi32, #tpu.memory_space<vmem>> -> memref<800xi32, #tpu.memory_space<vmem>>
      %dma_start3A_53 = tpu.memref_slice %arg2[%dma_start3A, %mul3A_46] : memref<2x3200000xi32, #tpu.memory_space<hbm>> -> memref<1x800xi32, #tpu.memory_space<hbm>>
      %dma_start3A_54 = tpu.memref_squeeze %dma_start3A_53 : memref<1x800xi32, #tpu.memory_space<hbm>> -> memref<800xi32, #tpu.memory_space<hbm>>
      %dma_start3A_55 = arith.constant 0 : i32
      %dma_start3A_56 = tpu.memref_slice %arg6[%dma_start3A_49, %dma_start3A_55] : memref<2x800xi32, #tpu.memory_space<vmem>> -> memref<1x800xi32, #tpu.memory_space<vmem>>
      %dma_start3A_57 = tpu.memref_squeeze %dma_start3A_56 : memref<1x800xi32, #tpu.memory_space<vmem>> -> memref<800xi32, #tpu.memory_space<vmem>>
      %dma_start3A_58 = tpu.memref_slice %arg2[%dma_start3A, %mul3A_46] : memref<2x3200000xi32, #tpu.memory_space<hbm>> -> memref<1x800xi32, #tpu.memory_space<hbm>>
      %dma_start3A_59 = tpu.memref_squeeze %dma_start3A_58 : memref<1x800xi32, #tpu.memory_space<hbm>> -> memref<800xi32, #tpu.memory_space<hbm>>
      tpu.enqueue_dma source(%dma_start3A_59 : memref<800xi32, #tpu.memory_space<hbm>>) target(%dma_start3A_57 : memref<800xi32, #tpu.memory_space<vmem>>) target_semaphore(%arg9 : memref<!tpu.dma_semaphore, #tpu.memory_space<semaphore_mem>>)
      %dma_start3A_60 = arith.constant 1 : i32
      %dma_start3A_61 = arith.constant 1 : i32
      %dma_start3A_62 = arith.constant 0 : i32
      %dma_start3A_63 = tpu.memref_slice %arg6[%dma_start3A_61, %dma_start3A_62] : memref<2x800xi32, #tpu.memory_space<vmem>> -> memref<1x800xi32, #tpu.memory_space<vmem>>
      %dma_start3A_64 = tpu.memref_squeeze %dma_start3A_63 : memref<1x800xi32, #tpu.memory_space<vmem>> -> memref<800xi32, #tpu.memory_space<vmem>>
      %dma_start3A_65 = tpu.memref_slice %arg2[%dma_start3A_60, %add3A_48] : memref<2x3200000xi32, #tpu.memory_space<hbm>> -> memref<1x800xi32, #tpu.memory_space<hbm>>
      %dma_start3A_66 = tpu.memref_squeeze %dma_start3A_65 : memref<1x800xi32, #tpu.memory_space<hbm>> -> memref<800xi32, #tpu.memory_space<hbm>>
      %dma_start3A_67 = arith.constant 0 : i32
      %dma_start3A_68 = tpu.memref_slice %arg6[%dma_start3A_61, %dma_start3A_67] : memref<2x800xi32, #tpu.memory_space<vmem>> -> memref<1x800xi32, #tpu.memory_space<vmem>>
      %dma_start3A_69 = tpu.memref_squeeze %dma_start3A_68 : memref<1x800xi32, #tpu.memory_space<vmem>> -> memref<800xi32, #tpu.memory_space<vmem>>
      %dma_start3A_70 = tpu.memref_slice %arg2[%dma_start3A_60, %add3A_48] : memref<2x3200000xi32, #tpu.memory_space<hbm>> -> memref<1x800xi32, #tpu.memory_space<hbm>>
      %dma_start3A_71 = tpu.memref_squeeze %dma_start3A_70 : memref<1x800xi32, #tpu.memory_space<hbm>> -> memref<800xi32, #tpu.memory_space<hbm>>
      tpu.enqueue_dma source(%dma_start3A_71 : memref<800xi32, #tpu.memory_space<hbm>>) target(%dma_start3A_69 : memref<800xi32, #tpu.memory_space<vmem>>) target_semaphore(%arg9 : memref<!tpu.dma_semaphore, #tpu.memory_space<semaphore_mem>>)
      %dma_wait3A = arith.constant 1 : i32
      %dma_wait3A_72 = arith.constant 0 : i32
      %dma_wait3A_73 = arith.constant 0 : i32
      %dma_wait3A_74 = tpu.memref_slice %arg6[%dma_wait3A_72, %dma_wait3A_73] : memref<2x800xi32, #tpu.memory_space<vmem>> -> memref<1x800xi32, #tpu.memory_space<vmem>>
      %dma_wait3A_75 = tpu.memref_squeeze %dma_wait3A_74 : memref<1x800xi32, #tpu.memory_space<vmem>> -> memref<800xi32, #tpu.memory_space<vmem>>
      %dma_wait3A_76 = tpu.memref_slice %arg2[%dma_wait3A, %mul3A_46] : memref<2x3200000xi32, #tpu.memory_space<hbm>> -> memref<1x800xi32, #tpu.memory_space<hbm>>
      %dma_wait3A_77 = tpu.memref_squeeze %dma_wait3A_76 : memref<1x800xi32, #tpu.memory_space<hbm>> -> memref<800xi32, #tpu.memory_space<hbm>>
      %dma_wait3A_78 = arith.constant 0 : i32
      %dma_wait3A_79 = tpu.memref_slice %arg6[%dma_wait3A_72, %dma_wait3A_78] : memref<2x800xi32, #tpu.memory_space<vmem>> -> memref<1x800xi32, #tpu.memory_space<vmem>>
      %dma_wait3A_80 = tpu.memref_squeeze %dma_wait3A_79 : memref<1x800xi32, #tpu.memory_space<vmem>> -> memref<800xi32, #tpu.memory_space<vmem>>
      %dma_wait3A_81 = tpu.memref_slice %arg2[%dma_wait3A, %mul3A_46] : memref<2x3200000xi32, #tpu.memory_space<hbm>> -> memref<1x800xi32, #tpu.memory_space<hbm>>
      %dma_wait3A_82 = tpu.memref_squeeze %dma_wait3A_81 : memref<1x800xi32, #tpu.memory_space<hbm>> -> memref<800xi32, #tpu.memory_space<hbm>>
      tpu.wait_dma2 semaphore(%arg9 : memref<!tpu.dma_semaphore, #tpu.memory_space<semaphore_mem>>) src(%dma_wait3A_82 : memref<800xi32, #tpu.memory_space<hbm>>) dst(%dma_wait3A_80 : memref<800xi32, #tpu.memory_space<vmem>>)
      %dma_start3A_83 = arith.constant 0 : i32
      %dma_start3A_84 = arith.constant 0 : i32
      %dma_start3A_85 = tpu.memref_slice %arg6[%dma_start3A_83, %dma_start3A_84] : memref<2x800xi32, #tpu.memory_space<vmem>> -> memref<1x800xi32, #tpu.memory_space<vmem>>
      %dma_start3A_86 = tpu.memref_squeeze %dma_start3A_85 : memref<1x800xi32, #tpu.memory_space<vmem>> -> memref<800xi32, #tpu.memory_space<vmem>>
      %dma_start3A_87 = arith.constant 0 : i32
      %dma_start3A_88 = arith.constant 0 : i32
      %dma_start3A_89 = tpu.memref_slice %arg8[%dma_start3A_87, %dma_start3A_88] : memref<100096x16xf32, #tpu.memory_space<vmem_shared>> -> memref<100096x16xf32, #tpu.memory_space<vmem_shared>>
      tpu.enqueue_indirect_dma source(%arg7 : memref<800x16xf32, #tpu.memory_space<vmem>>) target(%dma_start3A_89 : memref<100096x16xf32, #tpu.memory_space<vmem_shared>>) offsets(%dma_start3A_86 : memref<800xi32, #tpu.memory_space<vmem>>) semaphore(%arg10 : memref<!tpu.dma_semaphore, #tpu.memory_space<semaphore_mem>>) {add = true}
      %dma_wait3A_90 = arith.constant 1 : i32
      %dma_wait3A_91 = arith.constant 1 : i32
      %dma_wait3A_92 = arith.constant 0 : i32
      %dma_wait3A_93 = tpu.memref_slice %arg6[%dma_wait3A_91, %dma_wait3A_92] : memref<2x800xi32, #tpu.memory_space<vmem>> -> memref<1x800xi32, #tpu.memory_space<vmem>>
      %dma_wait3A_94 = tpu.memref_squeeze %dma_wait3A_93 : memref<1x800xi32, #tpu.memory_space<vmem>> -> memref<800xi32, #tpu.memory_space<vmem>>
      %dma_wait3A_95 = tpu.memref_slice %arg2[%dma_wait3A_90, %add3A_48] : memref<2x3200000xi32, #tpu.memory_space<hbm>> -> memref<1x800xi32, #tpu.memory_space<hbm>>
      %dma_wait3A_96 = tpu.memref_squeeze %dma_wait3A_95 : memref<1x800xi32, #tpu.memory_space<hbm>> -> memref<800xi32, #tpu.memory_space<hbm>>
      %dma_wait3A_97 = arith.constant 0 : i32
      %dma_wait3A_98 = tpu.memref_slice %arg6[%dma_wait3A_91, %dma_wait3A_97] : memref<2x800xi32, #tpu.memory_space<vmem>> -> memref<1x800xi32, #tpu.memory_space<vmem>>
      %dma_wait3A_99 = tpu.memref_squeeze %dma_wait3A_98 : memref<1x800xi32, #tpu.memory_space<vmem>> -> memref<800xi32, #tpu.memory_space<vmem>>
      %dma_wait3A_100 = tpu.memref_slice %arg2[%dma_wait3A_90, %add3A_48] : memref<2x3200000xi32, #tpu.memory_space<hbm>> -> memref<1x800xi32, #tpu.memory_space<hbm>>
      %dma_wait3A_101 = tpu.memref_squeeze %dma_wait3A_100 : memref<1x800xi32, #tpu.memory_space<hbm>> -> memref<800xi32, #tpu.memory_space<hbm>>
      tpu.wait_dma2 semaphore(%arg9 : memref<!tpu.dma_semaphore, #tpu.memory_space<semaphore_mem>>) src(%dma_wait3A_101 : memref<800xi32, #tpu.memory_space<hbm>>) dst(%dma_wait3A_99 : memref<800xi32, #tpu.memory_space<vmem>>)
      %dma_start3A_102 = arith.constant 1 : i32
      %dma_start3A_103 = arith.constant 0 : i32
      %dma_start3A_104 = tpu.memref_slice %arg6[%dma_start3A_102, %dma_start3A_103] : memref<2x800xi32, #tpu.memory_space<vmem>> -> memref<1x800xi32, #tpu.memory_space<vmem>>
      %dma_start3A_105 = tpu.memref_squeeze %dma_start3A_104 : memref<1x800xi32, #tpu.memory_space<vmem>> -> memref<800xi32, #tpu.memory_space<vmem>>
      %dma_start3A_106 = arith.constant 0 : i32
      %dma_start3A_107 = arith.constant 0 : i32
      %dma_start3A_108 = tpu.memref_slice %arg8[%dma_start3A_106, %dma_start3A_107] : memref<100096x16xf32, #tpu.memory_space<vmem_shared>> -> memref<100096x16xf32, #tpu.memory_space<vmem_shared>>
      tpu.enqueue_indirect_dma source(%arg7 : memref<800x16xf32, #tpu.memory_space<vmem>>) target(%dma_start3A_108 : memref<100096x16xf32, #tpu.memory_space<vmem_shared>>) offsets(%dma_start3A_105 : memref<800xi32, #tpu.memory_space<vmem>>) semaphore(%arg10 : memref<!tpu.dma_semaphore, #tpu.memory_space<semaphore_mem>>) {add = true}
      %dma_wait3A_109 = arith.constant 0 : i32
      %dma_wait3A_110 = arith.constant 0 : i32
      %dma_wait3A_111 = tpu.memref_slice %arg6[%dma_wait3A_109, %dma_wait3A_110] : memref<2x800xi32, #tpu.memory_space<vmem>> -> memref<1x800xi32, #tpu.memory_space<vmem>>
      %dma_wait3A_112 = tpu.memref_squeeze %dma_wait3A_111 : memref<1x800xi32, #tpu.memory_space<vmem>> -> memref<800xi32, #tpu.memory_space<vmem>>
      %dma_wait3A_113 = arith.constant 0 : i32
      %dma_wait3A_114 = arith.constant 0 : i32
      %dma_wait3A_115 = tpu.memref_slice %arg8[%dma_wait3A_113, %dma_wait3A_114] : memref<100096x16xf32, #tpu.memory_space<vmem_shared>> -> memref<100096x16xf32, #tpu.memory_space<vmem_shared>>
      tpu.wait_indirect_dma semaphore(%arg10 : memref<!tpu.dma_semaphore, #tpu.memory_space<semaphore_mem>>) src(%arg7 : memref<800x16xf32, #tpu.memory_space<vmem>>) dst(%dma_wait3A_115 : memref<100096x16xf32, #tpu.memory_space<vmem_shared>>)
      %dma_wait3A_116 = arith.constant 1 : i32
      %dma_wait3A_117 = arith.constant 0 : i32
      %dma_wait3A_118 = tpu.memref_slice %arg6[%dma_wait3A_116, %dma_wait3A_117] : memref<2x800xi32, #tpu.memory_space<vmem>> -> memref<1x800xi32, #tpu.memory_space<vmem>>
      %dma_wait3A_119 = tpu.memref_squeeze %dma_wait3A_118 : memref<1x800xi32, #tpu.memory_space<vmem>> -> memref<800xi32, #tpu.memory_space<vmem>>
      %dma_wait3A_120 = arith.constant 0 : i32
      %dma_wait3A_121 = arith.constant 0 : i32
      %dma_wait3A_122 = tpu.memref_slice %arg8[%dma_wait3A_120, %dma_wait3A_121] : memref<100096x16xf32, #tpu.memory_space<vmem_shared>> -> memref<100096x16xf32, #tpu.memory_space<vmem_shared>>
      tpu.wait_indirect_dma semaphore(%arg10 : memref<!tpu.dma_semaphore, #tpu.memory_space<semaphore_mem>>) src(%arg7 : memref<800x16xf32, #tpu.memory_space<vmem>>) dst(%dma_wait3A_122 : memref<100096x16xf32, #tpu.memory_space<vmem_shared>>)
    }
    %barrier3A_33 = arith.constant 0 : index
    tpu.barrier barrier_id(%barrier3A_33)
    %mul3A_34 = arith.constant 6256 : i32
    %mul3A_35 = arith.muli %arg1, %mul3A_34 : i32
    %mul3A_36 = arith.constant 100096 : i32
    %mul3A_37 = arith.muli %arg0, %mul3A_36 : i32
    %mul3A_38 = arith.constant 6256 : i32
    %mul3A_39 = arith.muli %arg1, %mul3A_38 : i32
    %add3A_40 = arith.addi %mul3A_37, %mul3A_39 : i32
    "tpu.region"() ({
      %run_scoped3A = tpu.sem_alloc : memref<!tpu.dma_semaphore, #tpu.memory_space<semaphore_mem>>
      %dma_start3A = arith.constant 0 : i32
      %dma_start3A_41 = tpu.memref_slice %arg5[%add3A_40, %dma_start3A] : memref<200192x16xf32, #tpu.memory_space<hbm>> -> memref<6256x16xf32, #tpu.memory_space<hbm>>
      %dma_start3A_42 = arith.constant 0 : i32
      %dma_start3A_43 = tpu.memref_slice %arg8[%mul3A_35, %dma_start3A_42] : memref<100096x16xf32, #tpu.memory_space<vmem_shared>> -> memref<6256x16xf32, #tpu.memory_space<vmem_shared>>
      tpu.enqueue_dma source(%dma_start3A_43 : memref<6256x16xf32, #tpu.memory_space<vmem_shared>>) target(%dma_start3A_41 : memref<6256x16xf32, #tpu.memory_space<hbm>>) target_semaphore(%run_scoped3A : memref<!tpu.dma_semaphore, #tpu.memory_space<semaphore_mem>>)
      %dma_wait3A = arith.constant 0 : i32
      %dma_wait3A_44 = tpu.memref_slice %arg5[%add3A_40, %dma_wait3A] : memref<200192x16xf32, #tpu.memory_space<hbm>> -> memref<6256x16xf32, #tpu.memory_space<hbm>>
      %dma_wait3A_45 = arith.constant 0 : i32
      %dma_wait3A_46 = tpu.memref_slice %arg8[%mul3A_35, %dma_wait3A_45] : memref<100096x16xf32, #tpu.memory_space<vmem_shared>> -> memref<6256x16xf32, #tpu.memory_space<vmem_shared>>
      tpu.wait_dma2 semaphore(%run_scoped3A : memref<!tpu.dma_semaphore, #tpu.memory_space<semaphore_mem>>) src(%dma_wait3A_46 : memref<6256x16xf32, #tpu.memory_space<vmem_shared>>) dst(%dma_wait3A_44 : memref<6256x16xf32, #tpu.memory_space<hbm>>)
      tpu.yield
    }) : () -> ()
    return
  }
}

#map = affine_map<(d0, d1) -> (0, 0)>
module attributes {stable_mosaic.version = 14 : i64} {
  func.func @_segsum_body(%arg0: i32, %arg1: i32, %arg2: memref<100096x16xf32, #tpu.memory_space<hbm>>, %arg3: memref<2x3200000xi32, #tpu.memory_space<hbm>>, %arg4: memref<6256x16xf32, #tpu.memory_space<hbm>>, %arg5: memref<200192x16xf32, #tpu.memory_space<hbm>>, %arg6: memref<2x2x800xi32, #tpu.memory_space<vmem>>, %arg7: memref<2x800x16xf32, #tpu.memory_space<vmem>>, %arg8: memref<100096x16xf32, #tpu.memory_space<vmem_shared>>, %arg9: memref<!tpu.dma_semaphore, #tpu.memory_space<semaphore_mem>>, %arg10: memref<!tpu.dma_semaphore, #tpu.memory_space<semaphore_mem>>, %arg11: memref<!tpu.dma_semaphore, #tpu.memory_space<semaphore_mem>>) attributes {dimension_semantics = [#tpu.dimension_semantics<core_parallel>, #tpu.dimension_semantics<subcore_parallel>], iteration_bounds = array<i64: 2, 16>, scalar_prefetch = 0 : i64, scratch_operands = 6 : i64, tpu.core_type = #tpu.core_type<sc_vector_subcore>, window_params = [{transform_indices = #map}, {transform_indices = #map}, {transform_indices = #map}, {transform_indices = #map}]} {
    %mul3A = arith.constant 16 : i32
    %mul3A_0 = arith.muli %arg0, %mul3A : i32
    %add3A = arith.addi %mul3A_0, %arg1 : i32
    %mul3A_1 = arith.constant 6256 : i32
    %mul3A_2 = arith.muli %arg1, %mul3A_1 : i32
    "tpu.region"() ({
      %run_scoped3A = tpu.sem_alloc : memref<!tpu.dma_semaphore, #tpu.memory_space<semaphore_mem>>
      %dma_start3A = arith.constant 0 : i32
      %dma_start3A_41 = tpu.memref_slice %arg8[%mul3A_2, %dma_start3A] : memref<100096x16xf32, #tpu.memory_space<vmem_shared>> -> memref<6256x16xf32, #tpu.memory_space<vmem_shared>>
      tpu.enqueue_dma source(%arg4 : memref<6256x16xf32, #tpu.memory_space<hbm>>) target(%dma_start3A_41 : memref<6256x16xf32, #tpu.memory_space<vmem_shared>>) target_semaphore(%run_scoped3A : memref<!tpu.dma_semaphore, #tpu.memory_space<semaphore_mem>>)
      %dma_wait3A = arith.constant 0 : i32
      %dma_wait3A_42 = tpu.memref_slice %arg8[%mul3A_2, %dma_wait3A] : memref<100096x16xf32, #tpu.memory_space<vmem_shared>> -> memref<6256x16xf32, #tpu.memory_space<vmem_shared>>
      tpu.wait_dma2 semaphore(%run_scoped3A : memref<!tpu.dma_semaphore, #tpu.memory_space<semaphore_mem>>) src(%arg4 : memref<6256x16xf32, #tpu.memory_space<hbm>>) dst(%dma_wait3A_42 : memref<6256x16xf32, #tpu.memory_space<vmem_shared>>)
      tpu.yield
    }) : () -> ()
    %barrier3A = arith.constant 0 : index
    tpu.barrier barrier_id(%barrier3A)
    %mul3A_3 = arith.constant 126 : i32
    %mul3A_4 = arith.muli %add3A, %mul3A_3 : i32
    %sub3A = arith.constant 4000 : i32
    %sub3A_5 = arith.subi %sub3A, %mul3A_4 : i32
    %min3A = arith.constant 126 : i32
    %min3A_6 = arith.minsi %min3A, %sub3A_5 : i32
    %jit3A = arith.constant 2 : i32
    %div3A = arith.divsi %min3A_6, %jit3A : i32
    %sign3A = arith.constant 0 : i32
    %sign3A_7 = arith.cmpi sgt, %min3A_6, %sign3A : i32
    %sign3A_8 = arith.extui %sign3A_7 : i1 to i32
    %sign3A_9 = arith.constant 0 : i32
    %sign3A_10 = arith.cmpi slt, %min3A_6, %sign3A_9 : i32
    %sign3A_11 = arith.extui %sign3A_10 : i1 to i32
    %sign3A_12 = arith.subi %sign3A_8, %sign3A_11 : i32
    %sign3A_13 = arith.constant 0 : i32
    %sign3A_14 = arith.cmpi sgt, %jit3A, %sign3A_13 : i32
    %sign3A_15 = arith.extui %sign3A_14 : i1 to i32
    %sign3A_16 = arith.constant 0 : i32
    %sign3A_17 = arith.cmpi slt, %jit3A, %sign3A_16 : i32
    %sign3A_18 = arith.extui %sign3A_17 : i1 to i32
    %sign3A_19 = arith.subi %sign3A_15, %sign3A_18 : i32
    %ne3A = arith.cmpi ne, %sign3A_12, %sign3A_19 : i32
    %rem3A = arith.remsi %min3A_6, %jit3A : i32
    %ne3A_20 = arith.constant 0 : i32
    %ne3A_21 = arith.cmpi ne, %rem3A, %ne3A_20 : i32
    %and3A = arith.andi %ne3A, %ne3A_21 : i1
    %sub3A_22 = arith.constant 1 : i32
    %sub3A_23 = arith.subi %div3A, %sub3A_22 : i32
    %select_n3A = arith.select %and3A, %sub3A_23, %div3A : i32
    %while3A = arith.constant 0 : i32
    %while3A_24 = arith.constant 0 : i32
    %while3A_25 = arith.subi %select_n3A, %while3A_24 : i32
    %while3A_26 = arith.addi %while3A_24, %while3A_25 : i32
    %while3A_27 = arith.constant 1 : i32
    %while3A_28 = arith.divsi %while3A_25, %while3A_27 : i32
    %while3A_29 = arith.muli %while3A_28, %while3A_27 : i32
    %while3A_30 = arith.addi %while3A_24, %while3A_29 : i32
    %while3A_31 = arith.constant 1 : i32
    scf.for %while3A_41 = %while3A_24 to %while3A_30 step %while3A_31  : i32 {
      %mul3A_42 = arith.constant 2 : i32
      %mul3A_43 = arith.muli %mul3A_42, %while3A_41 : i32
      %add3A_44 = arith.addi %mul3A_4, %mul3A_43 : i32
      %mul3A_45 = arith.constant 800 : i32
      %mul3A_46 = arith.muli %add3A_44, %mul3A_45 : i32
      %add3A_47 = arith.constant 800 : i32
      %add3A_48 = arith.addi %mul3A_46, %add3A_47 : i32
      %dma_start3A = arith.constant 0 : i32
      %dma_start3A_49 = arith.constant 0 : i32
      %dma_start3A_50 = arith.constant 0 : i32
      %dma_start3A_51 = arith.constant 0 : i32
      %dma_start3A_52 = tpu.memref_slice %arg6[%dma_start3A_49, %dma_start3A_50, %dma_start3A_51] : memref<2x2x800xi32, #tpu.memory_space<vmem>> -> memref<1x1x800xi32, #tpu.memory_space<vmem>>
      %dma_start3A_53 = tpu.memref_squeeze %dma_start3A_52 : memref<1x1x800xi32, #tpu.memory_space<vmem>> -> memref<800xi32, #tpu.memory_space<vmem>>
      %dma_start3A_54 = tpu.memref_slice %arg3[%dma_start3A, %mul3A_46] : memref<2x3200000xi32, #tpu.memory_space<hbm>> -> memref<1x800xi32, #tpu.memory_space<hbm>>
      %dma_start3A_55 = tpu.memref_squeeze %dma_start3A_54 : memref<1x800xi32, #tpu.memory_space<hbm>> -> memref<800xi32, #tpu.memory_space<hbm>>
      %dma_start3A_56 = arith.constant 0 : i32
      %dma_start3A_57 = tpu.memref_slice %arg6[%dma_start3A_49, %dma_start3A_50, %dma_start3A_56] : memref<2x2x800xi32, #tpu.memory_space<vmem>> -> memref<1x1x800xi32, #tpu.memory_space<vmem>>
      %dma_start3A_58 = tpu.memref_squeeze %dma_start3A_57 : memref<1x1x800xi32, #tpu.memory_space<vmem>> -> memref<800xi32, #tpu.memory_space<vmem>>
      %dma_start3A_59 = tpu.memref_slice %arg3[%dma_start3A, %mul3A_46] : memref<2x3200000xi32, #tpu.memory_space<hbm>> -> memref<1x800xi32, #tpu.memory_space<hbm>>
      %dma_start3A_60 = tpu.memref_squeeze %dma_start3A_59 : memref<1x800xi32, #tpu.memory_space<hbm>> -> memref<800xi32, #tpu.memory_space<hbm>>
      tpu.enqueue_dma source(%dma_start3A_60 : memref<800xi32, #tpu.memory_space<hbm>>) target(%dma_start3A_58 : memref<800xi32, #tpu.memory_space<vmem>>) target_semaphore(%arg9 : memref<!tpu.dma_semaphore, #tpu.memory_space<semaphore_mem>>)
      %dma_start3A_61 = arith.constant 1 : i32
      %dma_start3A_62 = arith.constant 0 : i32
      %dma_start3A_63 = arith.constant 1 : i32
      %dma_start3A_64 = arith.constant 0 : i32
      %dma_start3A_65 = tpu.memref_slice %arg6[%dma_start3A_62, %dma_start3A_63, %dma_start3A_64] : memref<2x2x800xi32, #tpu.memory_space<vmem>> -> memref<1x1x800xi32, #tpu.memory_space<vmem>>
      %dma_start3A_66 = tpu.memref_squeeze %dma_start3A_65 : memref<1x1x800xi32, #tpu.memory_space<vmem>> -> memref<800xi32, #tpu.memory_space<vmem>>
      %dma_start3A_67 = tpu.memref_slice %arg3[%dma_start3A_61, %mul3A_46] : memref<2x3200000xi32, #tpu.memory_space<hbm>> -> memref<1x800xi32, #tpu.memory_space<hbm>>
      %dma_start3A_68 = tpu.memref_squeeze %dma_start3A_67 : memref<1x800xi32, #tpu.memory_space<hbm>> -> memref<800xi32, #tpu.memory_space<hbm>>
      %dma_start3A_69 = arith.constant 0 : i32
      %dma_start3A_70 = tpu.memref_slice %arg6[%dma_start3A_62, %dma_start3A_63, %dma_start3A_69] : memref<2x2x800xi32, #tpu.memory_space<vmem>> -> memref<1x1x800xi32, #tpu.memory_space<vmem>>
      %dma_start3A_71 = tpu.memref_squeeze %dma_start3A_70 : memref<1x1x800xi32, #tpu.memory_space<vmem>> -> memref<800xi32, #tpu.memory_space<vmem>>
      %dma_start3A_72 = tpu.memref_slice %arg3[%dma_start3A_61, %mul3A_46] : memref<2x3200000xi32, #tpu.memory_space<hbm>> -> memref<1x800xi32, #tpu.memory_space<hbm>>
      %dma_start3A_73 = tpu.memref_squeeze %dma_start3A_72 : memref<1x800xi32, #tpu.memory_space<hbm>> -> memref<800xi32, #tpu.memory_space<hbm>>
      tpu.enqueue_dma source(%dma_start3A_73 : memref<800xi32, #tpu.memory_space<hbm>>) target(%dma_start3A_71 : memref<800xi32, #tpu.memory_space<vmem>>) target_semaphore(%arg9 : memref<!tpu.dma_semaphore, #tpu.memory_space<semaphore_mem>>)
      %dma_start3A_74 = arith.constant 0 : i32
      %dma_start3A_75 = arith.constant 1 : i32
      %dma_start3A_76 = arith.constant 0 : i32
      %dma_start3A_77 = arith.constant 0 : i32
      %dma_start3A_78 = tpu.memref_slice %arg6[%dma_start3A_75, %dma_start3A_76, %dma_start3A_77] : memref<2x2x800xi32, #tpu.memory_space<vmem>> -> memref<1x1x800xi32, #tpu.memory_space<vmem>>
      %dma_start3A_79 = tpu.memref_squeeze %dma_start3A_78 : memref<1x1x800xi32, #tpu.memory_space<vmem>> -> memref<800xi32, #tpu.memory_space<vmem>>
      %dma_start3A_80 = tpu.memref_slice %arg3[%dma_start3A_74, %add3A_48] : memref<2x3200000xi32, #tpu.memory_space<hbm>> -> memref<1x800xi32, #tpu.memory_space<hbm>>
      %dma_start3A_81 = tpu.memref_squeeze %dma_start3A_80 : memref<1x800xi32, #tpu.memory_space<hbm>> -> memref<800xi32, #tpu.memory_space<hbm>>
      %dma_start3A_82 = arith.constant 0 : i32
      %dma_start3A_83 = tpu.memref_slice %arg6[%dma_start3A_75, %dma_start3A_76, %dma_start3A_82] : memref<2x2x800xi32, #tpu.memory_space<vmem>> -> memref<1x1x800xi32, #tpu.memory_space<vmem>>
      %dma_start3A_84 = tpu.memref_squeeze %dma_start3A_83 : memref<1x1x800xi32, #tpu.memory_space<vmem>> -> memref<800xi32, #tpu.memory_space<vmem>>
      %dma_start3A_85 = tpu.memref_slice %arg3[%dma_start3A_74, %add3A_48] : memref<2x3200000xi32, #tpu.memory_space<hbm>> -> memref<1x800xi32, #tpu.memory_space<hbm>>
      %dma_start3A_86 = tpu.memref_squeeze %dma_start3A_85 : memref<1x800xi32, #tpu.memory_space<hbm>> -> memref<800xi32, #tpu.memory_space<hbm>>
      tpu.enqueue_dma source(%dma_start3A_86 : memref<800xi32, #tpu.memory_space<hbm>>) target(%dma_start3A_84 : memref<800xi32, #tpu.memory_space<vmem>>) target_semaphore(%arg9 : memref<!tpu.dma_semaphore, #tpu.memory_space<semaphore_mem>>)
      %dma_start3A_87 = arith.constant 1 : i32
      %dma_start3A_88 = arith.constant 1 : i32
      %dma_start3A_89 = arith.constant 1 : i32
      %dma_start3A_90 = arith.constant 0 : i32
      %dma_start3A_91 = tpu.memref_slice %arg6[%dma_start3A_88, %dma_start3A_89, %dma_start3A_90] : memref<2x2x800xi32, #tpu.memory_space<vmem>> -> memref<1x1x800xi32, #tpu.memory_space<vmem>>
      %dma_start3A_92 = tpu.memref_squeeze %dma_start3A_91 : memref<1x1x800xi32, #tpu.memory_space<vmem>> -> memref<800xi32, #tpu.memory_space<vmem>>
      %dma_start3A_93 = tpu.memref_slice %arg3[%dma_start3A_87, %add3A_48] : memref<2x3200000xi32, #tpu.memory_space<hbm>> -> memref<1x800xi32, #tpu.memory_space<hbm>>
      %dma_start3A_94 = tpu.memref_squeeze %dma_start3A_93 : memref<1x800xi32, #tpu.memory_space<hbm>> -> memref<800xi32, #tpu.memory_space<hbm>>
      %dma_start3A_95 = arith.constant 0 : i32
      %dma_start3A_96 = tpu.memref_slice %arg6[%dma_start3A_88, %dma_start3A_89, %dma_start3A_95] : memref<2x2x800xi32, #tpu.memory_space<vmem>> -> memref<1x1x800xi32, #tpu.memory_space<vmem>>
      %dma_start3A_97 = tpu.memref_squeeze %dma_start3A_96 : memref<1x1x800xi32, #tpu.memory_space<vmem>> -> memref<800xi32, #tpu.memory_space<vmem>>
      %dma_start3A_98 = tpu.memref_slice %arg3[%dma_start3A_87, %add3A_48] : memref<2x3200000xi32, #tpu.memory_space<hbm>> -> memref<1x800xi32, #tpu.memory_space<hbm>>
      %dma_start3A_99 = tpu.memref_squeeze %dma_start3A_98 : memref<1x800xi32, #tpu.memory_space<hbm>> -> memref<800xi32, #tpu.memory_space<hbm>>
      tpu.enqueue_dma source(%dma_start3A_99 : memref<800xi32, #tpu.memory_space<hbm>>) target(%dma_start3A_97 : memref<800xi32, #tpu.memory_space<vmem>>) target_semaphore(%arg9 : memref<!tpu.dma_semaphore, #tpu.memory_space<semaphore_mem>>)
      %dma_wait3A = arith.constant 0 : i32
      %dma_wait3A_100 = arith.constant 0 : i32
      %dma_wait3A_101 = arith.constant 0 : i32
      %dma_wait3A_102 = arith.constant 0 : i32
      %dma_wait3A_103 = tpu.memref_slice %arg6[%dma_wait3A_100, %dma_wait3A_101, %dma_wait3A_102] : memref<2x2x800xi32, #tpu.memory_space<vmem>> -> memref<1x1x800xi32, #tpu.memory_space<vmem>>
      %dma_wait3A_104 = tpu.memref_squeeze %dma_wait3A_103 : memref<1x1x800xi32, #tpu.memory_space<vmem>> -> memref<800xi32, #tpu.memory_space<vmem>>
      %dma_wait3A_105 = tpu.memref_slice %arg3[%dma_wait3A, %mul3A_46] : memref<2x3200000xi32, #tpu.memory_space<hbm>> -> memref<1x800xi32, #tpu.memory_space<hbm>>
      %dma_wait3A_106 = tpu.memref_squeeze %dma_wait3A_105 : memref<1x800xi32, #tpu.memory_space<hbm>> -> memref<800xi32, #tpu.memory_space<hbm>>
      %dma_wait3A_107 = arith.constant 0 : i32
      %dma_wait3A_108 = tpu.memref_slice %arg6[%dma_wait3A_100, %dma_wait3A_101, %dma_wait3A_107] : memref<2x2x800xi32, #tpu.memory_space<vmem>> -> memref<1x1x800xi32, #tpu.memory_space<vmem>>
      %dma_wait3A_109 = tpu.memref_squeeze %dma_wait3A_108 : memref<1x1x800xi32, #tpu.memory_space<vmem>> -> memref<800xi32, #tpu.memory_space<vmem>>
      %dma_wait3A_110 = tpu.memref_slice %arg3[%dma_wait3A, %mul3A_46] : memref<2x3200000xi32, #tpu.memory_space<hbm>> -> memref<1x800xi32, #tpu.memory_space<hbm>>
      %dma_wait3A_111 = tpu.memref_squeeze %dma_wait3A_110 : memref<1x800xi32, #tpu.memory_space<hbm>> -> memref<800xi32, #tpu.memory_space<hbm>>
      tpu.wait_dma2 semaphore(%arg9 : memref<!tpu.dma_semaphore, #tpu.memory_space<semaphore_mem>>) src(%dma_wait3A_111 : memref<800xi32, #tpu.memory_space<hbm>>) dst(%dma_wait3A_109 : memref<800xi32, #tpu.memory_space<vmem>>)
      %dma_start3A_112 = arith.constant 0 : i32
      %dma_start3A_113 = arith.constant 0 : i32
      %dma_start3A_114 = arith.constant 0 : i32
      %dma_start3A_115 = arith.constant 0 : i32
      %dma_start3A_116 = arith.constant 0 : i32
      %dma_start3A_117 = tpu.memref_slice %arg7[%dma_start3A_114, %dma_start3A_115, %dma_start3A_116] : memref<2x800x16xf32, #tpu.memory_space<vmem>> -> memref<1x800x16xf32, #tpu.memory_space<vmem>>
      %dma_start3A_118 = tpu.memref_squeeze %dma_start3A_117 : memref<1x800x16xf32, #tpu.memory_space<vmem>> -> memref<800x16xf32, #tpu.memory_space<vmem>>
      %dma_start3A_119 = arith.constant 0 : i32
      %dma_start3A_120 = tpu.memref_slice %arg6[%dma_start3A_112, %dma_start3A_113, %dma_start3A_119] : memref<2x2x800xi32, #tpu.memory_space<vmem>> -> memref<1x1x800xi32, #tpu.memory_space<vmem>>
      %dma_start3A_121 = tpu.memref_squeeze %dma_start3A_120 : memref<1x1x800xi32, #tpu.memory_space<vmem>> -> memref<800xi32, #tpu.memory_space<vmem>>
      %dma_start3A_122 = arith.constant 0 : i32
      %dma_start3A_123 = arith.constant 0 : i32
      %dma_start3A_124 = tpu.memref_slice %arg2[%dma_start3A_122, %dma_start3A_123] : memref<100096x16xf32, #tpu.memory_space<hbm>> -> memref<100096x16xf32, #tpu.memory_space<hbm>>
      tpu.enqueue_indirect_dma source(%dma_start3A_124 : memref<100096x16xf32, #tpu.memory_space<hbm>>) target(%dma_start3A_118 : memref<800x16xf32, #tpu.memory_space<vmem>>) offsets(%dma_start3A_121 : memref<800xi32, #tpu.memory_space<vmem>>) semaphore(%arg10 : memref<!tpu.dma_semaphore, #tpu.memory_space<semaphore_mem>>)
      %dma_wait3A_125 = arith.constant 1 : i32
      %dma_wait3A_126 = arith.constant 0 : i32
      %dma_wait3A_127 = arith.constant 1 : i32
      %dma_wait3A_128 = arith.constant 0 : i32
      %dma_wait3A_129 = tpu.memref_slice %arg6[%dma_wait3A_126, %dma_wait3A_127, %dma_wait3A_128] : memref<2x2x800xi32, #tpu.memory_space<vmem>> -> memref<1x1x800xi32, #tpu.memory_space<vmem>>
      %dma_wait3A_130 = tpu.memref_squeeze %dma_wait3A_129 : memref<1x1x800xi32, #tpu.memory_space<vmem>> -> memref<800xi32, #tpu.memory_space<vmem>>
      %dma_wait3A_131 = tpu.memref_slice %arg3[%dma_wait3A_125, %mul3A_46] : memref<2x3200000xi32, #tpu.memory_space<hbm>> -> memref<1x800xi32, #tpu.memory_space<hbm>>
      %dma_wait3A_132 = tpu.memref_squeeze %dma_wait3A_131 : memref<1x800xi32, #tpu.memory_space<hbm>> -> memref<800xi32, #tpu.memory_space<hbm>>
      %dma_wait3A_133 = arith.constant 0 : i32
      %dma_wait3A_134 = tpu.memref_slice %arg6[%dma_wait3A_126, %dma_wait3A_127, %dma_wait3A_133] : memref<2x2x800xi32, #tpu.memory_space<vmem>> -> memref<1x1x800xi32, #tpu.memory_space<vmem>>
      %dma_wait3A_135 = tpu.memref_squeeze %dma_wait3A_134 : memref<1x1x800xi32, #tpu.memory_space<vmem>> -> memref<800xi32, #tpu.memory_space<vmem>>
      %dma_wait3A_136 = tpu.memref_slice %arg3[%dma_wait3A_125, %mul3A_46] : memref<2x3200000xi32, #tpu.memory_space<hbm>> -> memref<1x800xi32, #tpu.memory_space<hbm>>
      %dma_wait3A_137 = tpu.memref_squeeze %dma_wait3A_136 : memref<1x800xi32, #tpu.memory_space<hbm>> -> memref<800xi32, #tpu.memory_space<hbm>>
      tpu.wait_dma2 semaphore(%arg9 : memref<!tpu.dma_semaphore, #tpu.memory_space<semaphore_mem>>) src(%dma_wait3A_137 : memref<800xi32, #tpu.memory_space<hbm>>) dst(%dma_wait3A_135 : memref<800xi32, #tpu.memory_space<vmem>>)
      %dma_wait3A_138 = arith.constant 0 : i32
      %dma_wait3A_139 = arith.constant 1 : i32
      %dma_wait3A_140 = arith.constant 0 : i32
      %dma_wait3A_141 = arith.constant 0 : i32
      %dma_wait3A_142 = tpu.memref_slice %arg6[%dma_wait3A_139, %dma_wait3A_140, %dma_wait3A_141] : memref<2x2x800xi32, #tpu.memory_space<vmem>> -> memref<1x1x800xi32, #tpu.memory_space<vmem>>
      %dma_wait3A_143 = tpu.memref_squeeze %dma_wait3A_142 : memref<1x1x800xi32, #tpu.memory_space<vmem>> -> memref<800xi32, #tpu.memory_space<vmem>>
      %dma_wait3A_144 = tpu.memref_slice %arg3[%dma_wait3A_138, %add3A_48] : memref<2x3200000xi32, #tpu.memory_space<hbm>> -> memref<1x800xi32, #tpu.memory_space<hbm>>
      %dma_wait3A_145 = tpu.memref_squeeze %dma_wait3A_144 : memref<1x800xi32, #tpu.memory_space<hbm>> -> memref<800xi32, #tpu.memory_space<hbm>>
      %dma_wait3A_146 = arith.constant 0 : i32
      %dma_wait3A_147 = tpu.memref_slice %arg6[%dma_wait3A_139, %dma_wait3A_140, %dma_wait3A_146] : memref<2x2x800xi32, #tpu.memory_space<vmem>> -> memref<1x1x800xi32, #tpu.memory_space<vmem>>
      %dma_wait3A_148 = tpu.memref_squeeze %dma_wait3A_147 : memref<1x1x800xi32, #tpu.memory_space<vmem>> -> memref<800xi32, #tpu.memory_space<vmem>>
      %dma_wait3A_149 = tpu.memref_slice %arg3[%dma_wait3A_138, %add3A_48] : memref<2x3200000xi32, #tpu.memory_space<hbm>> -> memref<1x800xi32, #tpu.memory_space<hbm>>
      %dma_wait3A_150 = tpu.memref_squeeze %dma_wait3A_149 : memref<1x800xi32, #tpu.memory_space<hbm>> -> memref<800xi32, #tpu.memory_space<hbm>>
      tpu.wait_dma2 semaphore(%arg9 : memref<!tpu.dma_semaphore, #tpu.memory_space<semaphore_mem>>) src(%dma_wait3A_150 : memref<800xi32, #tpu.memory_space<hbm>>) dst(%dma_wait3A_148 : memref<800xi32, #tpu.memory_space<vmem>>)
      %dma_wait3A_151 = arith.constant 1 : i32
      %dma_wait3A_152 = arith.constant 1 : i32
      %dma_wait3A_153 = arith.constant 1 : i32
      %dma_wait3A_154 = arith.constant 0 : i32
      %dma_wait3A_155 = tpu.memref_slice %arg6[%dma_wait3A_152, %dma_wait3A_153, %dma_wait3A_154] : memref<2x2x800xi32, #tpu.memory_space<vmem>> -> memref<1x1x800xi32, #tpu.memory_space<vmem>>
      %dma_wait3A_156 = tpu.memref_squeeze %dma_wait3A_155 : memref<1x1x800xi32, #tpu.memory_space<vmem>> -> memref<800xi32, #tpu.memory_space<vmem>>
      %dma_wait3A_157 = tpu.memref_slice %arg3[%dma_wait3A_151, %add3A_48] : memref<2x3200000xi32, #tpu.memory_space<hbm>> -> memref<1x800xi32, #tpu.memory_space<hbm>>
      %dma_wait3A_158 = tpu.memref_squeeze %dma_wait3A_157 : memref<1x800xi32, #tpu.memory_space<hbm>> -> memref<800xi32, #tpu.memory_space<hbm>>
      %dma_wait3A_159 = arith.constant 0 : i32
      %dma_wait3A_160 = tpu.memref_slice %arg6[%dma_wait3A_152, %dma_wait3A_153, %dma_wait3A_159] : memref<2x2x800xi32, #tpu.memory_space<vmem>> -> memref<1x1x800xi32, #tpu.memory_space<vmem>>
      %dma_wait3A_161 = tpu.memref_squeeze %dma_wait3A_160 : memref<1x1x800xi32, #tpu.memory_space<vmem>> -> memref<800xi32, #tpu.memory_space<vmem>>
      %dma_wait3A_162 = tpu.memref_slice %arg3[%dma_wait3A_151, %add3A_48] : memref<2x3200000xi32, #tpu.memory_space<hbm>> -> memref<1x800xi32, #tpu.memory_space<hbm>>
      %dma_wait3A_163 = tpu.memref_squeeze %dma_wait3A_162 : memref<1x800xi32, #tpu.memory_space<hbm>> -> memref<800xi32, #tpu.memory_space<hbm>>
      tpu.wait_dma2 semaphore(%arg9 : memref<!tpu.dma_semaphore, #tpu.memory_space<semaphore_mem>>) src(%dma_wait3A_163 : memref<800xi32, #tpu.memory_space<hbm>>) dst(%dma_wait3A_161 : memref<800xi32, #tpu.memory_space<vmem>>)
      %dma_wait3A_164 = arith.constant 0 : i32
      %dma_wait3A_165 = arith.constant 0 : i32
      %dma_wait3A_166 = arith.constant 0 : i32
      %dma_wait3A_167 = arith.constant 0 : i32
      %dma_wait3A_168 = arith.constant 0 : i32
      %dma_wait3A_169 = tpu.memref_slice %arg7[%dma_wait3A_166, %dma_wait3A_167, %dma_wait3A_168] : memref<2x800x16xf32, #tpu.memory_space<vmem>> -> memref<1x800x16xf32, #tpu.memory_space<vmem>>
      %dma_wait3A_170 = tpu.memref_squeeze %dma_wait3A_169 : memref<1x800x16xf32, #tpu.memory_space<vmem>> -> memref<800x16xf32, #tpu.memory_space<vmem>>
      %dma_wait3A_171 = arith.constant 0 : i32
      %dma_wait3A_172 = tpu.memref_slice %arg6[%dma_wait3A_164, %dma_wait3A_165, %dma_wait3A_171] : memref<2x2x800xi32, #tpu.memory_space<vmem>> -> memref<1x1x800xi32, #tpu.memory_space<vmem>>
      %dma_wait3A_173 = tpu.memref_squeeze %dma_wait3A_172 : memref<1x1x800xi32, #tpu.memory_space<vmem>> -> memref<800xi32, #tpu.memory_space<vmem>>
      %dma_wait3A_174 = arith.constant 0 : i32
      %dma_wait3A_175 = arith.constant 0 : i32
      %dma_wait3A_176 = tpu.memref_slice %arg2[%dma_wait3A_174, %dma_wait3A_175] : memref<100096x16xf32, #tpu.memory_space<hbm>> -> memref<100096x16xf32, #tpu.memory_space<hbm>>
      tpu.wait_indirect_dma semaphore(%arg10 : memref<!tpu.dma_semaphore, #tpu.memory_space<semaphore_mem>>) src(%dma_wait3A_176 : memref<100096x16xf32, #tpu.memory_space<hbm>>) dst(%dma_wait3A_170 : memref<800x16xf32, #tpu.memory_space<vmem>>)
      %dma_start3A_177 = arith.constant 0 : i32
      %dma_start3A_178 = arith.constant 0 : i32
      %dma_start3A_179 = arith.constant 1 : i32
      %dma_start3A_180 = arith.constant 0 : i32
      %dma_start3A_181 = arith.constant 0 : i32
      %dma_start3A_182 = tpu.memref_slice %arg7[%dma_start3A_177, %dma_start3A_180, %dma_start3A_181] : memref<2x800x16xf32, #tpu.memory_space<vmem>> -> memref<1x800x16xf32, #tpu.memory_space<vmem>>
      %dma_start3A_183 = tpu.memref_squeeze %dma_start3A_182 : memref<1x800x16xf32, #tpu.memory_space<vmem>> -> memref<800x16xf32, #tpu.memory_space<vmem>>
      %dma_start3A_184 = arith.constant 0 : i32
      %dma_start3A_185 = tpu.memref_slice %arg6[%dma_start3A_178, %dma_start3A_179, %dma_start3A_184] : memref<2x2x800xi32, #tpu.memory_space<vmem>> -> memref<1x1x800xi32, #tpu.memory_space<vmem>>
      %dma_start3A_186 = tpu.memref_squeeze %dma_start3A_185 : memref<1x1x800xi32, #tpu.memory_space<vmem>> -> memref<800xi32, #tpu.memory_space<vmem>>
      %dma_start3A_187 = arith.constant 0 : i32
      %dma_start3A_188 = arith.constant 0 : i32
      %dma_start3A_189 = tpu.memref_slice %arg8[%dma_start3A_187, %dma_start3A_188] : memref<100096x16xf32, #tpu.memory_space<vmem_shared>> -> memref<100096x16xf32, #tpu.memory_space<vmem_shared>>
      tpu.enqueue_indirect_dma source(%dma_start3A_183 : memref<800x16xf32, #tpu.memory_space<vmem>>) target(%dma_start3A_189 : memref<100096x16xf32, #tpu.memory_space<vmem_shared>>) offsets(%dma_start3A_186 : memref<800xi32, #tpu.memory_space<vmem>>) semaphore(%arg11 : memref<!tpu.dma_semaphore, #tpu.memory_space<semaphore_mem>>) {add = true}
      %dma_start3A_190 = arith.constant 1 : i32
      %dma_start3A_191 = arith.constant 0 : i32
      %dma_start3A_192 = arith.constant 1 : i32
      %dma_start3A_193 = arith.constant 0 : i32
      %dma_start3A_194 = arith.constant 0 : i32
      %dma_start3A_195 = tpu.memref_slice %arg7[%dma_start3A_192, %dma_start3A_193, %dma_start3A_194] : memref<2x800x16xf32, #tpu.memory_space<vmem>> -> memref<1x800x16xf32, #tpu.memory_space<vmem>>
      %dma_start3A_196 = tpu.memref_squeeze %dma_start3A_195 : memref<1x800x16xf32, #tpu.memory_space<vmem>> -> memref<800x16xf32, #tpu.memory_space<vmem>>
      %dma_start3A_197 = arith.constant 0 : i32
      %dma_start3A_198 = tpu.memref_slice %arg6[%dma_start3A_190, %dma_start3A_191, %dma_start3A_197] : memref<2x2x800xi32, #tpu.memory_space<vmem>> -> memref<1x1x800xi32, #tpu.memory_space<vmem>>
      %dma_start3A_199 = tpu.memref_squeeze %dma_start3A_198 : memref<1x1x800xi32, #tpu.memory_space<vmem>> -> memref<800xi32, #tpu.memory_space<vmem>>
      %dma_start3A_200 = arith.constant 0 : i32
      %dma_start3A_201 = arith.constant 0 : i32
      %dma_start3A_202 = tpu.memref_slice %arg2[%dma_start3A_200, %dma_start3A_201] : memref<100096x16xf32, #tpu.memory_space<hbm>> -> memref<100096x16xf32, #tpu.memory_space<hbm>>
      tpu.enqueue_indirect_dma source(%dma_start3A_202 : memref<100096x16xf32, #tpu.memory_space<hbm>>) target(%dma_start3A_196 : memref<800x16xf32, #tpu.memory_space<vmem>>) offsets(%dma_start3A_199 : memref<800xi32, #tpu.memory_space<vmem>>) semaphore(%arg10 : memref<!tpu.dma_semaphore, #tpu.memory_space<semaphore_mem>>)
      %dma_wait3A_203 = arith.constant 1 : i32
      %dma_wait3A_204 = arith.constant 0 : i32
      %dma_wait3A_205 = arith.constant 1 : i32
      %dma_wait3A_206 = arith.constant 0 : i32
      %dma_wait3A_207 = arith.constant 0 : i32
      %dma_wait3A_208 = tpu.memref_slice %arg7[%dma_wait3A_205, %dma_wait3A_206, %dma_wait3A_207] : memref<2x800x16xf32, #tpu.memory_space<vmem>> -> memref<1x800x16xf32, #tpu.memory_space<vmem>>
      %dma_wait3A_209 = tpu.memref_squeeze %dma_wait3A_208 : memref<1x800x16xf32, #tpu.memory_space<vmem>> -> memref<800x16xf32, #tpu.memory_space<vmem>>
      %dma_wait3A_210 = arith.constant 0 : i32
      %dma_wait3A_211 = tpu.memref_slice %arg6[%dma_wait3A_203, %dma_wait3A_204, %dma_wait3A_210] : memref<2x2x800xi32, #tpu.memory_space<vmem>> -> memref<1x1x800xi32, #tpu.memory_space<vmem>>
      %dma_wait3A_212 = tpu.memref_squeeze %dma_wait3A_211 : memref<1x1x800xi32, #tpu.memory_space<vmem>> -> memref<800xi32, #tpu.memory_space<vmem>>
      %dma_wait3A_213 = arith.constant 0 : i32
      %dma_wait3A_214 = arith.constant 0 : i32
      %dma_wait3A_215 = tpu.memref_slice %arg2[%dma_wait3A_213, %dma_wait3A_214] : memref<100096x16xf32, #tpu.memory_space<hbm>> -> memref<100096x16xf32, #tpu.memory_space<hbm>>
      tpu.wait_indirect_dma semaphore(%arg10 : memref<!tpu.dma_semaphore, #tpu.memory_space<semaphore_mem>>) src(%dma_wait3A_215 : memref<100096x16xf32, #tpu.memory_space<hbm>>) dst(%dma_wait3A_209 : memref<800x16xf32, #tpu.memory_space<vmem>>)
      %dma_start3A_216 = arith.constant 1 : i32
      %dma_start3A_217 = arith.constant 1 : i32
      %dma_start3A_218 = arith.constant 1 : i32
      %dma_start3A_219 = arith.constant 0 : i32
      %dma_start3A_220 = arith.constant 0 : i32
      %dma_start3A_221 = tpu.memref_slice %arg7[%dma_start3A_216, %dma_start3A_219, %dma_start3A_220] : memref<2x800x16xf32, #tpu.memory_space<vmem>> -> memref<1x800x16xf32, #tpu.memory_space<vmem>>
      %dma_start3A_222 = tpu.memref_squeeze %dma_start3A_221 : memref<1x800x16xf32, #tpu.memory_space<vmem>> -> memref<800x16xf32, #tpu.memory_space<vmem>>
      %dma_start3A_223 = arith.constant 0 : i32
      %dma_start3A_224 = tpu.memref_slice %arg6[%dma_start3A_217, %dma_start3A_218, %dma_start3A_223] : memref<2x2x800xi32, #tpu.memory_space<vmem>> -> memref<1x1x800xi32, #tpu.memory_space<vmem>>
      %dma_start3A_225 = tpu.memref_squeeze %dma_start3A_224 : memref<1x1x800xi32, #tpu.memory_space<vmem>> -> memref<800xi32, #tpu.memory_space<vmem>>
      %dma_start3A_226 = arith.constant 0 : i32
      %dma_start3A_227 = arith.constant 0 : i32
      %dma_start3A_228 = tpu.memref_slice %arg8[%dma_start3A_226, %dma_start3A_227] : memref<100096x16xf32, #tpu.memory_space<vmem_shared>> -> memref<100096x16xf32, #tpu.memory_space<vmem_shared>>
      tpu.enqueue_indirect_dma source(%dma_start3A_222 : memref<800x16xf32, #tpu.memory_space<vmem>>) target(%dma_start3A_228 : memref<100096x16xf32, #tpu.memory_space<vmem_shared>>) offsets(%dma_start3A_225 : memref<800xi32, #tpu.memory_space<vmem>>) semaphore(%arg11 : memref<!tpu.dma_semaphore, #tpu.memory_space<semaphore_mem>>) {add = true}
      %dma_wait3A_229 = arith.constant 0 : i32
      %dma_wait3A_230 = arith.constant 0 : i32
      %dma_wait3A_231 = arith.constant 1 : i32
      %dma_wait3A_232 = arith.constant 0 : i32
      %dma_wait3A_233 = arith.constant 0 : i32
      %dma_wait3A_234 = tpu.memref_slice %arg7[%dma_wait3A_229, %dma_wait3A_232, %dma_wait3A_233] : memref<2x800x16xf32, #tpu.memory_space<vmem>> -> memref<1x800x16xf32, #tpu.memory_space<vmem>>
      %dma_wait3A_235 = tpu.memref_squeeze %dma_wait3A_234 : memref<1x800x16xf32, #tpu.memory_space<vmem>> -> memref<800x16xf32, #tpu.memory_space<vmem>>
      %dma_wait3A_236 = arith.constant 0 : i32
      %dma_wait3A_237 = tpu.memref_slice %arg6[%dma_wait3A_230, %dma_wait3A_231, %dma_wait3A_236] : memref<2x2x800xi32, #tpu.memory_space<vmem>> -> memref<1x1x800xi32, #tpu.memory_space<vmem>>
      %dma_wait3A_238 = tpu.memref_squeeze %dma_wait3A_237 : memref<1x1x800xi32, #tpu.memory_space<vmem>> -> memref<800xi32, #tpu.memory_space<vmem>>
      %dma_wait3A_239 = arith.constant 0 : i32
      %dma_wait3A_240 = arith.constant 0 : i32
      %dma_wait3A_241 = tpu.memref_slice %arg8[%dma_wait3A_239, %dma_wait3A_240] : memref<100096x16xf32, #tpu.memory_space<vmem_shared>> -> memref<100096x16xf32, #tpu.memory_space<vmem_shared>>
      tpu.wait_indirect_dma semaphore(%arg11 : memref<!tpu.dma_semaphore, #tpu.memory_space<semaphore_mem>>) src(%dma_wait3A_235 : memref<800x16xf32, #tpu.memory_space<vmem>>) dst(%dma_wait3A_241 : memref<100096x16xf32, #tpu.memory_space<vmem_shared>>)
      %dma_wait3A_242 = arith.constant 1 : i32
      %dma_wait3A_243 = arith.constant 1 : i32
      %dma_wait3A_244 = arith.constant 1 : i32
      %dma_wait3A_245 = arith.constant 0 : i32
      %dma_wait3A_246 = arith.constant 0 : i32
      %dma_wait3A_247 = tpu.memref_slice %arg7[%dma_wait3A_242, %dma_wait3A_245, %dma_wait3A_246] : memref<2x800x16xf32, #tpu.memory_space<vmem>> -> memref<1x800x16xf32, #tpu.memory_space<vmem>>
      %dma_wait3A_248 = tpu.memref_squeeze %dma_wait3A_247 : memref<1x800x16xf32, #tpu.memory_space<vmem>> -> memref<800x16xf32, #tpu.memory_space<vmem>>
      %dma_wait3A_249 = arith.constant 0 : i32
      %dma_wait3A_250 = tpu.memref_slice %arg6[%dma_wait3A_243, %dma_wait3A_244, %dma_wait3A_249] : memref<2x2x800xi32, #tpu.memory_space<vmem>> -> memref<1x1x800xi32, #tpu.memory_space<vmem>>
      %dma_wait3A_251 = tpu.memref_squeeze %dma_wait3A_250 : memref<1x1x800xi32, #tpu.memory_space<vmem>> -> memref<800xi32, #tpu.memory_space<vmem>>
      %dma_wait3A_252 = arith.constant 0 : i32
      %dma_wait3A_253 = arith.constant 0 : i32
      %dma_wait3A_254 = tpu.memref_slice %arg8[%dma_wait3A_252, %dma_wait3A_253] : memref<100096x16xf32, #tpu.memory_space<vmem_shared>> -> memref<100096x16xf32, #tpu.memory_space<vmem_shared>>
      tpu.wait_indirect_dma semaphore(%arg11 : memref<!tpu.dma_semaphore, #tpu.memory_space<semaphore_mem>>) src(%dma_wait3A_248 : memref<800x16xf32, #tpu.memory_space<vmem>>) dst(%dma_wait3A_254 : memref<100096x16xf32, #tpu.memory_space<vmem_shared>>)
    }
    %while3A_32 = arith.constant 1 : i32
    scf.for %while3A_41 = %while3A_30 to %while3A_26 step %while3A_32  : i32 {
      %mul3A_42 = arith.constant 2 : i32
      %mul3A_43 = arith.muli %mul3A_42, %while3A_41 : i32
      %add3A_44 = arith.addi %mul3A_4, %mul3A_43 : i32
      %mul3A_45 = arith.constant 800 : i32
      %mul3A_46 = arith.muli %add3A_44, %mul3A_45 : i32
      %add3A_47 = arith.constant 800 : i32
      %add3A_48 = arith.addi %mul3A_46, %add3A_47 : i32
      %dma_start3A = arith.constant 0 : i32
      %dma_start3A_49 = arith.constant 0 : i32
      %dma_start3A_50 = arith.constant 0 : i32
      %dma_start3A_51 = arith.constant 0 : i32
      %dma_start3A_52 = tpu.memref_slice %arg6[%dma_start3A_49, %dma_start3A_50, %dma_start3A_51] : memref<2x2x800xi32, #tpu.memory_space<vmem>> -> memref<1x1x800xi32, #tpu.memory_space<vmem>>
      %dma_start3A_53 = tpu.memref_squeeze %dma_start3A_52 : memref<1x1x800xi32, #tpu.memory_space<vmem>> -> memref<800xi32, #tpu.memory_space<vmem>>
      %dma_start3A_54 = tpu.memref_slice %arg3[%dma_start3A, %mul3A_46] : memref<2x3200000xi32, #tpu.memory_space<hbm>> -> memref<1x800xi32, #tpu.memory_space<hbm>>
      %dma_start3A_55 = tpu.memref_squeeze %dma_start3A_54 : memref<1x800xi32, #tpu.memory_space<hbm>> -> memref<800xi32, #tpu.memory_space<hbm>>
      %dma_start3A_56 = arith.constant 0 : i32
      %dma_start3A_57 = tpu.memref_slice %arg6[%dma_start3A_49, %dma_start3A_50, %dma_start3A_56] : memref<2x2x800xi32, #tpu.memory_space<vmem>> -> memref<1x1x800xi32, #tpu.memory_space<vmem>>
      %dma_start3A_58 = tpu.memref_squeeze %dma_start3A_57 : memref<1x1x800xi32, #tpu.memory_space<vmem>> -> memref<800xi32, #tpu.memory_space<vmem>>
      %dma_start3A_59 = tpu.memref_slice %arg3[%dma_start3A, %mul3A_46] : memref<2x3200000xi32, #tpu.memory_space<hbm>> -> memref<1x800xi32, #tpu.memory_space<hbm>>
      %dma_start3A_60 = tpu.memref_squeeze %dma_start3A_59 : memref<1x800xi32, #tpu.memory_space<hbm>> -> memref<800xi32, #tpu.memory_space<hbm>>
      tpu.enqueue_dma source(%dma_start3A_60 : memref<800xi32, #tpu.memory_space<hbm>>) target(%dma_start3A_58 : memref<800xi32, #tpu.memory_space<vmem>>) target_semaphore(%arg9 : memref<!tpu.dma_semaphore, #tpu.memory_space<semaphore_mem>>)
      %dma_start3A_61 = arith.constant 1 : i32
      %dma_start3A_62 = arith.constant 0 : i32
      %dma_start3A_63 = arith.constant 1 : i32
      %dma_start3A_64 = arith.constant 0 : i32
      %dma_start3A_65 = tpu.memref_slice %arg6[%dma_start3A_62, %dma_start3A_63, %dma_start3A_64] : memref<2x2x800xi32, #tpu.memory_space<vmem>> -> memref<1x1x800xi32, #tpu.memory_space<vmem>>
      %dma_start3A_66 = tpu.memref_squeeze %dma_start3A_65 : memref<1x1x800xi32, #tpu.memory_space<vmem>> -> memref<800xi32, #tpu.memory_space<vmem>>
      %dma_start3A_67 = tpu.memref_slice %arg3[%dma_start3A_61, %mul3A_46] : memref<2x3200000xi32, #tpu.memory_space<hbm>> -> memref<1x800xi32, #tpu.memory_space<hbm>>
      %dma_start3A_68 = tpu.memref_squeeze %dma_start3A_67 : memref<1x800xi32, #tpu.memory_space<hbm>> -> memref<800xi32, #tpu.memory_space<hbm>>
      %dma_start3A_69 = arith.constant 0 : i32
      %dma_start3A_70 = tpu.memref_slice %arg6[%dma_start3A_62, %dma_start3A_63, %dma_start3A_69] : memref<2x2x800xi32, #tpu.memory_space<vmem>> -> memref<1x1x800xi32, #tpu.memory_space<vmem>>
      %dma_start3A_71 = tpu.memref_squeeze %dma_start3A_70 : memref<1x1x800xi32, #tpu.memory_space<vmem>> -> memref<800xi32, #tpu.memory_space<vmem>>
      %dma_start3A_72 = tpu.memref_slice %arg3[%dma_start3A_61, %mul3A_46] : memref<2x3200000xi32, #tpu.memory_space<hbm>> -> memref<1x800xi32, #tpu.memory_space<hbm>>
      %dma_start3A_73 = tpu.memref_squeeze %dma_start3A_72 : memref<1x800xi32, #tpu.memory_space<hbm>> -> memref<800xi32, #tpu.memory_space<hbm>>
      tpu.enqueue_dma source(%dma_start3A_73 : memref<800xi32, #tpu.memory_space<hbm>>) target(%dma_start3A_71 : memref<800xi32, #tpu.memory_space<vmem>>) target_semaphore(%arg9 : memref<!tpu.dma_semaphore, #tpu.memory_space<semaphore_mem>>)
      %dma_start3A_74 = arith.constant 0 : i32
      %dma_start3A_75 = arith.constant 1 : i32
      %dma_start3A_76 = arith.constant 0 : i32
      %dma_start3A_77 = arith.constant 0 : i32
      %dma_start3A_78 = tpu.memref_slice %arg6[%dma_start3A_75, %dma_start3A_76, %dma_start3A_77] : memref<2x2x800xi32, #tpu.memory_space<vmem>> -> memref<1x1x800xi32, #tpu.memory_space<vmem>>
      %dma_start3A_79 = tpu.memref_squeeze %dma_start3A_78 : memref<1x1x800xi32, #tpu.memory_space<vmem>> -> memref<800xi32, #tpu.memory_space<vmem>>
      %dma_start3A_80 = tpu.memref_slice %arg3[%dma_start3A_74, %add3A_48] : memref<2x3200000xi32, #tpu.memory_space<hbm>> -> memref<1x800xi32, #tpu.memory_space<hbm>>
      %dma_start3A_81 = tpu.memref_squeeze %dma_start3A_80 : memref<1x800xi32, #tpu.memory_space<hbm>> -> memref<800xi32, #tpu.memory_space<hbm>>
      %dma_start3A_82 = arith.constant 0 : i32
      %dma_start3A_83 = tpu.memref_slice %arg6[%dma_start3A_75, %dma_start3A_76, %dma_start3A_82] : memref<2x2x800xi32, #tpu.memory_space<vmem>> -> memref<1x1x800xi32, #tpu.memory_space<vmem>>
      %dma_start3A_84 = tpu.memref_squeeze %dma_start3A_83 : memref<1x1x800xi32, #tpu.memory_space<vmem>> -> memref<800xi32, #tpu.memory_space<vmem>>
      %dma_start3A_85 = tpu.memref_slice %arg3[%dma_start3A_74, %add3A_48] : memref<2x3200000xi32, #tpu.memory_space<hbm>> -> memref<1x800xi32, #tpu.memory_space<hbm>>
      %dma_start3A_86 = tpu.memref_squeeze %dma_start3A_85 : memref<1x800xi32, #tpu.memory_space<hbm>> -> memref<800xi32, #tpu.memory_space<hbm>>
      tpu.enqueue_dma source(%dma_start3A_86 : memref<800xi32, #tpu.memory_space<hbm>>) target(%dma_start3A_84 : memref<800xi32, #tpu.memory_space<vmem>>) target_semaphore(%arg9 : memref<!tpu.dma_semaphore, #tpu.memory_space<semaphore_mem>>)
      %dma_start3A_87 = arith.constant 1 : i32
      %dma_start3A_88 = arith.constant 1 : i32
      %dma_start3A_89 = arith.constant 1 : i32
      %dma_start3A_90 = arith.constant 0 : i32
      %dma_start3A_91 = tpu.memref_slice %arg6[%dma_start3A_88, %dma_start3A_89, %dma_start3A_90] : memref<2x2x800xi32, #tpu.memory_space<vmem>> -> memref<1x1x800xi32, #tpu.memory_space<vmem>>
      %dma_start3A_92 = tpu.memref_squeeze %dma_start3A_91 : memref<1x1x800xi32, #tpu.memory_space<vmem>> -> memref<800xi32, #tpu.memory_space<vmem>>
      %dma_start3A_93 = tpu.memref_slice %arg3[%dma_start3A_87, %add3A_48] : memref<2x3200000xi32, #tpu.memory_space<hbm>> -> memref<1x800xi32, #tpu.memory_space<hbm>>
      %dma_start3A_94 = tpu.memref_squeeze %dma_start3A_93 : memref<1x800xi32, #tpu.memory_space<hbm>> -> memref<800xi32, #tpu.memory_space<hbm>>
      %dma_start3A_95 = arith.constant 0 : i32
      %dma_start3A_96 = tpu.memref_slice %arg6[%dma_start3A_88, %dma_start3A_89, %dma_start3A_95] : memref<2x2x800xi32, #tpu.memory_space<vmem>> -> memref<1x1x800xi32, #tpu.memory_space<vmem>>
      %dma_start3A_97 = tpu.memref_squeeze %dma_start3A_96 : memref<1x1x800xi32, #tpu.memory_space<vmem>> -> memref<800xi32, #tpu.memory_space<vmem>>
      %dma_start3A_98 = tpu.memref_slice %arg3[%dma_start3A_87, %add3A_48] : memref<2x3200000xi32, #tpu.memory_space<hbm>> -> memref<1x800xi32, #tpu.memory_space<hbm>>
      %dma_start3A_99 = tpu.memref_squeeze %dma_start3A_98 : memref<1x800xi32, #tpu.memory_space<hbm>> -> memref<800xi32, #tpu.memory_space<hbm>>
      tpu.enqueue_dma source(%dma_start3A_99 : memref<800xi32, #tpu.memory_space<hbm>>) target(%dma_start3A_97 : memref<800xi32, #tpu.memory_space<vmem>>) target_semaphore(%arg9 : memref<!tpu.dma_semaphore, #tpu.memory_space<semaphore_mem>>)
      %dma_wait3A = arith.constant 0 : i32
      %dma_wait3A_100 = arith.constant 0 : i32
      %dma_wait3A_101 = arith.constant 0 : i32
      %dma_wait3A_102 = arith.constant 0 : i32
      %dma_wait3A_103 = tpu.memref_slice %arg6[%dma_wait3A_100, %dma_wait3A_101, %dma_wait3A_102] : memref<2x2x800xi32, #tpu.memory_space<vmem>> -> memref<1x1x800xi32, #tpu.memory_space<vmem>>
      %dma_wait3A_104 = tpu.memref_squeeze %dma_wait3A_103 : memref<1x1x800xi32, #tpu.memory_space<vmem>> -> memref<800xi32, #tpu.memory_space<vmem>>
      %dma_wait3A_105 = tpu.memref_slice %arg3[%dma_wait3A, %mul3A_46] : memref<2x3200000xi32, #tpu.memory_space<hbm>> -> memref<1x800xi32, #tpu.memory_space<hbm>>
      %dma_wait3A_106 = tpu.memref_squeeze %dma_wait3A_105 : memref<1x800xi32, #tpu.memory_space<hbm>> -> memref<800xi32, #tpu.memory_space<hbm>>
      %dma_wait3A_107 = arith.constant 0 : i32
      %dma_wait3A_108 = tpu.memref_slice %arg6[%dma_wait3A_100, %dma_wait3A_101, %dma_wait3A_107] : memref<2x2x800xi32, #tpu.memory_space<vmem>> -> memref<1x1x800xi32, #tpu.memory_space<vmem>>
      %dma_wait3A_109 = tpu.memref_squeeze %dma_wait3A_108 : memref<1x1x800xi32, #tpu.memory_space<vmem>> -> memref<800xi32, #tpu.memory_space<vmem>>
      %dma_wait3A_110 = tpu.memref_slice %arg3[%dma_wait3A, %mul3A_46] : memref<2x3200000xi32, #tpu.memory_space<hbm>> -> memref<1x800xi32, #tpu.memory_space<hbm>>
      %dma_wait3A_111 = tpu.memref_squeeze %dma_wait3A_110 : memref<1x800xi32, #tpu.memory_space<hbm>> -> memref<800xi32, #tpu.memory_space<hbm>>
      tpu.wait_dma2 semaphore(%arg9 : memref<!tpu.dma_semaphore, #tpu.memory_space<semaphore_mem>>) src(%dma_wait3A_111 : memref<800xi32, #tpu.memory_space<hbm>>) dst(%dma_wait3A_109 : memref<800xi32, #tpu.memory_space<vmem>>)
      %dma_start3A_112 = arith.constant 0 : i32
      %dma_start3A_113 = arith.constant 0 : i32
      %dma_start3A_114 = arith.constant 0 : i32
      %dma_start3A_115 = arith.constant 0 : i32
      %dma_start3A_116 = arith.constant 0 : i32
      %dma_start3A_117 = tpu.memref_slice %arg7[%dma_start3A_114, %dma_start3A_115, %dma_start3A_116] : memref<2x800x16xf32, #tpu.memory_space<vmem>> -> memref<1x800x16xf32, #tpu.memory_space<vmem>>
      %dma_start3A_118 = tpu.memref_squeeze %dma_start3A_117 : memref<1x800x16xf32, #tpu.memory_space<vmem>> -> memref<800x16xf32, #tpu.memory_space<vmem>>
      %dma_start3A_119 = arith.constant 0 : i32
      %dma_start3A_120 = tpu.memref_slice %arg6[%dma_start3A_112, %dma_start3A_113, %dma_start3A_119] : memref<2x2x800xi32, #tpu.memory_space<vmem>> -> memref<1x1x800xi32, #tpu.memory_space<vmem>>
      %dma_start3A_121 = tpu.memref_squeeze %dma_start3A_120 : memref<1x1x800xi32, #tpu.memory_space<vmem>> -> memref<800xi32, #tpu.memory_space<vmem>>
      %dma_start3A_122 = arith.constant 0 : i32
      %dma_start3A_123 = arith.constant 0 : i32
      %dma_start3A_124 = tpu.memref_slice %arg2[%dma_start3A_122, %dma_start3A_123] : memref<100096x16xf32, #tpu.memory_space<hbm>> -> memref<100096x16xf32, #tpu.memory_space<hbm>>
      tpu.enqueue_indirect_dma source(%dma_start3A_124 : memref<100096x16xf32, #tpu.memory_space<hbm>>) target(%dma_start3A_118 : memref<800x16xf32, #tpu.memory_space<vmem>>) offsets(%dma_start3A_121 : memref<800xi32, #tpu.memory_space<vmem>>) semaphore(%arg10 : memref<!tpu.dma_semaphore, #tpu.memory_space<semaphore_mem>>)
      %dma_wait3A_125 = arith.constant 1 : i32
      %dma_wait3A_126 = arith.constant 0 : i32
      %dma_wait3A_127 = arith.constant 1 : i32
      %dma_wait3A_128 = arith.constant 0 : i32
      %dma_wait3A_129 = tpu.memref_slice %arg6[%dma_wait3A_126, %dma_wait3A_127, %dma_wait3A_128] : memref<2x2x800xi32, #tpu.memory_space<vmem>> -> memref<1x1x800xi32, #tpu.memory_space<vmem>>
      %dma_wait3A_130 = tpu.memref_squeeze %dma_wait3A_129 : memref<1x1x800xi32, #tpu.memory_space<vmem>> -> memref<800xi32, #tpu.memory_space<vmem>>
      %dma_wait3A_131 = tpu.memref_slice %arg3[%dma_wait3A_125, %mul3A_46] : memref<2x3200000xi32, #tpu.memory_space<hbm>> -> memref<1x800xi32, #tpu.memory_space<hbm>>
      %dma_wait3A_132 = tpu.memref_squeeze %dma_wait3A_131 : memref<1x800xi32, #tpu.memory_space<hbm>> -> memref<800xi32, #tpu.memory_space<hbm>>
      %dma_wait3A_133 = arith.constant 0 : i32
      %dma_wait3A_134 = tpu.memref_slice %arg6[%dma_wait3A_126, %dma_wait3A_127, %dma_wait3A_133] : memref<2x2x800xi32, #tpu.memory_space<vmem>> -> memref<1x1x800xi32, #tpu.memory_space<vmem>>
      %dma_wait3A_135 = tpu.memref_squeeze %dma_wait3A_134 : memref<1x1x800xi32, #tpu.memory_space<vmem>> -> memref<800xi32, #tpu.memory_space<vmem>>
      %dma_wait3A_136 = tpu.memref_slice %arg3[%dma_wait3A_125, %mul3A_46] : memref<2x3200000xi32, #tpu.memory_space<hbm>> -> memref<1x800xi32, #tpu.memory_space<hbm>>
      %dma_wait3A_137 = tpu.memref_squeeze %dma_wait3A_136 : memref<1x800xi32, #tpu.memory_space<hbm>> -> memref<800xi32, #tpu.memory_space<hbm>>
      tpu.wait_dma2 semaphore(%arg9 : memref<!tpu.dma_semaphore, #tpu.memory_space<semaphore_mem>>) src(%dma_wait3A_137 : memref<800xi32, #tpu.memory_space<hbm>>) dst(%dma_wait3A_135 : memref<800xi32, #tpu.memory_space<vmem>>)
      %dma_wait3A_138 = arith.constant 0 : i32
      %dma_wait3A_139 = arith.constant 1 : i32
      %dma_wait3A_140 = arith.constant 0 : i32
      %dma_wait3A_141 = arith.constant 0 : i32
      %dma_wait3A_142 = tpu.memref_slice %arg6[%dma_wait3A_139, %dma_wait3A_140, %dma_wait3A_141] : memref<2x2x800xi32, #tpu.memory_space<vmem>> -> memref<1x1x800xi32, #tpu.memory_space<vmem>>
      %dma_wait3A_143 = tpu.memref_squeeze %dma_wait3A_142 : memref<1x1x800xi32, #tpu.memory_space<vmem>> -> memref<800xi32, #tpu.memory_space<vmem>>
      %dma_wait3A_144 = tpu.memref_slice %arg3[%dma_wait3A_138, %add3A_48] : memref<2x3200000xi32, #tpu.memory_space<hbm>> -> memref<1x800xi32, #tpu.memory_space<hbm>>
      %dma_wait3A_145 = tpu.memref_squeeze %dma_wait3A_144 : memref<1x800xi32, #tpu.memory_space<hbm>> -> memref<800xi32, #tpu.memory_space<hbm>>
      %dma_wait3A_146 = arith.constant 0 : i32
      %dma_wait3A_147 = tpu.memref_slice %arg6[%dma_wait3A_139, %dma_wait3A_140, %dma_wait3A_146] : memref<2x2x800xi32, #tpu.memory_space<vmem>> -> memref<1x1x800xi32, #tpu.memory_space<vmem>>
      %dma_wait3A_148 = tpu.memref_squeeze %dma_wait3A_147 : memref<1x1x800xi32, #tpu.memory_space<vmem>> -> memref<800xi32, #tpu.memory_space<vmem>>
      %dma_wait3A_149 = tpu.memref_slice %arg3[%dma_wait3A_138, %add3A_48] : memref<2x3200000xi32, #tpu.memory_space<hbm>> -> memref<1x800xi32, #tpu.memory_space<hbm>>
      %dma_wait3A_150 = tpu.memref_squeeze %dma_wait3A_149 : memref<1x800xi32, #tpu.memory_space<hbm>> -> memref<800xi32, #tpu.memory_space<hbm>>
      tpu.wait_dma2 semaphore(%arg9 : memref<!tpu.dma_semaphore, #tpu.memory_space<semaphore_mem>>) src(%dma_wait3A_150 : memref<800xi32, #tpu.memory_space<hbm>>) dst(%dma_wait3A_148 : memref<800xi32, #tpu.memory_space<vmem>>)
      %dma_wait3A_151 = arith.constant 1 : i32
      %dma_wait3A_152 = arith.constant 1 : i32
      %dma_wait3A_153 = arith.constant 1 : i32
      %dma_wait3A_154 = arith.constant 0 : i32
      %dma_wait3A_155 = tpu.memref_slice %arg6[%dma_wait3A_152, %dma_wait3A_153, %dma_wait3A_154] : memref<2x2x800xi32, #tpu.memory_space<vmem>> -> memref<1x1x800xi32, #tpu.memory_space<vmem>>
      %dma_wait3A_156 = tpu.memref_squeeze %dma_wait3A_155 : memref<1x1x800xi32, #tpu.memory_space<vmem>> -> memref<800xi32, #tpu.memory_space<vmem>>
      %dma_wait3A_157 = tpu.memref_slice %arg3[%dma_wait3A_151, %add3A_48] : memref<2x3200000xi32, #tpu.memory_space<hbm>> -> memref<1x800xi32, #tpu.memory_space<hbm>>
      %dma_wait3A_158 = tpu.memref_squeeze %dma_wait3A_157 : memref<1x800xi32, #tpu.memory_space<hbm>> -> memref<800xi32, #tpu.memory_space<hbm>>
      %dma_wait3A_159 = arith.constant 0 : i32
      %dma_wait3A_160 = tpu.memref_slice %arg6[%dma_wait3A_152, %dma_wait3A_153, %dma_wait3A_159] : memref<2x2x800xi32, #tpu.memory_space<vmem>> -> memref<1x1x800xi32, #tpu.memory_space<vmem>>
      %dma_wait3A_161 = tpu.memref_squeeze %dma_wait3A_160 : memref<1x1x800xi32, #tpu.memory_space<vmem>> -> memref<800xi32, #tpu.memory_space<vmem>>
      %dma_wait3A_162 = tpu.memref_slice %arg3[%dma_wait3A_151, %add3A_48] : memref<2x3200000xi32, #tpu.memory_space<hbm>> -> memref<1x800xi32, #tpu.memory_space<hbm>>
      %dma_wait3A_163 = tpu.memref_squeeze %dma_wait3A_162 : memref<1x800xi32, #tpu.memory_space<hbm>> -> memref<800xi32, #tpu.memory_space<hbm>>
      tpu.wait_dma2 semaphore(%arg9 : memref<!tpu.dma_semaphore, #tpu.memory_space<semaphore_mem>>) src(%dma_wait3A_163 : memref<800xi32, #tpu.memory_space<hbm>>) dst(%dma_wait3A_161 : memref<800xi32, #tpu.memory_space<vmem>>)
      %dma_wait3A_164 = arith.constant 0 : i32
      %dma_wait3A_165 = arith.constant 0 : i32
      %dma_wait3A_166 = arith.constant 0 : i32
      %dma_wait3A_167 = arith.constant 0 : i32
      %dma_wait3A_168 = arith.constant 0 : i32
      %dma_wait3A_169 = tpu.memref_slice %arg7[%dma_wait3A_166, %dma_wait3A_167, %dma_wait3A_168] : memref<2x800x16xf32, #tpu.memory_space<vmem>> -> memref<1x800x16xf32, #tpu.memory_space<vmem>>
      %dma_wait3A_170 = tpu.memref_squeeze %dma_wait3A_169 : memref<1x800x16xf32, #tpu.memory_space<vmem>> -> memref<800x16xf32, #tpu.memory_space<vmem>>
      %dma_wait3A_171 = arith.constant 0 : i32
      %dma_wait3A_172 = tpu.memref_slice %arg6[%dma_wait3A_164, %dma_wait3A_165, %dma_wait3A_171] : memref<2x2x800xi32, #tpu.memory_space<vmem>> -> memref<1x1x800xi32, #tpu.memory_space<vmem>>
      %dma_wait3A_173 = tpu.memref_squeeze %dma_wait3A_172 : memref<1x1x800xi32, #tpu.memory_space<vmem>> -> memref<800xi32, #tpu.memory_space<vmem>>
      %dma_wait3A_174 = arith.constant 0 : i32
      %dma_wait3A_175 = arith.constant 0 : i32
      %dma_wait3A_176 = tpu.memref_slice %arg2[%dma_wait3A_174, %dma_wait3A_175] : memref<100096x16xf32, #tpu.memory_space<hbm>> -> memref<100096x16xf32, #tpu.memory_space<hbm>>
      tpu.wait_indirect_dma semaphore(%arg10 : memref<!tpu.dma_semaphore, #tpu.memory_space<semaphore_mem>>) src(%dma_wait3A_176 : memref<100096x16xf32, #tpu.memory_space<hbm>>) dst(%dma_wait3A_170 : memref<800x16xf32, #tpu.memory_space<vmem>>)
      %dma_start3A_177 = arith.constant 0 : i32
      %dma_start3A_178 = arith.constant 0 : i32
      %dma_start3A_179 = arith.constant 1 : i32
      %dma_start3A_180 = arith.constant 0 : i32
      %dma_start3A_181 = arith.constant 0 : i32
      %dma_start3A_182 = tpu.memref_slice %arg7[%dma_start3A_177, %dma_start3A_180, %dma_start3A_181] : memref<2x800x16xf32, #tpu.memory_space<vmem>> -> memref<1x800x16xf32, #tpu.memory_space<vmem>>
      %dma_start3A_183 = tpu.memref_squeeze %dma_start3A_182 : memref<1x800x16xf32, #tpu.memory_space<vmem>> -> memref<800x16xf32, #tpu.memory_space<vmem>>
      %dma_start3A_184 = arith.constant 0 : i32
      %dma_start3A_185 = tpu.memref_slice %arg6[%dma_start3A_178, %dma_start3A_179, %dma_start3A_184] : memref<2x2x800xi32, #tpu.memory_space<vmem>> -> memref<1x1x800xi32, #tpu.memory_space<vmem>>
      %dma_start3A_186 = tpu.memref_squeeze %dma_start3A_185 : memref<1x1x800xi32, #tpu.memory_space<vmem>> -> memref<800xi32, #tpu.memory_space<vmem>>
      %dma_start3A_187 = arith.constant 0 : i32
      %dma_start3A_188 = arith.constant 0 : i32
      %dma_start3A_189 = tpu.memref_slice %arg8[%dma_start3A_187, %dma_start3A_188] : memref<100096x16xf32, #tpu.memory_space<vmem_shared>> -> memref<100096x16xf32, #tpu.memory_space<vmem_shared>>
      tpu.enqueue_indirect_dma source(%dma_start3A_183 : memref<800x16xf32, #tpu.memory_space<vmem>>) target(%dma_start3A_189 : memref<100096x16xf32, #tpu.memory_space<vmem_shared>>) offsets(%dma_start3A_186 : memref<800xi32, #tpu.memory_space<vmem>>) semaphore(%arg11 : memref<!tpu.dma_semaphore, #tpu.memory_space<semaphore_mem>>) {add = true}
      %dma_start3A_190 = arith.constant 1 : i32
      %dma_start3A_191 = arith.constant 0 : i32
      %dma_start3A_192 = arith.constant 1 : i32
      %dma_start3A_193 = arith.constant 0 : i32
      %dma_start3A_194 = arith.constant 0 : i32
      %dma_start3A_195 = tpu.memref_slice %arg7[%dma_start3A_192, %dma_start3A_193, %dma_start3A_194] : memref<2x800x16xf32, #tpu.memory_space<vmem>> -> memref<1x800x16xf32, #tpu.memory_space<vmem>>
      %dma_start3A_196 = tpu.memref_squeeze %dma_start3A_195 : memref<1x800x16xf32, #tpu.memory_space<vmem>> -> memref<800x16xf32, #tpu.memory_space<vmem>>
      %dma_start3A_197 = arith.constant 0 : i32
      %dma_start3A_198 = tpu.memref_slice %arg6[%dma_start3A_190, %dma_start3A_191, %dma_start3A_197] : memref<2x2x800xi32, #tpu.memory_space<vmem>> -> memref<1x1x800xi32, #tpu.memory_space<vmem>>
      %dma_start3A_199 = tpu.memref_squeeze %dma_start3A_198 : memref<1x1x800xi32, #tpu.memory_space<vmem>> -> memref<800xi32, #tpu.memory_space<vmem>>
      %dma_start3A_200 = arith.constant 0 : i32
      %dma_start3A_201 = arith.constant 0 : i32
      %dma_start3A_202 = tpu.memref_slice %arg2[%dma_start3A_200, %dma_start3A_201] : memref<100096x16xf32, #tpu.memory_space<hbm>> -> memref<100096x16xf32, #tpu.memory_space<hbm>>
      tpu.enqueue_indirect_dma source(%dma_start3A_202 : memref<100096x16xf32, #tpu.memory_space<hbm>>) target(%dma_start3A_196 : memref<800x16xf32, #tpu.memory_space<vmem>>) offsets(%dma_start3A_199 : memref<800xi32, #tpu.memory_space<vmem>>) semaphore(%arg10 : memref<!tpu.dma_semaphore, #tpu.memory_space<semaphore_mem>>)
      %dma_wait3A_203 = arith.constant 1 : i32
      %dma_wait3A_204 = arith.constant 0 : i32
      %dma_wait3A_205 = arith.constant 1 : i32
      %dma_wait3A_206 = arith.constant 0 : i32
      %dma_wait3A_207 = arith.constant 0 : i32
      %dma_wait3A_208 = tpu.memref_slice %arg7[%dma_wait3A_205, %dma_wait3A_206, %dma_wait3A_207] : memref<2x800x16xf32, #tpu.memory_space<vmem>> -> memref<1x800x16xf32, #tpu.memory_space<vmem>>
      %dma_wait3A_209 = tpu.memref_squeeze %dma_wait3A_208 : memref<1x800x16xf32, #tpu.memory_space<vmem>> -> memref<800x16xf32, #tpu.memory_space<vmem>>
      %dma_wait3A_210 = arith.constant 0 : i32
      %dma_wait3A_211 = tpu.memref_slice %arg6[%dma_wait3A_203, %dma_wait3A_204, %dma_wait3A_210] : memref<2x2x800xi32, #tpu.memory_space<vmem>> -> memref<1x1x800xi32, #tpu.memory_space<vmem>>
      %dma_wait3A_212 = tpu.memref_squeeze %dma_wait3A_211 : memref<1x1x800xi32, #tpu.memory_space<vmem>> -> memref<800xi32, #tpu.memory_space<vmem>>
      %dma_wait3A_213 = arith.constant 0 : i32
      %dma_wait3A_214 = arith.constant 0 : i32
      %dma_wait3A_215 = tpu.memref_slice %arg2[%dma_wait3A_213, %dma_wait3A_214] : memref<100096x16xf32, #tpu.memory_space<hbm>> -> memref<100096x16xf32, #tpu.memory_space<hbm>>
      tpu.wait_indirect_dma semaphore(%arg10 : memref<!tpu.dma_semaphore, #tpu.memory_space<semaphore_mem>>) src(%dma_wait3A_215 : memref<100096x16xf32, #tpu.memory_space<hbm>>) dst(%dma_wait3A_209 : memref<800x16xf32, #tpu.memory_space<vmem>>)
      %dma_start3A_216 = arith.constant 1 : i32
      %dma_start3A_217 = arith.constant 1 : i32
      %dma_start3A_218 = arith.constant 1 : i32
      %dma_start3A_219 = arith.constant 0 : i32
      %dma_start3A_220 = arith.constant 0 : i32
      %dma_start3A_221 = tpu.memref_slice %arg7[%dma_start3A_216, %dma_start3A_219, %dma_start3A_220] : memref<2x800x16xf32, #tpu.memory_space<vmem>> -> memref<1x800x16xf32, #tpu.memory_space<vmem>>
      %dma_start3A_222 = tpu.memref_squeeze %dma_start3A_221 : memref<1x800x16xf32, #tpu.memory_space<vmem>> -> memref<800x16xf32, #tpu.memory_space<vmem>>
      %dma_start3A_223 = arith.constant 0 : i32
      %dma_start3A_224 = tpu.memref_slice %arg6[%dma_start3A_217, %dma_start3A_218, %dma_start3A_223] : memref<2x2x800xi32, #tpu.memory_space<vmem>> -> memref<1x1x800xi32, #tpu.memory_space<vmem>>
      %dma_start3A_225 = tpu.memref_squeeze %dma_start3A_224 : memref<1x1x800xi32, #tpu.memory_space<vmem>> -> memref<800xi32, #tpu.memory_space<vmem>>
      %dma_start3A_226 = arith.constant 0 : i32
      %dma_start3A_227 = arith.constant 0 : i32
      %dma_start3A_228 = tpu.memref_slice %arg8[%dma_start3A_226, %dma_start3A_227] : memref<100096x16xf32, #tpu.memory_space<vmem_shared>> -> memref<100096x16xf32, #tpu.memory_space<vmem_shared>>
      tpu.enqueue_indirect_dma source(%dma_start3A_222 : memref<800x16xf32, #tpu.memory_space<vmem>>) target(%dma_start3A_228 : memref<100096x16xf32, #tpu.memory_space<vmem_shared>>) offsets(%dma_start3A_225 : memref<800xi32, #tpu.memory_space<vmem>>) semaphore(%arg11 : memref<!tpu.dma_semaphore, #tpu.memory_space<semaphore_mem>>) {add = true}
      %dma_wait3A_229 = arith.constant 0 : i32
      %dma_wait3A_230 = arith.constant 0 : i32
      %dma_wait3A_231 = arith.constant 1 : i32
      %dma_wait3A_232 = arith.constant 0 : i32
      %dma_wait3A_233 = arith.constant 0 : i32
      %dma_wait3A_234 = tpu.memref_slice %arg7[%dma_wait3A_229, %dma_wait3A_232, %dma_wait3A_233] : memref<2x800x16xf32, #tpu.memory_space<vmem>> -> memref<1x800x16xf32, #tpu.memory_space<vmem>>
      %dma_wait3A_235 = tpu.memref_squeeze %dma_wait3A_234 : memref<1x800x16xf32, #tpu.memory_space<vmem>> -> memref<800x16xf32, #tpu.memory_space<vmem>>
      %dma_wait3A_236 = arith.constant 0 : i32
      %dma_wait3A_237 = tpu.memref_slice %arg6[%dma_wait3A_230, %dma_wait3A_231, %dma_wait3A_236] : memref<2x2x800xi32, #tpu.memory_space<vmem>> -> memref<1x1x800xi32, #tpu.memory_space<vmem>>
      %dma_wait3A_238 = tpu.memref_squeeze %dma_wait3A_237 : memref<1x1x800xi32, #tpu.memory_space<vmem>> -> memref<800xi32, #tpu.memory_space<vmem>>
      %dma_wait3A_239 = arith.constant 0 : i32
      %dma_wait3A_240 = arith.constant 0 : i32
      %dma_wait3A_241 = tpu.memref_slice %arg8[%dma_wait3A_239, %dma_wait3A_240] : memref<100096x16xf32, #tpu.memory_space<vmem_shared>> -> memref<100096x16xf32, #tpu.memory_space<vmem_shared>>
      tpu.wait_indirect_dma semaphore(%arg11 : memref<!tpu.dma_semaphore, #tpu.memory_space<semaphore_mem>>) src(%dma_wait3A_235 : memref<800x16xf32, #tpu.memory_space<vmem>>) dst(%dma_wait3A_241 : memref<100096x16xf32, #tpu.memory_space<vmem_shared>>)
      %dma_wait3A_242 = arith.constant 1 : i32
      %dma_wait3A_243 = arith.constant 1 : i32
      %dma_wait3A_244 = arith.constant 1 : i32
      %dma_wait3A_245 = arith.constant 0 : i32
      %dma_wait3A_246 = arith.constant 0 : i32
      %dma_wait3A_247 = tpu.memref_slice %arg7[%dma_wait3A_242, %dma_wait3A_245, %dma_wait3A_246] : memref<2x800x16xf32, #tpu.memory_space<vmem>> -> memref<1x800x16xf32, #tpu.memory_space<vmem>>
      %dma_wait3A_248 = tpu.memref_squeeze %dma_wait3A_247 : memref<1x800x16xf32, #tpu.memory_space<vmem>> -> memref<800x16xf32, #tpu.memory_space<vmem>>
      %dma_wait3A_249 = arith.constant 0 : i32
      %dma_wait3A_250 = tpu.memref_slice %arg6[%dma_wait3A_243, %dma_wait3A_244, %dma_wait3A_249] : memref<2x2x800xi32, #tpu.memory_space<vmem>> -> memref<1x1x800xi32, #tpu.memory_space<vmem>>
      %dma_wait3A_251 = tpu.memref_squeeze %dma_wait3A_250 : memref<1x1x800xi32, #tpu.memory_space<vmem>> -> memref<800xi32, #tpu.memory_space<vmem>>
      %dma_wait3A_252 = arith.constant 0 : i32
      %dma_wait3A_253 = arith.constant 0 : i32
      %dma_wait3A_254 = tpu.memref_slice %arg8[%dma_wait3A_252, %dma_wait3A_253] : memref<100096x16xf32, #tpu.memory_space<vmem_shared>> -> memref<100096x16xf32, #tpu.memory_space<vmem_shared>>
      tpu.wait_indirect_dma semaphore(%arg11 : memref<!tpu.dma_semaphore, #tpu.memory_space<semaphore_mem>>) src(%dma_wait3A_248 : memref<800x16xf32, #tpu.memory_space<vmem>>) dst(%dma_wait3A_254 : memref<100096x16xf32, #tpu.memory_space<vmem_shared>>)
    }
    %barrier3A_33 = arith.constant 0 : index
    tpu.barrier barrier_id(%barrier3A_33)
    %mul3A_34 = arith.constant 6256 : i32
    %mul3A_35 = arith.muli %arg1, %mul3A_34 : i32
    %mul3A_36 = arith.constant 100096 : i32
    %mul3A_37 = arith.muli %arg0, %mul3A_36 : i32
    %mul3A_38 = arith.constant 6256 : i32
    %mul3A_39 = arith.muli %arg1, %mul3A_38 : i32
    %add3A_40 = arith.addi %mul3A_37, %mul3A_39 : i32
    "tpu.region"() ({
      %run_scoped3A = tpu.sem_alloc : memref<!tpu.dma_semaphore, #tpu.memory_space<semaphore_mem>>
      %dma_start3A = arith.constant 0 : i32
      %dma_start3A_41 = tpu.memref_slice %arg5[%add3A_40, %dma_start3A] : memref<200192x16xf32, #tpu.memory_space<hbm>> -> memref<6256x16xf32, #tpu.memory_space<hbm>>
      %dma_start3A_42 = arith.constant 0 : i32
      %dma_start3A_43 = tpu.memref_slice %arg8[%mul3A_35, %dma_start3A_42] : memref<100096x16xf32, #tpu.memory_space<vmem_shared>> -> memref<6256x16xf32, #tpu.memory_space<vmem_shared>>
      tpu.enqueue_dma source(%dma_start3A_43 : memref<6256x16xf32, #tpu.memory_space<vmem_shared>>) target(%dma_start3A_41 : memref<6256x16xf32, #tpu.memory_space<hbm>>) target_semaphore(%run_scoped3A : memref<!tpu.dma_semaphore, #tpu.memory_space<semaphore_mem>>)
      %dma_wait3A = arith.constant 0 : i32
      %dma_wait3A_44 = tpu.memref_slice %arg5[%add3A_40, %dma_wait3A] : memref<200192x16xf32, #tpu.memory_space<hbm>> -> memref<6256x16xf32, #tpu.memory_space<hbm>>
      %dma_wait3A_45 = arith.constant 0 : i32
      %dma_wait3A_46 = tpu.memref_slice %arg8[%mul3A_35, %dma_wait3A_45] : memref<100096x16xf32, #tpu.memory_space<vmem_shared>> -> memref<6256x16xf32, #tpu.memory_space<vmem_shared>>
      tpu.wait_dma2 semaphore(%run_scoped3A : memref<!tpu.dma_semaphore, #tpu.memory_space<semaphore_mem>>) src(%dma_wait3A_46 : memref<6256x16xf32, #tpu.memory_space<vmem_shared>>) dst(%dma_wait3A_44 : memref<6256x16xf32, #tpu.memory_space<hbm>>)
      tpu.yield
    }) : () -> ()
    return
  }
}

module attributes {stable_mosaic.version = 14 : i64} {
  func.func @_layer1_body(%arg0: i32, %arg1: memref<1x12512x128xf32, #tpu.memory_space<vmem>>, %arg2: memref<1x12512x128xf32, #tpu.memory_space<vmem>>, %arg3: memref<1x12512x128xf32, #tpu.memory_space<vmem>>, %arg4: memref<1x12512x128xf32, #tpu.memory_space<vmem>>, %arg5: memref<12512x128xf32, #tpu.memory_space<vmem>>, %arg6: memref<128x128xf32, #tpu.memory_space<vmem>>, %arg7: memref<1x128xf32, #tpu.memory_space<vmem>>, %arg8: memref<128x128xf32, #tpu.memory_space<vmem>>, %arg9: memref<12512x128xf32, #tpu.memory_space<vmem>>, %arg10: memref<8x128xf32, #tpu.memory_space<vmem>>) attributes {dimension_semantics = [#tpu.dimension_semantics<arbitrary>], iteration_bounds = array<i64: 1>, scalar_prefetch = 0 : i64, scratch_operands = 0 : i64, tpu.core_type = #tpu.core_type<tc>, window_params = [{transform_indices = @transform_0, window_bounds = array<i64: 1, 12512, 128>}, {transform_indices = @transform_1, window_bounds = array<i64: 1, 12512, 128>}, {transform_indices = @transform_2, window_bounds = array<i64: 1, 12512, 128>}, {transform_indices = @transform_3, window_bounds = array<i64: 1, 12512, 128>}, {pipeline_mode = #tpu.pipeline_mode<synchronous>, transform_indices = @transform_4, window_bounds = array<i64: 12512, 128>}, {pipeline_mode = #tpu.pipeline_mode<synchronous>, transform_indices = @transform_5, window_bounds = array<i64: 128, 128>}, {pipeline_mode = #tpu.pipeline_mode<synchronous>, transform_indices = @transform_6, window_bounds = array<i64: 1, 128>}, {pipeline_mode = #tpu.pipeline_mode<synchronous>, transform_indices = @transform_7, window_bounds = array<i64: 128, 128>}, {pipeline_mode = #tpu.pipeline_mode<synchronous>, transform_indices = @transform_8, window_bounds = array<i64: 12512, 128>}, {pipeline_mode = #tpu.pipeline_mode<synchronous>, transform_indices = @transform_9, window_bounds = array<i64: 8, 128>}]} {
    %get3A = arith.constant 0 : index
    %get3A_0 = arith.constant 0 : index
    %get3A_1 = arith.constant 0 : index
    %get3A_2 = vector.load %arg3[%get3A, %get3A_0, %get3A_1] : memref<1x12512x128xf32, #tpu.memory_space<vmem>>, vector<1x12512x128xf32>
    %get3A_3 = vector.shape_cast %get3A_2 : vector<1x12512x128xf32> to vector<12512x128xf32>
    %get3A_4 = arith.constant 0 : index
    %get3A_5 = arith.constant 0 : index
    %get3A_6 = arith.constant 0 : index
    %get3A_7 = vector.load %arg4[%get3A_4, %get3A_5, %get3A_6] : memref<1x12512x128xf32, #tpu.memory_space<vmem>>, vector<1x12512x128xf32>
    %get3A_8 = vector.shape_cast %get3A_7 : vector<1x12512x128xf32> to vector<12512x128xf32>
    %add3A = arith.addf %get3A_3, %get3A_8 : vector<12512x128xf32>
    %max3A = arith.constant 1.000000e+00 : f32
    %max3A_9 = vector.broadcast %max3A : f32 to vector<12512x128xf32>
    %max3A_10 = arith.maximumf %add3A, %max3A_9 : vector<12512x128xf32>
    %get3A_11 = arith.constant 0 : index
    %get3A_12 = arith.constant 0 : index
    %get3A_13 = arith.constant 0 : index
    %get3A_14 = vector.load %arg1[%get3A_11, %get3A_12, %get3A_13] : memref<1x12512x128xf32, #tpu.memory_space<vmem>>, vector<1x12512x128xf32>
    %get3A_15 = vector.shape_cast %get3A_14 : vector<1x12512x128xf32> to vector<12512x128xf32>
    %get3A_16 = arith.constant 0 : index
    %get3A_17 = arith.constant 0 : index
    %get3A_18 = arith.constant 0 : index
    %get3A_19 = vector.load %arg2[%get3A_16, %get3A_17, %get3A_18] : memref<1x12512x128xf32, #tpu.memory_space<vmem>>, vector<1x12512x128xf32>
    %get3A_20 = vector.shape_cast %get3A_19 : vector<1x12512x128xf32> to vector<12512x128xf32>
    %add3A_21 = arith.addf %get3A_15, %get3A_20 : vector<12512x128xf32>
    %div3A = arith.divf %add3A_21, %max3A_10 : vector<12512x128xf32>
    %get3A_22 = arith.constant 0 : index
    %get3A_23 = arith.constant 0 : index
    %get3A_24 = vector.load %arg6[%get3A_22, %get3A_23] : memref<128x128xf32, #tpu.memory_space<vmem>>, vector<128x128xf32>
    %dot_general3A = arith.constant dense<0.000000e+00> : vector<12512x128xf32>
    %dot_general3A_25 = tpu.matmul %div3A, %get3A_24, %dot_general3A {dimension_numbers = #tpu.dot_dimension_numbers<[1], [0], [0], [1], [0, 0, 1, 1], [], []>, transpose_lhs_hint = false} : vector<12512x128xf32>, vector<128x128xf32>, vector<12512x128xf32> -> vector<12512x128xf32>
    %get3A_26 = arith.constant 0 : index
    %get3A_27 = arith.constant 0 : index
    %get3A_28 = vector.load %arg5[%get3A_26, %get3A_27] : memref<12512x128xf32, #tpu.memory_space<vmem>>, vector<12512x128xf32>
    %get3A_29 = arith.constant 0 : index
    %get3A_30 = arith.constant 0 : index
    %get3A_31 = vector.load %arg8[%get3A_29, %get3A_30] : memref<128x128xf32, #tpu.memory_space<vmem>>, vector<128x128xf32>
    %dot_general3A_32 = arith.constant dense<0.000000e+00> : vector<12512x128xf32>
    %dot_general3A_33 = tpu.matmul %get3A_28, %get3A_31, %dot_general3A_32 {dimension_numbers = #tpu.dot_dimension_numbers<[1], [0], [0], [1], [0, 0, 1, 1], [], []>, transpose_lhs_hint = false} : vector<12512x128xf32>, vector<128x128xf32>, vector<12512x128xf32> -> vector<12512x128xf32>
    %add3A_34 = arith.addf %dot_general3A_25, %dot_general3A_33 : vector<12512x128xf32>
    %get3A_35 = arith.constant 0 : index
    %get3A_36 = arith.constant 0 : index
    %get3A_37 = vector.load %arg7[%get3A_35, %get3A_36] : memref<1x128xf32, #tpu.memory_space<vmem>>, vector<1x128xf32>
    %add3A_38 = vector.broadcast %get3A_37 : vector<1x128xf32> to vector<12512x128xf32>
    %add3A_39 = arith.addf %add3A_34, %add3A_38 : vector<12512x128xf32>
    %swap3A = arith.constant 0 : index
    %swap3A_40 = arith.constant 0 : index
    %swap3A_41 = vector.load %arg9[%swap3A, %swap3A_40] : memref<12512x128xf32, #tpu.memory_space<vmem>>, vector<12512x128xf32>
    tpu.vector_store %arg9[%swap3A, %swap3A_40], %add3A_39 {strides = array<i32>} : memref<12512x128xf32, #tpu.memory_space<vmem>>, vector<12512x128xf32>,
    %iota3A = tpu.iota {dimensions = array<i32: 0>} : vector<12512x128xi32>
    %lt3A = arith.constant 12500 : i32
    %lt3A_42 = vector.broadcast %lt3A : i32 to vector<12512x128xi32>
    %lt3A_43 = arith.cmpi slt, %iota3A, %lt3A_42 : vector<12512x128xi32>
    %jit3A = arith.constant 0.000000e+00 : f32
    %broadcast_in_dim3A = vector.broadcast %jit3A : f32 to vector<12512x128xf32>
    %select_n3A = arith.select %lt3A_43, %add3A_39, %broadcast_in_dim3A : vector<12512x128xi1>, vector<12512x128xf32>
    %reduce_sum3A = arith.constant dense<0.000000e+00> : vector<128xf32>
    %reduce_sum3A_44 = vector.multi_reduction <add>, %select_n3A, %reduce_sum3A [0] : vector<12512x128xf32> to vector<128xf32>
    %broadcast_in_dim3A_45 = vector.shape_cast %reduce_sum3A_44 : vector<128xf32> to vector<1x128xf32>
    %mul3A = arith.mulf %select_n3A, %select_n3A : vector<12512x128xf32>
    %reduce_sum3A_46 = arith.constant dense<0.000000e+00> : vector<128xf32>
    %reduce_sum3A_47 = vector.multi_reduction <add>, %mul3A, %reduce_sum3A_46 [0] : vector<12512x128xf32> to vector<128xf32>
    %broadcast_in_dim3A_48 = vector.shape_cast %reduce_sum3A_47 : vector<128xf32> to vector<1x128xf32>
    %broadcast_in_dim3A_49 = arith.constant 0.000000e+00 : f32
    %broadcast_in_dim3A_50 = vector.broadcast %broadcast_in_dim3A_49 : f32 to vector<6x128xf32>
    %concatenate3A = tpu.concatenate %broadcast_in_dim3A_45, %broadcast_in_dim3A_48, %broadcast_in_dim3A_50 in 0 : vector<1x128xf32>, vector<1x128xf32>, vector<6x128xf32> -> vector<8x128xf32>
    %swap3A_51 = arith.constant 0 : index
    %swap3A_52 = arith.constant 0 : index
    %swap3A_53 = vector.load %arg10[%swap3A_51, %swap3A_52] : memref<8x128xf32, #tpu.memory_space<vmem>>, vector<8x128xf32>
    tpu.vector_store %arg10[%swap3A_51, %swap3A_52], %concatenate3A {strides = array<i32>} : memref<8x128xf32, #tpu.memory_space<vmem>>, vector<8x128xf32>,
    return
  }
  func.func @transform_0(%arg0: i32) -> (i32, i32, i32) {
    %c0_i32 = arith.constant 0 : i32
    %c0_i32_0 = arith.constant 0 : i32
    %c0_i32_1 = arith.constant 0 : i32
    %c0_i32_2 = arith.constant 0 : i32
    return %c0_i32, %c0_i32_0, %c0_i32_1 : i32, i32, i32
  }
  func.func @transform_1(%arg0: i32) -> (i32, i32, i32) {
    %c1_i32 = arith.constant 1 : i32
    %c0_i32 = arith.constant 0 : i32
    %c0_i32_0 = arith.constant 0 : i32
    %c0_i32_1 = arith.constant 0 : i32
    return %c1_i32, %c0_i32, %c0_i32_0 : i32, i32, i32
  }
  func.func @transform_2(%arg0: i32) -> (i32, i32, i32) {
    %c0_i32 = arith.constant 0 : i32
    %c0_i32_0 = arith.constant 0 : i32
    %c0_i32_1 = arith.constant 0 : i32
    %c0_i32_2 = arith.constant 0 : i32
    return %c0_i32, %c0_i32_0, %c0_i32_1 : i32, i32, i32
  }
  func.func @transform_3(%arg0: i32) -> (i32, i32, i32) {
    %c1_i32 = arith.constant 1 : i32
    %c0_i32 = arith.constant 0 : i32
    %c0_i32_0 = arith.constant 0 : i32
    %c0_i32_1 = arith.constant 0 : i32
    return %c1_i32, %c0_i32, %c0_i32_0 : i32, i32, i32
  }
  func.func @transform_4(%arg0: i32) -> (i32, i32) {
    %c0_i32 = arith.constant 0 : i32
    %c0_i32_0 = arith.constant 0 : i32
    %c0_i32_1 = arith.constant 0 : i32
    return %c0_i32, %c0_i32_0 : i32, i32
  }
  func.func @transform_5(%arg0: i32) -> (i32, i32) {
    %c0_i32 = arith.constant 0 : i32
    %c0_i32_0 = arith.constant 0 : i32
    %c0_i32_1 = arith.constant 0 : i32
    return %c0_i32, %c0_i32_0 : i32, i32
  }
  func.func @transform_6(%arg0: i32) -> (i32, i32) {
    %c0_i32 = arith.constant 0 : i32
    %c0_i32_0 = arith.constant 0 : i32
    %c0_i32_1 = arith.constant 0 : i32
    return %c0_i32, %c0_i32_0 : i32, i32
  }
  func.func @transform_7(%arg0: i32) -> (i32, i32) {
    %c0_i32 = arith.constant 0 : i32
    %c0_i32_0 = arith.constant 0 : i32
    %c0_i32_1 = arith.constant 0 : i32
    return %c0_i32, %c0_i32_0 : i32, i32
  }
  func.func @transform_8(%arg0: i32) -> (i32, i32) {
    %c0_i32 = arith.constant 0 : i32
    %c0_i32_0 = arith.constant 0 : i32
    %c0_i32_1 = arith.constant 0 : i32
    return %c0_i32, %c0_i32_0 : i32, i32
  }
  func.func @transform_9(%arg0: i32) -> (i32, i32) {
    %c0_i32 = arith.constant 0 : i32
    %c0_i32_0 = arith.constant 0 : i32
    %c0_i32_1 = arith.constant 0 : i32
    return %c0_i32, %c0_i32_0 : i32, i32
  }
}

module attributes {stable_mosaic.version = 14 : i64} {
  func.func @_bn_relu_body(%arg0: i32, %arg1: memref<12512x128xf32, #tpu.memory_space<vmem>>, %arg2: memref<8x128xf32, #tpu.memory_space<vmem>>, %arg3: memref<1x128xf32, #tpu.memory_space<vmem>>, %arg4: memref<1x128xf32, #tpu.memory_space<vmem>>, %arg5: memref<12512x128xf32, #tpu.memory_space<vmem>>) attributes {dimension_semantics = [#tpu.dimension_semantics<arbitrary>], iteration_bounds = array<i64: 1>, scalar_prefetch = 0 : i64, scratch_operands = 0 : i64, tpu.core_type = #tpu.core_type<tc>, window_params = [{pipeline_mode = #tpu.pipeline_mode<synchronous>, transform_indices = @transform_0, window_bounds = array<i64: 12512, 128>}, {pipeline_mode = #tpu.pipeline_mode<synchronous>, transform_indices = @transform_1, window_bounds = array<i64: 8, 128>}, {pipeline_mode = #tpu.pipeline_mode<synchronous>, transform_indices = @transform_2, window_bounds = array<i64: 1, 128>}, {pipeline_mode = #tpu.pipeline_mode<synchronous>, transform_indices = @transform_3, window_bounds = array<i64: 1, 128>}, {pipeline_mode = #tpu.pipeline_mode<synchronous>, transform_indices = @transform_4, window_bounds = array<i64: 12512, 128>}]} {
    %get3A = arith.constant 0 : index
    %get3A_0 = arith.constant 0 : index
    %get3A_1 = vector.load %arg2[%get3A, %get3A_0] : memref<8x128xf32, #tpu.memory_space<vmem>>, vector<8x128xf32>
    %slice3A = vector.extract_strided_slice %get3A_1 {offsets = [0, 0], sizes = [1, 128], strides = [1, 1]} : vector<8x128xf32> to vector<1x128xf32>
    %slice3A_2 = vector.extract_strided_slice %slice3A {offsets = [0, 112], sizes = [1, 16], strides = [1, 1]} : vector<1x128xf32> to vector<1x16xf32>
    %slice3A_3 = vector.extract_strided_slice %slice3A {offsets = [0, 0], sizes = [1, 112], strides = [1, 1]} : vector<1x128xf32> to vector<1x112xf32>
    %concatenate3A = tpu.concatenate %slice3A_2, %slice3A_3 in 1 : vector<1x16xf32>, vector<1x112xf32> -> vector<1x128xf32>
    %add3A = arith.addf %slice3A, %concatenate3A : vector<1x128xf32>
    %slice3A_4 = vector.extract_strided_slice %slice3A {offsets = [0, 96], sizes = [1, 32], strides = [1, 1]} : vector<1x128xf32> to vector<1x32xf32>
    %slice3A_5 = vector.extract_strided_slice %slice3A {offsets = [0, 0], sizes = [1, 96], strides = [1, 1]} : vector<1x128xf32> to vector<1x96xf32>
    %concatenate3A_6 = tpu.concatenate %slice3A_4, %slice3A_5 in 1 : vector<1x32xf32>, vector<1x96xf32> -> vector<1x128xf32>
    %add3A_7 = arith.addf %add3A, %concatenate3A_6 : vector<1x128xf32>
    %slice3A_8 = vector.extract_strided_slice %slice3A {offsets = [0, 80], sizes = [1, 48], strides = [1, 1]} : vector<1x128xf32> to vector<1x48xf32>
    %slice3A_9 = vector.extract_strided_slice %slice3A {offsets = [0, 0], sizes = [1, 80], strides = [1, 1]} : vector<1x128xf32> to vector<1x80xf32>
    %concatenate3A_10 = tpu.concatenate %slice3A_8, %slice3A_9 in 1 : vector<1x48xf32>, vector<1x80xf32> -> vector<1x128xf32>
    %add3A_11 = arith.addf %add3A_7, %concatenate3A_10 : vector<1x128xf32>
    %slice3A_12 = vector.extract_strided_slice %slice3A {offsets = [0, 64], sizes = [1, 64], strides = [1, 1]} : vector<1x128xf32> to vector<1x64xf32>
    %slice3A_13 = vector.extract_strided_slice %slice3A {offsets = [0, 0], sizes = [1, 64], strides = [1, 1]} : vector<1x128xf32> to vector<1x64xf32>
    %concatenate3A_14 = tpu.concatenate %slice3A_12, %slice3A_13 in 1 : vector<1x64xf32>, vector<1x64xf32> -> vector<1x128xf32>
    %add3A_15 = arith.addf %add3A_11, %concatenate3A_14 : vector<1x128xf32>
    %slice3A_16 = vector.extract_strided_slice %slice3A {offsets = [0, 48], sizes = [1, 80], strides = [1, 1]} : vector<1x128xf32> to vector<1x80xf32>
    %slice3A_17 = vector.extract_strided_slice %slice3A {offsets = [0, 0], sizes = [1, 48], strides = [1, 1]} : vector<1x128xf32> to vector<1x48xf32>
    %concatenate3A_18 = tpu.concatenate %slice3A_16, %slice3A_17 in 1 : vector<1x80xf32>, vector<1x48xf32> -> vector<1x128xf32>
    %add3A_19 = arith.addf %add3A_15, %concatenate3A_18 : vector<1x128xf32>
    %slice3A_20 = vector.extract_strided_slice %slice3A {offsets = [0, 32], sizes = [1, 96], strides = [1, 1]} : vector<1x128xf32> to vector<1x96xf32>
    %slice3A_21 = vector.extract_strided_slice %slice3A {offsets = [0, 0], sizes = [1, 32], strides = [1, 1]} : vector<1x128xf32> to vector<1x32xf32>
    %concatenate3A_22 = tpu.concatenate %slice3A_20, %slice3A_21 in 1 : vector<1x96xf32>, vector<1x32xf32> -> vector<1x128xf32>
    %add3A_23 = arith.addf %add3A_19, %concatenate3A_22 : vector<1x128xf32>
    %slice3A_24 = vector.extract_strided_slice %slice3A {offsets = [0, 16], sizes = [1, 112], strides = [1, 1]} : vector<1x128xf32> to vector<1x112xf32>
    %slice3A_25 = vector.extract_strided_slice %slice3A {offsets = [0, 0], sizes = [1, 16], strides = [1, 1]} : vector<1x128xf32> to vector<1x16xf32>
    %concatenate3A_26 = tpu.concatenate %slice3A_24, %slice3A_25 in 1 : vector<1x112xf32>, vector<1x16xf32> -> vector<1x128xf32>
    %add3A_27 = arith.addf %add3A_23, %concatenate3A_26 : vector<1x128xf32>
    %div3A = arith.constant 1.000000e+05 : f32
    %div3A_28 = vector.broadcast %div3A : f32 to vector<1x128xf32>
    %div3A_29 = arith.divf %add3A_27, %div3A_28 : vector<1x128xf32>
    %slice3A_30 = vector.extract_strided_slice %get3A_1 {offsets = [1, 0], sizes = [1, 128], strides = [1, 1]} : vector<8x128xf32> to vector<1x128xf32>
    %slice3A_31 = vector.extract_strided_slice %slice3A_30 {offsets = [0, 112], sizes = [1, 16], strides = [1, 1]} : vector<1x128xf32> to vector<1x16xf32>
    %slice3A_32 = vector.extract_strided_slice %slice3A_30 {offsets = [0, 0], sizes = [1, 112], strides = [1, 1]} : vector<1x128xf32> to vector<1x112xf32>
    %concatenate3A_33 = tpu.concatenate %slice3A_31, %slice3A_32 in 1 : vector<1x16xf32>, vector<1x112xf32> -> vector<1x128xf32>
    %add3A_34 = arith.addf %slice3A_30, %concatenate3A_33 : vector<1x128xf32>
    %slice3A_35 = vector.extract_strided_slice %slice3A_30 {offsets = [0, 96], sizes = [1, 32], strides = [1, 1]} : vector<1x128xf32> to vector<1x32xf32>
    %slice3A_36 = vector.extract_strided_slice %slice3A_30 {offsets = [0, 0], sizes = [1, 96], strides = [1, 1]} : vector<1x128xf32> to vector<1x96xf32>
    %concatenate3A_37 = tpu.concatenate %slice3A_35, %slice3A_36 in 1 : vector<1x32xf32>, vector<1x96xf32> -> vector<1x128xf32>
    %add3A_38 = arith.addf %add3A_34, %concatenate3A_37 : vector<1x128xf32>
    %slice3A_39 = vector.extract_strided_slice %slice3A_30 {offsets = [0, 80], sizes = [1, 48], strides = [1, 1]} : vector<1x128xf32> to vector<1x48xf32>
    %slice3A_40 = vector.extract_strided_slice %slice3A_30 {offsets = [0, 0], sizes = [1, 80], strides = [1, 1]} : vector<1x128xf32> to vector<1x80xf32>
    %concatenate3A_41 = tpu.concatenate %slice3A_39, %slice3A_40 in 1 : vector<1x48xf32>, vector<1x80xf32> -> vector<1x128xf32>
    %add3A_42 = arith.addf %add3A_38, %concatenate3A_41 : vector<1x128xf32>
    %slice3A_43 = vector.extract_strided_slice %slice3A_30 {offsets = [0, 64], sizes = [1, 64], strides = [1, 1]} : vector<1x128xf32> to vector<1x64xf32>
    %slice3A_44 = vector.extract_strided_slice %slice3A_30 {offsets = [0, 0], sizes = [1, 64], strides = [1, 1]} : vector<1x128xf32> to vector<1x64xf32>
    %concatenate3A_45 = tpu.concatenate %slice3A_43, %slice3A_44 in 1 : vector<1x64xf32>, vector<1x64xf32> -> vector<1x128xf32>
    %add3A_46 = arith.addf %add3A_42, %concatenate3A_45 : vector<1x128xf32>
    %slice3A_47 = vector.extract_strided_slice %slice3A_30 {offsets = [0, 48], sizes = [1, 80], strides = [1, 1]} : vector<1x128xf32> to vector<1x80xf32>
    %slice3A_48 = vector.extract_strided_slice %slice3A_30 {offsets = [0, 0], sizes = [1, 48], strides = [1, 1]} : vector<1x128xf32> to vector<1x48xf32>
    %concatenate3A_49 = tpu.concatenate %slice3A_47, %slice3A_48 in 1 : vector<1x80xf32>, vector<1x48xf32> -> vector<1x128xf32>
    %add3A_50 = arith.addf %add3A_46, %concatenate3A_49 : vector<1x128xf32>
    %slice3A_51 = vector.extract_strided_slice %slice3A_30 {offsets = [0, 32], sizes = [1, 96], strides = [1, 1]} : vector<1x128xf32> to vector<1x96xf32>
    %slice3A_52 = vector.extract_strided_slice %slice3A_30 {offsets = [0, 0], sizes = [1, 32], strides = [1, 1]} : vector<1x128xf32> to vector<1x32xf32>
    %concatenate3A_53 = tpu.concatenate %slice3A_51, %slice3A_52 in 1 : vector<1x96xf32>, vector<1x32xf32> -> vector<1x128xf32>
    %add3A_54 = arith.addf %add3A_50, %concatenate3A_53 : vector<1x128xf32>
    %slice3A_55 = vector.extract_strided_slice %slice3A_30 {offsets = [0, 16], sizes = [1, 112], strides = [1, 1]} : vector<1x128xf32> to vector<1x112xf32>
    %slice3A_56 = vector.extract_strided_slice %slice3A_30 {offsets = [0, 0], sizes = [1, 16], strides = [1, 1]} : vector<1x128xf32> to vector<1x16xf32>
    %concatenate3A_57 = tpu.concatenate %slice3A_55, %slice3A_56 in 1 : vector<1x112xf32>, vector<1x16xf32> -> vector<1x128xf32>
    %add3A_58 = arith.addf %add3A_54, %concatenate3A_57 : vector<1x128xf32>
    %div3A_59 = arith.constant 1.000000e+05 : f32
    %div3A_60 = vector.broadcast %div3A_59 : f32 to vector<1x128xf32>
    %div3A_61 = arith.divf %add3A_58, %div3A_60 : vector<1x128xf32>
    %mul3A = arith.mulf %div3A_29, %div3A_29 : vector<1x128xf32>
    %sub3A = arith.subf %div3A_61, %mul3A : vector<1x128xf32>
    %get3A_62 = arith.constant 0 : index
    %get3A_63 = arith.constant 0 : index
    %get3A_64 = vector.load %arg3[%get3A_62, %get3A_63] : memref<1x128xf32, #tpu.memory_space<vmem>>, vector<1x128xf32>
    %add3A_65 = arith.constant 9.99999974E-6 : f32
    %add3A_66 = vector.broadcast %add3A_65 : f32 to vector<1x128xf32>
    %add3A_67 = arith.addf %sub3A, %add3A_66 : vector<1x128xf32>
    %rsqrt3A = math.rsqrt %add3A_67 : vector<1x128xf32>
    %mul3A_68 = arith.mulf %get3A_64, %rsqrt3A : vector<1x128xf32>
    %get3A_69 = arith.constant 0 : index
    %get3A_70 = arith.constant 0 : index
    %get3A_71 = vector.load %arg1[%get3A_69, %get3A_70] : memref<12512x128xf32, #tpu.memory_space<vmem>>, vector<12512x128xf32>
    %sub3A_72 = vector.broadcast %div3A_29 : vector<1x128xf32> to vector<12512x128xf32>
    %sub3A_73 = arith.subf %get3A_71, %sub3A_72 : vector<12512x128xf32>
    %mul3A_74 = vector.broadcast %mul3A_68 : vector<1x128xf32> to vector<12512x128xf32>
    %mul3A_75 = arith.mulf %sub3A_73, %mul3A_74 : vector<12512x128xf32>
    %get3A_76 = arith.constant 0 : index
    %get3A_77 = arith.constant 0 : index
    %get3A_78 = vector.load %arg4[%get3A_76, %get3A_77] : memref<1x128xf32, #tpu.memory_space<vmem>>, vector<1x128xf32>
    %add3A_79 = vector.broadcast %get3A_78 : vector<1x128xf32> to vector<12512x128xf32>
    %add3A_80 = arith.addf %mul3A_75, %add3A_79 : vector<12512x128xf32>
    %max3A = arith.constant 0.000000e+00 : f32
    %max3A_81 = vector.broadcast %max3A : f32 to vector<12512x128xf32>
    %max3A_82 = arith.maximumf %add3A_80, %max3A_81 : vector<12512x128xf32>
    %swap3A = arith.constant 0 : index
    %swap3A_83 = arith.constant 0 : index
    %swap3A_84 = vector.load %arg5[%swap3A, %swap3A_83] : memref<12512x128xf32, #tpu.memory_space<vmem>>, vector<12512x128xf32>
    tpu.vector_store %arg5[%swap3A, %swap3A_83], %max3A_82 {strides = array<i32>} : memref<12512x128xf32, #tpu.memory_space<vmem>>, vector<12512x128xf32>,
    return
  }
  func.func @transform_0(%arg0: i32) -> (i32, i32) {
    %c0_i32 = arith.constant 0 : i32
    %c0_i32_0 = arith.constant 0 : i32
    %c0_i32_1 = arith.constant 0 : i32
    return %c0_i32, %c0_i32_0 : i32, i32
  }
  func.func @transform_1(%arg0: i32) -> (i32, i32) {
    %c0_i32 = arith.constant 0 : i32
    %c0_i32_0 = arith.constant 0 : i32
    %c0_i32_1 = arith.constant 0 : i32
    return %c0_i32, %c0_i32_0 : i32, i32
  }
  func.func @transform_2(%arg0: i32) -> (i32, i32) {
    %c0_i32 = arith.constant 0 : i32
    %c0_i32_0 = arith.constant 0 : i32
    %c0_i32_1 = arith.constant 0 : i32
    return %c0_i32, %c0_i32_0 : i32, i32
  }
  func.func @transform_3(%arg0: i32) -> (i32, i32) {
    %c0_i32 = arith.constant 0 : i32
    %c0_i32_0 = arith.constant 0 : i32
    %c0_i32_1 = arith.constant 0 : i32
    return %c0_i32, %c0_i32_0 : i32, i32
  }
  func.func @transform_4(%arg0: i32) -> (i32, i32) {
    %c0_i32 = arith.constant 0 : i32
    %c0_i32_0 = arith.constant 0 : i32
    %c0_i32_1 = arith.constant 0 : i32
    return %c0_i32, %c0_i32_0 : i32, i32
  }
}

module attributes {stable_mosaic.version = 14 : i64} {
  func.func @_layer_body(%arg0: i32, %arg1: memref<1x12512x128xf32, #tpu.memory_space<vmem>>, %arg2: memref<1x12512x128xf32, #tpu.memory_space<vmem>>, %arg3: memref<1x12512x128xf32, #tpu.memory_space<vmem>>, %arg4: memref<1x12512x128xf32, #tpu.memory_space<vmem>>, %arg5: memref<12512x128xf32, #tpu.memory_space<vmem>>, %arg6: memref<128x128xf32, #tpu.memory_space<vmem>>, %arg7: memref<1x128xf32, #tpu.memory_space<vmem>>, %arg8: memref<128x128xf32, #tpu.memory_space<vmem>>, %arg9: memref<12512x128xf32, #tpu.memory_space<vmem>>) attributes {dimension_semantics = [#tpu.dimension_semantics<arbitrary>], iteration_bounds = array<i64: 1>, scalar_prefetch = 0 : i64, scratch_operands = 0 : i64, tpu.core_type = #tpu.core_type<tc>, window_params = [{transform_indices = @transform_0, window_bounds = array<i64: 1, 12512, 128>}, {transform_indices = @transform_1, window_bounds = array<i64: 1, 12512, 128>}, {transform_indices = @transform_2, window_bounds = array<i64: 1, 12512, 128>}, {transform_indices = @transform_3, window_bounds = array<i64: 1, 12512, 128>}, {pipeline_mode = #tpu.pipeline_mode<synchronous>, transform_indices = @transform_4, window_bounds = array<i64: 12512, 128>}, {pipeline_mode = #tpu.pipeline_mode<synchronous>, transform_indices = @transform_5, window_bounds = array<i64: 128, 128>}, {pipeline_mode = #tpu.pipeline_mode<synchronous>, transform_indices = @transform_6, window_bounds = array<i64: 1, 128>}, {pipeline_mode = #tpu.pipeline_mode<synchronous>, transform_indices = @transform_7, window_bounds = array<i64: 128, 128>}, {pipeline_mode = #tpu.pipeline_mode<synchronous>, transform_indices = @transform_8, window_bounds = array<i64: 12512, 128>}]} {
    %get3A = arith.constant 0 : index
    %get3A_0 = arith.constant 0 : index
    %get3A_1 = arith.constant 0 : index
    %get3A_2 = vector.load %arg3[%get3A, %get3A_0, %get3A_1] : memref<1x12512x128xf32, #tpu.memory_space<vmem>>, vector<1x12512x128xf32>
    %get3A_3 = vector.shape_cast %get3A_2 : vector<1x12512x128xf32> to vector<12512x128xf32>
    %get3A_4 = arith.constant 0 : index
    %get3A_5 = arith.constant 0 : index
    %get3A_6 = arith.constant 0 : index
    %get3A_7 = vector.load %arg4[%get3A_4, %get3A_5, %get3A_6] : memref<1x12512x128xf32, #tpu.memory_space<vmem>>, vector<1x12512x128xf32>
    %get3A_8 = vector.shape_cast %get3A_7 : vector<1x12512x128xf32> to vector<12512x128xf32>
    %add3A = arith.addf %get3A_3, %get3A_8 : vector<12512x128xf32>
    %max3A = arith.constant 1.000000e+00 : f32
    %max3A_9 = vector.broadcast %max3A : f32 to vector<12512x128xf32>
    %max3A_10 = arith.maximumf %add3A, %max3A_9 : vector<12512x128xf32>
    %get3A_11 = arith.constant 0 : index
    %get3A_12 = arith.constant 0 : index
    %get3A_13 = arith.constant 0 : index
    %get3A_14 = vector.load %arg1[%get3A_11, %get3A_12, %get3A_13] : memref<1x12512x128xf32, #tpu.memory_space<vmem>>, vector<1x12512x128xf32>
    %get3A_15 = vector.shape_cast %get3A_14 : vector<1x12512x128xf32> to vector<12512x128xf32>
    %get3A_16 = arith.constant 0 : index
    %get3A_17 = arith.constant 0 : index
    %get3A_18 = arith.constant 0 : index
    %get3A_19 = vector.load %arg2[%get3A_16, %get3A_17, %get3A_18] : memref<1x12512x128xf32, #tpu.memory_space<vmem>>, vector<1x12512x128xf32>
    %get3A_20 = vector.shape_cast %get3A_19 : vector<1x12512x128xf32> to vector<12512x128xf32>
    %add3A_21 = arith.addf %get3A_15, %get3A_20 : vector<12512x128xf32>
    %div3A = arith.divf %add3A_21, %max3A_10 : vector<12512x128xf32>
    %get3A_22 = arith.constant 0 : index
    %get3A_23 = arith.constant 0 : index
    %get3A_24 = vector.load %arg6[%get3A_22, %get3A_23] : memref<128x128xf32, #tpu.memory_space<vmem>>, vector<128x128xf32>
    %dot_general3A = arith.constant dense<0.000000e+00> : vector<12512x128xf32>
    %dot_general3A_25 = tpu.matmul %div3A, %get3A_24, %dot_general3A {dimension_numbers = #tpu.dot_dimension_numbers<[1], [0], [0], [1], [0, 0, 1, 1], [], []>, transpose_lhs_hint = false} : vector<12512x128xf32>, vector<128x128xf32>, vector<12512x128xf32> -> vector<12512x128xf32>
    %get3A_26 = arith.constant 0 : index
    %get3A_27 = arith.constant 0 : index
    %get3A_28 = vector.load %arg5[%get3A_26, %get3A_27] : memref<12512x128xf32, #tpu.memory_space<vmem>>, vector<12512x128xf32>
    %get3A_29 = arith.constant 0 : index
    %get3A_30 = arith.constant 0 : index
    %get3A_31 = vector.load %arg8[%get3A_29, %get3A_30] : memref<128x128xf32, #tpu.memory_space<vmem>>, vector<128x128xf32>
    %dot_general3A_32 = arith.constant dense<0.000000e+00> : vector<12512x128xf32>
    %dot_general3A_33 = tpu.matmul %get3A_28, %get3A_31, %dot_general3A_32 {dimension_numbers = #tpu.dot_dimension_numbers<[1], [0], [0], [1], [0, 0, 1, 1], [], []>, transpose_lhs_hint = false} : vector<12512x128xf32>, vector<128x128xf32>, vector<12512x128xf32> -> vector<12512x128xf32>
    %add3A_34 = arith.addf %dot_general3A_25, %dot_general3A_33 : vector<12512x128xf32>
    %get3A_35 = arith.constant 0 : index
    %get3A_36 = arith.constant 0 : index
    %get3A_37 = vector.load %arg7[%get3A_35, %get3A_36] : memref<1x128xf32, #tpu.memory_space<vmem>>, vector<1x128xf32>
    %add3A_38 = vector.broadcast %get3A_37 : vector<1x128xf32> to vector<12512x128xf32>
    %add3A_39 = arith.addf %add3A_34, %add3A_38 : vector<12512x128xf32>
    %max3A_40 = arith.constant 0.000000e+00 : f32
    %max3A_41 = vector.broadcast %max3A_40 : f32 to vector<12512x128xf32>
    %max3A_42 = arith.maximumf %add3A_39, %max3A_41 : vector<12512x128xf32>
    %swap3A = arith.constant 0 : index
    %swap3A_43 = arith.constant 0 : index
    %swap3A_44 = vector.load %arg9[%swap3A, %swap3A_43] : memref<12512x128xf32, #tpu.memory_space<vmem>>, vector<12512x128xf32>
    tpu.vector_store %arg9[%swap3A, %swap3A_43], %max3A_42 {strides = array<i32>} : memref<12512x128xf32, #tpu.memory_space<vmem>>, vector<12512x128xf32>,
    return
  }
  func.func @transform_0(%arg0: i32) -> (i32, i32, i32) {
    %c0_i32 = arith.constant 0 : i32
    %c0_i32_0 = arith.constant 0 : i32
    %c0_i32_1 = arith.constant 0 : i32
    %c0_i32_2 = arith.constant 0 : i32
    return %c0_i32, %c0_i32_0, %c0_i32_1 : i32, i32, i32
  }
  func.func @transform_1(%arg0: i32) -> (i32, i32, i32) {
    %c1_i32 = arith.constant 1 : i32
    %c0_i32 = arith.constant 0 : i32
    %c0_i32_0 = arith.constant 0 : i32
    %c0_i32_1 = arith.constant 0 : i32
    return %c1_i32, %c0_i32, %c0_i32_0 : i32, i32, i32
  }
  func.func @transform_2(%arg0: i32) -> (i32, i32, i32) {
    %c0_i32 = arith.constant 0 : i32
    %c0_i32_0 = arith.constant 0 : i32
    %c0_i32_1 = arith.constant 0 : i32
    %c0_i32_2 = arith.constant 0 : i32
    return %c0_i32, %c0_i32_0, %c0_i32_1 : i32, i32, i32
  }
  func.func @transform_3(%arg0: i32) -> (i32, i32, i32) {
    %c1_i32 = arith.constant 1 : i32
    %c0_i32 = arith.constant 0 : i32
    %c0_i32_0 = arith.constant 0 : i32
    %c0_i32_1 = arith.constant 0 : i32
    return %c1_i32, %c0_i32, %c0_i32_0 : i32, i32, i32
  }
  func.func @transform_4(%arg0: i32) -> (i32, i32) {
    %c0_i32 = arith.constant 0 : i32
    %c0_i32_0 = arith.constant 0 : i32
    %c0_i32_1 = arith.constant 0 : i32
    return %c0_i32, %c0_i32_0 : i32, i32
  }
  func.func @transform_5(%arg0: i32) -> (i32, i32) {
    %c0_i32 = arith.constant 0 : i32
    %c0_i32_0 = arith.constant 0 : i32
    %c0_i32_1 = arith.constant 0 : i32
    return %c0_i32, %c0_i32_0 : i32, i32
  }
  func.func @transform_6(%arg0: i32) -> (i32, i32) {
    %c0_i32 = arith.constant 0 : i32
    %c0_i32_0 = arith.constant 0 : i32
    %c0_i32_1 = arith.constant 0 : i32
    return %c0_i32, %c0_i32_0 : i32, i32
  }
  func.func @transform_7(%arg0: i32) -> (i32, i32) {
    %c0_i32 = arith.constant 0 : i32
    %c0_i32_0 = arith.constant 0 : i32
    %c0_i32_1 = arith.constant 0 : i32
    return %c0_i32, %c0_i32_0 : i32, i32
  }
  func.func @transform_8(%arg0: i32) -> (i32, i32) {
    %c0_i32 = arith.constant 0 : i32
    %c0_i32_0 = arith.constant 0 : i32
    %c0_i32_1 = arith.constant 0 : i32
    return %c0_i32, %c0_i32_0 : i32, i32
  }
}

module attributes {stable_mosaic.version = 14 : i64} {
  func.func @_layer4_body(%arg0: i32, %arg1: memref<1x12512x128xf32, #tpu.memory_space<vmem>>, %arg2: memref<1x12512x128xf32, #tpu.memory_space<vmem>>, %arg3: memref<1x12512x128xf32, #tpu.memory_space<vmem>>, %arg4: memref<1x12512x128xf32, #tpu.memory_space<vmem>>, %arg5: memref<12512x128xf32, #tpu.memory_space<vmem>>, %arg6: memref<128x256xf32, #tpu.memory_space<vmem>>, %arg7: memref<1x256xf32, #tpu.memory_space<vmem>>, %arg8: memref<128x256xf32, #tpu.memory_space<vmem>>, %arg9: memref<256x256xf32, #tpu.memory_space<vmem>>, %arg10: memref<1x256xf32, #tpu.memory_space<vmem>>, %arg11: memref<256x16xf32, #tpu.memory_space<vmem>>, %arg12: memref<1x16xf32, #tpu.memory_space<vmem>>, %arg13: memref<12512x16xf32, #tpu.memory_space<vmem>>) attributes {dimension_semantics = [#tpu.dimension_semantics<arbitrary>], iteration_bounds = array<i64: 1>, scalar_prefetch = 0 : i64, scratch_operands = 0 : i64, tpu.core_type = #tpu.core_type<tc>, window_params = [{transform_indices = @transform_0, window_bounds = array<i64: 1, 12512, 128>}, {transform_indices = @transform_1, window_bounds = array<i64: 1, 12512, 128>}, {transform_indices = @transform_2, window_bounds = array<i64: 1, 12512, 128>}, {transform_indices = @transform_3, window_bounds = array<i64: 1, 12512, 128>}, {pipeline_mode = #tpu.pipeline_mode<synchronous>, transform_indices = @transform_4, window_bounds = array<i64: 12512, 128>}, {pipeline_mode = #tpu.pipeline_mode<synchronous>, transform_indices = @transform_5, window_bounds = array<i64: 128, 256>}, {pipeline_mode = #tpu.pipeline_mode<synchronous>, transform_indices = @transform_6, window_bounds = array<i64: 1, 256>}, {pipeline_mode = #tpu.pipeline_mode<synchronous>, transform_indices = @transform_7, window_bounds = array<i64: 128, 256>}, {pipeline_mode = #tpu.pipeline_mode<synchronous>, transform_indices = @transform_8, window_bounds = array<i64: 256, 256>}, {pipeline_mode = #tpu.pipeline_mode<synchronous>, transform_indices = @transform_9, window_bounds = array<i64: 1, 256>}, {pipeline_mode = #tpu.pipeline_mode<synchronous>, transform_indices = @transform_10, window_bounds = array<i64: 256, 16>}, {pipeline_mode = #tpu.pipeline_mode<synchronous>, transform_indices = @transform_11, window_bounds = array<i64: 1, 16>}, {pipeline_mode = #tpu.pipeline_mode<synchronous>, transform_indices = @transform_12, window_bounds = array<i64: 12512, 16>}]} {
    %get3A = arith.constant 0 : index
    %get3A_0 = arith.constant 0 : index
    %get3A_1 = arith.constant 0 : index
    %get3A_2 = vector.load %arg3[%get3A, %get3A_0, %get3A_1] : memref<1x12512x128xf32, #tpu.memory_space<vmem>>, vector<1x12512x128xf32>
    %get3A_3 = vector.shape_cast %get3A_2 : vector<1x12512x128xf32> to vector<12512x128xf32>
    %get3A_4 = arith.constant 0 : index
    %get3A_5 = arith.constant 0 : index
    %get3A_6 = arith.constant 0 : index
    %get3A_7 = vector.load %arg4[%get3A_4, %get3A_5, %get3A_6] : memref<1x12512x128xf32, #tpu.memory_space<vmem>>, vector<1x12512x128xf32>
    %get3A_8 = vector.shape_cast %get3A_7 : vector<1x12512x128xf32> to vector<12512x128xf32>
    %add3A = arith.addf %get3A_3, %get3A_8 : vector<12512x128xf32>
    %max3A = arith.constant 1.000000e+00 : f32
    %max3A_9 = vector.broadcast %max3A : f32 to vector<12512x128xf32>
    %max3A_10 = arith.maximumf %add3A, %max3A_9 : vector<12512x128xf32>
    %get3A_11 = arith.constant 0 : index
    %get3A_12 = arith.constant 0 : index
    %get3A_13 = arith.constant 0 : index
    %get3A_14 = vector.load %arg1[%get3A_11, %get3A_12, %get3A_13] : memref<1x12512x128xf32, #tpu.memory_space<vmem>>, vector<1x12512x128xf32>
    %get3A_15 = vector.shape_cast %get3A_14 : vector<1x12512x128xf32> to vector<12512x128xf32>
    %get3A_16 = arith.constant 0 : index
    %get3A_17 = arith.constant 0 : index
    %get3A_18 = arith.constant 0 : index
    %get3A_19 = vector.load %arg2[%get3A_16, %get3A_17, %get3A_18] : memref<1x12512x128xf32, #tpu.memory_space<vmem>>, vector<1x12512x128xf32>
    %get3A_20 = vector.shape_cast %get3A_19 : vector<1x12512x128xf32> to vector<12512x128xf32>
    %add3A_21 = arith.addf %get3A_15, %get3A_20 : vector<12512x128xf32>
    %div3A = arith.divf %add3A_21, %max3A_10 : vector<12512x128xf32>
    %get3A_22 = arith.constant 0 : index
    %get3A_23 = arith.constant 0 : index
    %get3A_24 = vector.load %arg6[%get3A_22, %get3A_23] : memref<128x256xf32, #tpu.memory_space<vmem>>, vector<128x256xf32>
    %dot_general3A = arith.constant dense<0.000000e+00> : vector<12512x256xf32>
    %dot_general3A_25 = tpu.matmul %div3A, %get3A_24, %dot_general3A {dimension_numbers = #tpu.dot_dimension_numbers<[1], [0], [0], [1], [0, 0, 1, 1], [], []>, transpose_lhs_hint = false} : vector<12512x128xf32>, vector<128x256xf32>, vector<12512x256xf32> -> vector<12512x256xf32>
    %get3A_26 = arith.constant 0 : index
    %get3A_27 = arith.constant 0 : index
    %get3A_28 = vector.load %arg5[%get3A_26, %get3A_27] : memref<12512x128xf32, #tpu.memory_space<vmem>>, vector<12512x128xf32>
    %get3A_29 = arith.constant 0 : index
    %get3A_30 = arith.constant 0 : index
    %get3A_31 = vector.load %arg8[%get3A_29, %get3A_30] : memref<128x256xf32, #tpu.memory_space<vmem>>, vector<128x256xf32>
    %dot_general3A_32 = arith.constant dense<0.000000e+00> : vector<12512x256xf32>
    %dot_general3A_33 = tpu.matmul %get3A_28, %get3A_31, %dot_general3A_32 {dimension_numbers = #tpu.dot_dimension_numbers<[1], [0], [0], [1], [0, 0, 1, 1], [], []>, transpose_lhs_hint = false} : vector<12512x128xf32>, vector<128x256xf32>, vector<12512x256xf32> -> vector<12512x256xf32>
    %add3A_34 = arith.addf %dot_general3A_25, %dot_general3A_33 : vector<12512x256xf32>
    %get3A_35 = arith.constant 0 : index
    %get3A_36 = arith.constant 0 : index
    %get3A_37 = vector.load %arg7[%get3A_35, %get3A_36] : memref<1x256xf32, #tpu.memory_space<vmem>>, vector<1x256xf32>
    %add3A_38 = vector.broadcast %get3A_37 : vector<1x256xf32> to vector<12512x256xf32>
    %add3A_39 = arith.addf %add3A_34, %add3A_38 : vector<12512x256xf32>
    %get3A_40 = arith.constant 0 : index
    %get3A_41 = arith.constant 0 : index
    %get3A_42 = vector.load %arg9[%get3A_40, %get3A_41] : memref<256x256xf32, #tpu.memory_space<vmem>>, vector<256x256xf32>
    %dot_general3A_43 = arith.constant dense<0.000000e+00> : vector<12512x256xf32>
    %dot_general3A_44 = tpu.matmul %add3A_39, %get3A_42, %dot_general3A_43 {dimension_numbers = #tpu.dot_dimension_numbers<[1], [0], [0], [1], [0, 0, 1, 1], [], []>, transpose_lhs_hint = false} : vector<12512x256xf32>, vector<256x256xf32>, vector<12512x256xf32> -> vector<12512x256xf32>
    %get3A_45 = arith.constant 0 : index
    %get3A_46 = arith.constant 0 : index
    %get3A_47 = vector.load %arg10[%get3A_45, %get3A_46] : memref<1x256xf32, #tpu.memory_space<vmem>>, vector<1x256xf32>
    %add3A_48 = vector.broadcast %get3A_47 : vector<1x256xf32> to vector<12512x256xf32>
    %add3A_49 = arith.addf %dot_general3A_44, %add3A_48 : vector<12512x256xf32>
    %max3A_50 = arith.constant 0.000000e+00 : f32
    %max3A_51 = vector.broadcast %max3A_50 : f32 to vector<12512x256xf32>
    %max3A_52 = arith.maximumf %add3A_49, %max3A_51 : vector<12512x256xf32>
    %get3A_53 = arith.constant 0 : index
    %get3A_54 = arith.constant 0 : index
    %get3A_55 = vector.load %arg11[%get3A_53, %get3A_54] : memref<256x16xf32, #tpu.memory_space<vmem>>, vector<256x16xf32>
    %dot_general3A_56 = arith.constant dense<0.000000e+00> : vector<12512x16xf32>
    %dot_general3A_57 = tpu.matmul %max3A_52, %get3A_55, %dot_general3A_56 {dimension_numbers = #tpu.dot_dimension_numbers<[1], [0], [0], [1], [0, 0, 1, 1], [], []>, transpose_lhs_hint = false} : vector<12512x256xf32>, vector<256x16xf32>, vector<12512x16xf32> -> vector<12512x16xf32>
    %get3A_58 = arith.constant 0 : index
    %get3A_59 = arith.constant 0 : index
    %get3A_60 = vector.load %arg12[%get3A_58, %get3A_59] : memref<1x16xf32, #tpu.memory_space<vmem>>, vector<1x16xf32>
    %add3A_61 = vector.broadcast %get3A_60 : vector<1x16xf32> to vector<12512x16xf32>
    %add3A_62 = arith.addf %dot_general3A_57, %add3A_61 : vector<12512x16xf32>
    %slice3A = vector.extract_strided_slice %add3A_62 {offsets = [0, 0], sizes = [12512, 8], strides = [1, 1]} : vector<12512x16xf32> to vector<12512x8xf32>
    %slice3A_63 = vector.extract_strided_slice %add3A_62 {offsets = [0, 8], sizes = [12512, 8], strides = [1, 1]} : vector<12512x16xf32> to vector<12512x8xf32>
    %max3A_64 = arith.maximumf %slice3A, %slice3A_63 : vector<12512x8xf32>
    %sub3A = arith.subf %slice3A, %max3A_64 : vector<12512x8xf32>
    %exp3A = math.exp %sub3A : vector<12512x8xf32>
    %sub3A_65 = arith.subf %slice3A_63, %max3A_64 : vector<12512x8xf32>
    %exp3A_66 = math.exp %sub3A_65 : vector<12512x8xf32>
    %add3A_67 = arith.addf %exp3A, %exp3A_66 : vector<12512x8xf32>
    %div3A_68 = arith.divf %exp3A, %add3A_67 : vector<12512x8xf32>
    %div3A_69 = arith.divf %exp3A_66, %add3A_67 : vector<12512x8xf32>
    %concatenate3A = tpu.concatenate %div3A_68, %div3A_69 in 1 : vector<12512x8xf32>, vector<12512x8xf32> -> vector<12512x16xf32>
    %swap3A = arith.constant 0 : index
    %swap3A_70 = arith.constant 0 : index
    %swap3A_71 = vector.load %arg13[%swap3A, %swap3A_70] : memref<12512x16xf32, #tpu.memory_space<vmem>>, vector<12512x16xf32>
    tpu.vector_store %arg13[%swap3A, %swap3A_70], %concatenate3A {strides = array<i32>} : memref<12512x16xf32, #tpu.memory_space<vmem>>, vector<12512x16xf32>,
    return
  }
  func.func @transform_0(%arg0: i32) -> (i32, i32, i32) {
    %c0_i32 = arith.constant 0 : i32
    %c0_i32_0 = arith.constant 0 : i32
    %c0_i32_1 = arith.constant 0 : i32
    %c0_i32_2 = arith.constant 0 : i32
    return %c0_i32, %c0_i32_0, %c0_i32_1 : i32, i32, i32
  }
  func.func @transform_1(%arg0: i32) -> (i32, i32, i32) {
    %c1_i32 = arith.constant 1 : i32
    %c0_i32 = arith.constant 0 : i32
    %c0_i32_0 = arith.constant 0 : i32
    %c0_i32_1 = arith.constant 0 : i32
    return %c1_i32, %c0_i32, %c0_i32_0 : i32, i32, i32
  }
  func.func @transform_2(%arg0: i32) -> (i32, i32, i32) {
    %c0_i32 = arith.constant 0 : i32
    %c0_i32_0 = arith.constant 0 : i32
    %c0_i32_1 = arith.constant 0 : i32
    %c0_i32_2 = arith.constant 0 : i32
    return %c0_i32, %c0_i32_0, %c0_i32_1 : i32, i32, i32
  }
  func.func @transform_3(%arg0: i32) -> (i32, i32, i32) {
    %c1_i32 = arith.constant 1 : i32
    %c0_i32 = arith.constant 0 : i32
    %c0_i32_0 = arith.constant 0 : i32
    %c0_i32_1 = arith.constant 0 : i32
    return %c1_i32, %c0_i32, %c0_i32_0 : i32, i32, i32
  }
  func.func @transform_4(%arg0: i32) -> (i32, i32) {
    %c0_i32 = arith.constant 0 : i32
    %c0_i32_0 = arith.constant 0 : i32
    %c0_i32_1 = arith.constant 0 : i32
    return %c0_i32, %c0_i32_0 : i32, i32
  }
  func.func @transform_5(%arg0: i32) -> (i32, i32) {
    %c0_i32 = arith.constant 0 : i32
    %c0_i32_0 = arith.constant 0 : i32
    %c0_i32_1 = arith.constant 0 : i32
    return %c0_i32, %c0_i32_0 : i32, i32
  }
  func.func @transform_6(%arg0: i32) -> (i32, i32) {
    %c0_i32 = arith.constant 0 : i32
    %c0_i32_0 = arith.constant 0 : i32
    %c0_i32_1 = arith.constant 0 : i32
    return %c0_i32, %c0_i32_0 : i32, i32
  }
  func.func @transform_7(%arg0: i32) -> (i32, i32) {
    %c0_i32 = arith.constant 0 : i32
    %c0_i32_0 = arith.constant 0 : i32
    %c0_i32_1 = arith.constant 0 : i32
    return %c0_i32, %c0_i32_0 : i32, i32
  }
  func.func @transform_8(%arg0: i32) -> (i32, i32) {
    %c0_i32 = arith.constant 0 : i32
    %c0_i32_0 = arith.constant 0 : i32
    %c0_i32_1 = arith.constant 0 : i32
    return %c0_i32, %c0_i32_0 : i32, i32
  }
  func.func @transform_9(%arg0: i32) -> (i32, i32) {
    %c0_i32 = arith.constant 0 : i32
    %c0_i32_0 = arith.constant 0 : i32
    %c0_i32_1 = arith.constant 0 : i32
    return %c0_i32, %c0_i32_0 : i32, i32
  }
  func.func @transform_10(%arg0: i32) -> (i32, i32) {
    %c0_i32 = arith.constant 0 : i32
    %c0_i32_0 = arith.constant 0 : i32
    %c0_i32_1 = arith.constant 0 : i32
    return %c0_i32, %c0_i32_0 : i32, i32
  }
  func.func @transform_11(%arg0: i32) -> (i32, i32) {
    %c0_i32 = arith.constant 0 : i32
    %c0_i32_0 = arith.constant 0 : i32
    %c0_i32_1 = arith.constant 0 : i32
    return %c0_i32, %c0_i32_0 : i32, i32
  }
  func.func @transform_12(%arg0: i32) -> (i32, i32) {
    %c0_i32 = arith.constant 0 : i32
    %c0_i32_0 = arith.constant 0 : i32
    %c0_i32_1 = arith.constant 0 : i32
    return %c0_i32, %c0_i32_0 : i32, i32
  }
}

</mosaic_0001>

<sc_bundles>
// kernel: kernel.12.cloned.1.call-start
scs
__scs_entry_jumppad:
0x0: {  	(pc) =	sbr.rel $0x88, $3  }
0x1: {  	(tag) =	ssettag $0x0;
	lr =	simm.s32 $0x1  }
0x2: {  	[smem:$0x3F8D] =	sst lr;
	_ =	strace $0xD0000000  }
0x3: {  	_ = 	snop  }
0x4: {  	_ = 	snop  }
0x5: {  	_ = 	snop  }
0x6: {  	_ = 	snop  }
0x7: {  	_ = 	snop  }
__scs_overlays_trampoline_lowered:
0x8: {  	[smem:$0x3F9C] =	sst s0  }
0x9: {  	[smem:$0x3F9D] =	sst s1  }
0xa: {  	[smem:$0x3F9E] =	sst s2  }
0xb: {  	[smem:$0x3F9F] =	sst s3  }
0xc: {  	[smem:$0x3FA0] =	sst s4  }
0xd: {  	[smem:$0x3FA1] =	sst s5  }
0xe: {  	[smem:$0x3FA2] =	sst s6  }
0xf: {  	[smem:$0x3FA3] =	sst s7  }
0x10: {  	[smem:$0x3FA4] =	sst s8  }
0x11: {  	[smem:$0x3FA5] =	sst s9;
	s0 =	simm.s32 @!p0 $0x0  }
0x12: {  	s1 =	sld [smem:$0x3F8B];
	s0 =	simm.s32 @p0 $0x1  }
0x13: {  	[smem:$0x3FA6] =	sst s0;
	s0 =	simm.s32 @!p1 $0x0  }
0x14: {  	s2 =	sld [smem:$0x3F8A];
	s0 =	simm.s32 @p1 $0x1  }
0x15: {  	[smem:$0x3FA7] =	sst s0;
	s0 =	simm.s32 @!p2 $0x0  }
0x16: {  	s3 =	sld [smem:$0x3FDB];
	s0 =	simm.s32 @p2 $0x1  }
0x17: {  	s4 =	simm.s32 $0x1BF5;
	[smem:$0x3FA9] =	sst s0  }
0x18: {  	s0 =	sld [smem:$0x3F8C];
	_ =	swait.ge [sflag:s4], $0x0  }
0x19: {  	s7 =	sld [smem:$0x3F8D]  }
0x1a: {  	s8 =	sadd.s32 $0xFFFFE003, lr  }
0x1b: {  	s9 =	sadd.s32 $0xFFFFFEF7, lr;
	s5 =	simm.s32 $0xFFFFFFFF;
	p2 =	slt.u32 s8, $0xFFFFF086  }
0x1c: {  	p1 =	slt.u32 s9, $0xF7A;
	s5 =	simm.s32 @!p2 $0x0  }
0x1d: {  	s5 =	simm.s32 @p1 $0x1;
	p0 =	seq.s32 s7, s2  }
0x1e: {  	s7 =	smul.u32 @!p0 $0xF7A, s2;
	p2 =	seq.s32 @!p0 s5, $0x0  }
0x1f: {  	s9 =	smul.u32 $0xF7A, s1;
	s8 =	simm.s32 @!p0 $0x1BF5;
	p2 =	por !p2, p0  }
0x20: {  	[sflag:s8] =	ssyncset.s32 @!p0 $0xFFFFF086;
	s6 =	sadd.s32 @!p0 s3, s7;
	s7 =	simm.s32 @!p0 $0x108  }
0x21: {  	s3 =	sadd.s32 s3, s9;
	s6 =	sadd.s32 @!p0 $0x88, s6;
	s7 =	simm.s32 @p2 $0x1082  }
0x22: {  	[simem:s7], [sflag:s8] =	dma.local @!p0 [hbm:s6], $0xF7A  }
0x23: {  	s9 =	sor.u32 $0xD0000000, s2;
	s6 =	simm.s32 $0x108;
	_ =	swait.ge @!p0 [sflag:s8], $0x0  }
0x24: {  	s3 =	sadd.s32 $0x88, s3;
	s6 =	simm.s32 @!p1 $0x1082;
	[sflag:s4] =	ssyncset.s32 $0xFFFFF086  }
0x25: {  	[simem:s6], [sflag:s4] =	dma.local [hbm:s3], $0xF7A  }
0x26: {  	[smem:$0x3F8D] =	sst s1;
	(tag) =	ssettag s2;
	_ =	strace s9  }
0x27: {  	s1 =	sld [smem:$0x3F9D]  }
0x28: {  	s2 =	sld [smem:$0x3F9E]  }
0x29: {  	s4 =	sld [smem:$0x3FA0]  }
0x2a: {  	p0 =	seq.s32 s5, $0x0;
	s5 =	sld [smem:$0x3FA1]  }
0x2b: {  	s6 =	sld [smem:$0x3FA2]  }
0x2c: {  	s7 =	sld [smem:$0x3FA3]  }
0x2d: {  	s3 =	simm.s32 $0x108;
	s8 =	sld [smem:$0x3FA4]  }
0x2e: {  	s3 =	simm.s32 @!p0 $0x1082;
	s9 =	sld [smem:$0x3FA5]  }
0x2f: {  	lr =	sadd.s32 s0, s3;
	s0 =	sld [smem:$0x3F9C]  }
0x30: {  	s3 =	sld [smem:$0x3F9F]  }
0x31: {  	[smem:$0x3FA8] =	sst s10  }
0x32: {  	s10 =	sld [smem:$0x3FA6];
	_ =	sdelay $0x3  }
0x33: {  	p0 =	seq.s32 s10, $0x1;
	s10 =	sld [smem:$0x3FA8];
	_ =	sdelay $0x3  }
0x34: {  	[smem:$0x3FA8] =	sst s10  }
0x35: {  	s10 =	sld [smem:$0x3FA7];
	_ =	sdelay $0x3  }
0x36: {  	p1 =	seq.s32 s10, $0x1;
	s10 =	sld [smem:$0x3FA8];
	_ =	sdelay $0x3  }
0x37: {  	[smem:$0x3FA8] =	sst s10  }
0x38: {  	s10 =	sld [smem:$0x3FA9]  }
0x39: {  	_ = 	snop;
	(pc) =	sbr.ind lr, $3  }
0x3a: {  	_ = 	snop  }
0x3b: {  	_ = 	snop  }
0x3c: {  	p2 =	seq.s32 s10, $0x1;
	s10 =	sld [smem:$0x3FA8]  }
0x3d: {  	_ =	shalt  }
0x3e: {  	_ =	shalt  }
0x3f: {  	_ =	shalt  }
0x40: {  	_ =	shalt  }
0x41: {  	_ =	shalt  }
0x42: {  	_ =	shalt  }
0x43: {  	_ =	shalt  }
0x44: {  	_ =	shalt  }
0x45: {  	_ =	shalt  }
0x46: {  	_ =	shalt  }
0x47: {  	_ =	shalt  }
0x48: {  	_ =	shalt  }
0x49: {  	_ =	shalt  }
0x4a: {  	_ =	shalt  }
0x4b: {  	_ =	shalt  }
0x4c: {  	_ =	shalt  }
0x4d: {  	_ =	shalt  }
0x4e: {  	_ =	shalt  }
0x4f: {  	_ =	shalt  }
0x50: {  	_ =	shalt  }
0x51: {  	_ =	shalt  }
0x52: {  	_ =	shalt  }
0x53: {  	_ =	shalt  }
0x54: {  	_ =	shalt  }
0x55: {  	_ =	shalt  }
0x56: {  	_ =	shalt  }
0x57: {  	_ =	shalt  }
0x58: {  	_ =	shalt  }
0x59: {  	_ =	shalt  }
0x5a: {  	_ =	shalt  }
0x5b: {  	_ =	shalt  }
0x5c: {  	_ =	shalt  }
0x5d: {  	_ =	shalt  }
0x5e: {  	_ =	shalt  }
0x5f: {  	_ =	shalt  }
0x60: {  	_ =	shalt  }
0x61: {  	_ =	shalt  }
0x62: {  	_ =	shalt  }
0x63: {  	_ =	shalt  }
0x64: {  	_ =	shalt  }
0x65: {  	_ =	shalt  }
0x66: {  	_ =	shalt  }
0x67: {  	_ =	shalt  }
0x68: {  	_ =	shalt  }
0x69: {  	_ =	shalt  }
0x6a: {  	_ =	shalt  }
0x6b: {  	_ =	shalt  }
0x6c: {  	_ =	shalt  }
0x6d: {  	_ =	shalt  }
0x6e: {  	_ =	shalt  }
0x6f: {  	_ =	shalt  }
0x70: {  	_ =	shalt  }
0x71: {  	_ =	shalt  }
0x72: {  	_ =	shalt  }
0x73: {  	_ =	shalt  }
0x74: {  	_ =	shalt  }
0x75: {  	_ =	shalt  }
0x76: {  	_ =	shalt  }
0x77: {  	_ =	shalt  }
0x78: {  	_ =	shalt  }
0x79: {  	_ =	shalt  }
0x7a: {  	_ =	shalt  }
0x7b: {  	_ =	shalt  }
0x7c: {  	_ =	shalt  }
0x7d: {  	_ =	shalt  }
0x7e: {  	_ =	shalt  }
0x7f: {  	_ =	shalt  }
0x80: {  	_ =	shalt  }
0x81: {  	_ =	shalt  }
0x82: {  	_ =	shalt  }
0x83: {  	_ =	shalt  }
0x84: {  	_ =	shalt  }
0x85: {  	_ =	shalt  }
0x86: {  	_ =	shalt  }
0x87: {  	_ =	shalt  }
.Lfunc_end0:
.L_simem_size_0:
called_computation_lowered:
.L_overlay_start_0:
0x88: {  	s2 =	sld [smem:$0x3FD9]  }
0x89: {  	s3 =	sld [smem:$0x3FFE];
	_ =	sdelay $0x1  }
0x8a: {  	s1 =	srdreg.scid  }
0x8b: {  	s0 =	sand.u32 $0x1, s1  }
0x8c: {  	s17 =	sshll.u32 s0, $0xA;
	s2 =	sadd.s32 s3, s2  }
0x8d: {  	s2 =	sadd.s32 s2, s17  }
0x8e: {  	[smem:$0x3FB4] =	sst s2  }
0x8f: {  	_ = 	snop  }
0x90: {  	(tm) =	ssettm $0x1  }
0x91: {  	s18 =	sld [smem:$0x3FFB];
	_ =	sdelay $0x3  }
0x92: {  	_ =	strace s18  }
0x93: {  	s2 =	sld [smem:$0x3FFC];
	_ =	sdelay $0x3  }
0x94: {  	_ =	strace s2  }
0x95: {  	s2 =	sld [smem:$0x3FFD];
	_ =	sdelay $0x3  }
0x96: {  	_ =	strace s2  }
0x97: {  	_ =	strace $0x8FFFFFFF  }
0x98: {  	s19 =	sld [smem:$0x3FDB];
	_ =	sdelay $0x1  }
0x99: {  	s20 =	simm.s32 $_scs_section_size  }
0x9a: {  	s4 =	simm.s32 $_size__tile_overlayer_lowered;
	s5 =	simm.s32 $_tile_overlayer_lowered  }
0x9b: {  	s6 =	simm.s32 $0x1BFF;
	s21 =	sshll.u32 s5, $0x1;
	s3 =	sadd.s32 s20, s19  }
0x9c: {  	s22 =	simm.s32 $0x0;
	s4 =	sshll.u32 s4, $0x1;
	s5 =	sadd.s32 s21, s3  }
0x9d: {  	[timem:s22], [sflag:s6] =	dma.local [hbm:s5], s4  }
0x9e: {  	_ =	swait.ge [sflag:s6], s4  }
0x9f: {  	s4 =	ssub.s32 $0x0, s4;
	[sflag:s6] =	ssyncset.done $0x0  }
0xa0: {  	[sflag:s6] =	ssyncadd.s32 s4;
	_ =	sdelay $0x1  }
0xa1: {  	s23 =	simm.s32 $0x1B8B  }
0xa2: {  	_ =	swait.ge [sflag:s23], $0x1  }
0xa3: {  	[sflag:s23] =	ssyncset.done $0x0  }
0xa4: {  	[sflag:s23] =	ssyncadd.s32 $0xFFFFFFFF  }
0xa5: {  	s4 =	sld [smem:$0x0]  }
0xa6: {  	s5 =	sand.u32 $0xFFFFFFFE, s1  }
0xa7: {  	p0 =	sne.s32 s1, s5  }
0xa8: {  	s5 =	sshll.u32 @p0 s5, $0xE  }
0xa9: {  	s5 =	sadd.s32 @p0 $0x11B8D, s5;
	s6 =	sshll.u32 @p0 s4, $0x11  }
0xaa: {  	s5 =	sor.u32 @p0 s6, s5  }
0xab: {  	[sflag:s5] =	ssyncadd.remote.s32 @p0 $0x1;
	_ =	sdelay $0x1  }
0xac: {  	s5 =	simm.s32 @p0 $0x1B8D  }
0xad: {  	_ =	swait.eq @p0 [sflag:s5], $0x1  }
0xae: {  	[sflag:s5] =	ssyncadd.s32 @p0 $0xFFFFFFFF  }
0xaf: {  	s6 =	sshll.u32 @!p0 s1, $0xE  }
0xb0: {  	s6 =	sor.u32 @!p0 $0x4000, s6;
	s5 =	simm.s32 @!p0 $0x1B8D  }
0xb1: {  	s4 =	sshll.u32 @!p0 s4, $0x11;
	s6 =	sadd.s32 @!p0 $0x11B8D, s6;
	_ =	swait.eq @!p0 [sflag:s5], $0x1  }
0xb2: {  	s4 =	sor.u32 @!p0 s4, s6;
	[sflag:s5] =	ssyncadd.s32 @!p0 $0xFFFFFFFF  }
0xb3: {  	s25 =	simm.s32 $0x1B8E;
	s24 =	sld [smem:$0x3FFE];
	[sflag:s4] =	ssyncadd.remote.s32 @!p0 $0x1  }
0xb4: {  	s26 =	simm.s32 $execute0_lowered;
	[smem:$0x3FD2] =	sst s25  }
0xb5: {  	s5 =	sshll.u32 s26, $0x1;
	_ =	strace $0x80000049;
	[dreg:$0x1] =	wrdreg $0xFFFFFFFF  }
0xb6: {  	s28 =	simm.s32 $_size_execute0_lowered;
	s3 =	sadd.s32 s3, s5;
	[dreg:$0x0] =	wrdreg $0x0  }
0xb7: {  	s5 =	sshll.u32 s28, $0x1;
	[dreg:$0x2] =	wrdreg s3  }
0xb8: {  	[dreg:$0x3] =	wrdreg s5  }
0xb9: {  	[dreg:$0x4] =	wrdreg $0xC0  }
0xba: {  	_ =	task [dreg:s22], $0x5FFFF  }
0xbb: {  	[dreg:$0x1] =	wrdreg $0xFFFFFFFF  }
0xbc: {  	[dreg:$0x0] =	wrdreg $0x60  }
0xbd: {  	[dreg:$0x2] =	wrdreg s24  }
0xbe: {  	[dreg:$0x3] =	wrdreg $0x38400  }
0xbf: {  	[dreg:$0x4] =	wrdreg $0x9  }
0xc0: {  	_ =	task.clear_ibuf [dreg:s22], $0x5FFFF;
	_ =	strace $0x90000049  }
0xc1: {  	s29 =	simm.s32 $0x9;
	_ =	strace $0x8000004B  }
0xc2: {  	_ =	swait.ge [sflag:s29], $0x1  }
0xc3: {  	[sflag:s29] =	ssyncadd.s32 $0xFFFFFFFF  }
0xc4: {  	_ =	strace $0x9000004B  }
0xc5: {  	_ =	sfence  }
0xc6: {  	s30 =	sld [smem:$0x0];
	_ =	sdelay $0x2  }
0xc7: {  	s31 =	sshll.u32 s1, $0xD;
	s1 =	sshrl.u32 s1, $0x2  }
0xc8: {  	s4 =	sand.u32 $0x4000, s31;
	s1 =	sadd.s32 s1, s30  }
0xc9: {  	s0 =	sor.u32 s4, s0;
	s1 =	sshll.u32 s1, $0x11  }
0xca: {  	s0 =	sor.u32 s1, s0  }
0xcb: {  	s0 =	sadd.s32 $0x8F2B, s0  }
0xcc: {  	[sflag:s0] =	ssyncadd.remote.s32 $0x1  }
0xcd: {  	_ =	sfence.sel $0xFFFF  }
0xce: {  	[dreg:$0x0] =	wrdreg $0xFFFFFFFF;
	(pc) =	sbr.abs _section_cstart, $3  }
0xcf: {  	[dreg:$0x1] =	wrdreg $0xFFFFFFFF  }
0xd0: {  	_ =	task.clear_ibuf [dreg:s22], $0x2FFFF;
	_ =	strace $0x9FFFFFFF  }
0xd1: {  	(tm) =	ssettm $0x7FFFFFFF  }
tec
execute0_lowered:
.L_overlay_start_1:
0x0: {  	(tag) =	ssettag $0x1  }
0x1: {  	s6 =	rddreg [dreg:$0x0]  }
0x2: {  	s2 =	rddreg [dreg:$0x1]  }
0x3: {  	s0 =	rddreg [dreg:$0x2];
	s1 =	stileid.u32  }
0x4: {  	s4 =	srdreg.scid;
	s3 =	simm.s32 $0x0;
	s8 =	smul.u32 $0x30E0, s1  }
0x5: {  	s15 =	simm.s32 $0x320;
	s16 =	simm.s32 $0x1;
	s11 =	smul.u32 $0x61C00, s1  }
0x6: {  	s17 =	simm.s32 $0x2;
	s18 =	simm.s32 $0x0;
	s12 =	smul.u32 $0xFFFFFF82, s1  }
0x7: {  	s7 =	sand.u32 $0x1, s4;
	[smem:$0x7FF] =	sst s3;
	s25 =	smul.u32 $0x189C0, s1  }
0x8: {  	s10 =	sadd.s32 $0x6E00, s6;
	s4 =	sadd.s32 $0xFB200, s6;
	s9 =	smul.u32 $0x30E00, s7  }
0x9: {  	s5 =	sadd.s32 $0x160000, s6;
	s26 =	sshll.u32 s1, $0x6;
	s13 =	smul.u32 $0xFFFFF820, s7  }
0xa: {  	_ =	strace $0x8000004A;
	s22 =	ssub.s32 $0x2, s7;
	s7 =	smul.u32 $0x189C00, s7  }
0xb: {  	s23 =	sshrl.u32 s22, $0x1;
	s24 =	sshrl.u32 s11, $0x2;
	s8 =	sadd.s32 s8, s9  }
0xc: {  	s14 =	sadd.s32 s24, s2;
	s12 =	sadd.s32 s13, s12;
	s11 =	sadd.s32 s25, s7  }
0xd: {  	s7 =	sor.u32 $0x1C03, s26;
	s13 =	simm.s32 $0x3;
	s12 =	sadd.s32 $0xFA0, s12  }
0xe: {  	s6 =	sadd.s32 s8, s6;
	s29 =	sadd.s32 $0x30D720, s11;
	s11 =	sadd.s32 $0x30D400, s11  }
0xf: {  	s8 =	ssub.s32 s22, s23;
	s6 =	sadd.s32 $0x160800, s6;
	s28 =	smin.u32 s12, $0x7E  }
0x10: {  	s31 =	sshrl.u32 s29, $0x3;
	s8 =	smax.u32 s8, $0x1;
	s11 =	sshrl.u32 s11, $0x3  }
0x11: {  	s12 =	sshrl.u32 s14, $0x3;
	s14 =	simm.s32 $0x640;
	s30 =	sshrl.u32 s28, $0x1  }
0x12: {  	s9 =	sadd.s32 s31, s10;
	s10 =	sadd.s32 s11, s10;
	s11 =	smul.u32 $0xC8, s30  }
.LBB2_1:
0x13: {  	[spmem:s12], [sflag:s7] =	dma.local [hbm:s4], $0x30E0  }
0x14: {  	_ =	swait.ge [sflag:s13], $0x30E0  }
0x15: {  	[sflag:s13] =	ssyncset.done $0x0  }
0x16: {  	[sflag:s13] =	ssyncadd.s32 $0xFFFFCF20  }
0x17: {  	[tilespmem:s14], [sflag:$0x3] =	stream.linear.gather [hbm4b:s5+s3], $0x3200, $0x38;
	[tilespmem:$0x1BF40] =	vst v63  }
0x18: {  	_ =	swait.ge [sflag:s13], $0x3200  }
0x19: {  	[sflag:s13] =	ssyncset.done $0x0  }
0x1a: {  	[sflag:s13] =	ssyncadd.s32 $0xFFFFCE00  }
0x1b: {  	[bflag:$0x0] =	sbarrier.arrive $0xFFFF  }
0x1c: {  	[tilespmem:s3], [sflag:$0x1] =	stream.linear.gather [hbm4b:s10+s3], $0x320, $0x38;
	[tilespmem:$0x1BF40] =	vst v63  }
0x1d: {  	_ = 	snop  }
0x1e: {  	[tilespmem:s15], [sflag:$0x1] =	stream.linear.gather [hbm4b:s9+s3], $0x320, $0x38;
	[tilespmem:$0x1BF40] =	vst v63  }
0x1f: {  	_ =	swait.ge [sflag:s16], $0x320  }
0x20: {  	[sflag:s16] =	ssyncset.done $0x0  }
0x21: {  	[sflag:s16] =	ssyncadd.s32 $0xFFFFFCE0  }
0x22: {  	[spmem:s2] =	stream.indirect.scatter.add.f32 [tilespmem:s14], [sflag:$0x2], $0x10, s3, s15, $0xb8;
	[tilespmem:$0x1BF40] =	vst v63  }
0x23: {  	_ =	swait.ge [sflag:s16], $0x320  }
0x24: {  	[sflag:s16] =	ssyncset.done $0x0  }
0x25: {  	p0 =	sne.s32 s11, $0xC8;
	[sflag:s16] =	ssyncadd.s32 $0xFFFFFCE0  }
0x26: {  	[spmem:s2] =	stream.indirect.scatter.add.f32 [tilespmem:s14], [sflag:$0x2], $0x10, s15, s15, $0xb8;
	[tilespmem:$0x1BF40] =	vst v63  }
.Ltmp0:
0x27: {  	_ =	swait.ge [sflag:s17], $0x3200;
	(pc) =	sbr.rel @!p0 .LBB2_3-.Ltmp0, $4  }
0x28: {  	[sflag:s17] =	ssyncset.done $0x0  }
0x29: {  	[sflag:s17] =	ssyncadd.s32 $0xFFFFCE00  }
0x2a: {  	s20 =	smov.u32 s9;
	_ =	swait.ge [sflag:s17], $0x3200  }
0x2b: {  	s21 =	smov.u32 s10;
	s19 =	sadd.s32 $0xFFFFFF38, s11;
	[sflag:s17] =	ssyncset.done $0x0  }
.LBB2_2:
0x2c: {  	[sflag:s17] =	ssyncadd.s32 $0xFFFFCE00;
	s20 =	sadd.s32 $0xC8, s20;
	s21 =	sadd.s32 $0xC8, s21  }
0x2d: {  	[tilespmem:s3], [sflag:$0x1] =	stream.linear.gather [hbm4b:s21+s3], $0x320, $0x38;
	[tilespmem:$0x1BF40] =	vst v63  }
0x2e: {  	p0 =	sne.s32 s19, $0xC8;
	s19 =	sadd.s32 $0xFFFFFF38, s19  }
0x2f: {  	[tilespmem:s15], [sflag:$0x1] =	stream.linear.gather [hbm4b:s20+s3], $0x320, $0x38;
	[tilespmem:$0x1BF40] =	vst v63  }
0x30: {  	_ =	swait.ge [sflag:s16], $0x320  }
0x31: {  	[sflag:s16] =	ssyncset.done $0x0  }
0x32: {  	[sflag:s16] =	ssyncadd.s32 $0xFFFFFCE0  }
0x33: {  	[spmem:s2] =	stream.indirect.scatter.add.f32 [tilespmem:s14], [sflag:$0x2], $0x10, s3, s15, $0xb8;
	[tilespmem:$0x1BF40] =	vst v63  }
0x34: {  	_ =	swait.ge [sflag:s16], $0x320  }
0x35: {  	[sflag:s16] =	ssyncset.done $0x0  }
0x36: {  	[sflag:s16] =	ssyncadd.s32 $0xFFFFFCE0  }
0x37: {  	[spmem:s2] =	stream.indirect.scatter.add.f32 [tilespmem:s14], [sflag:$0x2], $0x10, s15, s15, $0xb8;
	[tilespmem:$0x1BF40] =	vst v63  }
.Ltmp1:
0x38: {  	_ =	swait.ge [sflag:s17], $0x3200;
	(pc) =	sbr.rel @p0 .LBB2_2-.Ltmp1, $4  }
0x39: {  	[sflag:s17] =	ssyncset.done $0x0  }
0x3a: {  	[sflag:s17] =	ssyncadd.s32 $0xFFFFCE00  }
0x3b: {  	_ =	swait.ge [sflag:s17], $0x3200  }
0x3c: {  	[sflag:s17] =	ssyncset.done $0x0  }
.LBB2_3:
0x3d: {  	s18 =	sadd.s32 $0x1, s18  }
0x3e: {  	[sflag:s17] =	ssyncadd.s32 $0xFFFFCE00;
	p0 =	sne.s32 s18, s8  }
.Ltmp2:
0x3f: {  	[bflag:$0x0] =	sbarrier.arrive $0xFFFF;
	(pc) =	sbr.rel @p0 .LBB2_1-.Ltmp2, $4  }
0x40: {  	[hbm:s6], [sflag:s7] =	dma.local [spmem:s12], $0x30E0  }
0x41: {  	_ =	swait.ge [sflag:s13], $0x30E0  }
0x42: {  	[sflag:s13] =	ssyncset.done $0x0  }
0x43: {  	[sflag:s13] =	ssyncadd.s32 $0xFFFFCF20  }
0x44: {  	_ =	sfence.sel $0x180000  }
0x45: {  	[bflag:$0x0] =	sbarrier.arrive $0xFFFF  }
0x46: {  	p0 =	sne.s32 s1, $0x0;
	_ =	strace $0x9000004A  }
0x47: {  	s0 =	sadd.s32 @!p0 $0x100000, s0;
	[bflag:$0x2] =	sbarrier.arrive $0xFFFF  }
0x48: {  	[sflag:s0] =	ssyncadd.tile.s32 @!p0 $0x1;
	_ =	shalt  }
.Lfunc_end2:
_tile_overlayer_lowered:
.L_overlay_start_2:
0x49: {  	(tag) =	ssettag $0x2  }
0x4a: {  	s0 =	rddreg [dreg:$0x0];
	s2 =	stileid.u32  }
0x4b: {  	s1 =	rddreg [dreg:$0x1];
	p0 =	sne.s32 s2, $0x0  }
0x4c: {  	s3 =	rddreg [dreg:$0x2];
	[bflag:$0x3] =	sbarrier.arrive $0xFFFF;
	s2 =	simm.s32 @!p0 $0x1C03  }
0x4d: {  	[timem:s3], [sflag:s2] =	dma.local @!p0 [hbm:s0], s1  }
0x4e: {  	s0 =	simm.s32 @!p0 $0x3  }
0x4f: {  	_ =	swait.ge @!p0 [sflag:s0], s1  }
0x50: {  	s1 =	ssub.s32 @!p0 $0x0, s1;
	[sflag:s0] =	ssyncset.done @!p0 $0x0  }
0x51: {  	[sflag:s0] =	ssyncadd.s32 @!p0 s1  }
0x52: {  	[bflag:$0x3] =	sbarrier.arrive $0xFFFF  }
0x53: {  	_ =	shalt  }

// kernel: kernel.15.cloned.1.call-start
scs
__scs_entry_jumppad:
0x0: {  	(pc) =	sbr.rel $0x88, $3  }
0x1: {  	(tag) =	ssettag $0x0;
	lr =	simm.s32 $0x1  }
0x2: {  	[smem:$0x3F8D] =	sst lr;
	_ =	strace $0xD0000000  }
0x3: {  	_ = 	snop  }
0x4: {  	_ = 	snop  }
0x5: {  	_ = 	snop  }
0x6: {  	_ = 	snop  }
0x7: {  	_ = 	snop  }
__scs_overlays_trampoline_lowered:
0x8: {  	[smem:$0x3F9C] =	sst s0  }
0x9: {  	[smem:$0x3F9D] =	sst s1  }
0xa: {  	[smem:$0x3F9E] =	sst s2  }
0xb: {  	[smem:$0x3F9F] =	sst s3  }
0xc: {  	[smem:$0x3FA0] =	sst s4  }
0xd: {  	[smem:$0x3FA1] =	sst s5  }
0xe: {  	[smem:$0x3FA2] =	sst s6  }
0xf: {  	[smem:$0x3FA3] =	sst s7  }
0x10: {  	[smem:$0x3FA4] =	sst s8  }
0x11: {  	[smem:$0x3FA5] =	sst s9;
	s0 =	simm.s32 @!p0 $0x0  }
0x12: {  	s1 =	sld [smem:$0x3F8B];
	s0 =	simm.s32 @p0 $0x1  }
0x13: {  	[smem:$0x3FA6] =	sst s0;
	s0 =	simm.s32 @!p1 $0x0  }
0x14: {  	s2 =	sld [smem:$0x3F8A];
	s0 =	simm.s32 @p1 $0x1  }
0x15: {  	[smem:$0x3FA7] =	sst s0;
	s0 =	simm.s32 @!p2 $0x0  }
0x16: {  	s3 =	sld [smem:$0x3FDB];
	s0 =	simm.s32 @p2 $0x1  }
0x17: {  	s4 =	simm.s32 $0x1BF5;
	[smem:$0x3FA9] =	sst s0  }
0x18: {  	s0 =	sld [smem:$0x3F8C];
	_ =	swait.ge [sflag:s4], $0x0  }
0x19: {  	s7 =	sld [smem:$0x3F8D]  }
0x1a: {  	s8 =	sadd.s32 $0xFFFFE003, lr  }
0x1b: {  	s9 =	sadd.s32 $0xFFFFFEF7, lr;
	s5 =	simm.s32 $0xFFFFFFFF;
	p2 =	slt.u32 s8, $0xFFFFF086  }
0x1c: {  	p1 =	slt.u32 s9, $0xF7A;
	s5 =	simm.s32 @!p2 $0x0  }
0x1d: {  	s5 =	simm.s32 @p1 $0x1;
	p0 =	seq.s32 s7, s2  }
0x1e: {  	s7 =	smul.u32 @!p0 $0xF7A, s2;
	p2 =	seq.s32 @!p0 s5, $0x0  }
0x1f: {  	s9 =	smul.u32 $0xF7A, s1;
	s8 =	simm.s32 @!p0 $0x1BF5;
	p2 =	por !p2, p0  }
0x20: {  	[sflag:s8] =	ssyncset.s32 @!p0 $0xFFFFF086;
	s6 =	sadd.s32 @!p0 s3, s7;
	s7 =	simm.s32 @!p0 $0x108  }
0x21: {  	s3 =	sadd.s32 s3, s9;
	s6 =	sadd.s32 @!p0 $0x88, s6;
	s7 =	simm.s32 @p2 $0x1082  }
0x22: {  	[simem:s7], [sflag:s8] =	dma.local @!p0 [hbm:s6], $0xF7A  }
0x23: {  	s9 =	sor.u32 $0xD0000000, s2;
	s6 =	simm.s32 $0x108;
	_ =	swait.ge @!p0 [sflag:s8], $0x0  }
0x24: {  	s3 =	sadd.s32 $0x88, s3;
	s6 =	simm.s32 @!p1 $0x1082;
	[sflag:s4] =	ssyncset.s32 $0xFFFFF086  }
0x25: {  	[simem:s6], [sflag:s4] =	dma.local [hbm:s3], $0xF7A  }
0x26: {  	[smem:$0x3F8D] =	sst s1;
	(tag) =	ssettag s2;
	_ =	strace s9  }
0x27: {  	s1 =	sld [smem:$0x3F9D]  }
0x28: {  	s2 =	sld [smem:$0x3F9E]  }
0x29: {  	s4 =	sld [smem:$0x3FA0]  }
0x2a: {  	p0 =	seq.s32 s5, $0x0;
	s5 =	sld [smem:$0x3FA1]  }
0x2b: {  	s6 =	sld [smem:$0x3FA2]  }
0x2c: {  	s7 =	sld [smem:$0x3FA3]  }
0x2d: {  	s3 =	simm.s32 $0x108;
	s8 =	sld [smem:$0x3FA4]  }
0x2e: {  	s3 =	simm.s32 @!p0 $0x1082;
	s9 =	sld [smem:$0x3FA5]  }
0x2f: {  	lr =	sadd.s32 s0, s3;
	s0 =	sld [smem:$0x3F9C]  }
0x30: {  	s3 =	sld [smem:$0x3F9F]  }
0x31: {  	[smem:$0x3FA8] =	sst s10  }
0x32: {  	s10 =	sld [smem:$0x3FA6];
	_ =	sdelay $0x3  }
0x33: {  	p0 =	seq.s32 s10, $0x1;
	s10 =	sld [smem:$0x3FA8];
	_ =	sdelay $0x3  }
0x34: {  	[smem:$0x3FA8] =	sst s10  }
0x35: {  	s10 =	sld [smem:$0x3FA7];
	_ =	sdelay $0x3  }
0x36: {  	p1 =	seq.s32 s10, $0x1;
	s10 =	sld [smem:$0x3FA8];
	_ =	sdelay $0x3  }
0x37: {  	[smem:$0x3FA8] =	sst s10  }
0x38: {  	s10 =	sld [smem:$0x3FA9]  }
0x39: {  	_ = 	snop;
	(pc) =	sbr.ind lr, $3  }
0x3a: {  	_ = 	snop  }
0x3b: {  	_ = 	snop  }
0x3c: {  	p2 =	seq.s32 s10, $0x1;
	s10 =	sld [smem:$0x3FA8]  }
0x3d: {  	_ =	shalt  }
0x3e: {  	_ =	shalt  }
0x3f: {  	_ =	shalt  }
0x40: {  	_ =	shalt  }
0x41: {  	_ =	shalt  }
0x42: {  	_ =	shalt  }
0x43: {  	_ =	shalt  }
0x44: {  	_ =	shalt  }
0x45: {  	_ =	shalt  }
0x46: {  	_ =	shalt  }
0x47: {  	_ =	shalt  }
0x48: {  	_ =	shalt  }
0x49: {  	_ =	shalt  }
0x4a: {  	_ =	shalt  }
0x4b: {  	_ =	shalt  }
0x4c: {  	_ =	shalt  }
0x4d: {  	_ =	shalt  }
0x4e: {  	_ =	shalt  }
0x4f: {  	_ =	shalt  }
0x50: {  	_ =	shalt  }
0x51: {  	_ =	shalt  }
0x52: {  	_ =	shalt  }
0x53: {  	_ =	shalt  }
0x54: {  	_ =	shalt  }
0x55: {  	_ =	shalt  }
0x56: {  	_ =	shalt  }
0x57: {  	_ =	shalt  }
0x58: {  	_ =	shalt  }
0x59: {  	_ =	shalt  }
0x5a: {  	_ =	shalt  }
0x5b: {  	_ =	shalt  }
0x5c: {  	_ =	shalt  }
0x5d: {  	_ =	shalt  }
0x5e: {  	_ =	shalt  }
0x5f: {  	_ =	shalt  }
0x60: {  	_ =	shalt  }
0x61: {  	_ =	shalt  }
0x62: {  	_ =	shalt  }
0x63: {  	_ =	shalt  }
0x64: {  	_ =	shalt  }
0x65: {  	_ =	shalt  }
0x66: {  	_ =	shalt  }
0x67: {  	_ =	shalt  }
0x68: {  	_ =	shalt  }
0x69: {  	_ =	shalt  }
0x6a: {  	_ =	shalt  }
0x6b: {  	_ =	shalt  }
0x6c: {  	_ =	shalt  }
0x6d: {  	_ =	shalt  }
0x6e: {  	_ =	shalt  }
0x6f: {  	_ =	shalt  }
0x70: {  	_ =	shalt  }
0x71: {  	_ =	shalt  }
0x72: {  	_ =	shalt  }
0x73: {  	_ =	shalt  }
0x74: {  	_ =	shalt  }
0x75: {  	_ =	shalt  }
0x76: {  	_ =	shalt  }
0x77: {  	_ =	shalt  }
0x78: {  	_ =	shalt  }
0x79: {  	_ =	shalt  }
0x7a: {  	_ =	shalt  }
0x7b: {  	_ =	shalt  }
0x7c: {  	_ =	shalt  }
0x7d: {  	_ =	shalt  }
0x7e: {  	_ =	shalt  }
0x7f: {  	_ =	shalt  }
0x80: {  	_ =	shalt  }
0x81: {  	_ =	shalt  }
0x82: {  	_ =	shalt  }
0x83: {  	_ =	shalt  }
0x84: {  	_ =	shalt  }
0x85: {  	_ =	shalt  }
0x86: {  	_ =	shalt  }
0x87: {  	_ =	shalt  }
.Lfunc_end0:
.L_simem_size_0:
called_computation.1_lowered:
.L_overlay_start_0:
0x88: {  	s2 =	sld [smem:$0x3FD9]  }
0x89: {  	s3 =	sld [smem:$0x3FFE];
	_ =	sdelay $0x1  }
0x8a: {  	s1 =	srdreg.scid  }
0x8b: {  	s0 =	sand.u32 $0x1, s1  }
0x8c: {  	s16 =	sshll.u32 s0, $0xA;
	s2 =	sadd.s32 s3, s2  }
0x8d: {  	s2 =	sadd.s32 s2, s16  }
0x8e: {  	[smem:$0x3FB4] =	sst s2  }
0x8f: {  	_ = 	snop  }
0x90: {  	(tm) =	ssettm $0x1  }
0x91: {  	s17 =	sld [smem:$0x3FFB];
	_ =	sdelay $0x3  }
0x92: {  	_ =	strace s17  }
0x93: {  	s2 =	sld [smem:$0x3FFC];
	_ =	sdelay $0x3  }
0x94: {  	_ =	strace s2  }
0x95: {  	s2 =	sld [smem:$0x3FFD];
	_ =	sdelay $0x3  }
0x96: {  	_ =	strace s2  }
0x97: {  	_ =	strace $0x8FFFFFFF  }
0x98: {  	s18 =	sld [smem:$0x3FDB];
	_ =	sdelay $0x1  }
0x99: {  	s19 =	simm.s32 $_scs_section_size  }
0x9a: {  	s4 =	simm.s32 $_size__tile_overlayer_lowered;
	s5 =	simm.s32 $_tile_overlayer_lowered  }
0x9b: {  	s22 =	simm.s32 $0x1BFF;
	s21 =	sshll.u32 s5, $0x1;
	s2 =	sadd.s32 s19, s18  }
0x9c: {  	s6 =	simm.s32 $0x0;
	s20 =	sshll.u32 s4, $0x1;
	s4 =	sadd.s32 s21, s2  }
0x9d: {  	[timem:s6], [sflag:s22] =	dma.local [hbm:s4], s20  }
0x9e: {  	_ =	swait.ge [sflag:s22], s20  }
0x9f: {  	s3 =	ssub.s32 $0x0, s20;
	[sflag:s22] =	ssyncset.done $0x0  }
0xa0: {  	[sflag:s22] =	ssyncadd.s32 s3;
	_ =	sdelay $0x1  }
0xa1: {  	s23 =	simm.s32 $0x1B8B  }
0xa2: {  	_ =	swait.ge [sflag:s23], $0x1  }
0xa3: {  	[sflag:s23] =	ssyncset.done $0x0  }
0xa4: {  	s25 =	simm.s32 $0x1B8E;
	s24 =	sld [smem:$0x3FFE];
	[sflag:s23] =	ssyncadd.s32 $0xFFFFFFFF  }
0xa5: {  	s26 =	simm.s32 $execute0_lowered;
	[smem:$0x3FD2] =	sst s25  }
0xa6: {  	s4 =	sshll.u32 s26, $0x1;
	_ =	strace $0x80000046;
	[dreg:$0x1] =	wrdreg $0xFFFFFFFF  }
0xa7: {  	s28 =	simm.s32 $_size_execute0_lowered;
	s2 =	sadd.s32 s2, s4;
	[dreg:$0x0] =	wrdreg $0x0  }
0xa8: {  	s4 =	sshll.u32 s28, $0x1;
	[dreg:$0x2] =	wrdreg s2  }
0xa9: {  	[dreg:$0x3] =	wrdreg s4  }
0xaa: {  	[dreg:$0x4] =	wrdreg $0xC0  }
0xab: {  	_ =	task [dreg:s6], $0x5FFFF  }
0xac: {  	[dreg:$0x1] =	wrdreg $0xFFFFFFFF  }
0xad: {  	[dreg:$0x0] =	wrdreg $0x60  }
0xae: {  	[dreg:$0x2] =	wrdreg s24  }
0xaf: {  	[dreg:$0x3] =	wrdreg $0x70800  }
0xb0: {  	[dreg:$0x4] =	wrdreg $0xA  }
0xb1: {  	_ =	task.clear_ibuf [dreg:s6], $0x5FFFF;
	_ =	strace $0x90000046  }
0xb2: {  	s29 =	simm.s32 $0xA;
	_ =	strace $0x80000048  }
0xb3: {  	_ =	swait.ge [sflag:s29], $0x1  }
0xb4: {  	[sflag:s29] =	ssyncadd.s32 $0xFFFFFFFF  }
0xb5: {  	_ =	strace $0x90000048  }
0xb6: {  	_ =	sfence  }
0xb7: {  	s30 =	sld [smem:$0x0];
	_ =	sdelay $0x2  }
0xb8: {  	s31 =	sshll.u32 s1, $0xD;
	s1 =	sshrl.u32 s1, $0x2  }
0xb9: {  	s3 =	sand.u32 $0x4000, s31;
	s1 =	sadd.s32 s1, s30  }
0xba: {  	s0 =	sor.u32 s3, s0;
	s1 =	sshll.u32 s1, $0x11  }
0xbb: {  	s0 =	sor.u32 s1, s0  }
0xbc: {  	s0 =	sadd.s32 $0x8F2B, s0  }
0xbd: {  	[sflag:s0] =	ssyncadd.remote.s32 $0x1  }
0xbe: {  	_ =	sfence.sel $0xFFFF  }
0xbf: {  	[dreg:$0x0] =	wrdreg $0xFFFFFFFF;
	(pc) =	sbr.abs _section_cstart, $3  }
0xc0: {  	[dreg:$0x1] =	wrdreg $0xFFFFFFFF  }
0xc1: {  	_ =	task.clear_ibuf [dreg:s6], $0x2FFFF;
	_ =	strace $0x9FFFFFFF  }
0xc2: {  	(tm) =	ssettm $0x7FFFFFFF  }
0xc3: {  	_ =	shalt  }
tec
execute0_lowered:
.L_overlay_start_1:
0x0: {  	(tag) =	ssettag $0x1  }
0x1: {  	s6 =	rddreg [dreg:$0x0]  }
0x2: {  	s2 =	rddreg [dreg:$0x1]  }
0x3: {  	s0 =	rddreg [dreg:$0x2];
	s4 =	srdreg.scid  }
0x4: {  	s1 =	stileid.u32;
	s3 =	simm.s32 $0x0;
	s16 =	simm.s32 $0x320  }
0x5: {  	s17 =	simm.s32 $0x640;
	s18 =	simm.s32 $0x960;
	s8 =	smul.u32 $0x30E0, s1  }
0x6: {  	s19 =	simm.s32 $0x1;
	s20 =	simm.s32 $0xC80;
	s10 =	smul.u32 $0x61C00, s1  }
0x7: {  	s7 =	sand.u32 $0x1, s4;
	[smem:$0x7FF] =	sst s3;
	s11 =	smul.u32 $0xFFFFFF82, s1  }
0x8: {  	s4 =	sadd.s32 $0xCA400, s6;
	s12 =	sadd.s32 $0x6E00, s6;
	s24 =	smul.u32 $0x189C0, s1  }
0x9: {  	s5 =	sadd.s32 $0xFB200, s6;
	s25 =	sshll.u32 s1, $0x6;
	s9 =	smul.u32 $0x30E00, s7  }
0xa: {  	_ =	strace $0x80000047;
	s21 =	ssub.s32 $0x2, s7;
	s13 =	smul.u32 $0xFFFFF820, s7  }
0xb: {  	s7 =	smul.u32 $0x189C00, s7;
	s22 =	sshrl.u32 s21, $0x1;
	s23 =	sshrl.u32 s10, $0x2  }
0xc: {  	s8 =	sadd.s32 s8, s9;
	s9 =	ssub.s32 s21, s22;
	s14 =	sadd.s32 s23, s2  }
0xd: {  	s11 =	sadd.s32 s13, s11;
	s10 =	sadd.s32 s24, s7;
	s21 =	simm.s32 $0x2  }
0xe: {  	s22 =	simm.s32 $0x3E80;
	s23 =	simm.s32 $0x3;
	s24 =	simm.s32 $0x0  }
0xf: {  	s8 =	sadd.s32 s8, s6;
	s6 =	sor.u32 $0x1C04, s25;
	s28 =	sadd.s32 $0x30D720, s10  }
0x10: {  	s11 =	sadd.s32 $0xFA0, s11;
	s31 =	sadd.s32 $0x30D400, s10;
	s15 =	sadd.s32 $0x320, s10  }
0x11: {  	s10 =	sshrl.u32 s10, $0x3;
	s14 =	sshrl.u32 s14, $0x3;
	s7 =	sadd.s32 $0xFE400, s8  }
0x12: {  	s26 =	smin.u32 s11, $0x7E;
	s8 =	smax.u32 s9, $0x1;
	s30 =	sshrl.u32 s28, $0x3  }
0x13: {  	s11 =	sshrl.u32 s31, $0x3;
	s15 =	sshrl.u32 s15, $0x3;
	s10 =	sadd.s32 s10, s12  }
0x14: {  	s29 =	sshrl.u32 s26, $0x1;
	s9 =	sadd.s32 s30, s12;
	s11 =	sadd.s32 s11, s12  }
0x15: {  	s12 =	sadd.s32 s15, s12;
	s15 =	simm.s32 $0x4;
	s13 =	smul.u32 $0xC8, s29  }
.LBB2_1:
0x16: {  	[spmem:s14], [sflag:s6] =	dma.local [hbm:s5], $0x30E0  }
0x17: {  	_ =	swait.ge [sflag:s15], $0x30E0  }
0x18: {  	[sflag:s15] =	ssyncset.done $0x0  }
0x19: {  	[sflag:s15] =	ssyncadd.s32 $0xFFFFCF20  }
0x1a: {  	[bflag:$0x0] =	sbarrier.arrive $0xFFFF  }
0x1b: {  	[tilespmem:s3], [sflag:$0x1] =	stream.linear.gather [hbm4b:s10+s3], $0x320, $0x38;
	[tilespmem:$0x1F780] =	vst v63  }
0x1c: {  	_ = 	snop  }
0x1d: {  	[tilespmem:s16], [sflag:$0x1] =	stream.linear.gather [hbm4b:s11+s3], $0x320, $0x38;
	[tilespmem:$0x1F780] =	vst v63  }
0x1e: {  	_ = 	snop  }
0x1f: {  	[tilespmem:s17], [sflag:$0x1] =	stream.linear.gather [hbm4b:s12+s3], $0x320, $0x38;
	[tilespmem:$0x1F780] =	vst v63  }
0x20: {  	_ = 	snop  }
0x21: {  	[tilespmem:s18], [sflag:$0x1] =	stream.linear.gather [hbm4b:s9+s3], $0x320, $0x38;
	[tilespmem:$0x1F780] =	vst v63  }
0x22: {  	_ =	swait.ge [sflag:s19], $0x320  }
0x23: {  	[sflag:s19] =	ssyncset.done $0x0  }
0x24: {  	[sflag:s19] =	ssyncadd.s32 $0xFFFFFCE0  }
0x25: {  	[tilespmem:s20], [sflag:$0x2] =	stream.indirect.gather [hbm4b:s4+s16], $0x10, s3, s16, $0xb8;
	[tilespmem:$0x1F780] =	vst v63  }
0x26: {  	_ =	swait.ge [sflag:s19], $0x320  }
0x27: {  	[sflag:s19] =	ssyncset.done $0x0  }
0x28: {  	[sflag:s19] =	ssyncadd.s32 $0xFFFFFCE0  }
0x29: {  	_ =	swait.ge [sflag:s19], $0x320  }
0x2a: {  	[sflag:s19] =	ssyncset.done $0x0  }
0x2b: {  	[sflag:s19] =	ssyncadd.s32 $0xFFFFFCE0  }
0x2c: {  	_ =	swait.ge [sflag:s19], $0x320  }
0x2d: {  	[sflag:s19] =	ssyncset.done $0x0  }
0x2e: {  	[sflag:s19] =	ssyncadd.s32 $0xFFFFFCE0  }
0x2f: {  	_ =	swait.ge [sflag:s21], $0x3200  }
0x30: {  	[sflag:s21] =	ssyncset.done $0x0  }
0x31: {  	[sflag:s21] =	ssyncadd.s32 $0xFFFFCE00  }
0x32: {  	[spmem:s2] =	stream.indirect.scatter.add.f32 [tilespmem:s20], [sflag:$0x3], $0x10, s16, s16, $0xb8;
	[tilespmem:$0x1F780] =	vst v63  }
0x33: {  	_ = 	snop  }
0x34: {  	[tilespmem:s22], [sflag:$0x2] =	stream.indirect.gather [hbm4b:s4+s16], $0x10, s17, s16, $0xb8;
	[tilespmem:$0x1F780] =	vst v63  }
0x35: {  	_ =	swait.ge [sflag:s21], $0x3200  }
0x36: {  	[sflag:s21] =	ssyncset.done $0x0  }
0x37: {  	p0 =	sne.s32 s13, $0xC8;
	[sflag:s21] =	ssyncadd.s32 $0xFFFFCE00  }
0x38: {  	[spmem:s2] =	stream.indirect.scatter.add.f32 [tilespmem:s22], [sflag:$0x3], $0x10, s18, s16, $0xb8;
	[tilespmem:$0x1F780] =	vst v63  }
.Ltmp0:
0x39: {  	_ =	swait.ge [sflag:s23], $0x3200;
	(pc) =	sbr.rel @!p0 .LBB2_3-.Ltmp0, $4  }
0x3a: {  	[sflag:s23] =	ssyncset.done $0x0  }
0x3b: {  	s26 =	sadd.s32 $0xC8, s11;
	[sflag:s23] =	ssyncadd.s32 $0xFFFFCE00  }
0x3c: {  	s28 =	sadd.s32 $0xC8, s12;
	s29 =	smov.u32 s9;
	_ =	swait.ge [sflag:s23], $0x3200  }
0x3d: {  	s30 =	smov.u32 s10;
	s25 =	sadd.s32 $0xFFFFFF38, s13;
	[sflag:s23] =	ssyncset.done $0x0  }
.LBB2_2:
0x3e: {  	[sflag:s23] =	ssyncadd.s32 $0xFFFFCE00;
	s29 =	sadd.s32 $0xC8, s29;
	s30 =	sadd.s32 $0xC8, s30  }
0x3f: {  	[tilespmem:s3], [sflag:$0x1] =	stream.linear.gather [hbm4b:s30+s3], $0x320, $0x38;
	[tilespmem:$0x1F780] =	vst v63  }
0x40: {  	p0 =	sne.s32 s25, $0xC8;
	s25 =	sadd.s32 $0xFFFFFF38, s25  }
0x41: {  	[tilespmem:s16], [sflag:$0x1] =	stream.linear.gather [hbm4b:s26+s3], $0x320, $0x38;
	[tilespmem:$0x1F780] =	vst v63  }
0x42: {  	_ = 	snop  }
0x43: {  	[tilespmem:s17], [sflag:$0x1] =	stream.linear.gather [hbm4b:s28+s3], $0x320, $0x38;
	[tilespmem:$0x1F780] =	vst v63  }
0x44: {  	_ = 	snop  }
0x45: {  	[tilespmem:s18], [sflag:$0x1] =	stream.linear.gather [hbm4b:s29+s3], $0x320, $0x38;
	[tilespmem:$0x1F780] =	vst v63  }
0x46: {  	_ =	swait.ge [sflag:s19], $0x320  }
0x47: {  	[sflag:s19] =	ssyncset.done $0x0  }
0x48: {  	[sflag:s19] =	ssyncadd.s32 $0xFFFFFCE0  }
0x49: {  	[tilespmem:s20], [sflag:$0x2] =	stream.indirect.gather [hbm4b:s4+s16], $0x10, s3, s16, $0xb8;
	[tilespmem:$0x1F780] =	vst v63  }
0x4a: {  	_ =	swait.ge [sflag:s19], $0x320  }
0x4b: {  	[sflag:s19] =	ssyncset.done $0x0  }
0x4c: {  	[sflag:s19] =	ssyncadd.s32 $0xFFFFFCE0  }
0x4d: {  	_ =	swait.ge [sflag:s19], $0x320  }
0x4e: {  	[sflag:s19] =	ssyncset.done $0x0  }
0x4f: {  	[sflag:s19] =	ssyncadd.s32 $0xFFFFFCE0  }
0x50: {  	_ =	swait.ge [sflag:s19], $0x320  }
0x51: {  	[sflag:s19] =	ssyncset.done $0x0  }
0x52: {  	[sflag:s19] =	ssyncadd.s32 $0xFFFFFCE0  }
0x53: {  	_ =	swait.ge [sflag:s21], $0x3200  }
0x54: {  	[sflag:s21] =	ssyncset.done $0x0  }
0x55: {  	[sflag:s21] =	ssyncadd.s32 $0xFFFFCE00  }
0x56: {  	[spmem:s2] =	stream.indirect.scatter.add.f32 [tilespmem:s20], [sflag:$0x3], $0x10, s16, s16, $0xb8;
	[tilespmem:$0x1F780] =	vst v63  }
0x57: {  	_ = 	snop  }
0x58: {  	[tilespmem:s22], [sflag:$0x2] =	stream.indirect.gather [hbm4b:s4+s16], $0x10, s17, s16, $0xb8;
	[tilespmem:$0x1F780] =	vst v63  }
0x59: {  	_ =	swait.ge [sflag:s21], $0x3200  }
0x5a: {  	[sflag:s21] =	ssyncset.done $0x0  }
0x5b: {  	[sflag:s21] =	ssyncadd.s32 $0xFFFFCE00  }
0x5c: {  	[spmem:s2] =	stream.indirect.scatter.add.f32 [tilespmem:s22], [sflag:$0x3], $0x10, s18, s16, $0xb8;
	[tilespmem:$0x1F780] =	vst v63  }
.Ltmp1:
0x5d: {  	_ =	swait.ge [sflag:s23], $0x3200;
	(pc) =	sbr.rel @p0 .LBB2_2-.Ltmp1, $4  }
0x5e: {  	[sflag:s23] =	ssyncset.done $0x0  }
0x5f: {  	[sflag:s23] =	ssyncadd.s32 $0xFFFFCE00  }
0x60: {  	_ =	swait.ge [sflag:s23], $0x3200  }
0x61: {  	s26 =	sadd.s32 $0xC8, s26;
	s28 =	sadd.s32 $0xC8, s28;
	[sflag:s23] =	ssyncset.done $0x0  }
.LBB2_3:
0x62: {  	s24 =	sadd.s32 $0x1, s24  }
0x63: {  	[sflag:s23] =	ssyncadd.s32 $0xFFFFCE00;
	p0 =	sne.s32 s24, s8  }
.Ltmp2:
0x64: {  	[bflag:$0x0] =	sbarrier.arrive $0xFFFF;
	(pc) =	sbr.rel @p0 .LBB2_1-.Ltmp2, $4  }
0x65: {  	[hbm:s7], [sflag:s6] =	dma.local [spmem:s14], $0x30E0  }
0x66: {  	_ =	swait.ge [sflag:s15], $0x30E0  }
0x67: {  	[sflag:s15] =	ssyncset.done $0x0  }
0x68: {  	[sflag:s15] =	ssyncadd.s32 $0xFFFFCF20  }
0x69: {  	_ =	sfence.sel $0x180000  }
0x6a: {  	[bflag:$0x0] =	sbarrier.arrive $0xFFFF  }
0x6b: {  	p0 =	sne.s32 s1, $0x0;
	_ =	strace $0x90000047  }
0x6c: {  	s0 =	sadd.s32 @!p0 $0x100000, s0;
	[bflag:$0x2] =	sbarrier.arrive $0xFFFF  }
0x6d: {  	[sflag:s0] =	ssyncadd.tile.s32 @!p0 $0x1;
	_ =	shalt  }
.Lfunc_end2:
_tile_overlayer_lowered:
.L_overlay_start_2:
0x6e: {  	(tag) =	ssettag $0x2  }
0x6f: {  	s0 =	rddreg [dreg:$0x0];
	s2 =	stileid.u32  }
0x70: {  	s1 =	rddreg [dreg:$0x1];
	p0 =	sne.s32 s2, $0x0  }
0x71: {  	s3 =	rddreg [dreg:$0x2];
	[bflag:$0x3] =	sbarrier.arrive $0xFFFF;
	s2 =	simm.s32 @!p0 $0x1C04  }
0x72: {  	[timem:s3], [sflag:s2] =	dma.local @!p0 [hbm:s0], s1  }
0x73: {  	s0 =	simm.s32 @!p0 $0x4  }
0x74: {  	_ =	swait.ge @!p0 [sflag:s0], s1  }
0x75: {  	s1 =	ssub.s32 @!p0 $0x0, s1;
	[sflag:s0] =	ssyncset.done @!p0 $0x0  }
0x76: {  	[sflag:s0] =	ssyncadd.s32 @!p0 s1  }
0x77: {  	[bflag:$0x3] =	sbarrier.arrive $0xFFFF  }
0x78: {  	_ =	shalt  }

// kernel: kernel.18.cloned.1.call-start
scs
__scs_entry_jumppad:
0x0: {  	(pc) =	sbr.rel $0x88, $3  }
0x1: {  	(tag) =	ssettag $0x0;
	lr =	simm.s32 $0x1  }
0x2: {  	[smem:$0x3F8D] =	sst lr;
	_ =	strace $0xD0000000  }
0x3: {  	_ = 	snop  }
0x4: {  	_ = 	snop  }
0x5: {  	_ = 	snop  }
0x6: {  	_ = 	snop  }
0x7: {  	_ = 	snop  }
__scs_overlays_trampoline_lowered:
0x8: {  	[smem:$0x3F9C] =	sst s0  }
0x9: {  	[smem:$0x3F9D] =	sst s1  }
0xa: {  	[smem:$0x3F9E] =	sst s2  }
0xb: {  	[smem:$0x3F9F] =	sst s3  }
0xc: {  	[smem:$0x3FA0] =	sst s4  }
0xd: {  	[smem:$0x3FA1] =	sst s5  }
0xe: {  	[smem:$0x3FA2] =	sst s6  }
0xf: {  	[smem:$0x3FA3] =	sst s7  }
0x10: {  	[smem:$0x3FA4] =	sst s8  }
0x11: {  	[smem:$0x3FA5] =	sst s9;
	s0 =	simm.s32 @!p0 $0x0  }
0x12: {  	s1 =	sld [smem:$0x3F8B];
	s0 =	simm.s32 @p0 $0x1  }
0x13: {  	[smem:$0x3FA6] =	sst s0;
	s0 =	simm.s32 @!p1 $0x0  }
0x14: {  	s2 =	sld [smem:$0x3F8A];
	s0 =	simm.s32 @p1 $0x1  }
0x15: {  	[smem:$0x3FA7] =	sst s0;
	s0 =	simm.s32 @!p2 $0x0  }
0x16: {  	s3 =	sld [smem:$0x3FDB];
	s0 =	simm.s32 @p2 $0x1  }
0x17: {  	s4 =	simm.s32 $0x1BF5;
	[smem:$0x3FA9] =	sst s0  }
0x18: {  	s0 =	sld [smem:$0x3F8C];
	_ =	swait.ge [sflag:s4], $0x0  }
0x19: {  	s7 =	sld [smem:$0x3F8D]  }
0x1a: {  	s8 =	sadd.s32 $0xFFFFE003, lr  }
0x1b: {  	s9 =	sadd.s32 $0xFFFFFEF7, lr;
	s5 =	simm.s32 $0xFFFFFFFF;
	p2 =	slt.u32 s8, $0xFFFFF086  }
0x1c: {  	p1 =	slt.u32 s9, $0xF7A;
	s5 =	simm.s32 @!p2 $0x0  }
0x1d: {  	s5 =	simm.s32 @p1 $0x1;
	p0 =	seq.s32 s7, s2  }
0x1e: {  	s7 =	smul.u32 @!p0 $0xF7A, s2;
	p2 =	seq.s32 @!p0 s5, $0x0  }
0x1f: {  	s9 =	smul.u32 $0xF7A, s1;
	s8 =	simm.s32 @!p0 $0x1BF5;
	p2 =	por !p2, p0  }
0x20: {  	[sflag:s8] =	ssyncset.s32 @!p0 $0xFFFFF086;
	s6 =	sadd.s32 @!p0 s3, s7;
	s7 =	simm.s32 @!p0 $0x108  }
0x21: {  	s3 =	sadd.s32 s3, s9;
	s6 =	sadd.s32 @!p0 $0x88, s6;
	s7 =	simm.s32 @p2 $0x1082  }
0x22: {  	[simem:s7], [sflag:s8] =	dma.local @!p0 [hbm:s6], $0xF7A  }
0x23: {  	s9 =	sor.u32 $0xD0000000, s2;
	s6 =	simm.s32 $0x108;
	_ =	swait.ge @!p0 [sflag:s8], $0x0  }
0x24: {  	s3 =	sadd.s32 $0x88, s3;
	s6 =	simm.s32 @!p1 $0x1082;
	[sflag:s4] =	ssyncset.s32 $0xFFFFF086  }
0x25: {  	[simem:s6], [sflag:s4] =	dma.local [hbm:s3], $0xF7A  }
0x26: {  	[smem:$0x3F8D] =	sst s1;
	(tag) =	ssettag s2;
	_ =	strace s9  }
0x27: {  	s1 =	sld [smem:$0x3F9D]  }
0x28: {  	s2 =	sld [smem:$0x3F9E]  }
0x29: {  	s4 =	sld [smem:$0x3FA0]  }
0x2a: {  	p0 =	seq.s32 s5, $0x0;
	s5 =	sld [smem:$0x3FA1]  }
0x2b: {  	s6 =	sld [smem:$0x3FA2]  }
0x2c: {  	s7 =	sld [smem:$0x3FA3]  }
0x2d: {  	s3 =	simm.s32 $0x108;
	s8 =	sld [smem:$0x3FA4]  }
0x2e: {  	s3 =	simm.s32 @!p0 $0x1082;
	s9 =	sld [smem:$0x3FA5]  }
0x2f: {  	lr =	sadd.s32 s0, s3;
	s0 =	sld [smem:$0x3F9C]  }
0x30: {  	s3 =	sld [smem:$0x3F9F]  }
0x31: {  	[smem:$0x3FA8] =	sst s10  }
0x32: {  	s10 =	sld [smem:$0x3FA6];
	_ =	sdelay $0x3  }
0x33: {  	p0 =	seq.s32 s10, $0x1;
	s10 =	sld [smem:$0x3FA8];
	_ =	sdelay $0x3  }
0x34: {  	[smem:$0x3FA8] =	sst s10  }
0x35: {  	s10 =	sld [smem:$0x3FA7];
	_ =	sdelay $0x3  }
0x36: {  	p1 =	seq.s32 s10, $0x1;
	s10 =	sld [smem:$0x3FA8];
	_ =	sdelay $0x3  }
0x37: {  	[smem:$0x3FA8] =	sst s10  }
0x38: {  	s10 =	sld [smem:$0x3FA9]  }
0x39: {  	_ = 	snop;
	(pc) =	sbr.ind lr, $3  }
0x3a: {  	_ = 	snop  }
0x3b: {  	_ = 	snop  }
0x3c: {  	p2 =	seq.s32 s10, $0x1;
	s10 =	sld [smem:$0x3FA8]  }
0x3d: {  	_ =	shalt  }
0x3e: {  	_ =	shalt  }
0x3f: {  	_ =	shalt  }
0x40: {  	_ =	shalt  }
0x41: {  	_ =	shalt  }
0x42: {  	_ =	shalt  }
0x43: {  	_ =	shalt  }
0x44: {  	_ =	shalt  }
0x45: {  	_ =	shalt  }
0x46: {  	_ =	shalt  }
0x47: {  	_ =	shalt  }
0x48: {  	_ =	shalt  }
0x49: {  	_ =	shalt  }
0x4a: {  	_ =	shalt  }
0x4b: {  	_ =	shalt  }
0x4c: {  	_ =	shalt  }
0x4d: {  	_ =	shalt  }
0x4e: {  	_ =	shalt  }
0x4f: {  	_ =	shalt  }
0x50: {  	_ =	shalt  }
0x51: {  	_ =	shalt  }
0x52: {  	_ =	shalt  }
0x53: {  	_ =	shalt  }
0x54: {  	_ =	shalt  }
0x55: {  	_ =	shalt  }
0x56: {  	_ =	shalt  }
0x57: {  	_ =	shalt  }
0x58: {  	_ =	shalt  }
0x59: {  	_ =	shalt  }
0x5a: {  	_ =	shalt  }
0x5b: {  	_ =	shalt  }
0x5c: {  	_ =	shalt  }
0x5d: {  	_ =	shalt  }
0x5e: {  	_ =	shalt  }
0x5f: {  	_ =	shalt  }
0x60: {  	_ =	shalt  }
0x61: {  	_ =	shalt  }
0x62: {  	_ =	shalt  }
0x63: {  	_ =	shalt  }
0x64: {  	_ =	shalt  }
0x65: {  	_ =	shalt  }
0x66: {  	_ =	shalt  }
0x67: {  	_ =	shalt  }
0x68: {  	_ =	shalt  }
0x69: {  	_ =	shalt  }
0x6a: {  	_ =	shalt  }
0x6b: {  	_ =	shalt  }
0x6c: {  	_ =	shalt  }
0x6d: {  	_ =	shalt  }
0x6e: {  	_ =	shalt  }
0x6f: {  	_ =	shalt  }
0x70: {  	_ =	shalt  }
0x71: {  	_ =	shalt  }
0x72: {  	_ =	shalt  }
0x73: {  	_ =	shalt  }
0x74: {  	_ =	shalt  }
0x75: {  	_ =	shalt  }
0x76: {  	_ =	shalt  }
0x77: {  	_ =	shalt  }
0x78: {  	_ =	shalt  }
0x79: {  	_ =	shalt  }
0x7a: {  	_ =	shalt  }
0x7b: {  	_ =	shalt  }
0x7c: {  	_ =	shalt  }
0x7d: {  	_ =	shalt  }
0x7e: {  	_ =	shalt  }
0x7f: {  	_ =	shalt  }
0x80: {  	_ =	shalt  }
0x81: {  	_ =	shalt  }
0x82: {  	_ =	shalt  }
0x83: {  	_ =	shalt  }
0x84: {  	_ =	shalt  }
0x85: {  	_ =	shalt  }
0x86: {  	_ =	shalt  }
0x87: {  	_ =	shalt  }
.Lfunc_end0:
.L_simem_size_0:
called_computation.2_lowered:
.L_overlay_start_0:
0x88: {  	s2 =	sld [smem:$0x3FD9]  }
0x89: {  	s3 =	sld [smem:$0x3FFE];
	_ =	sdelay $0x1  }
0x8a: {  	s1 =	srdreg.scid  }
0x8b: {  	s0 =	sand.u32 $0x1, s1  }
0x8c: {  	s16 =	sshll.u32 s0, $0xA;
	s2 =	sadd.s32 s3, s2  }
0x8d: {  	s2 =	sadd.s32 s2, s16  }
0x8e: {  	[smem:$0x3FB4] =	sst s2  }
0x8f: {  	_ = 	snop  }
0x90: {  	(tm) =	ssettm $0x1  }
0x91: {  	s17 =	sld [smem:$0x3FFB];
	_ =	sdelay $0x3  }
0x92: {  	_ =	strace s17  }
0x93: {  	s2 =	sld [smem:$0x3FFC];
	_ =	sdelay $0x3  }
0x94: {  	_ =	strace s2  }
0x95: {  	s2 =	sld [smem:$0x3FFD];
	_ =	sdelay $0x3  }
0x96: {  	_ =	strace s2  }
0x97: {  	_ =	strace $0x8FFFFFFF  }
0x98: {  	s18 =	sld [smem:$0x3FDB];
	_ =	sdelay $0x1  }
0x99: {  	s19 =	simm.s32 $_scs_section_size  }
0x9a: {  	s4 =	simm.s32 $_size__tile_overlayer_lowered;
	s5 =	simm.s32 $_tile_overlayer_lowered  }
0x9b: {  	s22 =	simm.s32 $0x1BFF;
	s21 =	sshll.u32 s5, $0x1;
	s2 =	sadd.s32 s19, s18  }
0x9c: {  	s6 =	simm.s32 $0x0;
	s20 =	sshll.u32 s4, $0x1;
	s4 =	sadd.s32 s21, s2  }
0x9d: {  	[timem:s6], [sflag:s22] =	dma.local [hbm:s4], s20  }
0x9e: {  	_ =	swait.ge [sflag:s22], s20  }
0x9f: {  	s3 =	ssub.s32 $0x0, s20;
	[sflag:s22] =	ssyncset.done $0x0  }
0xa0: {  	[sflag:s22] =	ssyncadd.s32 s3;
	_ =	sdelay $0x1  }
0xa1: {  	s23 =	simm.s32 $0x1B8B  }
0xa2: {  	_ =	swait.ge [sflag:s23], $0x1  }
0xa3: {  	[sflag:s23] =	ssyncset.done $0x0  }
0xa4: {  	s25 =	simm.s32 $0x1B8E;
	s24 =	sld [smem:$0x3FFE];
	[sflag:s23] =	ssyncadd.s32 $0xFFFFFFFF  }
0xa5: {  	s26 =	simm.s32 $execute0_lowered;
	[smem:$0x3FD2] =	sst s25  }
0xa6: {  	s4 =	sshll.u32 s26, $0x1;
	_ =	strace $0x8000004C;
	[dreg:$0x1] =	wrdreg $0xFFFFFFFF  }
0xa7: {  	s28 =	simm.s32 $_size_execute0_lowered;
	s2 =	sadd.s32 s2, s4;
	[dreg:$0x0] =	wrdreg $0x0  }
0xa8: {  	s4 =	sshll.u32 s28, $0x1;
	[dreg:$0x2] =	wrdreg s2  }
0xa9: {  	[dreg:$0x3] =	wrdreg s4  }
0xaa: {  	[dreg:$0x4] =	wrdreg $0xC0  }
0xab: {  	_ =	task [dreg:s6], $0x5FFFF  }
0xac: {  	[dreg:$0x1] =	wrdreg $0xFFFFFFFF  }
0xad: {  	[dreg:$0x0] =	wrdreg $0x60  }
0xae: {  	[dreg:$0x2] =	wrdreg s24  }
0xaf: {  	[dreg:$0x3] =	wrdreg $0x70800  }
0xb0: {  	[dreg:$0x4] =	wrdreg $0x9  }
0xb1: {  	_ =	task.clear_ibuf [dreg:s6], $0x5FFFF;
	_ =	strace $0x9000004C  }
0xb2: {  	s29 =	simm.s32 $0x9;
	_ =	strace $0x8000004E  }
0xb3: {  	_ =	swait.ge [sflag:s29], $0x1  }
0xb4: {  	[sflag:s29] =	ssyncadd.s32 $0xFFFFFFFF  }
0xb5: {  	_ =	strace $0x9000004E  }
0xb6: {  	_ =	sfence  }
0xb7: {  	s30 =	sld [smem:$0x0];
	_ =	sdelay $0x2  }
0xb8: {  	s31 =	sshll.u32 s1, $0xD;
	s1 =	sshrl.u32 s1, $0x2  }
0xb9: {  	s3 =	sand.u32 $0x4000, s31;
	s1 =	sadd.s32 s1, s30  }
0xba: {  	s0 =	sor.u32 s3, s0;
	s1 =	sshll.u32 s1, $0x11  }
0xbb: {  	s0 =	sor.u32 s1, s0  }
0xbc: {  	s0 =	sadd.s32 $0x8F2B, s0  }
0xbd: {  	[sflag:s0] =	ssyncadd.remote.s32 $0x1  }
0xbe: {  	_ =	sfence.sel $0xFFFF  }
0xbf: {  	[dreg:$0x0] =	wrdreg $0xFFFFFFFF;
	(pc) =	sbr.abs _section_cstart, $3  }
0xc0: {  	[dreg:$0x1] =	wrdreg $0xFFFFFFFF  }
0xc1: {  	_ =	task.clear_ibuf [dreg:s6], $0x2FFFF;
	_ =	strace $0x9FFFFFFF  }
0xc2: {  	(tm) =	ssettm $0x7FFFFFFF  }
0xc3: {  	_ =	shalt  }
tec
execute0_lowered:
.L_overlay_start_1:
0x0: {  	(tag) =	ssettag $0x1  }
0x1: {  	s6 =	rddreg [dreg:$0x0]  }
0x2: {  	s2 =	rddreg [dreg:$0x1]  }
0x3: {  	s0 =	rddreg [dreg:$0x2];
	s4 =	srdreg.scid  }
0x4: {  	s1 =	stileid.u32;
	s3 =	simm.s32 $0x0;
	s16 =	simm.s32 $0x320  }
0x5: {  	s17 =	simm.s32 $0x640;
	s18 =	simm.s32 $0x960;
	s8 =	smul.u32 $0x30E0, s1  }
0x6: {  	s19 =	simm.s32 $0x1;
	s20 =	simm.s32 $0xC80;
	s10 =	smul.u32 $0x61C00, s1  }
0x7: {  	s7 =	sand.u32 $0x1, s4;
	[smem:$0x7FF] =	sst s3;
	s11 =	smul.u32 $0xFFFFFF82, s1  }
0x8: {  	s4 =	sadd.s32 $0xCA400, s6;
	s12 =	sadd.s32 $0x6E00, s6;
	s24 =	smul.u32 $0x189C0, s1  }
0x9: {  	s5 =	sadd.s32 $0xFB200, s6;
	s25 =	sshll.u32 s1, $0x6;
	s9 =	smul.u32 $0x30E00, s7  }
0xa: {  	_ =	strace $0x8000004D;
	s21 =	ssub.s32 $0x2, s7;
	s13 =	smul.u32 $0xFFFFF820, s7  }
0xb: {  	s7 =	smul.u32 $0x189C00, s7;
	s22 =	sshrl.u32 s21, $0x1;
	s23 =	sshrl.u32 s10, $0x2  }
0xc: {  	s8 =	sadd.s32 s8, s9;
	s9 =	ssub.s32 s21, s22;
	s14 =	sadd.s32 s23, s2  }
0xd: {  	s11 =	sadd.s32 s13, s11;
	s10 =	sadd.s32 s24, s7;
	s21 =	simm.s32 $0x2  }
0xe: {  	s22 =	simm.s32 $0x3E80;
	s23 =	simm.s32 $0x3;
	s24 =	simm.s32 $0x0  }
0xf: {  	s8 =	sadd.s32 s8, s6;
	s6 =	sor.u32 $0x1C04, s25;
	s28 =	sadd.s32 $0x30D720, s10  }
0x10: {  	s11 =	sadd.s32 $0xFA0, s11;
	s31 =	sadd.s32 $0x30D400, s10;
	s15 =	sadd.s32 $0x320, s10  }
0x11: {  	s10 =	sshrl.u32 s10, $0x3;
	s14 =	sshrl.u32 s14, $0x3;
	s7 =	sadd.s32 $0xFE400, s8  }
0x12: {  	s26 =	smin.u32 s11, $0x7E;
	s8 =	smax.u32 s9, $0x1;
	s30 =	sshrl.u32 s28, $0x3  }
0x13: {  	s11 =	sshrl.u32 s31, $0x3;
	s15 =	sshrl.u32 s15, $0x3;
	s10 =	sadd.s32 s10, s12  }
0x14: {  	s29 =	sshrl.u32 s26, $0x1;
	s9 =	sadd.s32 s30, s12;
	s11 =	sadd.s32 s11, s12  }
0x15: {  	s12 =	sadd.s32 s15, s12;
	s15 =	simm.s32 $0x4;
	s13 =	smul.u32 $0xC8, s29  }
.LBB2_1:
0x16: {  	[spmem:s14], [sflag:s6] =	dma.local [hbm:s5], $0x30E0  }
0x17: {  	_ =	swait.ge [sflag:s15], $0x30E0  }
0x18: {  	[sflag:s15] =	ssyncset.done $0x0  }
0x19: {  	[sflag:s15] =	ssyncadd.s32 $0xFFFFCF20  }
0x1a: {  	[bflag:$0x0] =	sbarrier.arrive $0xFFFF  }
0x1b: {  	[tilespmem:s3], [sflag:$0x1] =	stream.linear.gather [hbm4b:s10+s3], $0x320, $0x38;
	[tilespmem:$0x1F780] =	vst v63  }
0x1c: {  	_ = 	snop  }
0x1d: {  	[tilespmem:s16], [sflag:$0x1] =	stream.linear.gather [hbm4b:s11+s3], $0x320, $0x38;
	[tilespmem:$0x1F780] =	vst v63  }
0x1e: {  	_ = 	snop  }
0x1f: {  	[tilespmem:s17], [sflag:$0x1] =	stream.linear.gather [hbm4b:s12+s3], $0x320, $0x38;
	[tilespmem:$0x1F780] =	vst v63  }
0x20: {  	_ = 	snop  }
0x21: {  	[tilespmem:s18], [sflag:$0x1] =	stream.linear.gather [hbm4b:s9+s3], $0x320, $0x38;
	[tilespmem:$0x1F780] =	vst v63  }
0x22: {  	_ =	swait.ge [sflag:s19], $0x320  }
0x23: {  	[sflag:s19] =	ssyncset.done $0x0  }
0x24: {  	[sflag:s19] =	ssyncadd.s32 $0xFFFFFCE0  }
0x25: {  	[tilespmem:s20], [sflag:$0x2] =	stream.indirect.gather [hbm4b:s4+s16], $0x10, s3, s16, $0xb8;
	[tilespmem:$0x1F780] =	vst v63  }
0x26: {  	_ =	swait.ge [sflag:s19], $0x320  }
0x27: {  	[sflag:s19] =	ssyncset.done $0x0  }
0x28: {  	[sflag:s19] =	ssyncadd.s32 $0xFFFFFCE0  }
0x29: {  	_ =	swait.ge [sflag:s19], $0x320  }
0x2a: {  	[sflag:s19] =	ssyncset.done $0x0  }
0x2b: {  	[sflag:s19] =	ssyncadd.s32 $0xFFFFFCE0  }
0x2c: {  	_ =	swait.ge [sflag:s19], $0x320  }
0x2d: {  	[sflag:s19] =	ssyncset.done $0x0  }
0x2e: {  	[sflag:s19] =	ssyncadd.s32 $0xFFFFFCE0  }
0x2f: {  	_ =	swait.ge [sflag:s21], $0x3200  }
0x30: {  	[sflag:s21] =	ssyncset.done $0x0  }
0x31: {  	[sflag:s21] =	ssyncadd.s32 $0xFFFFCE00  }
0x32: {  	[spmem:s2] =	stream.indirect.scatter.add.f32 [tilespmem:s20], [sflag:$0x3], $0x10, s16, s16, $0xb8;
	[tilespmem:$0x1F780] =	vst v63  }
0x33: {  	_ = 	snop  }
0x34: {  	[tilespmem:s22], [sflag:$0x2] =	stream.indirect.gather [hbm4b:s4+s16], $0x10, s17, s16, $0xb8;
	[tilespmem:$0x1F780] =	vst v63  }
0x35: {  	_ =	swait.ge [sflag:s21], $0x3200  }
0x36: {  	[sflag:s21] =	ssyncset.done $0x0  }
0x37: {  	p0 =	sne.s32 s13, $0xC8;
	[sflag:s21] =	ssyncadd.s32 $0xFFFFCE00  }
0x38: {  	[spmem:s2] =	stream.indirect.scatter.add.f32 [tilespmem:s22], [sflag:$0x3], $0x10, s18, s16, $0xb8;
	[tilespmem:$0x1F780] =	vst v63  }
.Ltmp0:
0x39: {  	_ =	swait.ge [sflag:s23], $0x3200;
	(pc) =	sbr.rel @!p0 .LBB2_3-.Ltmp0, $4  }
0x3a: {  	[sflag:s23] =	ssyncset.done $0x0  }
0x3b: {  	s26 =	sadd.s32 $0xC8, s11;
	[sflag:s23] =	ssyncadd.s32 $0xFFFFCE00  }
0x3c: {  	s28 =	sadd.s32 $0xC8, s12;
	s29 =	smov.u32 s9;
	_ =	swait.ge [sflag:s23], $0x3200  }
0x3d: {  	s30 =	smov.u32 s10;
	s25 =	sadd.s32 $0xFFFFFF38, s13;
	[sflag:s23] =	ssyncset.done $0x0  }
.LBB2_2:
0x3e: {  	[sflag:s23] =	ssyncadd.s32 $0xFFFFCE00;
	s29 =	sadd.s32 $0xC8, s29;
	s30 =	sadd.s32 $0xC8, s30  }
0x3f: {  	[tilespmem:s3], [sflag:$0x1] =	stream.linear.gather [hbm4b:s30+s3], $0x320, $0x38;
	[tilespmem:$0x1F780] =	vst v63  }
0x40: {  	p0 =	sne.s32 s25, $0xC8;
	s25 =	sadd.s32 $0xFFFFFF38, s25  }
0x41: {  	[tilespmem:s16], [sflag:$0x1] =	stream.linear.gather [hbm4b:s26+s3], $0x320, $0x38;
	[tilespmem:$0x1F780] =	vst v63  }
0x42: {  	_ = 	snop  }
0x43: {  	[tilespmem:s17], [sflag:$0x1] =	stream.linear.gather [hbm4b:s28+s3], $0x320, $0x38;
	[tilespmem:$0x1F780] =	vst v63  }
0x44: {  	_ = 	snop  }
0x45: {  	[tilespmem:s18], [sflag:$0x1] =	stream.linear.gather [hbm4b:s29+s3], $0x320, $0x38;
	[tilespmem:$0x1F780] =	vst v63  }
0x46: {  	_ =	swait.ge [sflag:s19], $0x320  }
0x47: {  	[sflag:s19] =	ssyncset.done $0x0  }
0x48: {  	[sflag:s19] =	ssyncadd.s32 $0xFFFFFCE0  }
0x49: {  	[tilespmem:s20], [sflag:$0x2] =	stream.indirect.gather [hbm4b:s4+s16], $0x10, s3, s16, $0xb8;
	[tilespmem:$0x1F780] =	vst v63  }
0x4a: {  	_ =	swait.ge [sflag:s19], $0x320  }
0x4b: {  	[sflag:s19] =	ssyncset.done $0x0  }
0x4c: {  	[sflag:s19] =	ssyncadd.s32 $0xFFFFFCE0  }
0x4d: {  	_ =	swait.ge [sflag:s19], $0x320  }
0x4e: {  	[sflag:s19] =	ssyncset.done $0x0  }
0x4f: {  	[sflag:s19] =	ssyncadd.s32 $0xFFFFFCE0  }
0x50: {  	_ =	swait.ge [sflag:s19], $0x320  }
0x51: {  	[sflag:s19] =	ssyncset.done $0x0  }
0x52: {  	[sflag:s19] =	ssyncadd.s32 $0xFFFFFCE0  }
0x53: {  	_ =	swait.ge [sflag:s21], $0x3200  }
0x54: {  	[sflag:s21] =	ssyncset.done $0x0  }
0x55: {  	[sflag:s21] =	ssyncadd.s32 $0xFFFFCE00  }
0x56: {  	[spmem:s2] =	stream.indirect.scatter.add.f32 [tilespmem:s20], [sflag:$0x3], $0x10, s16, s16, $0xb8;
	[tilespmem:$0x1F780] =	vst v63  }
0x57: {  	_ = 	snop  }
0x58: {  	[tilespmem:s22], [sflag:$0x2] =	stream.indirect.gather [hbm4b:s4+s16], $0x10, s17, s16, $0xb8;
	[tilespmem:$0x1F780] =	vst v63  }
0x59: {  	_ =	swait.ge [sflag:s21], $0x3200  }
0x5a: {  	[sflag:s21] =	ssyncset.done $0x0  }
0x5b: {  	[sflag:s21] =	ssyncadd.s32 $0xFFFFCE00  }
0x5c: {  	[spmem:s2] =	stream.indirect.scatter.add.f32 [tilespmem:s22], [sflag:$0x3], $0x10, s18, s16, $0xb8;
	[tilespmem:$0x1F780] =	vst v63  }
.Ltmp1:
0x5d: {  	_ =	swait.ge [sflag:s23], $0x3200;
	(pc) =	sbr.rel @p0 .LBB2_2-.Ltmp1, $4  }
0x5e: {  	[sflag:s23] =	ssyncset.done $0x0  }
0x5f: {  	[sflag:s23] =	ssyncadd.s32 $0xFFFFCE00  }
0x60: {  	_ =	swait.ge [sflag:s23], $0x3200  }
0x61: {  	s26 =	sadd.s32 $0xC8, s26;
	s28 =	sadd.s32 $0xC8, s28;
	[sflag:s23] =	ssyncset.done $0x0  }
.LBB2_3:
0x62: {  	s24 =	sadd.s32 $0x1, s24  }
0x63: {  	[sflag:s23] =	ssyncadd.s32 $0xFFFFCE00;
	p0 =	sne.s32 s24, s8  }
.Ltmp2:
0x64: {  	[bflag:$0x0] =	sbarrier.arrive $0xFFFF;
	(pc) =	sbr.rel @p0 .LBB2_1-.Ltmp2, $4  }
0x65: {  	[hbm:s7], [sflag:s6] =	dma.local [spmem:s14], $0x30E0  }
0x66: {  	_ =	swait.ge [sflag:s15], $0x30E0  }
0x67: {  	[sflag:s15] =	ssyncset.done $0x0  }
0x68: {  	[sflag:s15] =	ssyncadd.s32 $0xFFFFCF20  }
0x69: {  	_ =	sfence.sel $0x180000  }
0x6a: {  	[bflag:$0x0] =	sbarrier.arrive $0xFFFF  }
0x6b: {  	p0 =	sne.s32 s1, $0x0;
	_ =	strace $0x9000004D  }
0x6c: {  	s0 =	sadd.s32 @!p0 $0x100000, s0;
	[bflag:$0x2] =	sbarrier.arrive $0xFFFF  }
0x6d: {  	[sflag:s0] =	ssyncadd.tile.s32 @!p0 $0x1;
	_ =	shalt  }
.Lfunc_end2:
_tile_overlayer_lowered:
.L_overlay_start_2:
0x6e: {  	(tag) =	ssettag $0x2  }
0x6f: {  	s0 =	rddreg [dreg:$0x0];
	s2 =	stileid.u32  }
0x70: {  	s1 =	rddreg [dreg:$0x1];
	p0 =	sne.s32 s2, $0x0  }
0x71: {  	s3 =	rddreg [dreg:$0x2];
	[bflag:$0x3] =	sbarrier.arrive $0xFFFF;
	s2 =	simm.s32 @!p0 $0x1C04  }
0x72: {  	[timem:s3], [sflag:s2] =	dma.local @!p0 [hbm:s0], s1  }
0x73: {  	s0 =	simm.s32 @!p0 $0x4  }
0x74: {  	_ =	swait.ge @!p0 [sflag:s0], s1  }
0x75: {  	s1 =	ssub.s32 @!p0 $0x0, s1;
	[sflag:s0] =	ssyncset.done @!p0 $0x0  }
0x76: {  	[sflag:s0] =	ssyncadd.s32 @!p0 s1  }
0x77: {  	[bflag:$0x3] =	sbarrier.arrive $0xFFFF  }
0x78: {  	_ =	shalt  }

// kernel: kernel.21.cloned.1.call-start
scs
__scs_entry_jumppad:
0x0: {  	(pc) =	sbr.rel $0x88, $3  }
0x1: {  	(tag) =	ssettag $0x0;
	lr =	simm.s32 $0x1  }
0x2: {  	[smem:$0x3F8D] =	sst lr;
	_ =	strace $0xD0000000  }
0x3: {  	_ = 	snop  }
0x4: {  	_ = 	snop  }
0x5: {  	_ = 	snop  }
0x6: {  	_ = 	snop  }
0x7: {  	_ = 	snop  }
__scs_overlays_trampoline_lowered:
0x8: {  	[smem:$0x3F9C] =	sst s0  }
0x9: {  	[smem:$0x3F9D] =	sst s1  }
0xa: {  	[smem:$0x3F9E] =	sst s2  }
0xb: {  	[smem:$0x3F9F] =	sst s3  }
0xc: {  	[smem:$0x3FA0] =	sst s4  }
0xd: {  	[smem:$0x3FA1] =	sst s5  }
0xe: {  	[smem:$0x3FA2] =	sst s6  }
0xf: {  	[smem:$0x3FA3] =	sst s7  }
0x10: {  	[smem:$0x3FA4] =	sst s8  }
0x11: {  	[smem:$0x3FA5] =	sst s9;
	s0 =	simm.s32 @!p0 $0x0  }
0x12: {  	s1 =	sld [smem:$0x3F8B];
	s0 =	simm.s32 @p0 $0x1  }
0x13: {  	[smem:$0x3FA6] =	sst s0;
	s0 =	simm.s32 @!p1 $0x0  }
0x14: {  	s2 =	sld [smem:$0x3F8A];
	s0 =	simm.s32 @p1 $0x1  }
0x15: {  	[smem:$0x3FA7] =	sst s0;
	s0 =	simm.s32 @!p2 $0x0  }
0x16: {  	s3 =	sld [smem:$0x3FDB];
	s0 =	simm.s32 @p2 $0x1  }
0x17: {  	s4 =	simm.s32 $0x1BF5;
	[smem:$0x3FA9] =	sst s0  }
0x18: {  	s0 =	sld [smem:$0x3F8C];
	_ =	swait.ge [sflag:s4], $0x0  }
0x19: {  	s7 =	sld [smem:$0x3F8D]  }
0x1a: {  	s8 =	sadd.s32 $0xFFFFE003, lr  }
0x1b: {  	s9 =	sadd.s32 $0xFFFFFEF7, lr;
	s5 =	simm.s32 $0xFFFFFFFF;
	p2 =	slt.u32 s8, $0xFFFFF086  }
0x1c: {  	p1 =	slt.u32 s9, $0xF7A;
	s5 =	simm.s32 @!p2 $0x0  }
0x1d: {  	s5 =	simm.s32 @p1 $0x1;
	p0 =	seq.s32 s7, s2  }
0x1e: {  	s7 =	smul.u32 @!p0 $0xF7A, s2;
	p2 =	seq.s32 @!p0 s5, $0x0  }
0x1f: {  	s9 =	smul.u32 $0xF7A, s1;
	s8 =	simm.s32 @!p0 $0x1BF5;
	p2 =	por !p2, p0  }
0x20: {  	[sflag:s8] =	ssyncset.s32 @!p0 $0xFFFFF086;
	s6 =	sadd.s32 @!p0 s3, s7;
	s7 =	simm.s32 @!p0 $0x108  }
0x21: {  	s3 =	sadd.s32 s3, s9;
	s6 =	sadd.s32 @!p0 $0x88, s6;
	s7 =	simm.s32 @p2 $0x1082  }
0x22: {  	[simem:s7], [sflag:s8] =	dma.local @!p0 [hbm:s6], $0xF7A  }
0x23: {  	s9 =	sor.u32 $0xD0000000, s2;
	s6 =	simm.s32 $0x108;
	_ =	swait.ge @!p0 [sflag:s8], $0x0  }
0x24: {  	s3 =	sadd.s32 $0x88, s3;
	s6 =	simm.s32 @!p1 $0x1082;
	[sflag:s4] =	ssyncset.s32 $0xFFFFF086  }
0x25: {  	[simem:s6], [sflag:s4] =	dma.local [hbm:s3], $0xF7A  }
0x26: {  	[smem:$0x3F8D] =	sst s1;
	(tag) =	ssettag s2;
	_ =	strace s9  }
0x27: {  	s1 =	sld [smem:$0x3F9D]  }
0x28: {  	s2 =	sld [smem:$0x3F9E]  }
0x29: {  	s4 =	sld [smem:$0x3FA0]  }
0x2a: {  	p0 =	seq.s32 s5, $0x0;
	s5 =	sld [smem:$0x3FA1]  }
0x2b: {  	s6 =	sld [smem:$0x3FA2]  }
0x2c: {  	s7 =	sld [smem:$0x3FA3]  }
0x2d: {  	s3 =	simm.s32 $0x108;
	s8 =	sld [smem:$0x3FA4]  }
0x2e: {  	s3 =	simm.s32 @!p0 $0x1082;
	s9 =	sld [smem:$0x3FA5]  }
0x2f: {  	lr =	sadd.s32 s0, s3;
	s0 =	sld [smem:$0x3F9C]  }
0x30: {  	s3 =	sld [smem:$0x3F9F]  }
0x31: {  	[smem:$0x3FA8] =	sst s10  }
0x32: {  	s10 =	sld [smem:$0x3FA6];
	_ =	sdelay $0x3  }
0x33: {  	p0 =	seq.s32 s10, $0x1;
	s10 =	sld [smem:$0x3FA8];
	_ =	sdelay $0x3  }
0x34: {  	[smem:$0x3FA8] =	sst s10  }
0x35: {  	s10 =	sld [smem:$0x3FA7];
	_ =	sdelay $0x3  }
0x36: {  	p1 =	seq.s32 s10, $0x1;
	s10 =	sld [smem:$0x3FA8];
	_ =	sdelay $0x3  }
0x37: {  	[smem:$0x3FA8] =	sst s10  }
0x38: {  	s10 =	sld [smem:$0x3FA9]  }
0x39: {  	_ = 	snop;
	(pc) =	sbr.ind lr, $3  }
0x3a: {  	_ = 	snop  }
0x3b: {  	_ = 	snop  }
0x3c: {  	p2 =	seq.s32 s10, $0x1;
	s10 =	sld [smem:$0x3FA8]  }
0x3d: {  	_ =	shalt  }
0x3e: {  	_ =	shalt  }
0x3f: {  	_ =	shalt  }
0x40: {  	_ =	shalt  }
0x41: {  	_ =	shalt  }
0x42: {  	_ =	shalt  }
0x43: {  	_ =	shalt  }
0x44: {  	_ =	shalt  }
0x45: {  	_ =	shalt  }
0x46: {  	_ =	shalt  }
0x47: {  	_ =	shalt  }
0x48: {  	_ =	shalt  }
0x49: {  	_ =	shalt  }
0x4a: {  	_ =	shalt  }
0x4b: {  	_ =	shalt  }
0x4c: {  	_ =	shalt  }
0x4d: {  	_ =	shalt  }
0x4e: {  	_ =	shalt  }
0x4f: {  	_ =	shalt  }
0x50: {  	_ =	shalt  }
0x51: {  	_ =	shalt  }
0x52: {  	_ =	shalt  }
0x53: {  	_ =	shalt  }
0x54: {  	_ =	shalt  }
0x55: {  	_ =	shalt  }
0x56: {  	_ =	shalt  }
0x57: {  	_ =	shalt  }
0x58: {  	_ =	shalt  }
0x59: {  	_ =	shalt  }
0x5a: {  	_ =	shalt  }
0x5b: {  	_ =	shalt  }
0x5c: {  	_ =	shalt  }
0x5d: {  	_ =	shalt  }
0x5e: {  	_ =	shalt  }
0x5f: {  	_ =	shalt  }
0x60: {  	_ =	shalt  }
0x61: {  	_ =	shalt  }
0x62: {  	_ =	shalt  }
0x63: {  	_ =	shalt  }
0x64: {  	_ =	shalt  }
0x65: {  	_ =	shalt  }
0x66: {  	_ =	shalt  }
0x67: {  	_ =	shalt  }
0x68: {  	_ =	shalt  }
0x69: {  	_ =	shalt  }
0x6a: {  	_ =	shalt  }
0x6b: {  	_ =	shalt  }
0x6c: {  	_ =	shalt  }
0x6d: {  	_ =	shalt  }
0x6e: {  	_ =	shalt  }
0x6f: {  	_ =	shalt  }
0x70: {  	_ =	shalt  }
0x71: {  	_ =	shalt  }
0x72: {  	_ =	shalt  }
0x73: {  	_ =	shalt  }
0x74: {  	_ =	shalt  }
0x75: {  	_ =	shalt  }
0x76: {  	_ =	shalt  }
0x77: {  	_ =	shalt  }
0x78: {  	_ =	shalt  }
0x79: {  	_ =	shalt  }
0x7a: {  	_ =	shalt  }
0x7b: {  	_ =	shalt  }
0x7c: {  	_ =	shalt  }
0x7d: {  	_ =	shalt  }
0x7e: {  	_ =	shalt  }
0x7f: {  	_ =	shalt  }
0x80: {  	_ =	shalt  }
0x81: {  	_ =	shalt  }
0x82: {  	_ =	shalt  }
0x83: {  	_ =	shalt  }
0x84: {  	_ =	shalt  }
0x85: {  	_ =	shalt  }
0x86: {  	_ =	shalt  }
0x87: {  	_ =	shalt  }
.Lfunc_end0:
.L_simem_size_0:
called_computation.3_lowered:
.L_overlay_start_0:
0x88: {  	s2 =	sld [smem:$0x3FD9]  }
0x89: {  	s3 =	sld [smem:$0x3FFE];
	_ =	sdelay $0x1  }
0x8a: {  	s1 =	srdreg.scid  }
0x8b: {  	s0 =	sand.u32 $0x1, s1  }
0x8c: {  	s16 =	sshll.u32 s0, $0xA;
	s2 =	sadd.s32 s3, s2  }
0x8d: {  	s2 =	sadd.s32 s2, s16  }
0x8e: {  	[smem:$0x3FB4] =	sst s2  }
0x8f: {  	_ = 	snop  }
0x90: {  	(tm) =	ssettm $0x1  }
0x91: {  	s17 =	sld [smem:$0x3FFB];
	_ =	sdelay $0x3  }
0x92: {  	_ =	strace s17  }
0x93: {  	s2 =	sld [smem:$0x3FFC];
	_ =	sdelay $0x3  }
0x94: {  	_ =	strace s2  }
0x95: {  	s2 =	sld [smem:$0x3FFD];
	_ =	sdelay $0x3  }
0x96: {  	_ =	strace s2  }
0x97: {  	_ =	strace $0x8FFFFFFF  }
0x98: {  	s18 =	sld [smem:$0x3FDB];
	_ =	sdelay $0x1  }
0x99: {  	s19 =	simm.s32 $_scs_section_size  }
0x9a: {  	s4 =	simm.s32 $_size__tile_overlayer_lowered;
	s5 =	simm.s32 $_tile_overlayer_lowered  }
0x9b: {  	s22 =	simm.s32 $0x1BFF;
	s21 =	sshll.u32 s5, $0x1;
	s2 =	sadd.s32 s19, s18  }
0x9c: {  	s6 =	simm.s32 $0x0;
	s20 =	sshll.u32 s4, $0x1;
	s4 =	sadd.s32 s21, s2  }
0x9d: {  	[timem:s6], [sflag:s22] =	dma.local [hbm:s4], s20  }
0x9e: {  	_ =	swait.ge [sflag:s22], s20  }
0x9f: {  	s3 =	ssub.s32 $0x0, s20;
	[sflag:s22] =	ssyncset.done $0x0  }
0xa0: {  	[sflag:s22] =	ssyncadd.s32 s3;
	_ =	sdelay $0x1  }
0xa1: {  	s23 =	simm.s32 $0x1B8B  }
0xa2: {  	_ =	swait.ge [sflag:s23], $0x1  }
0xa3: {  	[sflag:s23] =	ssyncset.done $0x0  }
0xa4: {  	s25 =	simm.s32 $0x1B8E;
	s24 =	sld [smem:$0x3FFE];
	[sflag:s23] =	ssyncadd.s32 $0xFFFFFFFF  }
0xa5: {  	s26 =	simm.s32 $execute0_lowered;
	[smem:$0x3FD2] =	sst s25  }
0xa6: {  	s4 =	sshll.u32 s26, $0x1;
	_ =	strace $0x8000004F;
	[dreg:$0x1] =	wrdreg $0xFFFFFFFF  }
0xa7: {  	s28 =	simm.s32 $_size_execute0_lowered;
	s2 =	sadd.s32 s2, s4;
	[dreg:$0x0] =	wrdreg $0x0  }
0xa8: {  	s4 =	sshll.u32 s28, $0x1;
	[dreg:$0x2] =	wrdreg s2  }
0xa9: {  	[dreg:$0x3] =	wrdreg s4  }
0xaa: {  	[dreg:$0x4] =	wrdreg $0xC0  }
0xab: {  	_ =	task [dreg:s6], $0x5FFFF  }
0xac: {  	[dreg:$0x1] =	wrdreg $0xFFFFFFFF  }
0xad: {  	[dreg:$0x0] =	wrdreg $0x60  }
0xae: {  	[dreg:$0x2] =	wrdreg s24  }
0xaf: {  	[dreg:$0x3] =	wrdreg $0x70800  }
0xb0: {  	[dreg:$0x4] =	wrdreg $0x9  }
0xb1: {  	_ =	task.clear_ibuf [dreg:s6], $0x5FFFF;
	_ =	strace $0x9000004F  }
0xb2: {  	s29 =	simm.s32 $0x9;
	_ =	strace $0x80000051  }
0xb3: {  	_ =	swait.ge [sflag:s29], $0x1  }
0xb4: {  	[sflag:s29] =	ssyncadd.s32 $0xFFFFFFFF  }
0xb5: {  	_ =	strace $0x90000051  }
0xb6: {  	_ =	sfence  }
0xb7: {  	s30 =	sld [smem:$0x0];
	_ =	sdelay $0x2  }
0xb8: {  	s31 =	sshll.u32 s1, $0xD;
	s1 =	sshrl.u32 s1, $0x2  }
0xb9: {  	s3 =	sand.u32 $0x4000, s31;
	s1 =	sadd.s32 s1, s30  }
0xba: {  	s0 =	sor.u32 s3, s0;
	s1 =	sshll.u32 s1, $0x11  }
0xbb: {  	s0 =	sor.u32 s1, s0  }
0xbc: {  	s0 =	sadd.s32 $0x8F2B, s0  }
0xbd: {  	[sflag:s0] =	ssyncadd.remote.s32 $0x1  }
0xbe: {  	_ =	sfence.sel $0xFFFF  }
0xbf: {  	[dreg:$0x0] =	wrdreg $0xFFFFFFFF;
	(pc) =	sbr.abs _section_cstart, $3  }
0xc0: {  	[dreg:$0x1] =	wrdreg $0xFFFFFFFF  }
0xc1: {  	_ =	task.clear_ibuf [dreg:s6], $0x2FFFF;
	_ =	strace $0x9FFFFFFF  }
0xc2: {  	(tm) =	ssettm $0x7FFFFFFF  }
0xc3: {  	_ =	shalt  }
tec
execute0_lowered:
.L_overlay_start_1:
0x0: {  	(tag) =	ssettag $0x1  }
0x1: {  	s6 =	rddreg [dreg:$0x0]  }
0x2: {  	s2 =	rddreg [dreg:$0x1]  }
0x3: {  	s0 =	rddreg [dreg:$0x2];
	s3 =	simm.s32 $0x0  }
0x4: {  	s4 =	srdreg.scid;
	s1 =	stileid.u32;
	s16 =	simm.s32 $0x320  }
0x5: {  	s17 =	simm.s32 $0x640;
	s18 =	simm.s32 $0x960;
	s8 =	smul.u32 $0x30E0, s1  }
0x6: {  	s19 =	simm.s32 $0x1;
	s20 =	simm.s32 $0xC80;
	s10 =	smul.u32 $0x61C00, s1  }
0x7: {  	[smem:$0x7FF] =	sst s3;
	s7 =	sand.u32 $0x1, s4;
	s11 =	smul.u32 $0xFFFFFF82, s1  }
0x8: {  	s4 =	sadd.s32 $0x1CE600, s6;
	s12 =	sadd.s32 $0x6E00, s6;
	s24 =	smul.u32 $0x189C0, s1  }
0x9: {  	s5 =	sadd.s32 $0xFB200, s6;
	s25 =	sshll.u32 s1, $0x6;
	s9 =	smul.u32 $0x30E00, s7  }
0xa: {  	_ =	strace $0x80000050;
	s21 =	ssub.s32 $0x2, s7;
	s13 =	smul.u32 $0xFFFFF820, s7  }
0xb: {  	s7 =	smul.u32 $0x189C00, s7;
	s22 =	sshrl.u32 s21, $0x1;
	s23 =	sshrl.u32 s10, $0x2  }
0xc: {  	s8 =	sadd.s32 s8, s9;
	s9 =	ssub.s32 s21, s22;
	s14 =	sadd.s32 s23, s2  }
0xd: {  	s11 =	sadd.s32 s13, s11;
	s10 =	sadd.s32 s24, s7;
	s21 =	simm.s32 $0x2  }
0xe: {  	s22 =	simm.s32 $0x3E80;
	s23 =	simm.s32 $0x3;
	s24 =	simm.s32 $0x0  }
0xf: {  	s8 =	sadd.s32 s8, s6;
	s6 =	sor.u32 $0x1C04, s25;
	s28 =	sadd.s32 $0x30D720, s10  }
0x10: {  	s11 =	sadd.s32 $0xFA0, s11;
	s31 =	sadd.s32 $0x30D400, s10;
	s15 =	sadd.s32 $0x320, s10  }
0x11: {  	s10 =	sshrl.u32 s10, $0x3;
	s14 =	sshrl.u32 s14, $0x3;
	s7 =	sadd.s32 $0xFE400, s8  }
0x12: {  	s26 =	smin.u32 s11, $0x7E;
	s8 =	smax.u32 s9, $0x1;
	s30 =	sshrl.u32 s28, $0x3  }
0x13: {  	s11 =	sshrl.u32 s31, $0x3;
	s15 =	sshrl.u32 s15, $0x3;
	s10 =	sadd.s32 s10, s12  }
0x14: {  	s29 =	sshrl.u32 s26, $0x1;
	s9 =	sadd.s32 s30, s12;
	s11 =	sadd.s32 s11, s12  }
0x15: {  	s12 =	sadd.s32 s15, s12;
	s15 =	simm.s32 $0x4;
	s13 =	smul.u32 $0xC8, s29  }
.LBB2_1:
0x16: {  	[spmem:s14], [sflag:s6] =	dma.local [hbm:s5], $0x30E0  }
0x17: {  	_ =	swait.ge [sflag:s15], $0x30E0  }
0x18: {  	[sflag:s15] =	ssyncset.done $0x0  }
0x19: {  	[sflag:s15] =	ssyncadd.s32 $0xFFFFCF20  }
0x1a: {  	[bflag:$0x0] =	sbarrier.arrive $0xFFFF  }
0x1b: {  	[tilespmem:s3], [sflag:$0x1] =	stream.linear.gather [hbm4b:s10+s3], $0x320, $0x38;
	[tilespmem:$0x1F780] =	vst v63  }
0x1c: {  	_ = 	snop  }
0x1d: {  	[tilespmem:s16], [sflag:$0x1] =	stream.linear.gather [hbm4b:s11+s3], $0x320, $0x38;
	[tilespmem:$0x1F780] =	vst v63  }
0x1e: {  	_ = 	snop  }
0x1f: {  	[tilespmem:s17], [sflag:$0x1] =	stream.linear.gather [hbm4b:s12+s3], $0x320, $0x38;
	[tilespmem:$0x1F780] =	vst v63  }
0x20: {  	_ = 	snop  }
0x21: {  	[tilespmem:s18], [sflag:$0x1] =	stream.linear.gather [hbm4b:s9+s3], $0x320, $0x38;
	[tilespmem:$0x1F780] =	vst v63  }
0x22: {  	_ =	swait.ge [sflag:s19], $0x320  }
0x23: {  	[sflag:s19] =	ssyncset.done $0x0  }
0x24: {  	[sflag:s19] =	ssyncadd.s32 $0xFFFFFCE0  }
0x25: {  	[tilespmem:s20], [sflag:$0x2] =	stream.indirect.gather [hbm4b:s4+s16], $0x10, s3, s16, $0xb8;
	[tilespmem:$0x1F780] =	vst v63  }
0x26: {  	_ =	swait.ge [sflag:s19], $0x320  }
0x27: {  	[sflag:s19] =	ssyncset.done $0x0  }
0x28: {  	[sflag:s19] =	ssyncadd.s32 $0xFFFFFCE0  }
0x29: {  	_ =	swait.ge [sflag:s19], $0x320  }
0x2a: {  	[sflag:s19] =	ssyncset.done $0x0  }
0x2b: {  	[sflag:s19] =	ssyncadd.s32 $0xFFFFFCE0  }
0x2c: {  	_ =	swait.ge [sflag:s19], $0x320  }
0x2d: {  	[sflag:s19] =	ssyncset.done $0x0  }
0x2e: {  	[sflag:s19] =	ssyncadd.s32 $0xFFFFFCE0  }
0x2f: {  	_ =	swait.ge [sflag:s21], $0x3200  }
0x30: {  	[sflag:s21] =	ssyncset.done $0x0  }
0x31: {  	[sflag:s21] =	ssyncadd.s32 $0xFFFFCE00  }
0x32: {  	[spmem:s2] =	stream.indirect.scatter.add.f32 [tilespmem:s20], [sflag:$0x3], $0x10, s16, s16, $0xb8;
	[tilespmem:$0x1F780] =	vst v63  }
0x33: {  	_ = 	snop  }
0x34: {  	[tilespmem:s22], [sflag:$0x2] =	stream.indirect.gather [hbm4b:s4+s16], $0x10, s17, s16, $0xb8;
	[tilespmem:$0x1F780] =	vst v63  }
0x35: {  	_ =	swait.ge [sflag:s21], $0x3200  }
0x36: {  	[sflag:s21] =	ssyncset.done $0x0  }
0x37: {  	p0 =	sne.s32 s13, $0xC8;
	[sflag:s21] =	ssyncadd.s32 $0xFFFFCE00  }
0x38: {  	[spmem:s2] =	stream.indirect.scatter.add.f32 [tilespmem:s22], [sflag:$0x3], $0x10, s18, s16, $0xb8;
	[tilespmem:$0x1F780] =	vst v63  }
.Ltmp0:
0x39: {  	_ =	swait.ge [sflag:s23], $0x3200;
	(pc) =	sbr.rel @!p0 .LBB2_3-.Ltmp0, $4  }
0x3a: {  	[sflag:s23] =	ssyncset.done $0x0  }
0x3b: {  	s26 =	sadd.s32 $0xC8, s11;
	[sflag:s23] =	ssyncadd.s32 $0xFFFFCE00  }
0x3c: {  	s28 =	sadd.s32 $0xC8, s12;
	s29 =	smov.u32 s9;
	_ =	swait.ge [sflag:s23], $0x3200  }
0x3d: {  	s30 =	smov.u32 s10;
	s25 =	sadd.s32 $0xFFFFFF38, s13;
	[sflag:s23] =	ssyncset.done $0x0  }
.LBB2_2:
0x3e: {  	[sflag:s23] =	ssyncadd.s32 $0xFFFFCE00;
	s29 =	sadd.s32 $0xC8, s29;
	s30 =	sadd.s32 $0xC8, s30  }
0x3f: {  	[tilespmem:s3], [sflag:$0x1] =	stream.linear.gather [hbm4b:s30+s3], $0x320, $0x38;
	[tilespmem:$0x1F780] =	vst v63  }
0x40: {  	p0 =	sne.s32 s25, $0xC8;
	s25 =	sadd.s32 $0xFFFFFF38, s25  }
0x41: {  	[tilespmem:s16], [sflag:$0x1] =	stream.linear.gather [hbm4b:s26+s3], $0x320, $0x38;
	[tilespmem:$0x1F780] =	vst v63  }
0x42: {  	_ = 	snop  }
0x43: {  	[tilespmem:s17], [sflag:$0x1] =	stream.linear.gather [hbm4b:s28+s3], $0x320, $0x38;
	[tilespmem:$0x1F780] =	vst v63  }
0x44: {  	_ = 	snop  }
0x45: {  	[tilespmem:s18], [sflag:$0x1] =	stream.linear.gather [hbm4b:s29+s3], $0x320, $0x38;
	[tilespmem:$0x1F780] =	vst v63  }
0x46: {  	_ =	swait.ge [sflag:s19], $0x320  }
0x47: {  	[sflag:s19] =	ssyncset.done $0x0  }
0x48: {  	[sflag:s19] =	ssyncadd.s32 $0xFFFFFCE0  }
0x49: {  	[tilespmem:s20], [sflag:$0x2] =	stream.indirect.gather [hbm4b:s4+s16], $0x10, s3, s16, $0xb8;
	[tilespmem:$0x1F780] =	vst v63  }
0x4a: {  	_ =	swait.ge [sflag:s19], $0x320  }
0x4b: {  	[sflag:s19] =	ssyncset.done $0x0  }
0x4c: {  	[sflag:s19] =	ssyncadd.s32 $0xFFFFFCE0  }
0x4d: {  	_ =	swait.ge [sflag:s19], $0x320  }
0x4e: {  	[sflag:s19] =	ssyncset.done $0x0  }
0x4f: {  	[sflag:s19] =	ssyncadd.s32 $0xFFFFFCE0  }
0x50: {  	_ =	swait.ge [sflag:s19], $0x320  }
0x51: {  	[sflag:s19] =	ssyncset.done $0x0  }
0x52: {  	[sflag:s19] =	ssyncadd.s32 $0xFFFFFCE0  }
0x53: {  	_ =	swait.ge [sflag:s21], $0x3200  }
0x54: {  	[sflag:s21] =	ssyncset.done $0x0  }
0x55: {  	[sflag:s21] =	ssyncadd.s32 $0xFFFFCE00  }
0x56: {  	[spmem:s2] =	stream.indirect.scatter.add.f32 [tilespmem:s20], [sflag:$0x3], $0x10, s16, s16, $0xb8;
	[tilespmem:$0x1F780] =	vst v63  }
0x57: {  	_ = 	snop  }
0x58: {  	[tilespmem:s22], [sflag:$0x2] =	stream.indirect.gather [hbm4b:s4+s16], $0x10, s17, s16, $0xb8;
	[tilespmem:$0x1F780] =	vst v63  }
0x59: {  	_ =	swait.ge [sflag:s21], $0x3200  }
0x5a: {  	[sflag:s21] =	ssyncset.done $0x0  }
0x5b: {  	[sflag:s21] =	ssyncadd.s32 $0xFFFFCE00  }
0x5c: {  	[spmem:s2] =	stream.indirect.scatter.add.f32 [tilespmem:s22], [sflag:$0x3], $0x10, s18, s16, $0xb8;
	[tilespmem:$0x1F780] =	vst v63  }
.Ltmp1:
0x5d: {  	_ =	swait.ge [sflag:s23], $0x3200;
	(pc) =	sbr.rel @p0 .LBB2_2-.Ltmp1, $4  }
0x5e: {  	[sflag:s23] =	ssyncset.done $0x0  }
0x5f: {  	[sflag:s23] =	ssyncadd.s32 $0xFFFFCE00  }
0x60: {  	_ =	swait.ge [sflag:s23], $0x3200  }
0x61: {  	s26 =	sadd.s32 $0xC8, s26;
	s28 =	sadd.s32 $0xC8, s28;
	[sflag:s23] =	ssyncset.done $0x0  }
.LBB2_3:
0x62: {  	s24 =	sadd.s32 $0x1, s24  }
0x63: {  	[sflag:s23] =	ssyncadd.s32 $0xFFFFCE00;
	p0 =	sne.s32 s24, s8  }
.Ltmp2:
0x64: {  	[bflag:$0x0] =	sbarrier.arrive $0xFFFF;
	(pc) =	sbr.rel @p0 .LBB2_1-.Ltmp2, $4  }
0x65: {  	[hbm:s7], [sflag:s6] =	dma.local [spmem:s14], $0x30E0  }
0x66: {  	_ =	swait.ge [sflag:s15], $0x30E0  }
0x67: {  	[sflag:s15] =	ssyncset.done $0x0  }
0x68: {  	[sflag:s15] =	ssyncadd.s32 $0xFFFFCF20  }
0x69: {  	_ =	sfence.sel $0x180000  }
0x6a: {  	[bflag:$0x0] =	sbarrier.arrive $0xFFFF  }
0x6b: {  	p0 =	sne.s32 s1, $0x0;
	_ =	strace $0x90000050  }
0x6c: {  	s0 =	sadd.s32 @!p0 $0x100000, s0;
	[bflag:$0x2] =	sbarrier.arrive $0xFFFF  }
0x6d: {  	[sflag:s0] =	ssyncadd.tile.s32 @!p0 $0x1;
	_ =	shalt  }
.Lfunc_end2:
_tile_overlayer_lowered:
.L_overlay_start_2:
0x6e: {  	(tag) =	ssettag $0x2  }
0x6f: {  	s0 =	rddreg [dreg:$0x0];
	s2 =	stileid.u32  }
0x70: {  	s1 =	rddreg [dreg:$0x1];
	p0 =	sne.s32 s2, $0x0  }
0x71: {  	s3 =	rddreg [dreg:$0x2];
	[bflag:$0x3] =	sbarrier.arrive $0xFFFF;
	s2 =	simm.s32 @!p0 $0x1C04  }
0x72: {  	[timem:s3], [sflag:s2] =	dma.local @!p0 [hbm:s0], s1  }
0x73: {  	s0 =	simm.s32 @!p0 $0x4  }
0x74: {  	_ =	swait.ge @!p0 [sflag:s0], s1  }
0x75: {  	s1 =	ssub.s32 @!p0 $0x0, s1;
	[sflag:s0] =	ssyncset.done @!p0 $0x0  }
0x76: {  	[sflag:s0] =	ssyncadd.s32 @!p0 s1  }
0x77: {  	[bflag:$0x3] =	sbarrier.arrive $0xFFFF  }
0x78: {  	_ =	shalt  }

// kernel: kernel.24.cloned.1.call-start
scs
__scs_entry_jumppad:
0x0: {  	(pc) =	sbr.rel $0x88, $3  }
0x1: {  	(tag) =	ssettag $0x0;
	lr =	simm.s32 $0x1  }
0x2: {  	[smem:$0x3F8D] =	sst lr;
	_ =	strace $0xD0000000  }
0x3: {  	_ = 	snop  }
0x4: {  	_ = 	snop  }
0x5: {  	_ = 	snop  }
0x6: {  	_ = 	snop  }
0x7: {  	_ = 	snop  }
__scs_overlays_trampoline_lowered:
0x8: {  	[smem:$0x3F9C] =	sst s0  }
0x9: {  	[smem:$0x3F9D] =	sst s1  }
0xa: {  	[smem:$0x3F9E] =	sst s2  }
0xb: {  	[smem:$0x3F9F] =	sst s3  }
0xc: {  	[smem:$0x3FA0] =	sst s4  }
0xd: {  	[smem:$0x3FA1] =	sst s5  }
0xe: {  	[smem:$0x3FA2] =	sst s6  }
0xf: {  	[smem:$0x3FA3] =	sst s7  }
0x10: {  	[smem:$0x3FA4] =	sst s8  }
0x11: {  	[smem:$0x3FA5] =	sst s9;
	s0 =	simm.s32 @!p0 $0x0  }
0x12: {  	s1 =	sld [smem:$0x3F8B];
	s0 =	simm.s32 @p0 $0x1  }
0x13: {  	[smem:$0x3FA6] =	sst s0;
	s0 =	simm.s32 @!p1 $0x0  }
0x14: {  	s2 =	sld [smem:$0x3F8A];
	s0 =	simm.s32 @p1 $0x1  }
0x15: {  	[smem:$0x3FA7] =	sst s0;
	s0 =	simm.s32 @!p2 $0x0  }
0x16: {  	s3 =	sld [smem:$0x3FDB];
	s0 =	simm.s32 @p2 $0x1  }
0x17: {  	s4 =	simm.s32 $0x1BF5;
	[smem:$0x3FA9] =	sst s0  }
0x18: {  	s0 =	sld [smem:$0x3F8C];
	_ =	swait.ge [sflag:s4], $0x0  }
0x19: {  	s7 =	sld [smem:$0x3F8D]  }
0x1a: {  	s8 =	sadd.s32 $0xFFFFE003, lr  }
0x1b: {  	s9 =	sadd.s32 $0xFFFFFEF7, lr;
	s5 =	simm.s32 $0xFFFFFFFF;
	p2 =	slt.u32 s8, $0xFFFFF086  }
0x1c: {  	p1 =	slt.u32 s9, $0xF7A;
	s5 =	simm.s32 @!p2 $0x0  }
0x1d: {  	s5 =	simm.s32 @p1 $0x1;
	p0 =	seq.s32 s7, s2  }
0x1e: {  	s7 =	smul.u32 @!p0 $0xF7A, s2;
	p2 =	seq.s32 @!p0 s5, $0x0  }
0x1f: {  	s9 =	smul.u32 $0xF7A, s1;
	s8 =	simm.s32 @!p0 $0x1BF5;
	p2 =	por !p2, p0  }
0x20: {  	[sflag:s8] =	ssyncset.s32 @!p0 $0xFFFFF086;
	s6 =	sadd.s32 @!p0 s3, s7;
	s7 =	simm.s32 @!p0 $0x108  }
0x21: {  	s3 =	sadd.s32 s3, s9;
	s6 =	sadd.s32 @!p0 $0x88, s6;
	s7 =	simm.s32 @p2 $0x1082  }
0x22: {  	[simem:s7], [sflag:s8] =	dma.local @!p0 [hbm:s6], $0xF7A  }
0x23: {  	s9 =	sor.u32 $0xD0000000, s2;
	s6 =	simm.s32 $0x108;
	_ =	swait.ge @!p0 [sflag:s8], $0x0  }
0x24: {  	s3 =	sadd.s32 $0x88, s3;
	s6 =	simm.s32 @!p1 $0x1082;
	[sflag:s4] =	ssyncset.s32 $0xFFFFF086  }
0x25: {  	[simem:s6], [sflag:s4] =	dma.local [hbm:s3], $0xF7A  }
0x26: {  	[smem:$0x3F8D] =	sst s1;
	(tag) =	ssettag s2;
	_ =	strace s9  }
0x27: {  	s1 =	sld [smem:$0x3F9D]  }
0x28: {  	s2 =	sld [smem:$0x3F9E]  }
0x29: {  	s4 =	sld [smem:$0x3FA0]  }
0x2a: {  	p0 =	seq.s32 s5, $0x0;
	s5 =	sld [smem:$0x3FA1]  }
0x2b: {  	s6 =	sld [smem:$0x3FA2]  }
0x2c: {  	s7 =	sld [smem:$0x3FA3]  }
0x2d: {  	s3 =	simm.s32 $0x108;
	s8 =	sld [smem:$0x3FA4]  }
0x2e: {  	s3 =	simm.s32 @!p0 $0x1082;
	s9 =	sld [smem:$0x3FA5]  }
0x2f: {  	lr =	sadd.s32 s0, s3;
	s0 =	sld [smem:$0x3F9C]  }
0x30: {  	s3 =	sld [smem:$0x3F9F]  }
0x31: {  	[smem:$0x3FA8] =	sst s10  }
0x32: {  	s10 =	sld [smem:$0x3FA6];
	_ =	sdelay $0x3  }
0x33: {  	p0 =	seq.s32 s10, $0x1;
	s10 =	sld [smem:$0x3FA8];
	_ =	sdelay $0x3  }
0x34: {  	[smem:$0x3FA8] =	sst s10  }
0x35: {  	s10 =	sld [smem:$0x3FA7];
	_ =	sdelay $0x3  }
0x36: {  	p1 =	seq.s32 s10, $0x1;
	s10 =	sld [smem:$0x3FA8];
	_ =	sdelay $0x3  }
0x37: {  	[smem:$0x3FA8] =	sst s10  }
0x38: {  	s10 =	sld [smem:$0x3FA9]  }
0x39: {  	_ = 	snop;
	(pc) =	sbr.ind lr, $3  }
0x3a: {  	_ = 	snop  }
0x3b: {  	_ = 	snop  }
0x3c: {  	p2 =	seq.s32 s10, $0x1;
	s10 =	sld [smem:$0x3FA8]  }
0x3d: {  	_ =	shalt  }
0x3e: {  	_ =	shalt  }
0x3f: {  	_ =	shalt  }
0x40: {  	_ =	shalt  }
0x41: {  	_ =	shalt  }
0x42: {  	_ =	shalt  }
0x43: {  	_ =	shalt  }
0x44: {  	_ =	shalt  }
0x45: {  	_ =	shalt  }
0x46: {  	_ =	shalt  }
0x47: {  	_ =	shalt  }
0x48: {  	_ =	shalt  }
0x49: {  	_ =	shalt  }
0x4a: {  	_ =	shalt  }
0x4b: {  	_ =	shalt  }
0x4c: {  	_ =	shalt  }
0x4d: {  	_ =	shalt  }
0x4e: {  	_ =	shalt  }
0x4f: {  	_ =	shalt  }
0x50: {  	_ =	shalt  }
0x51: {  	_ =	shalt  }
0x52: {  	_ =	shalt  }
0x53: {  	_ =	shalt  }
0x54: {  	_ =	shalt  }
0x55: {  	_ =	shalt  }
0x56: {  	_ =	shalt  }
0x57: {  	_ =	shalt  }
0x58: {  	_ =	shalt  }
0x59: {  	_ =	shalt  }
0x5a: {  	_ =	shalt  }
0x5b: {  	_ =	shalt  }
0x5c: {  	_ =	shalt  }
0x5d: {  	_ =	shalt  }
0x5e: {  	_ =	shalt  }
0x5f: {  	_ =	shalt  }
0x60: {  	_ =	shalt  }
0x61: {  	_ =	shalt  }
0x62: {  	_ =	shalt  }
0x63: {  	_ =	shalt  }
0x64: {  	_ =	shalt  }
0x65: {  	_ =	shalt  }
0x66: {  	_ =	shalt  }
0x67: {  	_ =	shalt  }
0x68: {  	_ =	shalt  }
0x69: {  	_ =	shalt  }
0x6a: {  	_ =	shalt  }
0x6b: {  	_ =	shalt  }
0x6c: {  	_ =	shalt  }
0x6d: {  	_ =	shalt  }
0x6e: {  	_ =	shalt  }
0x6f: {  	_ =	shalt  }
0x70: {  	_ =	shalt  }
0x71: {  	_ =	shalt  }
0x72: {  	_ =	shalt  }
0x73: {  	_ =	shalt  }
0x74: {  	_ =	shalt  }
0x75: {  	_ =	shalt  }
0x76: {  	_ =	shalt  }
0x77: {  	_ =	shalt  }
0x78: {  	_ =	shalt  }
0x79: {  	_ =	shalt  }
0x7a: {  	_ =	shalt  }
0x7b: {  	_ =	shalt  }
0x7c: {  	_ =	shalt  }
0x7d: {  	_ =	shalt  }
0x7e: {  	_ =	shalt  }
0x7f: {  	_ =	shalt  }
0x80: {  	_ =	shalt  }
0x81: {  	_ =	shalt  }
0x82: {  	_ =	shalt  }
0x83: {  	_ =	shalt  }
0x84: {  	_ =	shalt  }
0x85: {  	_ =	shalt  }
0x86: {  	_ =	shalt  }
0x87: {  	_ =	shalt  }
.Lfunc_end0:
.L_simem_size_0:
called_computation.4_lowered:
.L_overlay_start_0:
0x88: {  	s2 =	sld [smem:$0x3FD9]  }
0x89: {  	s3 =	sld [smem:$0x3FFE];
	_ =	sdelay $0x1  }
0x8a: {  	s1 =	srdreg.scid  }
0x8b: {  	s0 =	sand.u32 $0x1, s1  }
0x8c: {  	s16 =	sshll.u32 s0, $0xA;
	s2 =	sadd.s32 s3, s2  }
0x8d: {  	s2 =	sadd.s32 s2, s16  }
0x8e: {  	[smem:$0x3FB4] =	sst s2  }
0x8f: {  	_ = 	snop  }
0x90: {  	(tm) =	ssettm $0x1  }
0x91: {  	s17 =	sld [smem:$0x3FFB];
	_ =	sdelay $0x3  }
0x92: {  	_ =	strace s17  }
0x93: {  	s2 =	sld [smem:$0x3FFC];
	_ =	sdelay $0x3  }
0x94: {  	_ =	strace s2  }
0x95: {  	s2 =	sld [smem:$0x3FFD];
	_ =	sdelay $0x3  }
0x96: {  	_ =	strace s2  }
0x97: {  	_ =	strace $0x8FFFFFFF  }
0x98: {  	s18 =	sld [smem:$0x3FDB];
	_ =	sdelay $0x1  }
0x99: {  	s19 =	simm.s32 $_scs_section_size  }
0x9a: {  	s4 =	simm.s32 $_size__tile_overlayer_lowered;
	s5 =	simm.s32 $_tile_overlayer_lowered  }
0x9b: {  	s22 =	simm.s32 $0x1BFF;
	s21 =	sshll.u32 s5, $0x1;
	s2 =	sadd.s32 s19, s18  }
0x9c: {  	s6 =	simm.s32 $0x0;
	s20 =	sshll.u32 s4, $0x1;
	s4 =	sadd.s32 s21, s2  }
0x9d: {  	[timem:s6], [sflag:s22] =	dma.local [hbm:s4], s20  }
0x9e: {  	_ =	swait.ge [sflag:s22], s20  }
0x9f: {  	s3 =	ssub.s32 $0x0, s20;
	[sflag:s22] =	ssyncset.done $0x0  }
0xa0: {  	[sflag:s22] =	ssyncadd.s32 s3;
	_ =	sdelay $0x1  }
0xa1: {  	s23 =	simm.s32 $0x1B8B  }
0xa2: {  	_ =	swait.ge [sflag:s23], $0x1  }
0xa3: {  	[sflag:s23] =	ssyncset.done $0x0  }
0xa4: {  	s25 =	simm.s32 $0x1B8E;
	s24 =	sld [smem:$0x3FFE];
	[sflag:s23] =	ssyncadd.s32 $0xFFFFFFFF  }
0xa5: {  	s26 =	simm.s32 $execute0_lowered;
	[smem:$0x3FD2] =	sst s25  }
0xa6: {  	s4 =	sshll.u32 s26, $0x1;
	_ =	strace $0x80000052;
	[dreg:$0x1] =	wrdreg $0xFFFFFFFF  }
0xa7: {  	s28 =	simm.s32 $_size_execute0_lowered;
	s2 =	sadd.s32 s2, s4;
	[dreg:$0x0] =	wrdreg $0x0  }
0xa8: {  	s4 =	sshll.u32 s28, $0x1;
	[dreg:$0x2] =	wrdreg s2  }
0xa9: {  	[dreg:$0x3] =	wrdreg s4  }
0xaa: {  	[dreg:$0x4] =	wrdreg $0xC0  }
0xab: {  	_ =	task [dreg:s6], $0x5FFFF  }
0xac: {  	[dreg:$0x1] =	wrdreg $0xFFFFFFFF  }
0xad: {  	[dreg:$0x0] =	wrdreg $0x60  }
0xae: {  	[dreg:$0x2] =	wrdreg s24  }
0xaf: {  	[dreg:$0x3] =	wrdreg $0x70800  }
0xb0: {  	[dreg:$0x4] =	wrdreg $0x9  }
0xb1: {  	_ =	task.clear_ibuf [dreg:s6], $0x5FFFF;
	_ =	strace $0x90000052  }
0xb2: {  	s29 =	simm.s32 $0x9;
	_ =	strace $0x80000054  }
0xb3: {  	_ =	swait.ge [sflag:s29], $0x1  }
0xb4: {  	[sflag:s29] =	ssyncadd.s32 $0xFFFFFFFF  }
0xb5: {  	_ =	strace $0x90000054  }
0xb6: {  	_ =	sfence  }
0xb7: {  	s30 =	sld [smem:$0x0];
	_ =	sdelay $0x2  }
0xb8: {  	s31 =	sshll.u32 s1, $0xD;
	s1 =	sshrl.u32 s1, $0x2  }
0xb9: {  	s3 =	sand.u32 $0x4000, s31;
	s1 =	sadd.s32 s1, s30  }
0xba: {  	s0 =	sor.u32 s3, s0;
	s1 =	sshll.u32 s1, $0x11  }
0xbb: {  	s0 =	sor.u32 s1, s0  }
0xbc: {  	s0 =	sadd.s32 $0x8F2B, s0  }
0xbd: {  	[sflag:s0] =	ssyncadd.remote.s32 $0x1  }
0xbe: {  	_ =	sfence.sel $0xFFFF  }
0xbf: {  	[dreg:$0x0] =	wrdreg $0xFFFFFFFF;
	(pc) =	sbr.abs _section_cstart, $3  }
0xc0: {  	[dreg:$0x1] =	wrdreg $0xFFFFFFFF  }
0xc1: {  	_ =	task.clear_ibuf [dreg:s6], $0x2FFFF;
	_ =	strace $0x9FFFFFFF  }
0xc2: {  	(tm) =	ssettm $0x7FFFFFFF  }
0xc3: {  	_ =	shalt  }
tec
execute0_lowered:
.L_overlay_start_1:
0x0: {  	(tag) =	ssettag $0x1  }
0x1: {  	s6 =	rddreg [dreg:$0x0]  }
0x2: {  	s2 =	rddreg [dreg:$0x1]  }
0x3: {  	s0 =	rddreg [dreg:$0x2];
	s4 =	srdreg.scid  }
0x4: {  	s1 =	stileid.u32;
	s3 =	simm.s32 $0x0;
	s16 =	simm.s32 $0x320  }
0x5: {  	s17 =	simm.s32 $0x640;
	s18 =	simm.s32 $0x960;
	s8 =	smul.u32 $0x30E0, s1  }
0x6: {  	s19 =	simm.s32 $0x1;
	s20 =	simm.s32 $0xC80;
	s10 =	smul.u32 $0x61C00, s1  }
0x7: {  	s7 =	sand.u32 $0x1, s4;
	[smem:$0x7FF] =	sst s3;
	s11 =	smul.u32 $0xFFFFFF82, s1  }
0x8: {  	s4 =	sadd.s32 $0xCA400, s6;
	s12 =	sadd.s32 $0x6E00, s6;
	s24 =	smul.u32 $0x189C0, s1  }
0x9: {  	s5 =	sadd.s32 $0xFB200, s6;
	s25 =	sshll.u32 s1, $0x6;
	s9 =	smul.u32 $0x30E00, s7  }
0xa: {  	_ =	strace $0x80000053;
	s21 =	ssub.s32 $0x2, s7;
	s13 =	smul.u32 $0xFFFFF820, s7  }
0xb: {  	s7 =	smul.u32 $0x189C00, s7;
	s22 =	sshrl.u32 s21, $0x1;
	s23 =	sshrl.u32 s10, $0x2  }
0xc: {  	s8 =	sadd.s32 s8, s9;
	s9 =	ssub.s32 s21, s22;
	s14 =	sadd.s32 s23, s2  }
0xd: {  	s11 =	sadd.s32 s13, s11;
	s10 =	sadd.s32 s24, s7;
	s21 =	simm.s32 $0x2  }
0xe: {  	s22 =	simm.s32 $0x3E80;
	s23 =	simm.s32 $0x3;
	s24 =	simm.s32 $0x0  }
0xf: {  	s8 =	sadd.s32 s8, s6;
	s6 =	sor.u32 $0x1C04, s25;
	s28 =	sadd.s32 $0x30D720, s10  }
0x10: {  	s11 =	sadd.s32 $0xFA0, s11;
	s31 =	sadd.s32 $0x30D400, s10;
	s15 =	sadd.s32 $0x320, s10  }
0x11: {  	s10 =	sshrl.u32 s10, $0x3;
	s14 =	sshrl.u32 s14, $0x3;
	s7 =	sadd.s32 $0xFE400, s8  }
0x12: {  	s26 =	smin.u32 s11, $0x7E;
	s8 =	smax.u32 s9, $0x1;
	s30 =	sshrl.u32 s28, $0x3  }
0x13: {  	s11 =	sshrl.u32 s31, $0x3;
	s15 =	sshrl.u32 s15, $0x3;
	s10 =	sadd.s32 s10, s12  }
0x14: {  	s29 =	sshrl.u32 s26, $0x1;
	s9 =	sadd.s32 s30, s12;
	s11 =	sadd.s32 s11, s12  }
0x15: {  	s12 =	sadd.s32 s15, s12;
	s15 =	simm.s32 $0x4;
	s13 =	smul.u32 $0xC8, s29  }
.LBB2_1:
0x16: {  	[spmem:s14], [sflag:s6] =	dma.local [hbm:s5], $0x30E0  }
0x17: {  	_ =	swait.ge [sflag:s15], $0x30E0  }
0x18: {  	[sflag:s15] =	ssyncset.done $0x0  }
0x19: {  	[sflag:s15] =	ssyncadd.s32 $0xFFFFCF20  }
0x1a: {  	[bflag:$0x0] =	sbarrier.arrive $0xFFFF  }
0x1b: {  	[tilespmem:s3], [sflag:$0x1] =	stream.linear.gather [hbm4b:s10+s3], $0x320, $0x38;
	[tilespmem:$0x1F780] =	vst v63  }
0x1c: {  	_ = 	snop  }
0x1d: {  	[tilespmem:s16], [sflag:$0x1] =	stream.linear.gather [hbm4b:s11+s3], $0x320, $0x38;
	[tilespmem:$0x1F780] =	vst v63  }
0x1e: {  	_ = 	snop  }
0x1f: {  	[tilespmem:s17], [sflag:$0x1] =	stream.linear.gather [hbm4b:s12+s3], $0x320, $0x38;
	[tilespmem:$0x1F780] =	vst v63  }
0x20: {  	_ = 	snop  }
0x21: {  	[tilespmem:s18], [sflag:$0x1] =	stream.linear.gather [hbm4b:s9+s3], $0x320, $0x38;
	[tilespmem:$0x1F780] =	vst v63  }
0x22: {  	_ =	swait.ge [sflag:s19], $0x320  }
0x23: {  	[sflag:s19] =	ssyncset.done $0x0  }
0x24: {  	[sflag:s19] =	ssyncadd.s32 $0xFFFFFCE0  }
0x25: {  	[tilespmem:s20], [sflag:$0x2] =	stream.indirect.gather [hbm4b:s4+s16], $0x10, s3, s16, $0xb8;
	[tilespmem:$0x1F780] =	vst v63  }
0x26: {  	_ =	swait.ge [sflag:s19], $0x320  }
0x27: {  	[sflag:s19] =	ssyncset.done $0x0  }
0x28: {  	[sflag:s19] =	ssyncadd.s32 $0xFFFFFCE0  }
0x29: {  	_ =	swait.ge [sflag:s19], $0x320  }
0x2a: {  	[sflag:s19] =	ssyncset.done $0x0  }
0x2b: {  	[sflag:s19] =	ssyncadd.s32 $0xFFFFFCE0  }
0x2c: {  	_ =	swait.ge [sflag:s19], $0x320  }
0x2d: {  	[sflag:s19] =	ssyncset.done $0x0  }
0x2e: {  	[sflag:s19] =	ssyncadd.s32 $0xFFFFFCE0  }
0x2f: {  	_ =	swait.ge [sflag:s21], $0x3200  }
0x30: {  	[sflag:s21] =	ssyncset.done $0x0  }
0x31: {  	[sflag:s21] =	ssyncadd.s32 $0xFFFFCE00  }
0x32: {  	[spmem:s2] =	stream.indirect.scatter.add.f32 [tilespmem:s20], [sflag:$0x3], $0x10, s16, s16, $0xb8;
	[tilespmem:$0x1F780] =	vst v63  }
0x33: {  	_ = 	snop  }
0x34: {  	[tilespmem:s22], [sflag:$0x2] =	stream.indirect.gather [hbm4b:s4+s16], $0x10, s17, s16, $0xb8;
	[tilespmem:$0x1F780] =	vst v63  }
0x35: {  	_ =	swait.ge [sflag:s21], $0x3200  }
0x36: {  	[sflag:s21] =	ssyncset.done $0x0  }
0x37: {  	p0 =	sne.s32 s13, $0xC8;
	[sflag:s21] =	ssyncadd.s32 $0xFFFFCE00  }
0x38: {  	[spmem:s2] =	stream.indirect.scatter.add.f32 [tilespmem:s22], [sflag:$0x3], $0x10, s18, s16, $0xb8;
	[tilespmem:$0x1F780] =	vst v63  }
.Ltmp0:
0x39: {  	_ =	swait.ge [sflag:s23], $0x3200;
	(pc) =	sbr.rel @!p0 .LBB2_3-.Ltmp0, $4  }
0x3a: {  	[sflag:s23] =	ssyncset.done $0x0  }
0x3b: {  	s26 =	sadd.s32 $0xC8, s11;
	[sflag:s23] =	ssyncadd.s32 $0xFFFFCE00  }
0x3c: {  	s28 =	sadd.s32 $0xC8, s12;
	s29 =	smov.u32 s9;
	_ =	swait.ge [sflag:s23], $0x3200  }
0x3d: {  	s30 =	smov.u32 s10;
	s25 =	sadd.s32 $0xFFFFFF38, s13;
	[sflag:s23] =	ssyncset.done $0x0  }
.LBB2_2:
0x3e: {  	[sflag:s23] =	ssyncadd.s32 $0xFFFFCE00;
	s29 =	sadd.s32 $0xC8, s29;
	s30 =	sadd.s32 $0xC8, s30  }
0x3f: {  	[tilespmem:s3], [sflag:$0x1] =	stream.linear.gather [hbm4b:s30+s3], $0x320, $0x38;
	[tilespmem:$0x1F780] =	vst v63  }
0x40: {  	p0 =	sne.s32 s25, $0xC8;
	s25 =	sadd.s32 $0xFFFFFF38, s25  }
0x41: {  	[tilespmem:s16], [sflag:$0x1] =	stream.linear.gather [hbm4b:s26+s3], $0x320, $0x38;
	[tilespmem:$0x1F780] =	vst v63  }
0x42: {  	_ = 	snop  }
0x43: {  	[tilespmem:s17], [sflag:$0x1] =	stream.linear.gather [hbm4b:s28+s3], $0x320, $0x38;
	[tilespmem:$0x1F780] =	vst v63  }
0x44: {  	_ = 	snop  }
0x45: {  	[tilespmem:s18], [sflag:$0x1] =	stream.linear.gather [hbm4b:s29+s3], $0x320, $0x38;
	[tilespmem:$0x1F780] =	vst v63  }
0x46: {  	_ =	swait.ge [sflag:s19], $0x320  }
0x47: {  	[sflag:s19] =	ssyncset.done $0x0  }
0x48: {  	[sflag:s19] =	ssyncadd.s32 $0xFFFFFCE0  }
0x49: {  	[tilespmem:s20], [sflag:$0x2] =	stream.indirect.gather [hbm4b:s4+s16], $0x10, s3, s16, $0xb8;
	[tilespmem:$0x1F780] =	vst v63  }
0x4a: {  	_ =	swait.ge [sflag:s19], $0x320  }
0x4b: {  	[sflag:s19] =	ssyncset.done $0x0  }
0x4c: {  	[sflag:s19] =	ssyncadd.s32 $0xFFFFFCE0  }
0x4d: {  	_ =	swait.ge [sflag:s19], $0x320  }
0x4e: {  	[sflag:s19] =	ssyncset.done $0x0  }
0x4f: {  	[sflag:s19] =	ssyncadd.s32 $0xFFFFFCE0  }
0x50: {  	_ =	swait.ge [sflag:s19], $0x320  }
0x51: {  	[sflag:s19] =	ssyncset.done $0x0  }
0x52: {  	[sflag:s19] =	ssyncadd.s32 $0xFFFFFCE0  }
0x53: {  	_ =	swait.ge [sflag:s21], $0x3200  }
0x54: {  	[sflag:s21] =	ssyncset.done $0x0  }
0x55: {  	[sflag:s21] =	ssyncadd.s32 $0xFFFFCE00  }
0x56: {  	[spmem:s2] =	stream.indirect.scatter.add.f32 [tilespmem:s20], [sflag:$0x3], $0x10, s16, s16, $0xb8;
	[tilespmem:$0x1F780] =	vst v63  }
0x57: {  	_ = 	snop  }
0x58: {  	[tilespmem:s22], [sflag:$0x2] =	stream.indirect.gather [hbm4b:s4+s16], $0x10, s17, s16, $0xb8;
	[tilespmem:$0x1F780] =	vst v63  }
0x59: {  	_ =	swait.ge [sflag:s21], $0x3200  }
0x5a: {  	[sflag:s21] =	ssyncset.done $0x0  }
0x5b: {  	[sflag:s21] =	ssyncadd.s32 $0xFFFFCE00  }
0x5c: {  	[spmem:s2] =	stream.indirect.scatter.add.f32 [tilespmem:s22], [sflag:$0x3], $0x10, s18, s16, $0xb8;
	[tilespmem:$0x1F780] =	vst v63  }
.Ltmp1:
0x5d: {  	_ =	swait.ge [sflag:s23], $0x3200;
	(pc) =	sbr.rel @p0 .LBB2_2-.Ltmp1, $4  }
0x5e: {  	[sflag:s23] =	ssyncset.done $0x0  }
0x5f: {  	[sflag:s23] =	ssyncadd.s32 $0xFFFFCE00  }
0x60: {  	_ =	swait.ge [sflag:s23], $0x3200  }
0x61: {  	s26 =	sadd.s32 $0xC8, s26;
	s28 =	sadd.s32 $0xC8, s28;
	[sflag:s23] =	ssyncset.done $0x0  }
.LBB2_3:
0x62: {  	s24 =	sadd.s32 $0x1, s24  }
0x63: {  	[sflag:s23] =	ssyncadd.s32 $0xFFFFCE00;
	p0 =	sne.s32 s24, s8  }
.Ltmp2:
0x64: {  	[bflag:$0x0] =	sbarrier.arrive $0xFFFF;
	(pc) =	sbr.rel @p0 .LBB2_1-.Ltmp2, $4  }
0x65: {  	[hbm:s7], [sflag:s6] =	dma.local [spmem:s14], $0x30E0  }
0x66: {  	_ =	swait.ge [sflag:s15], $0x30E0  }
0x67: {  	[sflag:s15] =	ssyncset.done $0x0  }
0x68: {  	[sflag:s15] =	ssyncadd.s32 $0xFFFFCF20  }
0x69: {  	_ =	sfence.sel $0x180000  }
0x6a: {  	[bflag:$0x0] =	sbarrier.arrive $0xFFFF  }
0x6b: {  	p0 =	sne.s32 s1, $0x0;
	_ =	strace $0x90000053  }
0x6c: {  	s0 =	sadd.s32 @!p0 $0x100000, s0;
	[bflag:$0x2] =	sbarrier.arrive $0xFFFF  }
0x6d: {  	[sflag:s0] =	ssyncadd.tile.s32 @!p0 $0x1;
	_ =	shalt  }
.Lfunc_end2:
_tile_overlayer_lowered:
.L_overlay_start_2:
0x6e: {  	(tag) =	ssettag $0x2  }
0x6f: {  	s0 =	rddreg [dreg:$0x0];
	s2 =	stileid.u32  }
0x70: {  	s1 =	rddreg [dreg:$0x1];
	p0 =	sne.s32 s2, $0x0  }
0x71: {  	s3 =	rddreg [dreg:$0x2];
	[bflag:$0x3] =	sbarrier.arrive $0xFFFF;
	s2 =	simm.s32 @!p0 $0x1C04  }
0x72: {  	[timem:s3], [sflag:s2] =	dma.local @!p0 [hbm:s0], s1  }
0x73: {  	s0 =	simm.s32 @!p0 $0x4  }
0x74: {  	_ =	swait.ge @!p0 [sflag:s0], s1  }
0x75: {  	s1 =	ssub.s32 @!p0 $0x0, s1;
	[sflag:s0] =	ssyncset.done @!p0 $0x0  }
0x76: {  	[sflag:s0] =	ssyncadd.s32 @!p0 s1  }
0x77: {  	[bflag:$0x3] =	sbarrier.arrive $0xFFFF  }
0x78: {  	_ =	shalt  }

</sc_bundles>
